<compile_context>
chip_gen: v7x
topology: tpu7x:2x2x1
jax: 0.10.2.dev20260603
libtpu: 0.0.44.dev20260713+nightly
codegen_flags: <defaults>
</compile_context>

<pallas_src>
import dataclasses
import functools

import jax
import jax.numpy as jnp
import numpy as np
from jax import lax
from jax.experimental import pallas as pl
from jax.experimental.pallas import tpu as pltpu
from jax.experimental.pallas import tpu_sc as plsc

N_NODES = 10000
N_EDGES = 320000
D_FEAT = 128
HID = 64

NC = 2
NS = 16
NW = NC * NS
CHUNK = 128
NCHUNK = 2560
NCHUNK_W = NCHUNK // NW
NCHUNK_A = 96
NCHUNK_B = 64
C0_CHUNKS = NS * NCHUNK_A
PAD_ROW = 0
PAD_COL = N_NODES
N_PAD = 10240
SLICE = N_PAD // NS
NSLOT = 4

_pi32 = np.concatenate([np.arange(0, 32, 2), np.arange(1, 32, 2)])
_PI = np.concatenate([_pi32, 32 + _pi32])
_IPI = np.argsort(_PI)

_mesh = plsc.VectorSubcoreMesh(core_axis_name="c", subcore_axis_name="s")
_sc_params = pltpu.CompilerParams(use_tc_tiling_on_sc=False)
_sc_params_nl = dataclasses.replace(_sc_params, needs_layout_passes=False)


def _sc_deg(ei2, zeros16):

    @functools.partial(
        pl.kernel,
        out_type=jax.ShapeDtypeStruct((NC, N_PAD, 16), jnp.float32),
        mesh=_mesh,
        scratch_types=[
            pltpu.VMEM((2 * NCHUNK_W, CHUNK), jnp.int32),
            pltpu.VMEM((CHUNK, 16), jnp.float32),
            pltpu.VMEM_SHARED((N_PAD, 16), jnp.float32),
        ],
        compiler_params=_sc_params,
    )
    def k(ei_hbm, z_hbm, out_hbm, idx_v, ones_v, acc):
        cid = lax.axis_index("c")
        sid = lax.axis_index("s")
        wid = sid * NC + cid
        pltpu.sync_copy(z_hbm, acc.at[pl.ds(sid * SLICE, SLICE)])

        @pl.loop(0, CHUNK)
        def _(i):
            ones_v[i] = jnp.full((16,), 1.0, jnp.float32)

        pltpu.sync_copy(
            ei_hbm.at[pl.ds(wid * 2 * NCHUNK_W, 2 * NCHUNK_W)], idx_v)
        plsc.subcore_barrier()

        @pl.loop(0, NCHUNK_W)
        def _(j):
            pltpu.sync_copy(ones_v, acc.at[idx_v.at[2 * j + 1]], add=True)

        plsc.subcore_barrier()
        pltpu.sync_copy(acc.at[pl.ds(sid * SLICE, SLICE)],
                        out_hbm.at[cid].at[pl.ds(sid * SLICE, SLICE)])

    return k(ei2, zeros16)


def _sc_agg(g, ei2, zeros64):

    @functools.partial(
        pl.kernel,
        out_type=jax.ShapeDtypeStruct((NC, N_PAD, HID), jnp.float32),
        mesh=_mesh,
        scratch_types=[
            pltpu.VMEM((2 * NCHUNK_A, CHUNK), jnp.int32),
            [pltpu.VMEM((CHUNK, HID), jnp.bfloat16) for _ in range(NSLOT)],
            [pltpu.VMEM((CHUNK, HID), jnp.float32) for _ in range(NSLOT)],
            pltpu.VMEM_SHARED((N_PAD, HID), jnp.float32),
            [pltpu.SemaphoreType.DMA for _ in range(NSLOT)],
            [pltpu.SemaphoreType.DMA for _ in range(NSLOT)],
        ],
        compiler_params=_sc_params_nl,
    )
    def k(g_hbm, ei_hbm, z_hbm, out_hbm, evi, bbufs, fbufs, acc, gsems, ssems):
        cid = lax.axis_index("c")
        sid = lax.axis_index("s")
        pltpu.sync_copy(z_hbm, acc.at[pl.ds(sid * SLICE, SLICE)])
        plsc.subcore_barrier()

        mask = jnp.full((16,), -65536, jnp.int32)

        def widen(bbuf, fbuf):
            @pl.loop(0, CHUNK)
            def _(r):
                for h in range(2):
                    w = plsc.bitcast(bbuf[r, pl.ds(h * 32, 32)], jnp.int32)
                    fbuf[r, pl.ds(h * 32, 16)] = plsc.bitcast(
                        lax.shift_left(w, 16), jnp.float32)
                    fbuf[r, pl.ds(h * 32 + 16, 16)] = plsc.bitcast(
                        jnp.bitwise_and(w, mask), jnp.float32)

        def run(base, nch):
            pltpu.sync_copy(ei_hbm.at[pl.ds(2 * base, 2 * nch)],
                            evi.at[pl.ds(0, 2 * nch)])
            for b in range(NSLOT):
                pltpu.async_copy(g_hbm.at[evi.at[2 * b]], bbufs[b], gsems[b])

            @pl.loop(0, nch, step=NSLOT)
            def _(j):
                for b in range(NSLOT):
                    jj = j + b
                    pltpu.make_async_copy(
                        g_hbm.at[evi.at[2 * jj]], bbufs[b], gsems[b]).wait()

                    @pl.when(jj >= NSLOT)
                    def _():
                        pltpu.make_async_copy(
                            fbufs[b], acc.at[evi.at[2 * (jj - NSLOT) + 1]],
                            ssems[b]).wait()

                    widen(bbufs[b], fbufs[b])

                    @pl.when(jj + NSLOT < nch)
                    def _():
                        pltpu.async_copy(
                            g_hbm.at[evi.at[2 * (jj + NSLOT)]],
                            bbufs[b], gsems[b])

                    pltpu.async_copy(
                        fbufs[b], acc.at[evi.at[2 * jj + 1]], ssems[b],
                        add=True)

            for b in range(NSLOT):
                pltpu.make_async_copy(
                    fbufs[b], acc.at[evi.at[2 * (nch - NSLOT + b) + 1]],
                    ssems[b]).wait()

        @pl.when(cid == 0)
        def _():
            run(sid * NCHUNK_A, NCHUNK_A)

        @pl.when(cid == 1)
        def _():
            run(C0_CHUNKS + sid * NCHUNK_B, NCHUNK_B)

        plsc.subcore_barrier()
        pltpu.sync_copy(acc.at[pl.ds(sid * SLICE, SLICE)],
                        out_hbm.at[cid].at[pl.ds(sid * SLICE, SLICE)])

    return k(g, ei2, zeros64)


BLK = 1000
GRID = N_NODES // BLK


def _dinv_of(deg):
    safe = jnp.where(deg > 0, deg, 1.0)
    return jnp.where(deg > 0, lax.rsqrt(safe), 0.0)


def _dinv_block(d_ref):
    return _dinv_of(d_ref[0, :, 0] + d_ref[1, :, 0])


def _tc_mm1(x, W1p):
    def body(x_ref, w_ref, o_ref):
        o_ref[...] = jnp.dot(x_ref[...], w_ref[...],
                             preferred_element_type=jnp.float32)

    return pl.pallas_call(
        body,
        grid=(GRID,),
        in_specs=[
            pl.BlockSpec((BLK, D_FEAT), lambda i: (i, 0)),
            pl.BlockSpec((D_FEAT, HID), lambda i: (0, 0)),
        ],
        out_specs=pl.BlockSpec((BLK, HID), lambda i: (i, 0)),
        out_shape=jax.ShapeDtypeStruct((N_NODES, HID), jnp.float32),
    )(x, W1p)


def _tc_scale(h, degp):
    def body(h_ref, d_ref, o_ref):
        dinv = _dinv_block(d_ref)
        o_ref[...] = (h_ref[...] * dinv[:, None]).astype(jnp.bfloat16)

    return pl.pallas_call(
        body,
        grid=(GRID,),
        in_specs=[
            pl.BlockSpec((BLK, HID), lambda i: (i, 0)),
            pl.BlockSpec((NC, BLK, 16), lambda i: (0, i, 0)),
        ],
        out_specs=pl.BlockSpec((BLK, HID), lambda i: (i, 0)),
        out_shape=jax.ShapeDtypeStruct((N_NODES, HID), jnp.bfloat16),
    )(h, degp)


def _tc_mid(part1, degp, b1p):
    def body(p_ref, d_ref, b_ref, o_ref):
        dinv = _dinv_block(d_ref)
        s = p_ref[0] + p_ref[1]
        h = jnp.maximum(s * dinv[:, None] + b_ref[...], 0.0)
        o_ref[...] = (h * dinv[:, None]).astype(jnp.bfloat16)

    return pl.pallas_call(
        body,
        grid=(GRID,),
        in_specs=[
            pl.BlockSpec((NC, BLK, HID), lambda i: (0, i, 0)),
            pl.BlockSpec((NC, BLK, 16), lambda i: (0, i, 0)),
            pl.BlockSpec((1, HID), lambda i: (0, 0)),
        ],
        out_specs=pl.BlockSpec((BLK, HID), lambda i: (i, 0)),
        out_shape=jax.ShapeDtypeStruct((N_NODES, HID), jnp.bfloat16),
    )(part1, degp, b1p)


def _tc_final(part2, degp, W2t, b2c):
    def body(p_ref, d_ref, w_ref, b_ref, o_ref):
        deg = d_ref[0, :, 0] + d_ref[1, :, 0]
        dinv = _dinv_of(deg)
        s = (p_ref[0] + p_ref[1]) * dinv[:, None]
        st = s[:N_NODES]
        o_ref[...] = lax.dot_general(
            w_ref[...], st, (((1,), (1,)), ((), ())),
            preferred_element_type=jnp.float32) + b_ref[...]

    return pl.pallas_call(
        body,
        in_specs=[
            pl.BlockSpec((NC, N_PAD, HID), lambda: (0, 0, 0)),
            pl.BlockSpec((NC, N_PAD, 16), lambda: (0, 0, 0)),
            pl.BlockSpec((HID, HID), lambda: (0, 0)),
            pl.BlockSpec((HID, 1), lambda: (0, 0)),
        ],
        out_specs=pl.BlockSpec((HID, N_NODES), lambda: (0, 0)),
        out_shape=jax.ShapeDtypeStruct((HID, N_NODES), jnp.float32),
    )(part2, degp, W2t, b2c)


def kernel(x, edge_index, W1, b1, W2, b2):
    ei = edge_index.astype(jnp.int32).reshape(2, NCHUNK - 60, CHUNK)
    ei = ei.transpose(1, 0, 2).reshape(2 * (NCHUNK - 60), CHUNK)
    pad = jnp.tile(
        jnp.array([[PAD_ROW], [PAD_COL]], jnp.int32), (60, CHUNK))
    ei2 = jnp.concatenate([ei, pad])

    zeros16 = jnp.zeros((SLICE, 16), jnp.float32)
    zeros64 = jnp.zeros((SLICE, HID), jnp.float32)

    W1p = W1[:, _IPI[_IPI]]
    b1p = b1[_IPI]

    degp = _sc_deg(ei2, zeros16)
    h1x = _tc_mm1(x, W1p)
    g1 = _tc_scale(h1x, degp)
    part1 = _sc_agg(g1, ei2, zeros64)
    g2 = _tc_mid(part1, degp, b1p.reshape(1, HID))
    part2 = _sc_agg(g2, ei2, zeros64)
    outT = _tc_final(part2, degp, W2.T, b2.reshape(HID, 1))
    return outT.T

# --- scband reference (transcript-rebuilt; emitter-appended) ---
"""Pipeline reference for scband-gcn-44710609551878 (READ-ONLY COPY).

The authoritative reference and input builder live on the scoring server;
editing this copy changes nothing except your own understanding.
"""

import jax, jax.numpy as jnp
import numpy as np

N_NODES = 10000
N_EDGES = 320000
D_FEAT = 128
HIDDEN = 64
N_CLASSES = 64


def setup_inputs(seed: int = 0) -> dict:
    key = jax.random.key(seed)
    k1, k2, k3, k4, k5, k6 = jax.random.split(key, 6)
    x = jax.random.normal(k1, (N_NODES, D_FEAT), dtype=jnp.float32)
    edge_index = jax.random.randint(k2, (2, N_EDGES), 0, N_NODES, dtype=jnp.int64)
    # GCNConv weights (glorot-style scale) and biases
    W1 = jax.random.normal(k3, (D_FEAT, HIDDEN), dtype=jnp.float32) * (1.0 / np.sqrt(D_FEAT))
    b1 = jnp.zeros((HIDDEN,), dtype=jnp.float32)
    W2 = jax.random.normal(k4, (HIDDEN, N_CLASSES), dtype=jnp.float32) * (1.0 / np.sqrt(HIDDEN))
    b2 = jnp.zeros((N_CLASSES,), dtype=jnp.float32)
    return {"x": x, "edge_index": edge_index, "W1": W1, "b1": b1, "W2": W2, "b2": b2}


def _gcn_conv(x, W, b, row, col, n_nodes):
    # GCNConv(improved=False, add_self_loops=False):
    # 1) linear transform
    h = x @ W
    # 2) gcn_norm: deg computed by scatter-add of edge_weight (ones) at col
    deg = jnp.zeros((n_nodes,), dtype=h.dtype).at[col].add(jnp.ones((row.shape[0],), dtype=h.dtype))
    deg_inv_sqrt = jnp.where(deg > 0, 1.0 / jnp.sqrt(jnp.where(deg > 0, deg, 1.0)), 0.0)
    norm = deg_inv_sqrt[row] * deg_inv_sqrt[col]
    # 3) message = norm * x_j (gather at row), aggregate sum at col (scatter-add)
    msg = h[row] * norm[:, None]
    out = jnp.zeros((n_nodes, h.shape[1]), dtype=h.dtype).at[col].add(msg)
    # 4) bias
    return out + b


def reference(x, edge_index, W1, b1, W2, b2):
    row = edge_index[0]
    col = edge_index[1]
    n = x.shape[0]
    h = _gcn_conv(x, W1, b1, row, col, n)
    h = jax.nn.relu(h)
    # F.dropout(p=0.5, training=self.training): identity in eval mode
    out = _gcn_conv(h, W2, b2, row, col, n)
    return out

if __name__ == "__main__":
    import jax
    _d = setup_inputs()
    print(jax.jit(kernel)(*tuple(_d.values())))

</pallas_src>

<mosaic_0001>
#map = affine_map<(d0, d1) -> (0, 0)>
#map1 = affine_map<(d0, d1) -> (0, 0, 0)>
module attributes {stable_mosaic.version = 14 : i64} {
  func.func @k(%arg0: i32, %arg1: i32, %arg2: memref<5120x128xi32, #tpu.memory_space<hbm>>, %arg3: memref<640x16xf32, #tpu.memory_space<hbm>>, %arg4: memref<2x10240x16xf32, #tpu.memory_space<hbm>>, %arg5: memref<160x128xi32, #tpu.memory_space<vmem>>, %arg6: memref<128x16xf32, #tpu.memory_space<vmem>>, %arg7: memref<10240x16xf32, #tpu.memory_space<vmem_shared>>) attributes {dimension_semantics = [#tpu.dimension_semantics<core_parallel>, #tpu.dimension_semantics<subcore_parallel>], iteration_bounds = array<i64: 2, 16>, scalar_prefetch = 0 : i64, scratch_operands = 3 : i64, tpu.core_type = #tpu.core_type<sc_vector_subcore>, window_params = [{transform_indices = #map}, {transform_indices = #map}, {transform_indices = #map1}]} {
    %mul3A = arith.constant 2 : i32
    %mul3A_0 = arith.muli %arg1, %mul3A : i32
    %add3A = arith.addi %mul3A_0, %arg0 : i32
    %mul3A_1 = arith.constant 640 : i32
    %mul3A_2 = arith.muli %arg1, %mul3A_1 : i32
    "tpu.region"() ({
      %run_scoped3A = tpu.sem_alloc : memref<!tpu.dma_semaphore, #tpu.memory_space<semaphore_mem>>
      %dma_start3A = arith.constant 0 : i32
      %dma_start3A_21 = tpu.memref_slice %arg7[%mul3A_2, %dma_start3A] : memref<10240x16xf32, #tpu.memory_space<vmem_shared>> -> memref<640x16xf32, #tpu.memory_space<vmem_shared>>
      tpu.enqueue_dma source(%arg3 : memref<640x16xf32, #tpu.memory_space<hbm>>) target(%dma_start3A_21 : memref<640x16xf32, #tpu.memory_space<vmem_shared>>) target_semaphore(%run_scoped3A : memref<!tpu.dma_semaphore, #tpu.memory_space<semaphore_mem>>)
      %dma_wait3A = arith.constant 0 : i32
      %dma_wait3A_22 = tpu.memref_slice %arg7[%mul3A_2, %dma_wait3A] : memref<10240x16xf32, #tpu.memory_space<vmem_shared>> -> memref<640x16xf32, #tpu.memory_space<vmem_shared>>
      tpu.wait_dma2 semaphore(%run_scoped3A : memref<!tpu.dma_semaphore, #tpu.memory_space<semaphore_mem>>) src(%arg3 : memref<640x16xf32, #tpu.memory_space<hbm>>) dst(%dma_wait3A_22 : memref<640x16xf32, #tpu.memory_space<vmem_shared>>)
      tpu.yield
    }) : () -> ()
    %scan3A = arith.constant 0 : i32
    %scan3A_3 = arith.constant 128 : i32
    %scan3A_4 = arith.addi %scan3A, %scan3A_3 : i32
    %scan3A_5 = arith.constant 1 : i32
    scf.for %scan3A_21 = %scan3A to %scan3A_4 step %scan3A_5  : i32 {
      %mul3A_22 = arith.constant 1 : i32
      %mul3A_23 = arith.muli %scan3A_21, %mul3A_22 : i32
      %add3A_24 = arith.constant 0 : i32
      %add3A_25 = arith.addi %add3A_24, %mul3A_23 : i32
      %broadcast_in_dim3A = arith.constant 1.000000e+00 : f32
      %broadcast_in_dim3A_26 = vector.broadcast %broadcast_in_dim3A : f32 to vector<16xf32>
      %swap3A = arith.index_cast %add3A_25 : i32 to index
      %swap3A_27 = arith.constant 0 : index
      %swap3A_28 = tpu.vector_load %arg6[%swap3A, %swap3A_27] {strides = array<i32>} : memref<128x16xf32, #tpu.memory_space<vmem>>, vector<1x16xf32>,
      %swap3A_29 = vector.shape_cast %swap3A_28 : vector<1x16xf32> to vector<16xf32>
      %swap3A_30 = vector.shape_cast %broadcast_in_dim3A_26 : vector<16xf32> to vector<1x16xf32>
      tpu.vector_store %arg6[%swap3A, %swap3A_27], %swap3A_30 {strides = array<i32>} : memref<128x16xf32, #tpu.memory_space<vmem>>, vector<1x16xf32>,
    }
    %scan3A_6 = arith.constant 128 : i32
    %mul3A_7 = arith.constant 2 : i32
    %mul3A_8 = arith.muli %add3A, %mul3A_7 : i32
    %mul3A_9 = arith.constant 80 : i32
    %mul3A_10 = arith.muli %mul3A_8, %mul3A_9 : i32
    "tpu.region"() ({
      %run_scoped3A = tpu.sem_alloc : memref<!tpu.dma_semaphore, #tpu.memory_space<semaphore_mem>>
      %dma_start3A = arith.constant 0 : i32
      %dma_start3A_21 = tpu.memref_slice %arg2[%mul3A_10, %dma_start3A] : memref<5120x128xi32, #tpu.memory_space<hbm>> -> memref<160x128xi32, #tpu.memory_space<hbm>>
      %dma_start3A_22 = arith.constant 0 : i32
      %dma_start3A_23 = tpu.memref_slice %arg2[%mul3A_10, %dma_start3A_22] : memref<5120x128xi32, #tpu.memory_space<hbm>> -> memref<160x128xi32, #tpu.memory_space<hbm>>
      tpu.enqueue_dma source(%dma_start3A_23 : memref<160x128xi32, #tpu.memory_space<hbm>>) target(%arg5 : memref<160x128xi32, #tpu.memory_space<vmem>>) target_semaphore(%run_scoped3A : memref<!tpu.dma_semaphore, #tpu.memory_space<semaphore_mem>>)
      %dma_wait3A = arith.constant 0 : i32
      %dma_wait3A_24 = tpu.memref_slice %arg2[%mul3A_10, %dma_wait3A] : memref<5120x128xi32, #tpu.memory_space<hbm>> -> memref<160x128xi32, #tpu.memory_space<hbm>>
      %dma_wait3A_25 = arith.constant 0 : i32
      %dma_wait3A_26 = tpu.memref_slice %arg2[%mul3A_10, %dma_wait3A_25] : memref<5120x128xi32, #tpu.memory_space<hbm>> -> memref<160x128xi32, #tpu.memory_space<hbm>>
      tpu.wait_dma2 semaphore(%run_scoped3A : memref<!tpu.dma_semaphore, #tpu.memory_space<semaphore_mem>>) src(%dma_wait3A_26 : memref<160x128xi32, #tpu.memory_space<hbm>>) dst(%arg5 : memref<160x128xi32, #tpu.memory_space<vmem>>)
      tpu.yield
    }) : () -> ()
    %barrier3A = arith.constant 0 : index
    tpu.barrier barrier_id(%barrier3A)
    %scan3A_11 = arith.constant 0 : i32
    %scan3A_12 = arith.constant 80 : i32
    %scan3A_13 = arith.addi %scan3A_11, %scan3A_12 : i32
    %scan3A_14 = arith.constant 1 : i32
    scf.for %scan3A_21 = %scan3A_11 to %scan3A_13 step %scan3A_14  : i32 {
      %mul3A_22 = arith.constant 1 : i32
      %mul3A_23 = arith.muli %scan3A_21, %mul3A_22 : i32
      %add3A_24 = arith.constant 0 : i32
      %add3A_25 = arith.addi %add3A_24, %mul3A_23 : i32
      %mul3A_26 = arith.constant 2 : i32
      %mul3A_27 = arith.muli %mul3A_26, %add3A_25 : i32
      %add3A_28 = arith.constant 1 : i32
      %add3A_29 = arith.addi %mul3A_27, %add3A_28 : i32
      "tpu.region"() ({
        %run_scoped3A = tpu.sem_alloc : memref<!tpu.dma_semaphore, #tpu.memory_space<semaphore_mem>>
        %dma_start3A = arith.constant 0 : i32
        %dma_start3A_30 = tpu.memref_slice %arg5[%add3A_29, %dma_start3A] : memref<160x128xi32, #tpu.memory_space<vmem>> -> memref<1x128xi32, #tpu.memory_space<vmem>>
        %dma_start3A_31 = tpu.memref_squeeze %dma_start3A_30 : memref<1x128xi32, #tpu.memory_space<vmem>> -> memref<128xi32, #tpu.memory_space<vmem>>
        %dma_start3A_32 = arith.constant 0 : i32
        %dma_start3A_33 = arith.constant 0 : i32
        %dma_start3A_34 = tpu.memref_slice %arg7[%dma_start3A_32, %dma_start3A_33] : memref<10240x16xf32, #tpu.memory_space<vmem_shared>> -> memref<10240x16xf32, #tpu.memory_space<vmem_shared>>
        tpu.enqueue_indirect_dma source(%arg6 : memref<128x16xf32, #tpu.memory_space<vmem>>) target(%dma_start3A_34 : memref<10240x16xf32, #tpu.memory_space<vmem_shared>>) offsets(%dma_start3A_31 : memref<128xi32, #tpu.memory_space<vmem>>) semaphore(%run_scoped3A : memref<!tpu.dma_semaphore, #tpu.memory_space<semaphore_mem>>) {add = true}
        %dma_wait3A = arith.constant 0 : i32
        %dma_wait3A_35 = tpu.memref_slice %arg5[%add3A_29, %dma_wait3A] : memref<160x128xi32, #tpu.memory_space<vmem>> -> memref<1x128xi32, #tpu.memory_space<vmem>>
        %dma_wait3A_36 = tpu.memref_squeeze %dma_wait3A_35 : memref<1x128xi32, #tpu.memory_space<vmem>> -> memref<128xi32, #tpu.memory_space<vmem>>
        %dma_wait3A_37 = arith.constant 0 : i32
        %dma_wait3A_38 = arith.constant 0 : i32
        %dma_wait3A_39 = tpu.memref_slice %arg7[%dma_wait3A_37, %dma_wait3A_38] : memref<10240x16xf32, #tpu.memory_space<vmem_shared>> -> memref<10240x16xf32, #tpu.memory_space<vmem_shared>>
        tpu.wait_indirect_dma semaphore(%run_scoped3A : memref<!tpu.dma_semaphore, #tpu.memory_space<semaphore_mem>>) src(%arg6 : memref<128x16xf32, #tpu.memory_space<vmem>>) dst(%dma_wait3A_39 : memref<10240x16xf32, #tpu.memory_space<vmem_shared>>)
        tpu.yield
      }) : () -> ()
    }
    %scan3A_15 = arith.constant 80 : i32
    %barrier3A_16 = arith.constant 0 : index
    tpu.barrier barrier_id(%barrier3A_16)
    %mul3A_17 = arith.constant 640 : i32
    %mul3A_18 = arith.muli %arg1, %mul3A_17 : i32
    %mul3A_19 = arith.constant 640 : i32
    %mul3A_20 = arith.muli %arg1, %mul3A_19 : i32
    "tpu.region"() ({
      %run_scoped3A = tpu.sem_alloc : memref<!tpu.dma_semaphore, #tpu.memory_space<semaphore_mem>>
      %dma_start3A = arith.constant 0 : i32
      %dma_start3A_21 = arith.constant 0 : i32
      %dma_start3A_22 = tpu.memref_slice %arg4[%arg0, %dma_start3A, %dma_start3A_21] : memref<2x10240x16xf32, #tpu.memory_space<hbm>> -> memref<1x10240x16xf32, #tpu.memory_space<hbm>>
      %dma_start3A_23 = tpu.memref_squeeze %dma_start3A_22 : memref<1x10240x16xf32, #tpu.memory_space<hbm>> -> memref<10240x16xf32, #tpu.memory_space<hbm>>
      %dma_start3A_24 = arith.constant 0 : i32
      %dma_start3A_25 = tpu.memref_slice %dma_start3A_23[%mul3A_20, %dma_start3A_24] : memref<10240x16xf32, #tpu.memory_space<hbm>> -> memref<640x16xf32, #tpu.memory_space<hbm>>
      %dma_start3A_26 = arith.constant 0 : i32
      %dma_start3A_27 = tpu.memref_slice %arg7[%mul3A_18, %dma_start3A_26] : memref<10240x16xf32, #tpu.memory_space<vmem_shared>> -> memref<640x16xf32, #tpu.memory_space<vmem_shared>>
      tpu.enqueue_dma source(%dma_start3A_27 : memref<640x16xf32, #tpu.memory_space<vmem_shared>>) target(%dma_start3A_25 : memref<640x16xf32, #tpu.memory_space<hbm>>) target_semaphore(%run_scoped3A : memref<!tpu.dma_semaphore, #tpu.memory_space<semaphore_mem>>)
      %dma_wait3A = arith.constant 0 : i32
      %dma_wait3A_28 = arith.constant 0 : i32
      %dma_wait3A_29 = tpu.memref_slice %arg4[%arg0, %dma_wait3A, %dma_wait3A_28] : memref<2x10240x16xf32, #tpu.memory_space<hbm>> -> memref<1x10240x16xf32, #tpu.memory_space<hbm>>
      %dma_wait3A_30 = tpu.memref_squeeze %dma_wait3A_29 : memref<1x10240x16xf32, #tpu.memory_space<hbm>> -> memref<10240x16xf32, #tpu.memory_space<hbm>>
      %dma_wait3A_31 = arith.constant 0 : i32
      %dma_wait3A_32 = tpu.memref_slice %dma_wait3A_30[%mul3A_20, %dma_wait3A_31] : memref<10240x16xf32, #tpu.memory_space<hbm>> -> memref<640x16xf32, #tpu.memory_space<hbm>>
      %dma_wait3A_33 = arith.constant 0 : i32
      %dma_wait3A_34 = tpu.memref_slice %arg7[%mul3A_18, %dma_wait3A_33] : memref<10240x16xf32, #tpu.memory_space<vmem_shared>> -> memref<640x16xf32, #tpu.memory_space<vmem_shared>>
      tpu.wait_dma2 semaphore(%run_scoped3A : memref<!tpu.dma_semaphore, #tpu.memory_space<semaphore_mem>>) src(%dma_wait3A_34 : memref<640x16xf32, #tpu.memory_space<vmem_shared>>) dst(%dma_wait3A_32 : memref<640x16xf32, #tpu.memory_space<hbm>>)
      tpu.yield
    }) : () -> ()
    return
  }
}

#map = affine_map<(d0, d1) -> (0, 0)>
#map1 = affine_map<(d0, d1) -> (0, 0, 0)>
module attributes {stable_mosaic.version = 14 : i64} {
  func.func @k(%arg0: i32, %arg1: i32, %arg2: memref<10000x64xbf16, #tpu.memory_space<hbm>>, %arg3: memref<5120x128xi32, #tpu.memory_space<hbm>>, %arg4: memref<640x64xf32, #tpu.memory_space<hbm>>, %arg5: memref<2x10240x64xf32, #tpu.memory_space<hbm>>, %arg6: memref<192x128xi32, #tpu.memory_space<vmem>>, %arg7: memref<128x64xbf16, #tpu.memory_space<vmem>>, %arg8: memref<128x64xbf16, #tpu.memory_space<vmem>>, %arg9: memref<128x64xbf16, #tpu.memory_space<vmem>>, %arg10: memref<128x64xbf16, #tpu.memory_space<vmem>>, %arg11: memref<128x64xf32, #tpu.memory_space<vmem>>, %arg12: memref<128x64xf32, #tpu.memory_space<vmem>>, %arg13: memref<128x64xf32, #tpu.memory_space<vmem>>, %arg14: memref<128x64xf32, #tpu.memory_space<vmem>>, %arg15: memref<10240x64xf32, #tpu.memory_space<vmem_shared>>, %arg16: memref<!tpu.dma_semaphore, #tpu.memory_space<semaphore_mem>>, %arg17: memref<!tpu.dma_semaphore, #tpu.memory_space<semaphore_mem>>, %arg18: memref<!tpu.dma_semaphore, #tpu.memory_space<semaphore_mem>>, %arg19: memref<!tpu.dma_semaphore, #tpu.memory_space<semaphore_mem>>, %arg20: memref<!tpu.dma_semaphore, #tpu.memory_space<semaphore_mem>>, %arg21: memref<!tpu.dma_semaphore, #tpu.memory_space<semaphore_mem>>, %arg22: memref<!tpu.dma_semaphore, #tpu.memory_space<semaphore_mem>>, %arg23: memref<!tpu.dma_semaphore, #tpu.memory_space<semaphore_mem>>) attributes {dimension_semantics = [#tpu.dimension_semantics<core_parallel>, #tpu.dimension_semantics<subcore_parallel>], iteration_bounds = array<i64: 2, 16>, scalar_prefetch = 0 : i64, scratch_operands = 18 : i64, tpu.core_type = #tpu.core_type<sc_vector_subcore>, window_params = [{transform_indices = #map}, {transform_indices = #map}, {transform_indices = #map}, {transform_indices = #map1}]} {
    %mul3A = arith.constant 640 : i32
    %mul3A_0 = arith.muli %arg1, %mul3A : i32
    "tpu.region"() ({
      %run_scoped3A = tpu.sem_alloc : memref<!tpu.dma_semaphore, #tpu.memory_space<semaphore_mem>>
      %dma_start3A = arith.constant 0 : i32
      %dma_start3A_14 = tpu.memref_slice %arg15[%mul3A_0, %dma_start3A] : memref<10240x64xf32, #tpu.memory_space<vmem_shared>> -> memref<640x64xf32, #tpu.memory_space<vmem_shared>>
      tpu.enqueue_dma source(%arg4 : memref<640x64xf32, #tpu.memory_space<hbm>>) target(%dma_start3A_14 : memref<640x64xf32, #tpu.memory_space<vmem_shared>>) target_semaphore(%run_scoped3A : memref<!tpu.dma_semaphore, #tpu.memory_space<semaphore_mem>>)
      %dma_wait3A = arith.constant 0 : i32
      %dma_wait3A_15 = tpu.memref_slice %arg15[%mul3A_0, %dma_wait3A] : memref<10240x64xf32, #tpu.memory_space<vmem_shared>> -> memref<640x64xf32, #tpu.memory_space<vmem_shared>>
      tpu.wait_dma2 semaphore(%run_scoped3A : memref<!tpu.dma_semaphore, #tpu.memory_space<semaphore_mem>>) src(%arg4 : memref<640x64xf32, #tpu.memory_space<hbm>>) dst(%dma_wait3A_15 : memref<640x64xf32, #tpu.memory_space<vmem_shared>>)
      tpu.yield
    }) : () -> ()
    %barrier3A = arith.constant 0 : index
    tpu.barrier barrier_id(%barrier3A)
    %broadcast_in_dim3A = arith.constant -65536 : i32
    %broadcast_in_dim3A_1 = vector.broadcast %broadcast_in_dim3A : i32 to vector<16xi32>
    %eq3A = arith.constant 0 : i32
    %eq3A_2 = arith.cmpi eq, %arg0, %eq3A : i32
    %convert_element_type3A = arith.extui %eq3A_2 : i1 to i32
    %cond3A = arith.constant 0 : i32
    %cond3A_3 = arith.cmpi ne, %convert_element_type3A, %cond3A : i32
    scf.if %cond3A_3 {
      %mul3A_14 = arith.constant 96 : i32
      %mul3A_15 = arith.muli %arg1, %mul3A_14 : i32
      %mul3A_16 = arith.constant 2 : i32
      %mul3A_17 = arith.muli %mul3A_16, %mul3A_15 : i32
      "tpu.region"() ({
        %run_scoped3A = tpu.sem_alloc : memref<!tpu.dma_semaphore, #tpu.memory_space<semaphore_mem>>
        %dma_start3A_76 = arith.constant 0 : i32
        %dma_start3A_77 = arith.constant 0 : i32
        %dma_start3A_78 = tpu.memref_slice %arg6[%dma_start3A_76, %dma_start3A_77] : memref<192x128xi32, #tpu.memory_space<vmem>> -> memref<192x128xi32, #tpu.memory_space<vmem>>
        %dma_start3A_79 = arith.constant 0 : i32
        %dma_start3A_80 = tpu.memref_slice %arg3[%mul3A_17, %dma_start3A_79] : memref<5120x128xi32, #tpu.memory_space<hbm>> -> memref<192x128xi32, #tpu.memory_space<hbm>>
        %dma_start3A_81 = arith.constant 0 : i32
        %dma_start3A_82 = arith.constant 0 : i32
        %dma_start3A_83 = tpu.memref_slice %arg6[%dma_start3A_81, %dma_start3A_82] : memref<192x128xi32, #tpu.memory_space<vmem>> -> memref<192x128xi32, #tpu.memory_space<vmem>>
        %dma_start3A_84 = arith.constant 0 : i32
        %dma_start3A_85 = tpu.memref_slice %arg3[%mul3A_17, %dma_start3A_84] : memref<5120x128xi32, #tpu.memory_space<hbm>> -> memref<192x128xi32, #tpu.memory_space<hbm>>
        tpu.enqueue_dma source(%dma_start3A_85 : memref<192x128xi32, #tpu.memory_space<hbm>>) target(%dma_start3A_83 : memref<192x128xi32, #tpu.memory_space<vmem>>) target_semaphore(%run_scoped3A : memref<!tpu.dma_semaphore, #tpu.memory_space<semaphore_mem>>)
        %dma_wait3A_86 = arith.constant 0 : i32
        %dma_wait3A_87 = arith.constant 0 : i32
        %dma_wait3A_88 = tpu.memref_slice %arg6[%dma_wait3A_86, %dma_wait3A_87] : memref<192x128xi32, #tpu.memory_space<vmem>> -> memref<192x128xi32, #tpu.memory_space<vmem>>
        %dma_wait3A_89 = arith.constant 0 : i32
        %dma_wait3A_90 = tpu.memref_slice %arg3[%mul3A_17, %dma_wait3A_89] : memref<5120x128xi32, #tpu.memory_space<hbm>> -> memref<192x128xi32, #tpu.memory_space<hbm>>
        %dma_wait3A_91 = arith.constant 0 : i32
        %dma_wait3A_92 = arith.constant 0 : i32
        %dma_wait3A_93 = tpu.memref_slice %arg6[%dma_wait3A_91, %dma_wait3A_92] : memref<192x128xi32, #tpu.memory_space<vmem>> -> memref<192x128xi32, #tpu.memory_space<vmem>>
        %dma_wait3A_94 = arith.constant 0 : i32
        %dma_wait3A_95 = tpu.memref_slice %arg3[%mul3A_17, %dma_wait3A_94] : memref<5120x128xi32, #tpu.memory_space<hbm>> -> memref<192x128xi32, #tpu.memory_space<hbm>>
        tpu.wait_dma2 semaphore(%run_scoped3A : memref<!tpu.dma_semaphore, #tpu.memory_space<semaphore_mem>>) src(%dma_wait3A_95 : memref<192x128xi32, #tpu.memory_space<hbm>>) dst(%dma_wait3A_93 : memref<192x128xi32, #tpu.memory_space<vmem>>)
        tpu.yield
      }) : () -> ()
      %dma_start3A = arith.constant 0 : i32
      %dma_start3A_18 = arith.constant 0 : i32
      %dma_start3A_19 = tpu.memref_slice %arg6[%dma_start3A, %dma_start3A_18] : memref<192x128xi32, #tpu.memory_space<vmem>> -> memref<1x128xi32, #tpu.memory_space<vmem>>
      %dma_start3A_20 = tpu.memref_squeeze %dma_start3A_19 : memref<1x128xi32, #tpu.memory_space<vmem>> -> memref<128xi32, #tpu.memory_space<vmem>>
      %dma_start3A_21 = arith.constant 0 : i32
      %dma_start3A_22 = arith.constant 0 : i32
      %dma_start3A_23 = tpu.memref_slice %arg2[%dma_start3A_21, %dma_start3A_22] : memref<10000x64xbf16, #tpu.memory_space<hbm>> -> memref<10000x64xbf16, #tpu.memory_space<hbm>>
      tpu.enqueue_indirect_dma source(%dma_start3A_23 : memref<10000x64xbf16, #tpu.memory_space<hbm>>) target(%arg7 : memref<128x64xbf16, #tpu.memory_space<vmem>>) offsets(%dma_start3A_20 : memref<128xi32, #tpu.memory_space<vmem>>) semaphore(%arg16 : memref<!tpu.dma_semaphore, #tpu.memory_space<semaphore_mem>>)
      %dma_start3A_24 = arith.constant 2 : i32
      %dma_start3A_25 = arith.constant 0 : i32
      %dma_start3A_26 = tpu.memref_slice %arg6[%dma_start3A_24, %dma_start3A_25] : memref<192x128xi32, #tpu.memory_space<vmem>> -> memref<1x128xi32, #tpu.memory_space<vmem>>
      %dma_start3A_27 = tpu.memref_squeeze %dma_start3A_26 : memref<1x128xi32, #tpu.memory_space<vmem>> -> memref<128xi32, #tpu.memory_space<vmem>>
      %dma_start3A_28 = arith.constant 0 : i32
      %dma_start3A_29 = arith.constant 0 : i32
      %dma_start3A_30 = tpu.memref_slice %arg2[%dma_start3A_28, %dma_start3A_29] : memref<10000x64xbf16, #tpu.memory_space<hbm>> -> memref<10000x64xbf16, #tpu.memory_space<hbm>>
      tpu.enqueue_indirect_dma source(%dma_start3A_30 : memref<10000x64xbf16, #tpu.memory_space<hbm>>) target(%arg8 : memref<128x64xbf16, #tpu.memory_space<vmem>>) offsets(%dma_start3A_27 : memref<128xi32, #tpu.memory_space<vmem>>) semaphore(%arg17 : memref<!tpu.dma_semaphore, #tpu.memory_space<semaphore_mem>>)
      %dma_start3A_31 = arith.constant 4 : i32
      %dma_start3A_32 = arith.constant 0 : i32
      %dma_start3A_33 = tpu.memref_slice %arg6[%dma_start3A_31, %dma_start3A_32] : memref<192x128xi32, #tpu.memory_space<vmem>> -> memref<1x128xi32, #tpu.memory_space<vmem>>
      %dma_start3A_34 = tpu.memref_squeeze %dma_start3A_33 : memref<1x128xi32, #tpu.memory_space<vmem>> -> memref<128xi32, #tpu.memory_space<vmem>>
      %dma_start3A_35 = arith.constant 0 : i32
      %dma_start3A_36 = arith.constant 0 : i32
      %dma_start3A_37 = tpu.memref_slice %arg2[%dma_start3A_35, %dma_start3A_36] : memref<10000x64xbf16, #tpu.memory_space<hbm>> -> memref<10000x64xbf16, #tpu.memory_space<hbm>>
      tpu.enqueue_indirect_dma source(%dma_start3A_37 : memref<10000x64xbf16, #tpu.memory_space<hbm>>) target(%arg9 : memref<128x64xbf16, #tpu.memory_space<vmem>>) offsets(%dma_start3A_34 : memref<128xi32, #tpu.memory_space<vmem>>) semaphore(%arg18 : memref<!tpu.dma_semaphore, #tpu.memory_space<semaphore_mem>>)
      %dma_start3A_38 = arith.constant 6 : i32
      %dma_start3A_39 = arith.constant 0 : i32
      %dma_start3A_40 = tpu.memref_slice %arg6[%dma_start3A_38, %dma_start3A_39] : memref<192x128xi32, #tpu.memory_space<vmem>> -> memref<1x128xi32, #tpu.memory_space<vmem>>
      %dma_start3A_41 = tpu.memref_squeeze %dma_start3A_40 : memref<1x128xi32, #tpu.memory_space<vmem>> -> memref<128xi32, #tpu.memory_space<vmem>>
      %dma_start3A_42 = arith.constant 0 : i32
      %dma_start3A_43 = arith.constant 0 : i32
      %dma_start3A_44 = tpu.memref_slice %arg2[%dma_start3A_42, %dma_start3A_43] : memref<10000x64xbf16, #tpu.memory_space<hbm>> -> memref<10000x64xbf16, #tpu.memory_space<hbm>>
      tpu.enqueue_indirect_dma source(%dma_start3A_44 : memref<10000x64xbf16, #tpu.memory_space<hbm>>) target(%arg10 : memref<128x64xbf16, #tpu.memory_space<vmem>>) offsets(%dma_start3A_41 : memref<128xi32, #tpu.memory_space<vmem>>) semaphore(%arg19 : memref<!tpu.dma_semaphore, #tpu.memory_space<semaphore_mem>>)
      %scan3A = arith.constant 0 : i32
      %scan3A_45 = arith.constant 24 : i32
      %scan3A_46 = arith.addi %scan3A, %scan3A_45 : i32
      %scan3A_47 = arith.constant 1 : i32
      scf.for %scan3A_76 = %scan3A to %scan3A_46 step %scan3A_47  : i32 {
        %mul3A_77 = arith.constant 4 : i32
        %mul3A_78 = arith.muli %scan3A_76, %mul3A_77 : i32
        %add3A = arith.constant 0 : i32
        %add3A_79 = arith.addi %add3A, %mul3A_78 : i32
        %add3A_80 = arith.constant 0 : i32
        %add3A_81 = arith.addi %add3A_79, %add3A_80 : i32
        %mul3A_82 = arith.constant 2 : i32
        %mul3A_83 = arith.muli %mul3A_82, %add3A_81 : i32
        %dma_wait3A_84 = arith.constant 0 : i32
        %dma_wait3A_85 = tpu.memref_slice %arg6[%mul3A_83, %dma_wait3A_84] : memref<192x128xi32, #tpu.memory_space<vmem>> -> memref<1x128xi32, #tpu.memory_space<vmem>>
        %dma_wait3A_86 = tpu.memref_squeeze %dma_wait3A_85 : memref<1x128xi32, #tpu.memory_space<vmem>> -> memref<128xi32, #tpu.memory_space<vmem>>
        %dma_wait3A_87 = arith.constant 0 : i32
        %dma_wait3A_88 = arith.constant 0 : i32
        %dma_wait3A_89 = tpu.memref_slice %arg2[%dma_wait3A_87, %dma_wait3A_88] : memref<10000x64xbf16, #tpu.memory_space<hbm>> -> memref<10000x64xbf16, #tpu.memory_space<hbm>>
        tpu.wait_indirect_dma semaphore(%arg16 : memref<!tpu.dma_semaphore, #tpu.memory_space<semaphore_mem>>) src(%dma_wait3A_89 : memref<10000x64xbf16, #tpu.memory_space<hbm>>) dst(%arg7 : memref<128x64xbf16, #tpu.memory_space<vmem>>)
        %ge3A = arith.constant 4 : i32
        %ge3A_90 = arith.cmpi sge, %add3A_81, %ge3A : i32
        %convert_element_type3A_91 = arith.extui %ge3A_90 : i1 to i32
        %cond3A_92 = arith.constant 0 : i32
        %cond3A_93 = arith.cmpi ne, %convert_element_type3A_91, %cond3A_92 : i32
        scf.if %cond3A_93 {
          %sub3A = arith.constant 4 : i32
          %sub3A_226 = arith.subi %add3A_81, %sub3A : i32
          %mul3A_227 = arith.constant 2 : i32
          %mul3A_228 = arith.muli %mul3A_227, %sub3A_226 : i32
          %add3A_229 = arith.constant 1 : i32
          %add3A_230 = arith.addi %mul3A_228, %add3A_229 : i32
          %dma_wait3A_231 = arith.constant 0 : i32
          %dma_wait3A_232 = tpu.memref_slice %arg6[%add3A_230, %dma_wait3A_231] : memref<192x128xi32, #tpu.memory_space<vmem>> -> memref<1x128xi32, #tpu.memory_space<vmem>>
          %dma_wait3A_233 = tpu.memref_squeeze %dma_wait3A_232 : memref<1x128xi32, #tpu.memory_space<vmem>> -> memref<128xi32, #tpu.memory_space<vmem>>
          %dma_wait3A_234 = arith.constant 0 : i32
          %dma_wait3A_235 = arith.constant 0 : i32
          %dma_wait3A_236 = tpu.memref_slice %arg15[%dma_wait3A_234, %dma_wait3A_235] : memref<10240x64xf32, #tpu.memory_space<vmem_shared>> -> memref<10240x64xf32, #tpu.memory_space<vmem_shared>>
          tpu.wait_indirect_dma semaphore(%arg20 : memref<!tpu.dma_semaphore, #tpu.memory_space<semaphore_mem>>) src(%arg11 : memref<128x64xf32, #tpu.memory_space<vmem>>) dst(%dma_wait3A_236 : memref<10240x64xf32, #tpu.memory_space<vmem_shared>>)
        } else {
        }
        %scan3A_94 = arith.constant 0 : i32
        %scan3A_95 = arith.constant 128 : i32
        %scan3A_96 = arith.addi %scan3A_94, %scan3A_95 : i32
        %scan3A_97 = arith.constant 1 : i32
        scf.for %scan3A_226 = %scan3A_94 to %scan3A_96 step %scan3A_97  : i32 {
          %mul3A_227 = arith.constant 1 : i32
          %mul3A_228 = arith.muli %scan3A_226, %mul3A_227 : i32
          %add3A_229 = arith.constant 0 : i32
          %add3A_230 = arith.addi %add3A_229, %mul3A_228 : i32
          %get3A = arith.index_cast %add3A_230 : i32 to index
          %get3A_231 = arith.constant 0 : index
          %get3A_232 = tpu.vector_load %arg7[%get3A, %get3A_231] {strides = array<i32>} : memref<128x64xbf16, #tpu.memory_space<vmem>>, vector<32xbf16>,
          %bitcast3A = vector.bitcast %get3A_232 : vector<32xbf16> to vector<16xi32>
          %shift_left3A = arith.constant 16 : i32
          %shift_left3A_233 = vector.broadcast %shift_left3A : i32 to vector<16xi32>
          %shift_left3A_234 = arith.shli %bitcast3A, %shift_left3A_233 : vector<16xi32>
          %bitcast3A_235 = vector.bitcast %shift_left3A_234 : vector<16xi32> to vector<16xf32>
          %swap3A = arith.index_cast %add3A_230 : i32 to index
          %swap3A_236 = arith.constant 0 : index
          %swap3A_237 = tpu.vector_load %arg11[%swap3A, %swap3A_236] {strides = array<i32>} : memref<128x64xf32, #tpu.memory_space<vmem>>, vector<16xf32>,
          tpu.vector_store %arg11[%swap3A, %swap3A_236], %bitcast3A_235 {strides = array<i32>} : memref<128x64xf32, #tpu.memory_space<vmem>>, vector<16xf32>,
          %and3A = arith.andi %bitcast3A, %broadcast_in_dim3A_1 : vector<16xi32>
          %bitcast3A_238 = vector.bitcast %and3A : vector<16xi32> to vector<16xf32>
          %swap3A_239 = arith.index_cast %add3A_230 : i32 to index
          %swap3A_240 = arith.constant 16 : index
          %swap3A_241 = tpu.vector_load %arg11[%swap3A_239, %swap3A_240] {strides = array<i32>} : memref<128x64xf32, #tpu.memory_space<vmem>>, vector<16xf32>,
          tpu.vector_store %arg11[%swap3A_239, %swap3A_240], %bitcast3A_238 {strides = array<i32>} : memref<128x64xf32, #tpu.memory_space<vmem>>, vector<16xf32>,
          %get3A_242 = arith.index_cast %add3A_230 : i32 to index
          %get3A_243 = arith.constant 32 : index
          %get3A_244 = tpu.vector_load %arg7[%get3A_242, %get3A_243] {strides = array<i32>} : memref<128x64xbf16, #tpu.memory_space<vmem>>, vector<32xbf16>,
          %bitcast3A_245 = vector.bitcast %get3A_244 : vector<32xbf16> to vector<16xi32>
          %shift_left3A_246 = arith.constant 16 : i32
          %shift_left3A_247 = vector.broadcast %shift_left3A_246 : i32 to vector<16xi32>
          %shift_left3A_248 = arith.shli %bitcast3A_245, %shift_left3A_247 : vector<16xi32>
          %bitcast3A_249 = vector.bitcast %shift_left3A_248 : vector<16xi32> to vector<16xf32>
          %swap3A_250 = arith.index_cast %add3A_230 : i32 to index
          %swap3A_251 = arith.constant 32 : index
          %swap3A_252 = tpu.vector_load %arg11[%swap3A_250, %swap3A_251] {strides = array<i32>} : memref<128x64xf32, #tpu.memory_space<vmem>>, vector<16xf32>,
          tpu.vector_store %arg11[%swap3A_250, %swap3A_251], %bitcast3A_249 {strides = array<i32>} : memref<128x64xf32, #tpu.memory_space<vmem>>, vector<16xf32>,
          %and3A_253 = arith.andi %bitcast3A_245, %broadcast_in_dim3A_1 : vector<16xi32>
          %bitcast3A_254 = vector.bitcast %and3A_253 : vector<16xi32> to vector<16xf32>
          %swap3A_255 = arith.index_cast %add3A_230 : i32 to index
          %swap3A_256 = arith.constant 48 : index
          %swap3A_257 = tpu.vector_load %arg11[%swap3A_255, %swap3A_256] {strides = array<i32>} : memref<128x64xf32, #tpu.memory_space<vmem>>, vector<16xf32>,
          tpu.vector_store %arg11[%swap3A_255, %swap3A_256], %bitcast3A_254 {strides = array<i32>} : memref<128x64xf32, #tpu.memory_space<vmem>>, vector<16xf32>,
        }
        %scan3A_98 = arith.constant 128 : i32
        %add3A_99 = arith.constant 4 : i32
        %add3A_100 = arith.addi %add3A_81, %add3A_99 : i32
        %lt3A = arith.constant 96 : i32
        %lt3A_101 = arith.cmpi slt, %add3A_100, %lt3A : i32
        %convert_element_type3A_102 = arith.extui %lt3A_101 : i1 to i32
        %cond3A_103 = arith.constant 0 : i32
        %cond3A_104 = arith.cmpi ne, %convert_element_type3A_102, %cond3A_103 : i32
        scf.if %cond3A_104 {
          %add3A_226 = arith.constant 4 : i32
          %add3A_227 = arith.addi %add3A_81, %add3A_226 : i32
          %mul3A_228 = arith.constant 2 : i32
          %mul3A_229 = arith.muli %mul3A_228, %add3A_227 : i32
          %dma_start3A_230 = arith.constant 0 : i32
          %dma_start3A_231 = tpu.memref_slice %arg6[%mul3A_229, %dma_start3A_230] : memref<192x128xi32, #tpu.memory_space<vmem>> -> memref<1x128xi32, #tpu.memory_space<vmem>>
          %dma_start3A_232 = tpu.memref_squeeze %dma_start3A_231 : memref<1x128xi32, #tpu.memory_space<vmem>> -> memref<128xi32, #tpu.memory_space<vmem>>
          %dma_start3A_233 = arith.constant 0 : i32
          %dma_start3A_234 = arith.constant 0 : i32
          %dma_start3A_235 = tpu.memref_slice %arg2[%dma_start3A_233, %dma_start3A_234] : memref<10000x64xbf16, #tpu.memory_space<hbm>> -> memref<10000x64xbf16, #tpu.memory_space<hbm>>
          tpu.enqueue_indirect_dma source(%dma_start3A_235 : memref<10000x64xbf16, #tpu.memory_space<hbm>>) target(%arg7 : memref<128x64xbf16, #tpu.memory_space<vmem>>) offsets(%dma_start3A_232 : memref<128xi32, #tpu.memory_space<vmem>>) semaphore(%arg16 : memref<!tpu.dma_semaphore, #tpu.memory_space<semaphore_mem>>)
        } else {
        }
        %mul3A_105 = arith.constant 2 : i32
        %mul3A_106 = arith.muli %mul3A_105, %add3A_81 : i32
        %add3A_107 = arith.constant 1 : i32
        %add3A_108 = arith.addi %mul3A_106, %add3A_107 : i32
        %dma_start3A_109 = arith.constant 0 : i32
        %dma_start3A_110 = tpu.memref_slice %arg6[%add3A_108, %dma_start3A_109] : memref<192x128xi32, #tpu.memory_space<vmem>> -> memref<1x128xi32, #tpu.memory_space<vmem>>
        %dma_start3A_111 = tpu.memref_squeeze %dma_start3A_110 : memref<1x128xi32, #tpu.memory_space<vmem>> -> memref<128xi32, #tpu.memory_space<vmem>>
        %dma_start3A_112 = arith.constant 0 : i32
        %dma_start3A_113 = arith.constant 0 : i32
        %dma_start3A_114 = tpu.memref_slice %arg15[%dma_start3A_112, %dma_start3A_113] : memref<10240x64xf32, #tpu.memory_space<vmem_shared>> -> memref<10240x64xf32, #tpu.memory_space<vmem_shared>>
        tpu.enqueue_indirect_dma source(%arg11 : memref<128x64xf32, #tpu.memory_space<vmem>>) target(%dma_start3A_114 : memref<10240x64xf32, #tpu.memory_space<vmem_shared>>) offsets(%dma_start3A_111 : memref<128xi32, #tpu.memory_space<vmem>>) semaphore(%arg20 : memref<!tpu.dma_semaphore, #tpu.memory_space<semaphore_mem>>) {add = true}
        %add3A_115 = arith.constant 1 : i32
        %add3A_116 = arith.addi %add3A_79, %add3A_115 : i32
        %mul3A_117 = arith.constant 2 : i32
        %mul3A_118 = arith.muli %mul3A_117, %add3A_116 : i32
        %dma_wait3A_119 = arith.constant 0 : i32
        %dma_wait3A_120 = tpu.memref_slice %arg6[%mul3A_118, %dma_wait3A_119] : memref<192x128xi32, #tpu.memory_space<vmem>> -> memref<1x128xi32, #tpu.memory_space<vmem>>
        %dma_wait3A_121 = tpu.memref_squeeze %dma_wait3A_120 : memref<1x128xi32, #tpu.memory_space<vmem>> -> memref<128xi32, #tpu.memory_space<vmem>>
        %dma_wait3A_122 = arith.constant 0 : i32
        %dma_wait3A_123 = arith.constant 0 : i32
        %dma_wait3A_124 = tpu.memref_slice %arg2[%dma_wait3A_122, %dma_wait3A_123] : memref<10000x64xbf16, #tpu.memory_space<hbm>> -> memref<10000x64xbf16, #tpu.memory_space<hbm>>
        tpu.wait_indirect_dma semaphore(%arg17 : memref<!tpu.dma_semaphore, #tpu.memory_space<semaphore_mem>>) src(%dma_wait3A_124 : memref<10000x64xbf16, #tpu.memory_space<hbm>>) dst(%arg8 : memref<128x64xbf16, #tpu.memory_space<vmem>>)
        %ge3A_125 = arith.constant 4 : i32
        %ge3A_126 = arith.cmpi sge, %add3A_116, %ge3A_125 : i32
        %convert_element_type3A_127 = arith.extui %ge3A_126 : i1 to i32
        %cond3A_128 = arith.constant 0 : i32
        %cond3A_129 = arith.cmpi ne, %convert_element_type3A_127, %cond3A_128 : i32
        scf.if %cond3A_129 {
          %sub3A = arith.constant 4 : i32
          %sub3A_226 = arith.subi %add3A_116, %sub3A : i32
          %mul3A_227 = arith.constant 2 : i32
          %mul3A_228 = arith.muli %mul3A_227, %sub3A_226 : i32
          %add3A_229 = arith.constant 1 : i32
          %add3A_230 = arith.addi %mul3A_228, %add3A_229 : i32
          %dma_wait3A_231 = arith.constant 0 : i32
          %dma_wait3A_232 = tpu.memref_slice %arg6[%add3A_230, %dma_wait3A_231] : memref<192x128xi32, #tpu.memory_space<vmem>> -> memref<1x128xi32, #tpu.memory_space<vmem>>
          %dma_wait3A_233 = tpu.memref_squeeze %dma_wait3A_232 : memref<1x128xi32, #tpu.memory_space<vmem>> -> memref<128xi32, #tpu.memory_space<vmem>>
          %dma_wait3A_234 = arith.constant 0 : i32
          %dma_wait3A_235 = arith.constant 0 : i32
          %dma_wait3A_236 = tpu.memref_slice %arg15[%dma_wait3A_234, %dma_wait3A_235] : memref<10240x64xf32, #tpu.memory_space<vmem_shared>> -> memref<10240x64xf32, #tpu.memory_space<vmem_shared>>
          tpu.wait_indirect_dma semaphore(%arg21 : memref<!tpu.dma_semaphore, #tpu.memory_space<semaphore_mem>>) src(%arg12 : memref<128x64xf32, #tpu.memory_space<vmem>>) dst(%dma_wait3A_236 : memref<10240x64xf32, #tpu.memory_space<vmem_shared>>)
        } else {
        }
        %scan3A_130 = arith.constant 0 : i32
        %scan3A_131 = arith.constant 128 : i32
        %scan3A_132 = arith.addi %scan3A_130, %scan3A_131 : i32
        %scan3A_133 = arith.constant 1 : i32
        scf.for %scan3A_226 = %scan3A_130 to %scan3A_132 step %scan3A_133  : i32 {
          %mul3A_227 = arith.constant 1 : i32
          %mul3A_228 = arith.muli %scan3A_226, %mul3A_227 : i32
          %add3A_229 = arith.constant 0 : i32
          %add3A_230 = arith.addi %add3A_229, %mul3A_228 : i32
          %get3A = arith.index_cast %add3A_230 : i32 to index
          %get3A_231 = arith.constant 0 : index
          %get3A_232 = tpu.vector_load %arg8[%get3A, %get3A_231] {strides = array<i32>} : memref<128x64xbf16, #tpu.memory_space<vmem>>, vector<32xbf16>,
          %bitcast3A = vector.bitcast %get3A_232 : vector<32xbf16> to vector<16xi32>
          %shift_left3A = arith.constant 16 : i32
          %shift_left3A_233 = vector.broadcast %shift_left3A : i32 to vector<16xi32>
          %shift_left3A_234 = arith.shli %bitcast3A, %shift_left3A_233 : vector<16xi32>
          %bitcast3A_235 = vector.bitcast %shift_left3A_234 : vector<16xi32> to vector<16xf32>
          %swap3A = arith.index_cast %add3A_230 : i32 to index
          %swap3A_236 = arith.constant 0 : index
          %swap3A_237 = tpu.vector_load %arg12[%swap3A, %swap3A_236] {strides = array<i32>} : memref<128x64xf32, #tpu.memory_space<vmem>>, vector<16xf32>,
          tpu.vector_store %arg12[%swap3A, %swap3A_236], %bitcast3A_235 {strides = array<i32>} : memref<128x64xf32, #tpu.memory_space<vmem>>, vector<16xf32>,
          %and3A = arith.andi %bitcast3A, %broadcast_in_dim3A_1 : vector<16xi32>
          %bitcast3A_238 = vector.bitcast %and3A : vector<16xi32> to vector<16xf32>
          %swap3A_239 = arith.index_cast %add3A_230 : i32 to index
          %swap3A_240 = arith.constant 16 : index
          %swap3A_241 = tpu.vector_load %arg12[%swap3A_239, %swap3A_240] {strides = array<i32>} : memref<128x64xf32, #tpu.memory_space<vmem>>, vector<16xf32>,
          tpu.vector_store %arg12[%swap3A_239, %swap3A_240], %bitcast3A_238 {strides = array<i32>} : memref<128x64xf32, #tpu.memory_space<vmem>>, vector<16xf32>,
          %get3A_242 = arith.index_cast %add3A_230 : i32 to index
          %get3A_243 = arith.constant 32 : index
          %get3A_244 = tpu.vector_load %arg8[%get3A_242, %get3A_243] {strides = array<i32>} : memref<128x64xbf16, #tpu.memory_space<vmem>>, vector<32xbf16>,
          %bitcast3A_245 = vector.bitcast %get3A_244 : vector<32xbf16> to vector<16xi32>
          %shift_left3A_246 = arith.constant 16 : i32
          %shift_left3A_247 = vector.broadcast %shift_left3A_246 : i32 to vector<16xi32>
          %shift_left3A_248 = arith.shli %bitcast3A_245, %shift_left3A_247 : vector<16xi32>
          %bitcast3A_249 = vector.bitcast %shift_left3A_248 : vector<16xi32> to vector<16xf32>
          %swap3A_250 = arith.index_cast %add3A_230 : i32 to index
          %swap3A_251 = arith.constant 32 : index
          %swap3A_252 = tpu.vector_load %arg12[%swap3A_250, %swap3A_251] {strides = array<i32>} : memref<128x64xf32, #tpu.memory_space<vmem>>, vector<16xf32>,
          tpu.vector_store %arg12[%swap3A_250, %swap3A_251], %bitcast3A_249 {strides = array<i32>} : memref<128x64xf32, #tpu.memory_space<vmem>>, vector<16xf32>,
          %and3A_253 = arith.andi %bitcast3A_245, %broadcast_in_dim3A_1 : vector<16xi32>
          %bitcast3A_254 = vector.bitcast %and3A_253 : vector<16xi32> to vector<16xf32>
          %swap3A_255 = arith.index_cast %add3A_230 : i32 to index
          %swap3A_256 = arith.constant 48 : index
          %swap3A_257 = tpu.vector_load %arg12[%swap3A_255, %swap3A_256] {strides = array<i32>} : memref<128x64xf32, #tpu.memory_space<vmem>>, vector<16xf32>,
          tpu.vector_store %arg12[%swap3A_255, %swap3A_256], %bitcast3A_254 {strides = array<i32>} : memref<128x64xf32, #tpu.memory_space<vmem>>, vector<16xf32>,
        }
        %scan3A_134 = arith.constant 128 : i32
        %add3A_135 = arith.constant 4 : i32
        %add3A_136 = arith.addi %add3A_116, %add3A_135 : i32
        %lt3A_137 = arith.constant 96 : i32
        %lt3A_138 = arith.cmpi slt, %add3A_136, %lt3A_137 : i32
        %convert_element_type3A_139 = arith.extui %lt3A_138 : i1 to i32
        %cond3A_140 = arith.constant 0 : i32
        %cond3A_141 = arith.cmpi ne, %convert_element_type3A_139, %cond3A_140 : i32
        scf.if %cond3A_141 {
          %add3A_226 = arith.constant 4 : i32
          %add3A_227 = arith.addi %add3A_116, %add3A_226 : i32
          %mul3A_228 = arith.constant 2 : i32
          %mul3A_229 = arith.muli %mul3A_228, %add3A_227 : i32
          %dma_start3A_230 = arith.constant 0 : i32
          %dma_start3A_231 = tpu.memref_slice %arg6[%mul3A_229, %dma_start3A_230] : memref<192x128xi32, #tpu.memory_space<vmem>> -> memref<1x128xi32, #tpu.memory_space<vmem>>
          %dma_start3A_232 = tpu.memref_squeeze %dma_start3A_231 : memref<1x128xi32, #tpu.memory_space<vmem>> -> memref<128xi32, #tpu.memory_space<vmem>>
          %dma_start3A_233 = arith.constant 0 : i32
          %dma_start3A_234 = arith.constant 0 : i32
          %dma_start3A_235 = tpu.memref_slice %arg2[%dma_start3A_233, %dma_start3A_234] : memref<10000x64xbf16, #tpu.memory_space<hbm>> -> memref<10000x64xbf16, #tpu.memory_space<hbm>>
          tpu.enqueue_indirect_dma source(%dma_start3A_235 : memref<10000x64xbf16, #tpu.memory_space<hbm>>) target(%arg8 : memref<128x64xbf16, #tpu.memory_space<vmem>>) offsets(%dma_start3A_232 : memref<128xi32, #tpu.memory_space<vmem>>) semaphore(%arg17 : memref<!tpu.dma_semaphore, #tpu.memory_space<semaphore_mem>>)
        } else {
        }
        %mul3A_142 = arith.constant 2 : i32
        %mul3A_143 = arith.muli %mul3A_142, %add3A_116 : i32
        %add3A_144 = arith.constant 1 : i32
        %add3A_145 = arith.addi %mul3A_143, %add3A_144 : i32
        %dma_start3A_146 = arith.constant 0 : i32
        %dma_start3A_147 = tpu.memref_slice %arg6[%add3A_145, %dma_start3A_146] : memref<192x128xi32, #tpu.memory_space<vmem>> -> memref<1x128xi32, #tpu.memory_space<vmem>>
        %dma_start3A_148 = tpu.memref_squeeze %dma_start3A_147 : memref<1x128xi32, #tpu.memory_space<vmem>> -> memref<128xi32, #tpu.memory_space<vmem>>
        %dma_start3A_149 = arith.constant 0 : i32
        %dma_start3A_150 = arith.constant 0 : i32
        %dma_start3A_151 = tpu.memref_slice %arg15[%dma_start3A_149, %dma_start3A_150] : memref<10240x64xf32, #tpu.memory_space<vmem_shared>> -> memref<10240x64xf32, #tpu.memory_space<vmem_shared>>
        tpu.enqueue_indirect_dma source(%arg12 : memref<128x64xf32, #tpu.memory_space<vmem>>) target(%dma_start3A_151 : memref<10240x64xf32, #tpu.memory_space<vmem_shared>>) offsets(%dma_start3A_148 : memref<128xi32, #tpu.memory_space<vmem>>) semaphore(%arg21 : memref<!tpu.dma_semaphore, #tpu.memory_space<semaphore_mem>>) {add = true}
        %add3A_152 = arith.constant 2 : i32
        %add3A_153 = arith.addi %add3A_79, %add3A_152 : i32
        %mul3A_154 = arith.constant 2 : i32
        %mul3A_155 = arith.muli %mul3A_154, %add3A_153 : i32
        %dma_wait3A_156 = arith.constant 0 : i32
        %dma_wait3A_157 = tpu.memref_slice %arg6[%mul3A_155, %dma_wait3A_156] : memref<192x128xi32, #tpu.memory_space<vmem>> -> memref<1x128xi32, #tpu.memory_space<vmem>>
        %dma_wait3A_158 = tpu.memref_squeeze %dma_wait3A_157 : memref<1x128xi32, #tpu.memory_space<vmem>> -> memref<128xi32, #tpu.memory_space<vmem>>
        %dma_wait3A_159 = arith.constant 0 : i32
        %dma_wait3A_160 = arith.constant 0 : i32
        %dma_wait3A_161 = tpu.memref_slice %arg2[%dma_wait3A_159, %dma_wait3A_160] : memref<10000x64xbf16, #tpu.memory_space<hbm>> -> memref<10000x64xbf16, #tpu.memory_space<hbm>>
        tpu.wait_indirect_dma semaphore(%arg18 : memref<!tpu.dma_semaphore, #tpu.memory_space<semaphore_mem>>) src(%dma_wait3A_161 : memref<10000x64xbf16, #tpu.memory_space<hbm>>) dst(%arg9 : memref<128x64xbf16, #tpu.memory_space<vmem>>)
        %ge3A_162 = arith.constant 4 : i32
        %ge3A_163 = arith.cmpi sge, %add3A_153, %ge3A_162 : i32
        %convert_element_type3A_164 = arith.extui %ge3A_163 : i1 to i32
        %cond3A_165 = arith.constant 0 : i32
        %cond3A_166 = arith.cmpi ne, %convert_element_type3A_164, %cond3A_165 : i32
        scf.if %cond3A_166 {
          %sub3A = arith.constant 4 : i32
          %sub3A_226 = arith.subi %add3A_153, %sub3A : i32
          %mul3A_227 = arith.constant 2 : i32
          %mul3A_228 = arith.muli %mul3A_227, %sub3A_226 : i32
          %add3A_229 = arith.constant 1 : i32
          %add3A_230 = arith.addi %mul3A_228, %add3A_229 : i32
          %dma_wait3A_231 = arith.constant 0 : i32
          %dma_wait3A_232 = tpu.memref_slice %arg6[%add3A_230, %dma_wait3A_231] : memref<192x128xi32, #tpu.memory_space<vmem>> -> memref<1x128xi32, #tpu.memory_space<vmem>>
          %dma_wait3A_233 = tpu.memref_squeeze %dma_wait3A_232 : memref<1x128xi32, #tpu.memory_space<vmem>> -> memref<128xi32, #tpu.memory_space<vmem>>
          %dma_wait3A_234 = arith.constant 0 : i32
          %dma_wait3A_235 = arith.constant 0 : i32
          %dma_wait3A_236 = tpu.memref_slice %arg15[%dma_wait3A_234, %dma_wait3A_235] : memref<10240x64xf32, #tpu.memory_space<vmem_shared>> -> memref<10240x64xf32, #tpu.memory_space<vmem_shared>>
          tpu.wait_indirect_dma semaphore(%arg22 : memref<!tpu.dma_semaphore, #tpu.memory_space<semaphore_mem>>) src(%arg13 : memref<128x64xf32, #tpu.memory_space<vmem>>) dst(%dma_wait3A_236 : memref<10240x64xf32, #tpu.memory_space<vmem_shared>>)
        } else {
        }
        %scan3A_167 = arith.constant 0 : i32
        %scan3A_168 = arith.constant 128 : i32
        %scan3A_169 = arith.addi %scan3A_167, %scan3A_168 : i32
        %scan3A_170 = arith.constant 1 : i32
        scf.for %scan3A_226 = %scan3A_167 to %scan3A_169 step %scan3A_170  : i32 {
          %mul3A_227 = arith.constant 1 : i32
          %mul3A_228 = arith.muli %scan3A_226, %mul3A_227 : i32
          %add3A_229 = arith.constant 0 : i32
          %add3A_230 = arith.addi %add3A_229, %mul3A_228 : i32
          %get3A = arith.index_cast %add3A_230 : i32 to index
          %get3A_231 = arith.constant 0 : index
          %get3A_232 = tpu.vector_load %arg9[%get3A, %get3A_231] {strides = array<i32>} : memref<128x64xbf16, #tpu.memory_space<vmem>>, vector<32xbf16>,
          %bitcast3A = vector.bitcast %get3A_232 : vector<32xbf16> to vector<16xi32>
          %shift_left3A = arith.constant 16 : i32
          %shift_left3A_233 = vector.broadcast %shift_left3A : i32 to vector<16xi32>
          %shift_left3A_234 = arith.shli %bitcast3A, %shift_left3A_233 : vector<16xi32>
          %bitcast3A_235 = vector.bitcast %shift_left3A_234 : vector<16xi32> to vector<16xf32>
          %swap3A = arith.index_cast %add3A_230 : i32 to index
          %swap3A_236 = arith.constant 0 : index
          %swap3A_237 = tpu.vector_load %arg13[%swap3A, %swap3A_236] {strides = array<i32>} : memref<128x64xf32, #tpu.memory_space<vmem>>, vector<16xf32>,
          tpu.vector_store %arg13[%swap3A, %swap3A_236], %bitcast3A_235 {strides = array<i32>} : memref<128x64xf32, #tpu.memory_space<vmem>>, vector<16xf32>,
          %and3A = arith.andi %bitcast3A, %broadcast_in_dim3A_1 : vector<16xi32>
          %bitcast3A_238 = vector.bitcast %and3A : vector<16xi32> to vector<16xf32>
          %swap3A_239 = arith.index_cast %add3A_230 : i32 to index
          %swap3A_240 = arith.constant 16 : index
          %swap3A_241 = tpu.vector_load %arg13[%swap3A_239, %swap3A_240] {strides = array<i32>} : memref<128x64xf32, #tpu.memory_space<vmem>>, vector<16xf32>,
          tpu.vector_store %arg13[%swap3A_239, %swap3A_240], %bitcast3A_238 {strides = array<i32>} : memref<128x64xf32, #tpu.memory_space<vmem>>, vector<16xf32>,
          %get3A_242 = arith.index_cast %add3A_230 : i32 to index
          %get3A_243 = arith.constant 32 : index
          %get3A_244 = tpu.vector_load %arg9[%get3A_242, %get3A_243] {strides = array<i32>} : memref<128x64xbf16, #tpu.memory_space<vmem>>, vector<32xbf16>,
          %bitcast3A_245 = vector.bitcast %get3A_244 : vector<32xbf16> to vector<16xi32>
          %shift_left3A_246 = arith.constant 16 : i32
          %shift_left3A_247 = vector.broadcast %shift_left3A_246 : i32 to vector<16xi32>
          %shift_left3A_248 = arith.shli %bitcast3A_245, %shift_left3A_247 : vector<16xi32>
          %bitcast3A_249 = vector.bitcast %shift_left3A_248 : vector<16xi32> to vector<16xf32>
          %swap3A_250 = arith.index_cast %add3A_230 : i32 to index
          %swap3A_251 = arith.constant 32 : index
          %swap3A_252 = tpu.vector_load %arg13[%swap3A_250, %swap3A_251] {strides = array<i32>} : memref<128x64xf32, #tpu.memory_space<vmem>>, vector<16xf32>,
          tpu.vector_store %arg13[%swap3A_250, %swap3A_251], %bitcast3A_249 {strides = array<i32>} : memref<128x64xf32, #tpu.memory_space<vmem>>, vector<16xf32>,
          %and3A_253 = arith.andi %bitcast3A_245, %broadcast_in_dim3A_1 : vector<16xi32>
          %bitcast3A_254 = vector.bitcast %and3A_253 : vector<16xi32> to vector<16xf32>
          %swap3A_255 = arith.index_cast %add3A_230 : i32 to index
          %swap3A_256 = arith.constant 48 : index
          %swap3A_257 = tpu.vector_load %arg13[%swap3A_255, %swap3A_256] {strides = array<i32>} : memref<128x64xf32, #tpu.memory_space<vmem>>, vector<16xf32>,
          tpu.vector_store %arg13[%swap3A_255, %swap3A_256], %bitcast3A_254 {strides = array<i32>} : memref<128x64xf32, #tpu.memory_space<vmem>>, vector<16xf32>,
        }
        %scan3A_171 = arith.constant 128 : i32
        %add3A_172 = arith.constant 4 : i32
        %add3A_173 = arith.addi %add3A_153, %add3A_172 : i32
        %lt3A_174 = arith.constant 96 : i32
        %lt3A_175 = arith.cmpi slt, %add3A_173, %lt3A_174 : i32
        %convert_element_type3A_176 = arith.extui %lt3A_175 : i1 to i32
        %cond3A_177 = arith.constant 0 : i32
        %cond3A_178 = arith.cmpi ne, %convert_element_type3A_176, %cond3A_177 : i32
        scf.if %cond3A_178 {
          %add3A_226 = arith.constant 4 : i32
          %add3A_227 = arith.addi %add3A_153, %add3A_226 : i32
          %mul3A_228 = arith.constant 2 : i32
          %mul3A_229 = arith.muli %mul3A_228, %add3A_227 : i32
          %dma_start3A_230 = arith.constant 0 : i32
          %dma_start3A_231 = tpu.memref_slice %arg6[%mul3A_229, %dma_start3A_230] : memref<192x128xi32, #tpu.memory_space<vmem>> -> memref<1x128xi32, #tpu.memory_space<vmem>>
          %dma_start3A_232 = tpu.memref_squeeze %dma_start3A_231 : memref<1x128xi32, #tpu.memory_space<vmem>> -> memref<128xi32, #tpu.memory_space<vmem>>
          %dma_start3A_233 = arith.constant 0 : i32
          %dma_start3A_234 = arith.constant 0 : i32
          %dma_start3A_235 = tpu.memref_slice %arg2[%dma_start3A_233, %dma_start3A_234] : memref<10000x64xbf16, #tpu.memory_space<hbm>> -> memref<10000x64xbf16, #tpu.memory_space<hbm>>
          tpu.enqueue_indirect_dma source(%dma_start3A_235 : memref<10000x64xbf16, #tpu.memory_space<hbm>>) target(%arg9 : memref<128x64xbf16, #tpu.memory_space<vmem>>) offsets(%dma_start3A_232 : memref<128xi32, #tpu.memory_space<vmem>>) semaphore(%arg18 : memref<!tpu.dma_semaphore, #tpu.memory_space<semaphore_mem>>)
        } else {
        }
        %mul3A_179 = arith.constant 2 : i32
        %mul3A_180 = arith.muli %mul3A_179, %add3A_153 : i32
        %add3A_181 = arith.constant 1 : i32
        %add3A_182 = arith.addi %mul3A_180, %add3A_181 : i32
        %dma_start3A_183 = arith.constant 0 : i32
        %dma_start3A_184 = tpu.memref_slice %arg6[%add3A_182, %dma_start3A_183] : memref<192x128xi32, #tpu.memory_space<vmem>> -> memref<1x128xi32, #tpu.memory_space<vmem>>
        %dma_start3A_185 = tpu.memref_squeeze %dma_start3A_184 : memref<1x128xi32, #tpu.memory_space<vmem>> -> memref<128xi32, #tpu.memory_space<vmem>>
        %dma_start3A_186 = arith.constant 0 : i32
        %dma_start3A_187 = arith.constant 0 : i32
        %dma_start3A_188 = tpu.memref_slice %arg15[%dma_start3A_186, %dma_start3A_187] : memref<10240x64xf32, #tpu.memory_space<vmem_shared>> -> memref<10240x64xf32, #tpu.memory_space<vmem_shared>>
        tpu.enqueue_indirect_dma source(%arg13 : memref<128x64xf32, #tpu.memory_space<vmem>>) target(%dma_start3A_188 : memref<10240x64xf32, #tpu.memory_space<vmem_shared>>) offsets(%dma_start3A_185 : memref<128xi32, #tpu.memory_space<vmem>>) semaphore(%arg22 : memref<!tpu.dma_semaphore, #tpu.memory_space<semaphore_mem>>) {add = true}
        %add3A_189 = arith.constant 3 : i32
        %add3A_190 = arith.addi %add3A_79, %add3A_189 : i32
        %mul3A_191 = arith.constant 2 : i32
        %mul3A_192 = arith.muli %mul3A_191, %add3A_190 : i32
        %dma_wait3A_193 = arith.constant 0 : i32
        %dma_wait3A_194 = tpu.memref_slice %arg6[%mul3A_192, %dma_wait3A_193] : memref<192x128xi32, #tpu.memory_space<vmem>> -> memref<1x128xi32, #tpu.memory_space<vmem>>
        %dma_wait3A_195 = tpu.memref_squeeze %dma_wait3A_194 : memref<1x128xi32, #tpu.memory_space<vmem>> -> memref<128xi32, #tpu.memory_space<vmem>>
        %dma_wait3A_196 = arith.constant 0 : i32
        %dma_wait3A_197 = arith.constant 0 : i32
        %dma_wait3A_198 = tpu.memref_slice %arg2[%dma_wait3A_196, %dma_wait3A_197] : memref<10000x64xbf16, #tpu.memory_space<hbm>> -> memref<10000x64xbf16, #tpu.memory_space<hbm>>
        tpu.wait_indirect_dma semaphore(%arg19 : memref<!tpu.dma_semaphore, #tpu.memory_space<semaphore_mem>>) src(%dma_wait3A_198 : memref<10000x64xbf16, #tpu.memory_space<hbm>>) dst(%arg10 : memref<128x64xbf16, #tpu.memory_space<vmem>>)
        %ge3A_199 = arith.constant 4 : i32
        %ge3A_200 = arith.cmpi sge, %add3A_190, %ge3A_199 : i32
        %convert_element_type3A_201 = arith.extui %ge3A_200 : i1 to i32
        %cond3A_202 = arith.constant 0 : i32
        %cond3A_203 = arith.cmpi ne, %convert_element_type3A_201, %cond3A_202 : i32
        scf.if %cond3A_203 {
          %sub3A = arith.constant 4 : i32
          %sub3A_226 = arith.subi %add3A_190, %sub3A : i32
          %mul3A_227 = arith.constant 2 : i32
          %mul3A_228 = arith.muli %mul3A_227, %sub3A_226 : i32
          %add3A_229 = arith.constant 1 : i32
          %add3A_230 = arith.addi %mul3A_228, %add3A_229 : i32
          %dma_wait3A_231 = arith.constant 0 : i32
          %dma_wait3A_232 = tpu.memref_slice %arg6[%add3A_230, %dma_wait3A_231] : memref<192x128xi32, #tpu.memory_space<vmem>> -> memref<1x128xi32, #tpu.memory_space<vmem>>
          %dma_wait3A_233 = tpu.memref_squeeze %dma_wait3A_232 : memref<1x128xi32, #tpu.memory_space<vmem>> -> memref<128xi32, #tpu.memory_space<vmem>>
          %dma_wait3A_234 = arith.constant 0 : i32
          %dma_wait3A_235 = arith.constant 0 : i32
          %dma_wait3A_236 = tpu.memref_slice %arg15[%dma_wait3A_234, %dma_wait3A_235] : memref<10240x64xf32, #tpu.memory_space<vmem_shared>> -> memref<10240x64xf32, #tpu.memory_space<vmem_shared>>
          tpu.wait_indirect_dma semaphore(%arg23 : memref<!tpu.dma_semaphore, #tpu.memory_space<semaphore_mem>>) src(%arg14 : memref<128x64xf32, #tpu.memory_space<vmem>>) dst(%dma_wait3A_236 : memref<10240x64xf32, #tpu.memory_space<vmem_shared>>)
        } else {
        }
        %scan3A_204 = arith.constant 0 : i32
        %scan3A_205 = arith.constant 128 : i32
        %scan3A_206 = arith.addi %scan3A_204, %scan3A_205 : i32
        %scan3A_207 = arith.constant 1 : i32
        scf.for %scan3A_226 = %scan3A_204 to %scan3A_206 step %scan3A_207  : i32 {
          %mul3A_227 = arith.constant 1 : i32
          %mul3A_228 = arith.muli %scan3A_226, %mul3A_227 : i32
          %add3A_229 = arith.constant 0 : i32
          %add3A_230 = arith.addi %add3A_229, %mul3A_228 : i32
          %get3A = arith.index_cast %add3A_230 : i32 to index
          %get3A_231 = arith.constant 0 : index
          %get3A_232 = tpu.vector_load %arg10[%get3A, %get3A_231] {strides = array<i32>} : memref<128x64xbf16, #tpu.memory_space<vmem>>, vector<32xbf16>,
          %bitcast3A = vector.bitcast %get3A_232 : vector<32xbf16> to vector<16xi32>
          %shift_left3A = arith.constant 16 : i32
          %shift_left3A_233 = vector.broadcast %shift_left3A : i32 to vector<16xi32>
          %shift_left3A_234 = arith.shli %bitcast3A, %shift_left3A_233 : vector<16xi32>
          %bitcast3A_235 = vector.bitcast %shift_left3A_234 : vector<16xi32> to vector<16xf32>
          %swap3A = arith.index_cast %add3A_230 : i32 to index
          %swap3A_236 = arith.constant 0 : index
          %swap3A_237 = tpu.vector_load %arg14[%swap3A, %swap3A_236] {strides = array<i32>} : memref<128x64xf32, #tpu.memory_space<vmem>>, vector<16xf32>,
          tpu.vector_store %arg14[%swap3A, %swap3A_236], %bitcast3A_235 {strides = array<i32>} : memref<128x64xf32, #tpu.memory_space<vmem>>, vector<16xf32>,
          %and3A = arith.andi %bitcast3A, %broadcast_in_dim3A_1 : vector<16xi32>
          %bitcast3A_238 = vector.bitcast %and3A : vector<16xi32> to vector<16xf32>
          %swap3A_239 = arith.index_cast %add3A_230 : i32 to index
          %swap3A_240 = arith.constant 16 : index
          %swap3A_241 = tpu.vector_load %arg14[%swap3A_239, %swap3A_240] {strides = array<i32>} : memref<128x64xf32, #tpu.memory_space<vmem>>, vector<16xf32>,
          tpu.vector_store %arg14[%swap3A_239, %swap3A_240], %bitcast3A_238 {strides = array<i32>} : memref<128x64xf32, #tpu.memory_space<vmem>>, vector<16xf32>,
          %get3A_242 = arith.index_cast %add3A_230 : i32 to index
          %get3A_243 = arith.constant 32 : index
          %get3A_244 = tpu.vector_load %arg10[%get3A_242, %get3A_243] {strides = array<i32>} : memref<128x64xbf16, #tpu.memory_space<vmem>>, vector<32xbf16>,
          %bitcast3A_245 = vector.bitcast %get3A_244 : vector<32xbf16> to vector<16xi32>
          %shift_left3A_246 = arith.constant 16 : i32
          %shift_left3A_247 = vector.broadcast %shift_left3A_246 : i32 to vector<16xi32>
          %shift_left3A_248 = arith.shli %bitcast3A_245, %shift_left3A_247 : vector<16xi32>
          %bitcast3A_249 = vector.bitcast %shift_left3A_248 : vector<16xi32> to vector<16xf32>
          %swap3A_250 = arith.index_cast %add3A_230 : i32 to index
          %swap3A_251 = arith.constant 32 : index
          %swap3A_252 = tpu.vector_load %arg14[%swap3A_250, %swap3A_251] {strides = array<i32>} : memref<128x64xf32, #tpu.memory_space<vmem>>, vector<16xf32>,
          tpu.vector_store %arg14[%swap3A_250, %swap3A_251], %bitcast3A_249 {strides = array<i32>} : memref<128x64xf32, #tpu.memory_space<vmem>>, vector<16xf32>,
          %and3A_253 = arith.andi %bitcast3A_245, %broadcast_in_dim3A_1 : vector<16xi32>
          %bitcast3A_254 = vector.bitcast %and3A_253 : vector<16xi32> to vector<16xf32>
          %swap3A_255 = arith.index_cast %add3A_230 : i32 to index
          %swap3A_256 = arith.constant 48 : index
          %swap3A_257 = tpu.vector_load %arg14[%swap3A_255, %swap3A_256] {strides = array<i32>} : memref<128x64xf32, #tpu.memory_space<vmem>>, vector<16xf32>,
          tpu.vector_store %arg14[%swap3A_255, %swap3A_256], %bitcast3A_254 {strides = array<i32>} : memref<128x64xf32, #tpu.memory_space<vmem>>, vector<16xf32>,
        }
        %scan3A_208 = arith.constant 128 : i32
        %add3A_209 = arith.constant 4 : i32
        %add3A_210 = arith.addi %add3A_190, %add3A_209 : i32
        %lt3A_211 = arith.constant 96 : i32
        %lt3A_212 = arith.cmpi slt, %add3A_210, %lt3A_211 : i32
        %convert_element_type3A_213 = arith.extui %lt3A_212 : i1 to i32
        %cond3A_214 = arith.constant 0 : i32
        %cond3A_215 = arith.cmpi ne, %convert_element_type3A_213, %cond3A_214 : i32
        scf.if %cond3A_215 {
          %add3A_226 = arith.constant 4 : i32
          %add3A_227 = arith.addi %add3A_190, %add3A_226 : i32
          %mul3A_228 = arith.constant 2 : i32
          %mul3A_229 = arith.muli %mul3A_228, %add3A_227 : i32
          %dma_start3A_230 = arith.constant 0 : i32
          %dma_start3A_231 = tpu.memref_slice %arg6[%mul3A_229, %dma_start3A_230] : memref<192x128xi32, #tpu.memory_space<vmem>> -> memref<1x128xi32, #tpu.memory_space<vmem>>
          %dma_start3A_232 = tpu.memref_squeeze %dma_start3A_231 : memref<1x128xi32, #tpu.memory_space<vmem>> -> memref<128xi32, #tpu.memory_space<vmem>>
          %dma_start3A_233 = arith.constant 0 : i32
          %dma_start3A_234 = arith.constant 0 : i32
          %dma_start3A_235 = tpu.memref_slice %arg2[%dma_start3A_233, %dma_start3A_234] : memref<10000x64xbf16, #tpu.memory_space<hbm>> -> memref<10000x64xbf16, #tpu.memory_space<hbm>>
          tpu.enqueue_indirect_dma source(%dma_start3A_235 : memref<10000x64xbf16, #tpu.memory_space<hbm>>) target(%arg10 : memref<128x64xbf16, #tpu.memory_space<vmem>>) offsets(%dma_start3A_232 : memref<128xi32, #tpu.memory_space<vmem>>) semaphore(%arg19 : memref<!tpu.dma_semaphore, #tpu.memory_space<semaphore_mem>>)
        } else {
        }
        %mul3A_216 = arith.constant 2 : i32
        %mul3A_217 = arith.muli %mul3A_216, %add3A_190 : i32
        %add3A_218 = arith.constant 1 : i32
        %add3A_219 = arith.addi %mul3A_217, %add3A_218 : i32
        %dma_start3A_220 = arith.constant 0 : i32
        %dma_start3A_221 = tpu.memref_slice %arg6[%add3A_219, %dma_start3A_220] : memref<192x128xi32, #tpu.memory_space<vmem>> -> memref<1x128xi32, #tpu.memory_space<vmem>>
        %dma_start3A_222 = tpu.memref_squeeze %dma_start3A_221 : memref<1x128xi32, #tpu.memory_space<vmem>> -> memref<128xi32, #tpu.memory_space<vmem>>
        %dma_start3A_223 = arith.constant 0 : i32
        %dma_start3A_224 = arith.constant 0 : i32
        %dma_start3A_225 = tpu.memref_slice %arg15[%dma_start3A_223, %dma_start3A_224] : memref<10240x64xf32, #tpu.memory_space<vmem_shared>> -> memref<10240x64xf32, #tpu.memory_space<vmem_shared>>
        tpu.enqueue_indirect_dma source(%arg14 : memref<128x64xf32, #tpu.memory_space<vmem>>) target(%dma_start3A_225 : memref<10240x64xf32, #tpu.memory_space<vmem_shared>>) offsets(%dma_start3A_222 : memref<128xi32, #tpu.memory_space<vmem>>) semaphore(%arg23 : memref<!tpu.dma_semaphore, #tpu.memory_space<semaphore_mem>>) {add = true}
      }
      %scan3A_48 = arith.constant 24 : i32
      %dma_wait3A = arith.constant 185 : i32
      %dma_wait3A_49 = arith.constant 0 : i32
      %dma_wait3A_50 = tpu.memref_slice %arg6[%dma_wait3A, %dma_wait3A_49] : memref<192x128xi32, #tpu.memory_space<vmem>> -> memref<1x128xi32, #tpu.memory_space<vmem>>
      %dma_wait3A_51 = tpu.memref_squeeze %dma_wait3A_50 : memref<1x128xi32, #tpu.memory_space<vmem>> -> memref<128xi32, #tpu.memory_space<vmem>>
      %dma_wait3A_52 = arith.constant 0 : i32
      %dma_wait3A_53 = arith.constant 0 : i32
      %dma_wait3A_54 = tpu.memref_slice %arg15[%dma_wait3A_52, %dma_wait3A_53] : memref<10240x64xf32, #tpu.memory_space<vmem_shared>> -> memref<10240x64xf32, #tpu.memory_space<vmem_shared>>
      tpu.wait_indirect_dma semaphore(%arg20 : memref<!tpu.dma_semaphore, #tpu.memory_space<semaphore_mem>>) src(%arg11 : memref<128x64xf32, #tpu.memory_space<vmem>>) dst(%dma_wait3A_54 : memref<10240x64xf32, #tpu.memory_space<vmem_shared>>)
      %dma_wait3A_55 = arith.constant 187 : i32
      %dma_wait3A_56 = arith.constant 0 : i32
      %dma_wait3A_57 = tpu.memref_slice %arg6[%dma_wait3A_55, %dma_wait3A_56] : memref<192x128xi32, #tpu.memory_space<vmem>> -> memref<1x128xi32, #tpu.memory_space<vmem>>
      %dma_wait3A_58 = tpu.memref_squeeze %dma_wait3A_57 : memref<1x128xi32, #tpu.memory_space<vmem>> -> memref<128xi32, #tpu.memory_space<vmem>>
      %dma_wait3A_59 = arith.constant 0 : i32
      %dma_wait3A_60 = arith.constant 0 : i32
      %dma_wait3A_61 = tpu.memref_slice %arg15[%dma_wait3A_59, %dma_wait3A_60] : memref<10240x64xf32, #tpu.memory_space<vmem_shared>> -> memref<10240x64xf32, #tpu.memory_space<vmem_shared>>
      tpu.wait_indirect_dma semaphore(%arg21 : memref<!tpu.dma_semaphore, #tpu.memory_space<semaphore_mem>>) src(%arg12 : memref<128x64xf32, #tpu.memory_space<vmem>>) dst(%dma_wait3A_61 : memref<10240x64xf32, #tpu.memory_space<vmem_shared>>)
      %dma_wait3A_62 = arith.constant 189 : i32
      %dma_wait3A_63 = arith.constant 0 : i32
      %dma_wait3A_64 = tpu.memref_slice %arg6[%dma_wait3A_62, %dma_wait3A_63] : memref<192x128xi32, #tpu.memory_space<vmem>> -> memref<1x128xi32, #tpu.memory_space<vmem>>
      %dma_wait3A_65 = tpu.memref_squeeze %dma_wait3A_64 : memref<1x128xi32, #tpu.memory_space<vmem>> -> memref<128xi32, #tpu.memory_space<vmem>>
      %dma_wait3A_66 = arith.constant 0 : i32
      %dma_wait3A_67 = arith.constant 0 : i32
      %dma_wait3A_68 = tpu.memref_slice %arg15[%dma_wait3A_66, %dma_wait3A_67] : memref<10240x64xf32, #tpu.memory_space<vmem_shared>> -> memref<10240x64xf32, #tpu.memory_space<vmem_shared>>
      tpu.wait_indirect_dma semaphore(%arg22 : memref<!tpu.dma_semaphore, #tpu.memory_space<semaphore_mem>>) src(%arg13 : memref<128x64xf32, #tpu.memory_space<vmem>>) dst(%dma_wait3A_68 : memref<10240x64xf32, #tpu.memory_space<vmem_shared>>)
      %dma_wait3A_69 = arith.constant 191 : i32
      %dma_wait3A_70 = arith.constant 0 : i32
      %dma_wait3A_71 = tpu.memref_slice %arg6[%dma_wait3A_69, %dma_wait3A_70] : memref<192x128xi32, #tpu.memory_space<vmem>> -> memref<1x128xi32, #tpu.memory_space<vmem>>
      %dma_wait3A_72 = tpu.memref_squeeze %dma_wait3A_71 : memref<1x128xi32, #tpu.memory_space<vmem>> -> memref<128xi32, #tpu.memory_space<vmem>>
      %dma_wait3A_73 = arith.constant 0 : i32
      %dma_wait3A_74 = arith.constant 0 : i32
      %dma_wait3A_75 = tpu.memref_slice %arg15[%dma_wait3A_73, %dma_wait3A_74] : memref<10240x64xf32, #tpu.memory_space<vmem_shared>> -> memref<10240x64xf32, #tpu.memory_space<vmem_shared>>
      tpu.wait_indirect_dma semaphore(%arg23 : memref<!tpu.dma_semaphore, #tpu.memory_space<semaphore_mem>>) src(%arg14 : memref<128x64xf32, #tpu.memory_space<vmem>>) dst(%dma_wait3A_75 : memref<10240x64xf32, #tpu.memory_space<vmem_shared>>)
    } else {
    }
    %eq3A_4 = arith.constant 1 : i32
    %eq3A_5 = arith.cmpi eq, %arg0, %eq3A_4 : i32
    %convert_element_type3A_6 = arith.extui %eq3A_5 : i1 to i32
    %cond3A_7 = arith.constant 0 : i32
    %cond3A_8 = arith.cmpi ne, %convert_element_type3A_6, %cond3A_7 : i32
    scf.if %cond3A_8 {
      %mul3A_14 = arith.constant 64 : i32
      %mul3A_15 = arith.muli %arg1, %mul3A_14 : i32
      %add3A = arith.constant 1536 : i32
      %add3A_16 = arith.addi %add3A, %mul3A_15 : i32
      %mul3A_17 = arith.constant 2 : i32
      %mul3A_18 = arith.muli %mul3A_17, %add3A_16 : i32
      "tpu.region"() ({
        %run_scoped3A = tpu.sem_alloc : memref<!tpu.dma_semaphore, #tpu.memory_space<semaphore_mem>>
        %dma_start3A_77 = arith.constant 0 : i32
        %dma_start3A_78 = arith.constant 0 : i32
        %dma_start3A_79 = tpu.memref_slice %arg6[%dma_start3A_77, %dma_start3A_78] : memref<192x128xi32, #tpu.memory_space<vmem>> -> memref<128x128xi32, #tpu.memory_space<vmem>>
        %dma_start3A_80 = arith.constant 0 : i32
        %dma_start3A_81 = tpu.memref_slice %arg3[%mul3A_18, %dma_start3A_80] : memref<5120x128xi32, #tpu.memory_space<hbm>> -> memref<128x128xi32, #tpu.memory_space<hbm>>
        %dma_start3A_82 = arith.constant 0 : i32
        %dma_start3A_83 = arith.constant 0 : i32
        %dma_start3A_84 = tpu.memref_slice %arg6[%dma_start3A_82, %dma_start3A_83] : memref<192x128xi32, #tpu.memory_space<vmem>> -> memref<128x128xi32, #tpu.memory_space<vmem>>
        %dma_start3A_85 = arith.constant 0 : i32
        %dma_start3A_86 = tpu.memref_slice %arg3[%mul3A_18, %dma_start3A_85] : memref<5120x128xi32, #tpu.memory_space<hbm>> -> memref<128x128xi32, #tpu.memory_space<hbm>>
        tpu.enqueue_dma source(%dma_start3A_86 : memref<128x128xi32, #tpu.memory_space<hbm>>) target(%dma_start3A_84 : memref<128x128xi32, #tpu.memory_space<vmem>>) target_semaphore(%run_scoped3A : memref<!tpu.dma_semaphore, #tpu.memory_space<semaphore_mem>>)
        %dma_wait3A_87 = arith.constant 0 : i32
        %dma_wait3A_88 = arith.constant 0 : i32
        %dma_wait3A_89 = tpu.memref_slice %arg6[%dma_wait3A_87, %dma_wait3A_88] : memref<192x128xi32, #tpu.memory_space<vmem>> -> memref<128x128xi32, #tpu.memory_space<vmem>>
        %dma_wait3A_90 = arith.constant 0 : i32
        %dma_wait3A_91 = tpu.memref_slice %arg3[%mul3A_18, %dma_wait3A_90] : memref<5120x128xi32, #tpu.memory_space<hbm>> -> memref<128x128xi32, #tpu.memory_space<hbm>>
        %dma_wait3A_92 = arith.constant 0 : i32
        %dma_wait3A_93 = arith.constant 0 : i32
        %dma_wait3A_94 = tpu.memref_slice %arg6[%dma_wait3A_92, %dma_wait3A_93] : memref<192x128xi32, #tpu.memory_space<vmem>> -> memref<128x128xi32, #tpu.memory_space<vmem>>
        %dma_wait3A_95 = arith.constant 0 : i32
        %dma_wait3A_96 = tpu.memref_slice %arg3[%mul3A_18, %dma_wait3A_95] : memref<5120x128xi32, #tpu.memory_space<hbm>> -> memref<128x128xi32, #tpu.memory_space<hbm>>
        tpu.wait_dma2 semaphore(%run_scoped3A : memref<!tpu.dma_semaphore, #tpu.memory_space<semaphore_mem>>) src(%dma_wait3A_96 : memref<128x128xi32, #tpu.memory_space<hbm>>) dst(%dma_wait3A_94 : memref<128x128xi32, #tpu.memory_space<vmem>>)
        tpu.yield
      }) : () -> ()
      %dma_start3A = arith.constant 0 : i32
      %dma_start3A_19 = arith.constant 0 : i32
      %dma_start3A_20 = tpu.memref_slice %arg6[%dma_start3A, %dma_start3A_19] : memref<192x128xi32, #tpu.memory_space<vmem>> -> memref<1x128xi32, #tpu.memory_space<vmem>>
      %dma_start3A_21 = tpu.memref_squeeze %dma_start3A_20 : memref<1x128xi32, #tpu.memory_space<vmem>> -> memref<128xi32, #tpu.memory_space<vmem>>
      %dma_start3A_22 = arith.constant 0 : i32
      %dma_start3A_23 = arith.constant 0 : i32
      %dma_start3A_24 = tpu.memref_slice %arg2[%dma_start3A_22, %dma_start3A_23] : memref<10000x64xbf16, #tpu.memory_space<hbm>> -> memref<10000x64xbf16, #tpu.memory_space<hbm>>
      tpu.enqueue_indirect_dma source(%dma_start3A_24 : memref<10000x64xbf16, #tpu.memory_space<hbm>>) target(%arg7 : memref<128x64xbf16, #tpu.memory_space<vmem>>) offsets(%dma_start3A_21 : memref<128xi32, #tpu.memory_space<vmem>>) semaphore(%arg16 : memref<!tpu.dma_semaphore, #tpu.memory_space<semaphore_mem>>)
      %dma_start3A_25 = arith.constant 2 : i32
      %dma_start3A_26 = arith.constant 0 : i32
      %dma_start3A_27 = tpu.memref_slice %arg6[%dma_start3A_25, %dma_start3A_26] : memref<192x128xi32, #tpu.memory_space<vmem>> -> memref<1x128xi32, #tpu.memory_space<vmem>>
      %dma_start3A_28 = tpu.memref_squeeze %dma_start3A_27 : memref<1x128xi32, #tpu.memory_space<vmem>> -> memref<128xi32, #tpu.memory_space<vmem>>
      %dma_start3A_29 = arith.constant 0 : i32
      %dma_start3A_30 = arith.constant 0 : i32
      %dma_start3A_31 = tpu.memref_slice %arg2[%dma_start3A_29, %dma_start3A_30] : memref<10000x64xbf16, #tpu.memory_space<hbm>> -> memref<10000x64xbf16, #tpu.memory_space<hbm>>
      tpu.enqueue_indirect_dma source(%dma_start3A_31 : memref<10000x64xbf16, #tpu.memory_space<hbm>>) target(%arg8 : memref<128x64xbf16, #tpu.memory_space<vmem>>) offsets(%dma_start3A_28 : memref<128xi32, #tpu.memory_space<vmem>>) semaphore(%arg17 : memref<!tpu.dma_semaphore, #tpu.memory_space<semaphore_mem>>)
      %dma_start3A_32 = arith.constant 4 : i32
      %dma_start3A_33 = arith.constant 0 : i32
      %dma_start3A_34 = tpu.memref_slice %arg6[%dma_start3A_32, %dma_start3A_33] : memref<192x128xi32, #tpu.memory_space<vmem>> -> memref<1x128xi32, #tpu.memory_space<vmem>>
      %dma_start3A_35 = tpu.memref_squeeze %dma_start3A_34 : memref<1x128xi32, #tpu.memory_space<vmem>> -> memref<128xi32, #tpu.memory_space<vmem>>
      %dma_start3A_36 = arith.constant 0 : i32
      %dma_start3A_37 = arith.constant 0 : i32
      %dma_start3A_38 = tpu.memref_slice %arg2[%dma_start3A_36, %dma_start3A_37] : memref<10000x64xbf16, #tpu.memory_space<hbm>> -> memref<10000x64xbf16, #tpu.memory_space<hbm>>
      tpu.enqueue_indirect_dma source(%dma_start3A_38 : memref<10000x64xbf16, #tpu.memory_space<hbm>>) target(%arg9 : memref<128x64xbf16, #tpu.memory_space<vmem>>) offsets(%dma_start3A_35 : memref<128xi32, #tpu.memory_space<vmem>>) semaphore(%arg18 : memref<!tpu.dma_semaphore, #tpu.memory_space<semaphore_mem>>)
      %dma_start3A_39 = arith.constant 6 : i32
      %dma_start3A_40 = arith.constant 0 : i32
      %dma_start3A_41 = tpu.memref_slice %arg6[%dma_start3A_39, %dma_start3A_40] : memref<192x128xi32, #tpu.memory_space<vmem>> -> memref<1x128xi32, #tpu.memory_space<vmem>>
      %dma_start3A_42 = tpu.memref_squeeze %dma_start3A_41 : memref<1x128xi32, #tpu.memory_space<vmem>> -> memref<128xi32, #tpu.memory_space<vmem>>
      %dma_start3A_43 = arith.constant 0 : i32
      %dma_start3A_44 = arith.constant 0 : i32
      %dma_start3A_45 = tpu.memref_slice %arg2[%dma_start3A_43, %dma_start3A_44] : memref<10000x64xbf16, #tpu.memory_space<hbm>> -> memref<10000x64xbf16, #tpu.memory_space<hbm>>
      tpu.enqueue_indirect_dma source(%dma_start3A_45 : memref<10000x64xbf16, #tpu.memory_space<hbm>>) target(%arg10 : memref<128x64xbf16, #tpu.memory_space<vmem>>) offsets(%dma_start3A_42 : memref<128xi32, #tpu.memory_space<vmem>>) semaphore(%arg19 : memref<!tpu.dma_semaphore, #tpu.memory_space<semaphore_mem>>)
      %scan3A = arith.constant 0 : i32
      %scan3A_46 = arith.constant 16 : i32
      %scan3A_47 = arith.addi %scan3A, %scan3A_46 : i32
      %scan3A_48 = arith.constant 1 : i32
      scf.for %scan3A_77 = %scan3A to %scan3A_47 step %scan3A_48  : i32 {
        %mul3A_78 = arith.constant 4 : i32
        %mul3A_79 = arith.muli %scan3A_77, %mul3A_78 : i32
        %add3A_80 = arith.constant 0 : i32
        %add3A_81 = arith.addi %add3A_80, %mul3A_79 : i32
        %add3A_82 = arith.constant 0 : i32
        %add3A_83 = arith.addi %add3A_81, %add3A_82 : i32
        %mul3A_84 = arith.constant 2 : i32
        %mul3A_85 = arith.muli %mul3A_84, %add3A_83 : i32
        %dma_wait3A_86 = arith.constant 0 : i32
        %dma_wait3A_87 = tpu.memref_slice %arg6[%mul3A_85, %dma_wait3A_86] : memref<192x128xi32, #tpu.memory_space<vmem>> -> memref<1x128xi32, #tpu.memory_space<vmem>>
        %dma_wait3A_88 = tpu.memref_squeeze %dma_wait3A_87 : memref<1x128xi32, #tpu.memory_space<vmem>> -> memref<128xi32, #tpu.memory_space<vmem>>
        %dma_wait3A_89 = arith.constant 0 : i32
        %dma_wait3A_90 = arith.constant 0 : i32
        %dma_wait3A_91 = tpu.memref_slice %arg2[%dma_wait3A_89, %dma_wait3A_90] : memref<10000x64xbf16, #tpu.memory_space<hbm>> -> memref<10000x64xbf16, #tpu.memory_space<hbm>>
        tpu.wait_indirect_dma semaphore(%arg16 : memref<!tpu.dma_semaphore, #tpu.memory_space<semaphore_mem>>) src(%dma_wait3A_91 : memref<10000x64xbf16, #tpu.memory_space<hbm>>) dst(%arg7 : memref<128x64xbf16, #tpu.memory_space<vmem>>)
        %ge3A = arith.constant 4 : i32
        %ge3A_92 = arith.cmpi sge, %add3A_83, %ge3A : i32
        %convert_element_type3A_93 = arith.extui %ge3A_92 : i1 to i32
        %cond3A_94 = arith.constant 0 : i32
        %cond3A_95 = arith.cmpi ne, %convert_element_type3A_93, %cond3A_94 : i32
        scf.if %cond3A_95 {
          %sub3A = arith.constant 4 : i32
          %sub3A_228 = arith.subi %add3A_83, %sub3A : i32
          %mul3A_229 = arith.constant 2 : i32
          %mul3A_230 = arith.muli %mul3A_229, %sub3A_228 : i32
          %add3A_231 = arith.constant 1 : i32
          %add3A_232 = arith.addi %mul3A_230, %add3A_231 : i32
          %dma_wait3A_233 = arith.constant 0 : i32
          %dma_wait3A_234 = tpu.memref_slice %arg6[%add3A_232, %dma_wait3A_233] : memref<192x128xi32, #tpu.memory_space<vmem>> -> memref<1x128xi32, #tpu.memory_space<vmem>>
          %dma_wait3A_235 = tpu.memref_squeeze %dma_wait3A_234 : memref<1x128xi32, #tpu.memory_space<vmem>> -> memref<128xi32, #tpu.memory_space<vmem>>
          %dma_wait3A_236 = arith.constant 0 : i32
          %dma_wait3A_237 = arith.constant 0 : i32
          %dma_wait3A_238 = tpu.memref_slice %arg15[%dma_wait3A_236, %dma_wait3A_237] : memref<10240x64xf32, #tpu.memory_space<vmem_shared>> -> memref<10240x64xf32, #tpu.memory_space<vmem_shared>>
          tpu.wait_indirect_dma semaphore(%arg20 : memref<!tpu.dma_semaphore, #tpu.memory_space<semaphore_mem>>) src(%arg11 : memref<128x64xf32, #tpu.memory_space<vmem>>) dst(%dma_wait3A_238 : memref<10240x64xf32, #tpu.memory_space<vmem_shared>>)
        } else {
        }
        %scan3A_96 = arith.constant 0 : i32
        %scan3A_97 = arith.constant 128 : i32
        %scan3A_98 = arith.addi %scan3A_96, %scan3A_97 : i32
        %scan3A_99 = arith.constant 1 : i32
        scf.for %scan3A_228 = %scan3A_96 to %scan3A_98 step %scan3A_99  : i32 {
          %mul3A_229 = arith.constant 1 : i32
          %mul3A_230 = arith.muli %scan3A_228, %mul3A_229 : i32
          %add3A_231 = arith.constant 0 : i32
          %add3A_232 = arith.addi %add3A_231, %mul3A_230 : i32
          %get3A = arith.index_cast %add3A_232 : i32 to index
          %get3A_233 = arith.constant 0 : index
          %get3A_234 = tpu.vector_load %arg7[%get3A, %get3A_233] {strides = array<i32>} : memref<128x64xbf16, #tpu.memory_space<vmem>>, vector<32xbf16>,
          %bitcast3A = vector.bitcast %get3A_234 : vector<32xbf16> to vector<16xi32>
          %shift_left3A = arith.constant 16 : i32
          %shift_left3A_235 = vector.broadcast %shift_left3A : i32 to vector<16xi32>
          %shift_left3A_236 = arith.shli %bitcast3A, %shift_left3A_235 : vector<16xi32>
          %bitcast3A_237 = vector.bitcast %shift_left3A_236 : vector<16xi32> to vector<16xf32>
          %swap3A = arith.index_cast %add3A_232 : i32 to index
          %swap3A_238 = arith.constant 0 : index
          %swap3A_239 = tpu.vector_load %arg11[%swap3A, %swap3A_238] {strides = array<i32>} : memref<128x64xf32, #tpu.memory_space<vmem>>, vector<16xf32>,
          tpu.vector_store %arg11[%swap3A, %swap3A_238], %bitcast3A_237 {strides = array<i32>} : memref<128x64xf32, #tpu.memory_space<vmem>>, vector<16xf32>,
          %and3A = arith.andi %bitcast3A, %broadcast_in_dim3A_1 : vector<16xi32>
          %bitcast3A_240 = vector.bitcast %and3A : vector<16xi32> to vector<16xf32>
          %swap3A_241 = arith.index_cast %add3A_232 : i32 to index
          %swap3A_242 = arith.constant 16 : index
          %swap3A_243 = tpu.vector_load %arg11[%swap3A_241, %swap3A_242] {strides = array<i32>} : memref<128x64xf32, #tpu.memory_space<vmem>>, vector<16xf32>,
          tpu.vector_store %arg11[%swap3A_241, %swap3A_242], %bitcast3A_240 {strides = array<i32>} : memref<128x64xf32, #tpu.memory_space<vmem>>, vector<16xf32>,
          %get3A_244 = arith.index_cast %add3A_232 : i32 to index
          %get3A_245 = arith.constant 32 : index
          %get3A_246 = tpu.vector_load %arg7[%get3A_244, %get3A_245] {strides = array<i32>} : memref<128x64xbf16, #tpu.memory_space<vmem>>, vector<32xbf16>,
          %bitcast3A_247 = vector.bitcast %get3A_246 : vector<32xbf16> to vector<16xi32>
          %shift_left3A_248 = arith.constant 16 : i32
          %shift_left3A_249 = vector.broadcast %shift_left3A_248 : i32 to vector<16xi32>
          %shift_left3A_250 = arith.shli %bitcast3A_247, %shift_left3A_249 : vector<16xi32>
          %bitcast3A_251 = vector.bitcast %shift_left3A_250 : vector<16xi32> to vector<16xf32>
          %swap3A_252 = arith.index_cast %add3A_232 : i32 to index
          %swap3A_253 = arith.constant 32 : index
          %swap3A_254 = tpu.vector_load %arg11[%swap3A_252, %swap3A_253] {strides = array<i32>} : memref<128x64xf32, #tpu.memory_space<vmem>>, vector<16xf32>,
          tpu.vector_store %arg11[%swap3A_252, %swap3A_253], %bitcast3A_251 {strides = array<i32>} : memref<128x64xf32, #tpu.memory_space<vmem>>, vector<16xf32>,
          %and3A_255 = arith.andi %bitcast3A_247, %broadcast_in_dim3A_1 : vector<16xi32>
          %bitcast3A_256 = vector.bitcast %and3A_255 : vector<16xi32> to vector<16xf32>
          %swap3A_257 = arith.index_cast %add3A_232 : i32 to index
          %swap3A_258 = arith.constant 48 : index
          %swap3A_259 = tpu.vector_load %arg11[%swap3A_257, %swap3A_258] {strides = array<i32>} : memref<128x64xf32, #tpu.memory_space<vmem>>, vector<16xf32>,
          tpu.vector_store %arg11[%swap3A_257, %swap3A_258], %bitcast3A_256 {strides = array<i32>} : memref<128x64xf32, #tpu.memory_space<vmem>>, vector<16xf32>,
        }
        %scan3A_100 = arith.constant 128 : i32
        %add3A_101 = arith.constant 4 : i32
        %add3A_102 = arith.addi %add3A_83, %add3A_101 : i32
        %lt3A = arith.constant 64 : i32
        %lt3A_103 = arith.cmpi slt, %add3A_102, %lt3A : i32
        %convert_element_type3A_104 = arith.extui %lt3A_103 : i1 to i32
        %cond3A_105 = arith.constant 0 : i32
        %cond3A_106 = arith.cmpi ne, %convert_element_type3A_104, %cond3A_105 : i32
        scf.if %cond3A_106 {
          %add3A_228 = arith.constant 4 : i32
          %add3A_229 = arith.addi %add3A_83, %add3A_228 : i32
          %mul3A_230 = arith.constant 2 : i32
          %mul3A_231 = arith.muli %mul3A_230, %add3A_229 : i32
          %dma_start3A_232 = arith.constant 0 : i32
          %dma_start3A_233 = tpu.memref_slice %arg6[%mul3A_231, %dma_start3A_232] : memref<192x128xi32, #tpu.memory_space<vmem>> -> memref<1x128xi32, #tpu.memory_space<vmem>>
          %dma_start3A_234 = tpu.memref_squeeze %dma_start3A_233 : memref<1x128xi32, #tpu.memory_space<vmem>> -> memref<128xi32, #tpu.memory_space<vmem>>
          %dma_start3A_235 = arith.constant 0 : i32
          %dma_start3A_236 = arith.constant 0 : i32
          %dma_start3A_237 = tpu.memref_slice %arg2[%dma_start3A_235, %dma_start3A_236] : memref<10000x64xbf16, #tpu.memory_space<hbm>> -> memref<10000x64xbf16, #tpu.memory_space<hbm>>
          tpu.enqueue_indirect_dma source(%dma_start3A_237 : memref<10000x64xbf16, #tpu.memory_space<hbm>>) target(%arg7 : memref<128x64xbf16, #tpu.memory_space<vmem>>) offsets(%dma_start3A_234 : memref<128xi32, #tpu.memory_space<vmem>>) semaphore(%arg16 : memref<!tpu.dma_semaphore, #tpu.memory_space<semaphore_mem>>)
        } else {
        }
        %mul3A_107 = arith.constant 2 : i32
        %mul3A_108 = arith.muli %mul3A_107, %add3A_83 : i32
        %add3A_109 = arith.constant 1 : i32
        %add3A_110 = arith.addi %mul3A_108, %add3A_109 : i32
        %dma_start3A_111 = arith.constant 0 : i32
        %dma_start3A_112 = tpu.memref_slice %arg6[%add3A_110, %dma_start3A_111] : memref<192x128xi32, #tpu.memory_space<vmem>> -> memref<1x128xi32, #tpu.memory_space<vmem>>
        %dma_start3A_113 = tpu.memref_squeeze %dma_start3A_112 : memref<1x128xi32, #tpu.memory_space<vmem>> -> memref<128xi32, #tpu.memory_space<vmem>>
        %dma_start3A_114 = arith.constant 0 : i32
        %dma_start3A_115 = arith.constant 0 : i32
        %dma_start3A_116 = tpu.memref_slice %arg15[%dma_start3A_114, %dma_start3A_115] : memref<10240x64xf32, #tpu.memory_space<vmem_shared>> -> memref<10240x64xf32, #tpu.memory_space<vmem_shared>>
        tpu.enqueue_indirect_dma source(%arg11 : memref<128x64xf32, #tpu.memory_space<vmem>>) target(%dma_start3A_116 : memref<10240x64xf32, #tpu.memory_space<vmem_shared>>) offsets(%dma_start3A_113 : memref<128xi32, #tpu.memory_space<vmem>>) semaphore(%arg20 : memref<!tpu.dma_semaphore, #tpu.memory_space<semaphore_mem>>) {add = true}
        %add3A_117 = arith.constant 1 : i32
        %add3A_118 = arith.addi %add3A_81, %add3A_117 : i32
        %mul3A_119 = arith.constant 2 : i32
        %mul3A_120 = arith.muli %mul3A_119, %add3A_118 : i32
        %dma_wait3A_121 = arith.constant 0 : i32
        %dma_wait3A_122 = tpu.memref_slice %arg6[%mul3A_120, %dma_wait3A_121] : memref<192x128xi32, #tpu.memory_space<vmem>> -> memref<1x128xi32, #tpu.memory_space<vmem>>
        %dma_wait3A_123 = tpu.memref_squeeze %dma_wait3A_122 : memref<1x128xi32, #tpu.memory_space<vmem>> -> memref<128xi32, #tpu.memory_space<vmem>>
        %dma_wait3A_124 = arith.constant 0 : i32
        %dma_wait3A_125 = arith.constant 0 : i32
        %dma_wait3A_126 = tpu.memref_slice %arg2[%dma_wait3A_124, %dma_wait3A_125] : memref<10000x64xbf16, #tpu.memory_space<hbm>> -> memref<10000x64xbf16, #tpu.memory_space<hbm>>
        tpu.wait_indirect_dma semaphore(%arg17 : memref<!tpu.dma_semaphore, #tpu.memory_space<semaphore_mem>>) src(%dma_wait3A_126 : memref<10000x64xbf16, #tpu.memory_space<hbm>>) dst(%arg8 : memref<128x64xbf16, #tpu.memory_space<vmem>>)
        %ge3A_127 = arith.constant 4 : i32
        %ge3A_128 = arith.cmpi sge, %add3A_118, %ge3A_127 : i32
        %convert_element_type3A_129 = arith.extui %ge3A_128 : i1 to i32
        %cond3A_130 = arith.constant 0 : i32
        %cond3A_131 = arith.cmpi ne, %convert_element_type3A_129, %cond3A_130 : i32
        scf.if %cond3A_131 {
          %sub3A = arith.constant 4 : i32
          %sub3A_228 = arith.subi %add3A_118, %sub3A : i32
          %mul3A_229 = arith.constant 2 : i32
          %mul3A_230 = arith.muli %mul3A_229, %sub3A_228 : i32
          %add3A_231 = arith.constant 1 : i32
          %add3A_232 = arith.addi %mul3A_230, %add3A_231 : i32
          %dma_wait3A_233 = arith.constant 0 : i32
          %dma_wait3A_234 = tpu.memref_slice %arg6[%add3A_232, %dma_wait3A_233] : memref<192x128xi32, #tpu.memory_space<vmem>> -> memref<1x128xi32, #tpu.memory_space<vmem>>
          %dma_wait3A_235 = tpu.memref_squeeze %dma_wait3A_234 : memref<1x128xi32, #tpu.memory_space<vmem>> -> memref<128xi32, #tpu.memory_space<vmem>>
          %dma_wait3A_236 = arith.constant 0 : i32
          %dma_wait3A_237 = arith.constant 0 : i32
          %dma_wait3A_238 = tpu.memref_slice %arg15[%dma_wait3A_236, %dma_wait3A_237] : memref<10240x64xf32, #tpu.memory_space<vmem_shared>> -> memref<10240x64xf32, #tpu.memory_space<vmem_shared>>
          tpu.wait_indirect_dma semaphore(%arg21 : memref<!tpu.dma_semaphore, #tpu.memory_space<semaphore_mem>>) src(%arg12 : memref<128x64xf32, #tpu.memory_space<vmem>>) dst(%dma_wait3A_238 : memref<10240x64xf32, #tpu.memory_space<vmem_shared>>)
        } else {
        }
        %scan3A_132 = arith.constant 0 : i32
        %scan3A_133 = arith.constant 128 : i32
        %scan3A_134 = arith.addi %scan3A_132, %scan3A_133 : i32
        %scan3A_135 = arith.constant 1 : i32
        scf.for %scan3A_228 = %scan3A_132 to %scan3A_134 step %scan3A_135  : i32 {
          %mul3A_229 = arith.constant 1 : i32
          %mul3A_230 = arith.muli %scan3A_228, %mul3A_229 : i32
          %add3A_231 = arith.constant 0 : i32
          %add3A_232 = arith.addi %add3A_231, %mul3A_230 : i32
          %get3A = arith.index_cast %add3A_232 : i32 to index
          %get3A_233 = arith.constant 0 : index
          %get3A_234 = tpu.vector_load %arg8[%get3A, %get3A_233] {strides = array<i32>} : memref<128x64xbf16, #tpu.memory_space<vmem>>, vector<32xbf16>,
          %bitcast3A = vector.bitcast %get3A_234 : vector<32xbf16> to vector<16xi32>
          %shift_left3A = arith.constant 16 : i32
          %shift_left3A_235 = vector.broadcast %shift_left3A : i32 to vector<16xi32>
          %shift_left3A_236 = arith.shli %bitcast3A, %shift_left3A_235 : vector<16xi32>
          %bitcast3A_237 = vector.bitcast %shift_left3A_236 : vector<16xi32> to vector<16xf32>
          %swap3A = arith.index_cast %add3A_232 : i32 to index
          %swap3A_238 = arith.constant 0 : index
          %swap3A_239 = tpu.vector_load %arg12[%swap3A, %swap3A_238] {strides = array<i32>} : memref<128x64xf32, #tpu.memory_space<vmem>>, vector<16xf32>,
          tpu.vector_store %arg12[%swap3A, %swap3A_238], %bitcast3A_237 {strides = array<i32>} : memref<128x64xf32, #tpu.memory_space<vmem>>, vector<16xf32>,
          %and3A = arith.andi %bitcast3A, %broadcast_in_dim3A_1 : vector<16xi32>
          %bitcast3A_240 = vector.bitcast %and3A : vector<16xi32> to vector<16xf32>
          %swap3A_241 = arith.index_cast %add3A_232 : i32 to index
          %swap3A_242 = arith.constant 16 : index
          %swap3A_243 = tpu.vector_load %arg12[%swap3A_241, %swap3A_242] {strides = array<i32>} : memref<128x64xf32, #tpu.memory_space<vmem>>, vector<16xf32>,
          tpu.vector_store %arg12[%swap3A_241, %swap3A_242], %bitcast3A_240 {strides = array<i32>} : memref<128x64xf32, #tpu.memory_space<vmem>>, vector<16xf32>,
          %get3A_244 = arith.index_cast %add3A_232 : i32 to index
          %get3A_245 = arith.constant 32 : index
          %get3A_246 = tpu.vector_load %arg8[%get3A_244, %get3A_245] {strides = array<i32>} : memref<128x64xbf16, #tpu.memory_space<vmem>>, vector<32xbf16>,
          %bitcast3A_247 = vector.bitcast %get3A_246 : vector<32xbf16> to vector<16xi32>
          %shift_left3A_248 = arith.constant 16 : i32
          %shift_left3A_249 = vector.broadcast %shift_left3A_248 : i32 to vector<16xi32>
          %shift_left3A_250 = arith.shli %bitcast3A_247, %shift_left3A_249 : vector<16xi32>
          %bitcast3A_251 = vector.bitcast %shift_left3A_250 : vector<16xi32> to vector<16xf32>
          %swap3A_252 = arith.index_cast %add3A_232 : i32 to index
          %swap3A_253 = arith.constant 32 : index
          %swap3A_254 = tpu.vector_load %arg12[%swap3A_252, %swap3A_253] {strides = array<i32>} : memref<128x64xf32, #tpu.memory_space<vmem>>, vector<16xf32>,
          tpu.vector_store %arg12[%swap3A_252, %swap3A_253], %bitcast3A_251 {strides = array<i32>} : memref<128x64xf32, #tpu.memory_space<vmem>>, vector<16xf32>,
          %and3A_255 = arith.andi %bitcast3A_247, %broadcast_in_dim3A_1 : vector<16xi32>
          %bitcast3A_256 = vector.bitcast %and3A_255 : vector<16xi32> to vector<16xf32>
          %swap3A_257 = arith.index_cast %add3A_232 : i32 to index
          %swap3A_258 = arith.constant 48 : index
          %swap3A_259 = tpu.vector_load %arg12[%swap3A_257, %swap3A_258] {strides = array<i32>} : memref<128x64xf32, #tpu.memory_space<vmem>>, vector<16xf32>,
          tpu.vector_store %arg12[%swap3A_257, %swap3A_258], %bitcast3A_256 {strides = array<i32>} : memref<128x64xf32, #tpu.memory_space<vmem>>, vector<16xf32>,
        }
        %scan3A_136 = arith.constant 128 : i32
        %add3A_137 = arith.constant 4 : i32
        %add3A_138 = arith.addi %add3A_118, %add3A_137 : i32
        %lt3A_139 = arith.constant 64 : i32
        %lt3A_140 = arith.cmpi slt, %add3A_138, %lt3A_139 : i32
        %convert_element_type3A_141 = arith.extui %lt3A_140 : i1 to i32
        %cond3A_142 = arith.constant 0 : i32
        %cond3A_143 = arith.cmpi ne, %convert_element_type3A_141, %cond3A_142 : i32
        scf.if %cond3A_143 {
          %add3A_228 = arith.constant 4 : i32
          %add3A_229 = arith.addi %add3A_118, %add3A_228 : i32
          %mul3A_230 = arith.constant 2 : i32
          %mul3A_231 = arith.muli %mul3A_230, %add3A_229 : i32
          %dma_start3A_232 = arith.constant 0 : i32
          %dma_start3A_233 = tpu.memref_slice %arg6[%mul3A_231, %dma_start3A_232] : memref<192x128xi32, #tpu.memory_space<vmem>> -> memref<1x128xi32, #tpu.memory_space<vmem>>
          %dma_start3A_234 = tpu.memref_squeeze %dma_start3A_233 : memref<1x128xi32, #tpu.memory_space<vmem>> -> memref<128xi32, #tpu.memory_space<vmem>>
          %dma_start3A_235 = arith.constant 0 : i32
          %dma_start3A_236 = arith.constant 0 : i32
          %dma_start3A_237 = tpu.memref_slice %arg2[%dma_start3A_235, %dma_start3A_236] : memref<10000x64xbf16, #tpu.memory_space<hbm>> -> memref<10000x64xbf16, #tpu.memory_space<hbm>>
          tpu.enqueue_indirect_dma source(%dma_start3A_237 : memref<10000x64xbf16, #tpu.memory_space<hbm>>) target(%arg8 : memref<128x64xbf16, #tpu.memory_space<vmem>>) offsets(%dma_start3A_234 : memref<128xi32, #tpu.memory_space<vmem>>) semaphore(%arg17 : memref<!tpu.dma_semaphore, #tpu.memory_space<semaphore_mem>>)
        } else {
        }
        %mul3A_144 = arith.constant 2 : i32
        %mul3A_145 = arith.muli %mul3A_144, %add3A_118 : i32
        %add3A_146 = arith.constant 1 : i32
        %add3A_147 = arith.addi %mul3A_145, %add3A_146 : i32
        %dma_start3A_148 = arith.constant 0 : i32
        %dma_start3A_149 = tpu.memref_slice %arg6[%add3A_147, %dma_start3A_148] : memref<192x128xi32, #tpu.memory_space<vmem>> -> memref<1x128xi32, #tpu.memory_space<vmem>>
        %dma_start3A_150 = tpu.memref_squeeze %dma_start3A_149 : memref<1x128xi32, #tpu.memory_space<vmem>> -> memref<128xi32, #tpu.memory_space<vmem>>
        %dma_start3A_151 = arith.constant 0 : i32
        %dma_start3A_152 = arith.constant 0 : i32
        %dma_start3A_153 = tpu.memref_slice %arg15[%dma_start3A_151, %dma_start3A_152] : memref<10240x64xf32, #tpu.memory_space<vmem_shared>> -> memref<10240x64xf32, #tpu.memory_space<vmem_shared>>
        tpu.enqueue_indirect_dma source(%arg12 : memref<128x64xf32, #tpu.memory_space<vmem>>) target(%dma_start3A_153 : memref<10240x64xf32, #tpu.memory_space<vmem_shared>>) offsets(%dma_start3A_150 : memref<128xi32, #tpu.memory_space<vmem>>) semaphore(%arg21 : memref<!tpu.dma_semaphore, #tpu.memory_space<semaphore_mem>>) {add = true}
        %add3A_154 = arith.constant 2 : i32
        %add3A_155 = arith.addi %add3A_81, %add3A_154 : i32
        %mul3A_156 = arith.constant 2 : i32
        %mul3A_157 = arith.muli %mul3A_156, %add3A_155 : i32
        %dma_wait3A_158 = arith.constant 0 : i32
        %dma_wait3A_159 = tpu.memref_slice %arg6[%mul3A_157, %dma_wait3A_158] : memref<192x128xi32, #tpu.memory_space<vmem>> -> memref<1x128xi32, #tpu.memory_space<vmem>>
        %dma_wait3A_160 = tpu.memref_squeeze %dma_wait3A_159 : memref<1x128xi32, #tpu.memory_space<vmem>> -> memref<128xi32, #tpu.memory_space<vmem>>
        %dma_wait3A_161 = arith.constant 0 : i32
        %dma_wait3A_162 = arith.constant 0 : i32
        %dma_wait3A_163 = tpu.memref_slice %arg2[%dma_wait3A_161, %dma_wait3A_162] : memref<10000x64xbf16, #tpu.memory_space<hbm>> -> memref<10000x64xbf16, #tpu.memory_space<hbm>>
        tpu.wait_indirect_dma semaphore(%arg18 : memref<!tpu.dma_semaphore, #tpu.memory_space<semaphore_mem>>) src(%dma_wait3A_163 : memref<10000x64xbf16, #tpu.memory_space<hbm>>) dst(%arg9 : memref<128x64xbf16, #tpu.memory_space<vmem>>)
        %ge3A_164 = arith.constant 4 : i32
        %ge3A_165 = arith.cmpi sge, %add3A_155, %ge3A_164 : i32
        %convert_element_type3A_166 = arith.extui %ge3A_165 : i1 to i32
        %cond3A_167 = arith.constant 0 : i32
        %cond3A_168 = arith.cmpi ne, %convert_element_type3A_166, %cond3A_167 : i32
        scf.if %cond3A_168 {
          %sub3A = arith.constant 4 : i32
          %sub3A_228 = arith.subi %add3A_155, %sub3A : i32
          %mul3A_229 = arith.constant 2 : i32
          %mul3A_230 = arith.muli %mul3A_229, %sub3A_228 : i32
          %add3A_231 = arith.constant 1 : i32
          %add3A_232 = arith.addi %mul3A_230, %add3A_231 : i32
          %dma_wait3A_233 = arith.constant 0 : i32
          %dma_wait3A_234 = tpu.memref_slice %arg6[%add3A_232, %dma_wait3A_233] : memref<192x128xi32, #tpu.memory_space<vmem>> -> memref<1x128xi32, #tpu.memory_space<vmem>>
          %dma_wait3A_235 = tpu.memref_squeeze %dma_wait3A_234 : memref<1x128xi32, #tpu.memory_space<vmem>> -> memref<128xi32, #tpu.memory_space<vmem>>
          %dma_wait3A_236 = arith.constant 0 : i32
          %dma_wait3A_237 = arith.constant 0 : i32
          %dma_wait3A_238 = tpu.memref_slice %arg15[%dma_wait3A_236, %dma_wait3A_237] : memref<10240x64xf32, #tpu.memory_space<vmem_shared>> -> memref<10240x64xf32, #tpu.memory_space<vmem_shared>>
          tpu.wait_indirect_dma semaphore(%arg22 : memref<!tpu.dma_semaphore, #tpu.memory_space<semaphore_mem>>) src(%arg13 : memref<128x64xf32, #tpu.memory_space<vmem>>) dst(%dma_wait3A_238 : memref<10240x64xf32, #tpu.memory_space<vmem_shared>>)
        } else {
        }
        %scan3A_169 = arith.constant 0 : i32
        %scan3A_170 = arith.constant 128 : i32
        %scan3A_171 = arith.addi %scan3A_169, %scan3A_170 : i32
        %scan3A_172 = arith.constant 1 : i32
        scf.for %scan3A_228 = %scan3A_169 to %scan3A_171 step %scan3A_172  : i32 {
          %mul3A_229 = arith.constant 1 : i32
          %mul3A_230 = arith.muli %scan3A_228, %mul3A_229 : i32
          %add3A_231 = arith.constant 0 : i32
          %add3A_232 = arith.addi %add3A_231, %mul3A_230 : i32
          %get3A = arith.index_cast %add3A_232 : i32 to index
          %get3A_233 = arith.constant 0 : index
          %get3A_234 = tpu.vector_load %arg9[%get3A, %get3A_233] {strides = array<i32>} : memref<128x64xbf16, #tpu.memory_space<vmem>>, vector<32xbf16>,
          %bitcast3A = vector.bitcast %get3A_234 : vector<32xbf16> to vector<16xi32>
          %shift_left3A = arith.constant 16 : i32
          %shift_left3A_235 = vector.broadcast %shift_left3A : i32 to vector<16xi32>
          %shift_left3A_236 = arith.shli %bitcast3A, %shift_left3A_235 : vector<16xi32>
          %bitcast3A_237 = vector.bitcast %shift_left3A_236 : vector<16xi32> to vector<16xf32>
          %swap3A = arith.index_cast %add3A_232 : i32 to index
          %swap3A_238 = arith.constant 0 : index
          %swap3A_239 = tpu.vector_load %arg13[%swap3A, %swap3A_238] {strides = array<i32>} : memref<128x64xf32, #tpu.memory_space<vmem>>, vector<16xf32>,
          tpu.vector_store %arg13[%swap3A, %swap3A_238], %bitcast3A_237 {strides = array<i32>} : memref<128x64xf32, #tpu.memory_space<vmem>>, vector<16xf32>,
          %and3A = arith.andi %bitcast3A, %broadcast_in_dim3A_1 : vector<16xi32>
          %bitcast3A_240 = vector.bitcast %and3A : vector<16xi32> to vector<16xf32>
          %swap3A_241 = arith.index_cast %add3A_232 : i32 to index
          %swap3A_242 = arith.constant 16 : index
          %swap3A_243 = tpu.vector_load %arg13[%swap3A_241, %swap3A_242] {strides = array<i32>} : memref<128x64xf32, #tpu.memory_space<vmem>>, vector<16xf32>,
          tpu.vector_store %arg13[%swap3A_241, %swap3A_242], %bitcast3A_240 {strides = array<i32>} : memref<128x64xf32, #tpu.memory_space<vmem>>, vector<16xf32>,
          %get3A_244 = arith.index_cast %add3A_232 : i32 to index
          %get3A_245 = arith.constant 32 : index
          %get3A_246 = tpu.vector_load %arg9[%get3A_244, %get3A_245] {strides = array<i32>} : memref<128x64xbf16, #tpu.memory_space<vmem>>, vector<32xbf16>,
          %bitcast3A_247 = vector.bitcast %get3A_246 : vector<32xbf16> to vector<16xi32>
          %shift_left3A_248 = arith.constant 16 : i32
          %shift_left3A_249 = vector.broadcast %shift_left3A_248 : i32 to vector<16xi32>
          %shift_left3A_250 = arith.shli %bitcast3A_247, %shift_left3A_249 : vector<16xi32>
          %bitcast3A_251 = vector.bitcast %shift_left3A_250 : vector<16xi32> to vector<16xf32>
          %swap3A_252 = arith.index_cast %add3A_232 : i32 to index
          %swap3A_253 = arith.constant 32 : index
          %swap3A_254 = tpu.vector_load %arg13[%swap3A_252, %swap3A_253] {strides = array<i32>} : memref<128x64xf32, #tpu.memory_space<vmem>>, vector<16xf32>,
          tpu.vector_store %arg13[%swap3A_252, %swap3A_253], %bitcast3A_251 {strides = array<i32>} : memref<128x64xf32, #tpu.memory_space<vmem>>, vector<16xf32>,
          %and3A_255 = arith.andi %bitcast3A_247, %broadcast_in_dim3A_1 : vector<16xi32>
          %bitcast3A_256 = vector.bitcast %and3A_255 : vector<16xi32> to vector<16xf32>
          %swap3A_257 = arith.index_cast %add3A_232 : i32 to index
          %swap3A_258 = arith.constant 48 : index
          %swap3A_259 = tpu.vector_load %arg13[%swap3A_257, %swap3A_258] {strides = array<i32>} : memref<128x64xf32, #tpu.memory_space<vmem>>, vector<16xf32>,
          tpu.vector_store %arg13[%swap3A_257, %swap3A_258], %bitcast3A_256 {strides = array<i32>} : memref<128x64xf32, #tpu.memory_space<vmem>>, vector<16xf32>,
        }
        %scan3A_173 = arith.constant 128 : i32
        %add3A_174 = arith.constant 4 : i32
        %add3A_175 = arith.addi %add3A_155, %add3A_174 : i32
        %lt3A_176 = arith.constant 64 : i32
        %lt3A_177 = arith.cmpi slt, %add3A_175, %lt3A_176 : i32
        %convert_element_type3A_178 = arith.extui %lt3A_177 : i1 to i32
        %cond3A_179 = arith.constant 0 : i32
        %cond3A_180 = arith.cmpi ne, %convert_element_type3A_178, %cond3A_179 : i32
        scf.if %cond3A_180 {
          %add3A_228 = arith.constant 4 : i32
          %add3A_229 = arith.addi %add3A_155, %add3A_228 : i32
          %mul3A_230 = arith.constant 2 : i32
          %mul3A_231 = arith.muli %mul3A_230, %add3A_229 : i32
          %dma_start3A_232 = arith.constant 0 : i32
          %dma_start3A_233 = tpu.memref_slice %arg6[%mul3A_231, %dma_start3A_232] : memref<192x128xi32, #tpu.memory_space<vmem>> -> memref<1x128xi32, #tpu.memory_space<vmem>>
          %dma_start3A_234 = tpu.memref_squeeze %dma_start3A_233 : memref<1x128xi32, #tpu.memory_space<vmem>> -> memref<128xi32, #tpu.memory_space<vmem>>
          %dma_start3A_235 = arith.constant 0 : i32
          %dma_start3A_236 = arith.constant 0 : i32
          %dma_start3A_237 = tpu.memref_slice %arg2[%dma_start3A_235, %dma_start3A_236] : memref<10000x64xbf16, #tpu.memory_space<hbm>> -> memref<10000x64xbf16, #tpu.memory_space<hbm>>
          tpu.enqueue_indirect_dma source(%dma_start3A_237 : memref<10000x64xbf16, #tpu.memory_space<hbm>>) target(%arg9 : memref<128x64xbf16, #tpu.memory_space<vmem>>) offsets(%dma_start3A_234 : memref<128xi32, #tpu.memory_space<vmem>>) semaphore(%arg18 : memref<!tpu.dma_semaphore, #tpu.memory_space<semaphore_mem>>)
        } else {
        }
        %mul3A_181 = arith.constant 2 : i32
        %mul3A_182 = arith.muli %mul3A_181, %add3A_155 : i32
        %add3A_183 = arith.constant 1 : i32
        %add3A_184 = arith.addi %mul3A_182, %add3A_183 : i32
        %dma_start3A_185 = arith.constant 0 : i32
        %dma_start3A_186 = tpu.memref_slice %arg6[%add3A_184, %dma_start3A_185] : memref<192x128xi32, #tpu.memory_space<vmem>> -> memref<1x128xi32, #tpu.memory_space<vmem>>
        %dma_start3A_187 = tpu.memref_squeeze %dma_start3A_186 : memref<1x128xi32, #tpu.memory_space<vmem>> -> memref<128xi32, #tpu.memory_space<vmem>>
        %dma_start3A_188 = arith.constant 0 : i32
        %dma_start3A_189 = arith.constant 0 : i32
        %dma_start3A_190 = tpu.memref_slice %arg15[%dma_start3A_188, %dma_start3A_189] : memref<10240x64xf32, #tpu.memory_space<vmem_shared>> -> memref<10240x64xf32, #tpu.memory_space<vmem_shared>>
        tpu.enqueue_indirect_dma source(%arg13 : memref<128x64xf32, #tpu.memory_space<vmem>>) target(%dma_start3A_190 : memref<10240x64xf32, #tpu.memory_space<vmem_shared>>) offsets(%dma_start3A_187 : memref<128xi32, #tpu.memory_space<vmem>>) semaphore(%arg22 : memref<!tpu.dma_semaphore, #tpu.memory_space<semaphore_mem>>) {add = true}
        %add3A_191 = arith.constant 3 : i32
        %add3A_192 = arith.addi %add3A_81, %add3A_191 : i32
        %mul3A_193 = arith.constant 2 : i32
        %mul3A_194 = arith.muli %mul3A_193, %add3A_192 : i32
        %dma_wait3A_195 = arith.constant 0 : i32
        %dma_wait3A_196 = tpu.memref_slice %arg6[%mul3A_194, %dma_wait3A_195] : memref<192x128xi32, #tpu.memory_space<vmem>> -> memref<1x128xi32, #tpu.memory_space<vmem>>
        %dma_wait3A_197 = tpu.memref_squeeze %dma_wait3A_196 : memref<1x128xi32, #tpu.memory_space<vmem>> -> memref<128xi32, #tpu.memory_space<vmem>>
        %dma_wait3A_198 = arith.constant 0 : i32
        %dma_wait3A_199 = arith.constant 0 : i32
        %dma_wait3A_200 = tpu.memref_slice %arg2[%dma_wait3A_198, %dma_wait3A_199] : memref<10000x64xbf16, #tpu.memory_space<hbm>> -> memref<10000x64xbf16, #tpu.memory_space<hbm>>
        tpu.wait_indirect_dma semaphore(%arg19 : memref<!tpu.dma_semaphore, #tpu.memory_space<semaphore_mem>>) src(%dma_wait3A_200 : memref<10000x64xbf16, #tpu.memory_space<hbm>>) dst(%arg10 : memref<128x64xbf16, #tpu.memory_space<vmem>>)
        %ge3A_201 = arith.constant 4 : i32
        %ge3A_202 = arith.cmpi sge, %add3A_192, %ge3A_201 : i32
        %convert_element_type3A_203 = arith.extui %ge3A_202 : i1 to i32
        %cond3A_204 = arith.constant 0 : i32
        %cond3A_205 = arith.cmpi ne, %convert_element_type3A_203, %cond3A_204 : i32
        scf.if %cond3A_205 {
          %sub3A = arith.constant 4 : i32
          %sub3A_228 = arith.subi %add3A_192, %sub3A : i32
          %mul3A_229 = arith.constant 2 : i32
          %mul3A_230 = arith.muli %mul3A_229, %sub3A_228 : i32
          %add3A_231 = arith.constant 1 : i32
          %add3A_232 = arith.addi %mul3A_230, %add3A_231 : i32
          %dma_wait3A_233 = arith.constant 0 : i32
          %dma_wait3A_234 = tpu.memref_slice %arg6[%add3A_232, %dma_wait3A_233] : memref<192x128xi32, #tpu.memory_space<vmem>> -> memref<1x128xi32, #tpu.memory_space<vmem>>
          %dma_wait3A_235 = tpu.memref_squeeze %dma_wait3A_234 : memref<1x128xi32, #tpu.memory_space<vmem>> -> memref<128xi32, #tpu.memory_space<vmem>>
          %dma_wait3A_236 = arith.constant 0 : i32
          %dma_wait3A_237 = arith.constant 0 : i32
          %dma_wait3A_238 = tpu.memref_slice %arg15[%dma_wait3A_236, %dma_wait3A_237] : memref<10240x64xf32, #tpu.memory_space<vmem_shared>> -> memref<10240x64xf32, #tpu.memory_space<vmem_shared>>
          tpu.wait_indirect_dma semaphore(%arg23 : memref<!tpu.dma_semaphore, #tpu.memory_space<semaphore_mem>>) src(%arg14 : memref<128x64xf32, #tpu.memory_space<vmem>>) dst(%dma_wait3A_238 : memref<10240x64xf32, #tpu.memory_space<vmem_shared>>)
        } else {
        }
        %scan3A_206 = arith.constant 0 : i32
        %scan3A_207 = arith.constant 128 : i32
        %scan3A_208 = arith.addi %scan3A_206, %scan3A_207 : i32
        %scan3A_209 = arith.constant 1 : i32
        scf.for %scan3A_228 = %scan3A_206 to %scan3A_208 step %scan3A_209  : i32 {
          %mul3A_229 = arith.constant 1 : i32
          %mul3A_230 = arith.muli %scan3A_228, %mul3A_229 : i32
          %add3A_231 = arith.constant 0 : i32
          %add3A_232 = arith.addi %add3A_231, %mul3A_230 : i32
          %get3A = arith.index_cast %add3A_232 : i32 to index
          %get3A_233 = arith.constant 0 : index
          %get3A_234 = tpu.vector_load %arg10[%get3A, %get3A_233] {strides = array<i32>} : memref<128x64xbf16, #tpu.memory_space<vmem>>, vector<32xbf16>,
          %bitcast3A = vector.bitcast %get3A_234 : vector<32xbf16> to vector<16xi32>
          %shift_left3A = arith.constant 16 : i32
          %shift_left3A_235 = vector.broadcast %shift_left3A : i32 to vector<16xi32>
          %shift_left3A_236 = arith.shli %bitcast3A, %shift_left3A_235 : vector<16xi32>
          %bitcast3A_237 = vector.bitcast %shift_left3A_236 : vector<16xi32> to vector<16xf32>
          %swap3A = arith.index_cast %add3A_232 : i32 to index
          %swap3A_238 = arith.constant 0 : index
          %swap3A_239 = tpu.vector_load %arg14[%swap3A, %swap3A_238] {strides = array<i32>} : memref<128x64xf32, #tpu.memory_space<vmem>>, vector<16xf32>,
          tpu.vector_store %arg14[%swap3A, %swap3A_238], %bitcast3A_237 {strides = array<i32>} : memref<128x64xf32, #tpu.memory_space<vmem>>, vector<16xf32>,
          %and3A = arith.andi %bitcast3A, %broadcast_in_dim3A_1 : vector<16xi32>
          %bitcast3A_240 = vector.bitcast %and3A : vector<16xi32> to vector<16xf32>
          %swap3A_241 = arith.index_cast %add3A_232 : i32 to index
          %swap3A_242 = arith.constant 16 : index
          %swap3A_243 = tpu.vector_load %arg14[%swap3A_241, %swap3A_242] {strides = array<i32>} : memref<128x64xf32, #tpu.memory_space<vmem>>, vector<16xf32>,
          tpu.vector_store %arg14[%swap3A_241, %swap3A_242], %bitcast3A_240 {strides = array<i32>} : memref<128x64xf32, #tpu.memory_space<vmem>>, vector<16xf32>,
          %get3A_244 = arith.index_cast %add3A_232 : i32 to index
          %get3A_245 = arith.constant 32 : index
          %get3A_246 = tpu.vector_load %arg10[%get3A_244, %get3A_245] {strides = array<i32>} : memref<128x64xbf16, #tpu.memory_space<vmem>>, vector<32xbf16>,
          %bitcast3A_247 = vector.bitcast %get3A_246 : vector<32xbf16> to vector<16xi32>
          %shift_left3A_248 = arith.constant 16 : i32
          %shift_left3A_249 = vector.broadcast %shift_left3A_248 : i32 to vector<16xi32>
          %shift_left3A_250 = arith.shli %bitcast3A_247, %shift_left3A_249 : vector<16xi32>
          %bitcast3A_251 = vector.bitcast %shift_left3A_250 : vector<16xi32> to vector<16xf32>
          %swap3A_252 = arith.index_cast %add3A_232 : i32 to index
          %swap3A_253 = arith.constant 32 : index
          %swap3A_254 = tpu.vector_load %arg14[%swap3A_252, %swap3A_253] {strides = array<i32>} : memref<128x64xf32, #tpu.memory_space<vmem>>, vector<16xf32>,
          tpu.vector_store %arg14[%swap3A_252, %swap3A_253], %bitcast3A_251 {strides = array<i32>} : memref<128x64xf32, #tpu.memory_space<vmem>>, vector<16xf32>,
          %and3A_255 = arith.andi %bitcast3A_247, %broadcast_in_dim3A_1 : vector<16xi32>
          %bitcast3A_256 = vector.bitcast %and3A_255 : vector<16xi32> to vector<16xf32>
          %swap3A_257 = arith.index_cast %add3A_232 : i32 to index
          %swap3A_258 = arith.constant 48 : index
          %swap3A_259 = tpu.vector_load %arg14[%swap3A_257, %swap3A_258] {strides = array<i32>} : memref<128x64xf32, #tpu.memory_space<vmem>>, vector<16xf32>,
          tpu.vector_store %arg14[%swap3A_257, %swap3A_258], %bitcast3A_256 {strides = array<i32>} : memref<128x64xf32, #tpu.memory_space<vmem>>, vector<16xf32>,
        }
        %scan3A_210 = arith.constant 128 : i32
        %add3A_211 = arith.constant 4 : i32
        %add3A_212 = arith.addi %add3A_192, %add3A_211 : i32
        %lt3A_213 = arith.constant 64 : i32
        %lt3A_214 = arith.cmpi slt, %add3A_212, %lt3A_213 : i32
        %convert_element_type3A_215 = arith.extui %lt3A_214 : i1 to i32
        %cond3A_216 = arith.constant 0 : i32
        %cond3A_217 = arith.cmpi ne, %convert_element_type3A_215, %cond3A_216 : i32
        scf.if %cond3A_217 {
          %add3A_228 = arith.constant 4 : i32
          %add3A_229 = arith.addi %add3A_192, %add3A_228 : i32
          %mul3A_230 = arith.constant 2 : i32
          %mul3A_231 = arith.muli %mul3A_230, %add3A_229 : i32
          %dma_start3A_232 = arith.constant 0 : i32
          %dma_start3A_233 = tpu.memref_slice %arg6[%mul3A_231, %dma_start3A_232] : memref<192x128xi32, #tpu.memory_space<vmem>> -> memref<1x128xi32, #tpu.memory_space<vmem>>
          %dma_start3A_234 = tpu.memref_squeeze %dma_start3A_233 : memref<1x128xi32, #tpu.memory_space<vmem>> -> memref<128xi32, #tpu.memory_space<vmem>>
          %dma_start3A_235 = arith.constant 0 : i32
          %dma_start3A_236 = arith.constant 0 : i32
          %dma_start3A_237 = tpu.memref_slice %arg2[%dma_start3A_235, %dma_start3A_236] : memref<10000x64xbf16, #tpu.memory_space<hbm>> -> memref<10000x64xbf16, #tpu.memory_space<hbm>>
          tpu.enqueue_indirect_dma source(%dma_start3A_237 : memref<10000x64xbf16, #tpu.memory_space<hbm>>) target(%arg10 : memref<128x64xbf16, #tpu.memory_space<vmem>>) offsets(%dma_start3A_234 : memref<128xi32, #tpu.memory_space<vmem>>) semaphore(%arg19 : memref<!tpu.dma_semaphore, #tpu.memory_space<semaphore_mem>>)
        } else {
        }
        %mul3A_218 = arith.constant 2 : i32
        %mul3A_219 = arith.muli %mul3A_218, %add3A_192 : i32
        %add3A_220 = arith.constant 1 : i32
        %add3A_221 = arith.addi %mul3A_219, %add3A_220 : i32
        %dma_start3A_222 = arith.constant 0 : i32
        %dma_start3A_223 = tpu.memref_slice %arg6[%add3A_221, %dma_start3A_222] : memref<192x128xi32, #tpu.memory_space<vmem>> -> memref<1x128xi32, #tpu.memory_space<vmem>>
        %dma_start3A_224 = tpu.memref_squeeze %dma_start3A_223 : memref<1x128xi32, #tpu.memory_space<vmem>> -> memref<128xi32, #tpu.memory_space<vmem>>
        %dma_start3A_225 = arith.constant 0 : i32
        %dma_start3A_226 = arith.constant 0 : i32
        %dma_start3A_227 = tpu.memref_slice %arg15[%dma_start3A_225, %dma_start3A_226] : memref<10240x64xf32, #tpu.memory_space<vmem_shared>> -> memref<10240x64xf32, #tpu.memory_space<vmem_shared>>
        tpu.enqueue_indirect_dma source(%arg14 : memref<128x64xf32, #tpu.memory_space<vmem>>) target(%dma_start3A_227 : memref<10240x64xf32, #tpu.memory_space<vmem_shared>>) offsets(%dma_start3A_224 : memref<128xi32, #tpu.memory_space<vmem>>) semaphore(%arg23 : memref<!tpu.dma_semaphore, #tpu.memory_space<semaphore_mem>>) {add = true}
      }
      %scan3A_49 = arith.constant 16 : i32
      %dma_wait3A = arith.constant 121 : i32
      %dma_wait3A_50 = arith.constant 0 : i32
      %dma_wait3A_51 = tpu.memref_slice %arg6[%dma_wait3A, %dma_wait3A_50] : memref<192x128xi32, #tpu.memory_space<vmem>> -> memref<1x128xi32, #tpu.memory_space<vmem>>
      %dma_wait3A_52 = tpu.memref_squeeze %dma_wait3A_51 : memref<1x128xi32, #tpu.memory_space<vmem>> -> memref<128xi32, #tpu.memory_space<vmem>>
      %dma_wait3A_53 = arith.constant 0 : i32
      %dma_wait3A_54 = arith.constant 0 : i32
      %dma_wait3A_55 = tpu.memref_slice %arg15[%dma_wait3A_53, %dma_wait3A_54] : memref<10240x64xf32, #tpu.memory_space<vmem_shared>> -> memref<10240x64xf32, #tpu.memory_space<vmem_shared>>
      tpu.wait_indirect_dma semaphore(%arg20 : memref<!tpu.dma_semaphore, #tpu.memory_space<semaphore_mem>>) src(%arg11 : memref<128x64xf32, #tpu.memory_space<vmem>>) dst(%dma_wait3A_55 : memref<10240x64xf32, #tpu.memory_space<vmem_shared>>)
      %dma_wait3A_56 = arith.constant 123 : i32
      %dma_wait3A_57 = arith.constant 0 : i32
      %dma_wait3A_58 = tpu.memref_slice %arg6[%dma_wait3A_56, %dma_wait3A_57] : memref<192x128xi32, #tpu.memory_space<vmem>> -> memref<1x128xi32, #tpu.memory_space<vmem>>
      %dma_wait3A_59 = tpu.memref_squeeze %dma_wait3A_58 : memref<1x128xi32, #tpu.memory_space<vmem>> -> memref<128xi32, #tpu.memory_space<vmem>>
      %dma_wait3A_60 = arith.constant 0 : i32
      %dma_wait3A_61 = arith.constant 0 : i32
      %dma_wait3A_62 = tpu.memref_slice %arg15[%dma_wait3A_60, %dma_wait3A_61] : memref<10240x64xf32, #tpu.memory_space<vmem_shared>> -> memref<10240x64xf32, #tpu.memory_space<vmem_shared>>
      tpu.wait_indirect_dma semaphore(%arg21 : memref<!tpu.dma_semaphore, #tpu.memory_space<semaphore_mem>>) src(%arg12 : memref<128x64xf32, #tpu.memory_space<vmem>>) dst(%dma_wait3A_62 : memref<10240x64xf32, #tpu.memory_space<vmem_shared>>)
      %dma_wait3A_63 = arith.constant 125 : i32
      %dma_wait3A_64 = arith.constant 0 : i32
      %dma_wait3A_65 = tpu.memref_slice %arg6[%dma_wait3A_63, %dma_wait3A_64] : memref<192x128xi32, #tpu.memory_space<vmem>> -> memref<1x128xi32, #tpu.memory_space<vmem>>
      %dma_wait3A_66 = tpu.memref_squeeze %dma_wait3A_65 : memref<1x128xi32, #tpu.memory_space<vmem>> -> memref<128xi32, #tpu.memory_space<vmem>>
      %dma_wait3A_67 = arith.constant 0 : i32
      %dma_wait3A_68 = arith.constant 0 : i32
      %dma_wait3A_69 = tpu.memref_slice %arg15[%dma_wait3A_67, %dma_wait3A_68] : memref<10240x64xf32, #tpu.memory_space<vmem_shared>> -> memref<10240x64xf32, #tpu.memory_space<vmem_shared>>
      tpu.wait_indirect_dma semaphore(%arg22 : memref<!tpu.dma_semaphore, #tpu.memory_space<semaphore_mem>>) src(%arg13 : memref<128x64xf32, #tpu.memory_space<vmem>>) dst(%dma_wait3A_69 : memref<10240x64xf32, #tpu.memory_space<vmem_shared>>)
      %dma_wait3A_70 = arith.constant 127 : i32
      %dma_wait3A_71 = arith.constant 0 : i32
      %dma_wait3A_72 = tpu.memref_slice %arg6[%dma_wait3A_70, %dma_wait3A_71] : memref<192x128xi32, #tpu.memory_space<vmem>> -> memref<1x128xi32, #tpu.memory_space<vmem>>
      %dma_wait3A_73 = tpu.memref_squeeze %dma_wait3A_72 : memref<1x128xi32, #tpu.memory_space<vmem>> -> memref<128xi32, #tpu.memory_space<vmem>>
      %dma_wait3A_74 = arith.constant 0 : i32
      %dma_wait3A_75 = arith.constant 0 : i32
      %dma_wait3A_76 = tpu.memref_slice %arg15[%dma_wait3A_74, %dma_wait3A_75] : memref<10240x64xf32, #tpu.memory_space<vmem_shared>> -> memref<10240x64xf32, #tpu.memory_space<vmem_shared>>
      tpu.wait_indirect_dma semaphore(%arg23 : memref<!tpu.dma_semaphore, #tpu.memory_space<semaphore_mem>>) src(%arg14 : memref<128x64xf32, #tpu.memory_space<vmem>>) dst(%dma_wait3A_76 : memref<10240x64xf32, #tpu.memory_space<vmem_shared>>)
    } else {
    }
    %barrier3A_9 = arith.constant 0 : index
    tpu.barrier barrier_id(%barrier3A_9)
    %mul3A_10 = arith.constant 640 : i32
    %mul3A_11 = arith.muli %arg1, %mul3A_10 : i32
    %mul3A_12 = arith.constant 640 : i32
    %mul3A_13 = arith.muli %arg1, %mul3A_12 : i32
    "tpu.region"() ({
      %run_scoped3A = tpu.sem_alloc : memref<!tpu.dma_semaphore, #tpu.memory_space<semaphore_mem>>
      %dma_start3A = arith.constant 0 : i32
      %dma_start3A_14 = arith.constant 0 : i32
      %dma_start3A_15 = tpu.memref_slice %arg5[%arg0, %dma_start3A, %dma_start3A_14] : memref<2x10240x64xf32, #tpu.memory_space<hbm>> -> memref<1x10240x64xf32, #tpu.memory_space<hbm>>
      %dma_start3A_16 = tpu.memref_squeeze %dma_start3A_15 : memref<1x10240x64xf32, #tpu.memory_space<hbm>> -> memref<10240x64xf32, #tpu.memory_space<hbm>>
      %dma_start3A_17 = arith.constant 0 : i32
      %dma_start3A_18 = tpu.memref_slice %dma_start3A_16[%mul3A_13, %dma_start3A_17] : memref<10240x64xf32, #tpu.memory_space<hbm>> -> memref<640x64xf32, #tpu.memory_space<hbm>>
      %dma_start3A_19 = arith.constant 0 : i32
      %dma_start3A_20 = tpu.memref_slice %arg15[%mul3A_11, %dma_start3A_19] : memref<10240x64xf32, #tpu.memory_space<vmem_shared>> -> memref<640x64xf32, #tpu.memory_space<vmem_shared>>
      tpu.enqueue_dma source(%dma_start3A_20 : memref<640x64xf32, #tpu.memory_space<vmem_shared>>) target(%dma_start3A_18 : memref<640x64xf32, #tpu.memory_space<hbm>>) target_semaphore(%run_scoped3A : memref<!tpu.dma_semaphore, #tpu.memory_space<semaphore_mem>>)
      %dma_wait3A = arith.constant 0 : i32
      %dma_wait3A_21 = arith.constant 0 : i32
      %dma_wait3A_22 = tpu.memref_slice %arg5[%arg0, %dma_wait3A, %dma_wait3A_21] : memref<2x10240x64xf32, #tpu.memory_space<hbm>> -> memref<1x10240x64xf32, #tpu.memory_space<hbm>>
      %dma_wait3A_23 = tpu.memref_squeeze %dma_wait3A_22 : memref<1x10240x64xf32, #tpu.memory_space<hbm>> -> memref<10240x64xf32, #tpu.memory_space<hbm>>
      %dma_wait3A_24 = arith.constant 0 : i32
      %dma_wait3A_25 = tpu.memref_slice %dma_wait3A_23[%mul3A_13, %dma_wait3A_24] : memref<10240x64xf32, #tpu.memory_space<hbm>> -> memref<640x64xf32, #tpu.memory_space<hbm>>
      %dma_wait3A_26 = arith.constant 0 : i32
      %dma_wait3A_27 = tpu.memref_slice %arg15[%mul3A_11, %dma_wait3A_26] : memref<10240x64xf32, #tpu.memory_space<vmem_shared>> -> memref<640x64xf32, #tpu.memory_space<vmem_shared>>
      tpu.wait_dma2 semaphore(%run_scoped3A : memref<!tpu.dma_semaphore, #tpu.memory_space<semaphore_mem>>) src(%dma_wait3A_27 : memref<640x64xf32, #tpu.memory_space<vmem_shared>>) dst(%dma_wait3A_25 : memref<640x64xf32, #tpu.memory_space<hbm>>)
      tpu.yield
    }) : () -> ()
    return
  }
}

#map = affine_map<(d0, d1) -> (0, 0)>
#map1 = affine_map<(d0, d1) -> (0, 0, 0)>
module attributes {stable_mosaic.version = 14 : i64} {
  func.func @k(%arg0: i32, %arg1: i32, %arg2: memref<10000x64xbf16, #tpu.memory_space<hbm>>, %arg3: memref<5120x128xi32, #tpu.memory_space<hbm>>, %arg4: memref<640x64xf32, #tpu.memory_space<hbm>>, %arg5: memref<2x10240x64xf32, #tpu.memory_space<hbm>>, %arg6: memref<192x128xi32, #tpu.memory_space<vmem>>, %arg7: memref<128x64xbf16, #tpu.memory_space<vmem>>, %arg8: memref<128x64xbf16, #tpu.memory_space<vmem>>, %arg9: memref<128x64xbf16, #tpu.memory_space<vmem>>, %arg10: memref<128x64xbf16, #tpu.memory_space<vmem>>, %arg11: memref<128x64xf32, #tpu.memory_space<vmem>>, %arg12: memref<128x64xf32, #tpu.memory_space<vmem>>, %arg13: memref<128x64xf32, #tpu.memory_space<vmem>>, %arg14: memref<128x64xf32, #tpu.memory_space<vmem>>, %arg15: memref<10240x64xf32, #tpu.memory_space<vmem_shared>>, %arg16: memref<!tpu.dma_semaphore, #tpu.memory_space<semaphore_mem>>, %arg17: memref<!tpu.dma_semaphore, #tpu.memory_space<semaphore_mem>>, %arg18: memref<!tpu.dma_semaphore, #tpu.memory_space<semaphore_mem>>, %arg19: memref<!tpu.dma_semaphore, #tpu.memory_space<semaphore_mem>>, %arg20: memref<!tpu.dma_semaphore, #tpu.memory_space<semaphore_mem>>, %arg21: memref<!tpu.dma_semaphore, #tpu.memory_space<semaphore_mem>>, %arg22: memref<!tpu.dma_semaphore, #tpu.memory_space<semaphore_mem>>, %arg23: memref<!tpu.dma_semaphore, #tpu.memory_space<semaphore_mem>>) attributes {dimension_semantics = [#tpu.dimension_semantics<core_parallel>, #tpu.dimension_semantics<subcore_parallel>], iteration_bounds = array<i64: 2, 16>, scalar_prefetch = 0 : i64, scratch_operands = 18 : i64, tpu.core_type = #tpu.core_type<sc_vector_subcore>, window_params = [{transform_indices = #map}, {transform_indices = #map}, {transform_indices = #map}, {transform_indices = #map1}]} {
    %mul3A = arith.constant 640 : i32
    %mul3A_0 = arith.muli %arg1, %mul3A : i32
    "tpu.region"() ({
      %run_scoped3A = tpu.sem_alloc : memref<!tpu.dma_semaphore, #tpu.memory_space<semaphore_mem>>
      %dma_start3A = arith.constant 0 : i32
      %dma_start3A_14 = tpu.memref_slice %arg15[%mul3A_0, %dma_start3A] : memref<10240x64xf32, #tpu.memory_space<vmem_shared>> -> memref<640x64xf32, #tpu.memory_space<vmem_shared>>
      tpu.enqueue_dma source(%arg4 : memref<640x64xf32, #tpu.memory_space<hbm>>) target(%dma_start3A_14 : memref<640x64xf32, #tpu.memory_space<vmem_shared>>) target_semaphore(%run_scoped3A : memref<!tpu.dma_semaphore, #tpu.memory_space<semaphore_mem>>)
      %dma_wait3A = arith.constant 0 : i32
      %dma_wait3A_15 = tpu.memref_slice %arg15[%mul3A_0, %dma_wait3A] : memref<10240x64xf32, #tpu.memory_space<vmem_shared>> -> memref<640x64xf32, #tpu.memory_space<vmem_shared>>
      tpu.wait_dma2 semaphore(%run_scoped3A : memref<!tpu.dma_semaphore, #tpu.memory_space<semaphore_mem>>) src(%arg4 : memref<640x64xf32, #tpu.memory_space<hbm>>) dst(%dma_wait3A_15 : memref<640x64xf32, #tpu.memory_space<vmem_shared>>)
      tpu.yield
    }) : () -> ()
    %barrier3A = arith.constant 0 : index
    tpu.barrier barrier_id(%barrier3A)
    %broadcast_in_dim3A = arith.constant -65536 : i32
    %broadcast_in_dim3A_1 = vector.broadcast %broadcast_in_dim3A : i32 to vector<16xi32>
    %eq3A = arith.constant 0 : i32
    %eq3A_2 = arith.cmpi eq, %arg0, %eq3A : i32
    %convert_element_type3A = arith.extui %eq3A_2 : i1 to i32
    %cond3A = arith.constant 0 : i32
    %cond3A_3 = arith.cmpi ne, %convert_element_type3A, %cond3A : i32
    scf.if %cond3A_3 {
      %mul3A_14 = arith.constant 96 : i32
      %mul3A_15 = arith.muli %arg1, %mul3A_14 : i32
      %mul3A_16 = arith.constant 2 : i32
      %mul3A_17 = arith.muli %mul3A_16, %mul3A_15 : i32
      "tpu.region"() ({
        %run_scoped3A = tpu.sem_alloc : memref<!tpu.dma_semaphore, #tpu.memory_space<semaphore_mem>>
        %dma_start3A_76 = arith.constant 0 : i32
        %dma_start3A_77 = arith.constant 0 : i32
        %dma_start3A_78 = tpu.memref_slice %arg6[%dma_start3A_76, %dma_start3A_77] : memref<192x128xi32, #tpu.memory_space<vmem>> -> memref<192x128xi32, #tpu.memory_space<vmem>>
        %dma_start3A_79 = arith.constant 0 : i32
        %dma_start3A_80 = tpu.memref_slice %arg3[%mul3A_17, %dma_start3A_79] : memref<5120x128xi32, #tpu.memory_space<hbm>> -> memref<192x128xi32, #tpu.memory_space<hbm>>
        %dma_start3A_81 = arith.constant 0 : i32
        %dma_start3A_82 = arith.constant 0 : i32
        %dma_start3A_83 = tpu.memref_slice %arg6[%dma_start3A_81, %dma_start3A_82] : memref<192x128xi32, #tpu.memory_space<vmem>> -> memref<192x128xi32, #tpu.memory_space<vmem>>
        %dma_start3A_84 = arith.constant 0 : i32
        %dma_start3A_85 = tpu.memref_slice %arg3[%mul3A_17, %dma_start3A_84] : memref<5120x128xi32, #tpu.memory_space<hbm>> -> memref<192x128xi32, #tpu.memory_space<hbm>>
        tpu.enqueue_dma source(%dma_start3A_85 : memref<192x128xi32, #tpu.memory_space<hbm>>) target(%dma_start3A_83 : memref<192x128xi32, #tpu.memory_space<vmem>>) target_semaphore(%run_scoped3A : memref<!tpu.dma_semaphore, #tpu.memory_space<semaphore_mem>>)
        %dma_wait3A_86 = arith.constant 0 : i32
        %dma_wait3A_87 = arith.constant 0 : i32
        %dma_wait3A_88 = tpu.memref_slice %arg6[%dma_wait3A_86, %dma_wait3A_87] : memref<192x128xi32, #tpu.memory_space<vmem>> -> memref<192x128xi32, #tpu.memory_space<vmem>>
        %dma_wait3A_89 = arith.constant 0 : i32
        %dma_wait3A_90 = tpu.memref_slice %arg3[%mul3A_17, %dma_wait3A_89] : memref<5120x128xi32, #tpu.memory_space<hbm>> -> memref<192x128xi32, #tpu.memory_space<hbm>>
        %dma_wait3A_91 = arith.constant 0 : i32
        %dma_wait3A_92 = arith.constant 0 : i32
        %dma_wait3A_93 = tpu.memref_slice %arg6[%dma_wait3A_91, %dma_wait3A_92] : memref<192x128xi32, #tpu.memory_space<vmem>> -> memref<192x128xi32, #tpu.memory_space<vmem>>
        %dma_wait3A_94 = arith.constant 0 : i32
        %dma_wait3A_95 = tpu.memref_slice %arg3[%mul3A_17, %dma_wait3A_94] : memref<5120x128xi32, #tpu.memory_space<hbm>> -> memref<192x128xi32, #tpu.memory_space<hbm>>
        tpu.wait_dma2 semaphore(%run_scoped3A : memref<!tpu.dma_semaphore, #tpu.memory_space<semaphore_mem>>) src(%dma_wait3A_95 : memref<192x128xi32, #tpu.memory_space<hbm>>) dst(%dma_wait3A_93 : memref<192x128xi32, #tpu.memory_space<vmem>>)
        tpu.yield
      }) : () -> ()
      %dma_start3A = arith.constant 0 : i32
      %dma_start3A_18 = arith.constant 0 : i32
      %dma_start3A_19 = tpu.memref_slice %arg6[%dma_start3A, %dma_start3A_18] : memref<192x128xi32, #tpu.memory_space<vmem>> -> memref<1x128xi32, #tpu.memory_space<vmem>>
      %dma_start3A_20 = tpu.memref_squeeze %dma_start3A_19 : memref<1x128xi32, #tpu.memory_space<vmem>> -> memref<128xi32, #tpu.memory_space<vmem>>
      %dma_start3A_21 = arith.constant 0 : i32
      %dma_start3A_22 = arith.constant 0 : i32
      %dma_start3A_23 = tpu.memref_slice %arg2[%dma_start3A_21, %dma_start3A_22] : memref<10000x64xbf16, #tpu.memory_space<hbm>> -> memref<10000x64xbf16, #tpu.memory_space<hbm>>
      tpu.enqueue_indirect_dma source(%dma_start3A_23 : memref<10000x64xbf16, #tpu.memory_space<hbm>>) target(%arg7 : memref<128x64xbf16, #tpu.memory_space<vmem>>) offsets(%dma_start3A_20 : memref<128xi32, #tpu.memory_space<vmem>>) semaphore(%arg16 : memref<!tpu.dma_semaphore, #tpu.memory_space<semaphore_mem>>)
      %dma_start3A_24 = arith.constant 2 : i32
      %dma_start3A_25 = arith.constant 0 : i32
      %dma_start3A_26 = tpu.memref_slice %arg6[%dma_start3A_24, %dma_start3A_25] : memref<192x128xi32, #tpu.memory_space<vmem>> -> memref<1x128xi32, #tpu.memory_space<vmem>>
      %dma_start3A_27 = tpu.memref_squeeze %dma_start3A_26 : memref<1x128xi32, #tpu.memory_space<vmem>> -> memref<128xi32, #tpu.memory_space<vmem>>
      %dma_start3A_28 = arith.constant 0 : i32
      %dma_start3A_29 = arith.constant 0 : i32
      %dma_start3A_30 = tpu.memref_slice %arg2[%dma_start3A_28, %dma_start3A_29] : memref<10000x64xbf16, #tpu.memory_space<hbm>> -> memref<10000x64xbf16, #tpu.memory_space<hbm>>
      tpu.enqueue_indirect_dma source(%dma_start3A_30 : memref<10000x64xbf16, #tpu.memory_space<hbm>>) target(%arg8 : memref<128x64xbf16, #tpu.memory_space<vmem>>) offsets(%dma_start3A_27 : memref<128xi32, #tpu.memory_space<vmem>>) semaphore(%arg17 : memref<!tpu.dma_semaphore, #tpu.memory_space<semaphore_mem>>)
      %dma_start3A_31 = arith.constant 4 : i32
      %dma_start3A_32 = arith.constant 0 : i32
      %dma_start3A_33 = tpu.memref_slice %arg6[%dma_start3A_31, %dma_start3A_32] : memref<192x128xi32, #tpu.memory_space<vmem>> -> memref<1x128xi32, #tpu.memory_space<vmem>>
      %dma_start3A_34 = tpu.memref_squeeze %dma_start3A_33 : memref<1x128xi32, #tpu.memory_space<vmem>> -> memref<128xi32, #tpu.memory_space<vmem>>
      %dma_start3A_35 = arith.constant 0 : i32
      %dma_start3A_36 = arith.constant 0 : i32
      %dma_start3A_37 = tpu.memref_slice %arg2[%dma_start3A_35, %dma_start3A_36] : memref<10000x64xbf16, #tpu.memory_space<hbm>> -> memref<10000x64xbf16, #tpu.memory_space<hbm>>
      tpu.enqueue_indirect_dma source(%dma_start3A_37 : memref<10000x64xbf16, #tpu.memory_space<hbm>>) target(%arg9 : memref<128x64xbf16, #tpu.memory_space<vmem>>) offsets(%dma_start3A_34 : memref<128xi32, #tpu.memory_space<vmem>>) semaphore(%arg18 : memref<!tpu.dma_semaphore, #tpu.memory_space<semaphore_mem>>)
      %dma_start3A_38 = arith.constant 6 : i32
      %dma_start3A_39 = arith.constant 0 : i32
      %dma_start3A_40 = tpu.memref_slice %arg6[%dma_start3A_38, %dma_start3A_39] : memref<192x128xi32, #tpu.memory_space<vmem>> -> memref<1x128xi32, #tpu.memory_space<vmem>>
      %dma_start3A_41 = tpu.memref_squeeze %dma_start3A_40 : memref<1x128xi32, #tpu.memory_space<vmem>> -> memref<128xi32, #tpu.memory_space<vmem>>
      %dma_start3A_42 = arith.constant 0 : i32
      %dma_start3A_43 = arith.constant 0 : i32
      %dma_start3A_44 = tpu.memref_slice %arg2[%dma_start3A_42, %dma_start3A_43] : memref<10000x64xbf16, #tpu.memory_space<hbm>> -> memref<10000x64xbf16, #tpu.memory_space<hbm>>
      tpu.enqueue_indirect_dma source(%dma_start3A_44 : memref<10000x64xbf16, #tpu.memory_space<hbm>>) target(%arg10 : memref<128x64xbf16, #tpu.memory_space<vmem>>) offsets(%dma_start3A_41 : memref<128xi32, #tpu.memory_space<vmem>>) semaphore(%arg19 : memref<!tpu.dma_semaphore, #tpu.memory_space<semaphore_mem>>)
      %scan3A = arith.constant 0 : i32
      %scan3A_45 = arith.constant 24 : i32
      %scan3A_46 = arith.addi %scan3A, %scan3A_45 : i32
      %scan3A_47 = arith.constant 1 : i32
      scf.for %scan3A_76 = %scan3A to %scan3A_46 step %scan3A_47  : i32 {
        %mul3A_77 = arith.constant 4 : i32
        %mul3A_78 = arith.muli %scan3A_76, %mul3A_77 : i32
        %add3A = arith.constant 0 : i32
        %add3A_79 = arith.addi %add3A, %mul3A_78 : i32
        %add3A_80 = arith.constant 0 : i32
        %add3A_81 = arith.addi %add3A_79, %add3A_80 : i32
        %mul3A_82 = arith.constant 2 : i32
        %mul3A_83 = arith.muli %mul3A_82, %add3A_81 : i32
        %dma_wait3A_84 = arith.constant 0 : i32
        %dma_wait3A_85 = tpu.memref_slice %arg6[%mul3A_83, %dma_wait3A_84] : memref<192x128xi32, #tpu.memory_space<vmem>> -> memref<1x128xi32, #tpu.memory_space<vmem>>
        %dma_wait3A_86 = tpu.memref_squeeze %dma_wait3A_85 : memref<1x128xi32, #tpu.memory_space<vmem>> -> memref<128xi32, #tpu.memory_space<vmem>>
        %dma_wait3A_87 = arith.constant 0 : i32
        %dma_wait3A_88 = arith.constant 0 : i32
        %dma_wait3A_89 = tpu.memref_slice %arg2[%dma_wait3A_87, %dma_wait3A_88] : memref<10000x64xbf16, #tpu.memory_space<hbm>> -> memref<10000x64xbf16, #tpu.memory_space<hbm>>
        tpu.wait_indirect_dma semaphore(%arg16 : memref<!tpu.dma_semaphore, #tpu.memory_space<semaphore_mem>>) src(%dma_wait3A_89 : memref<10000x64xbf16, #tpu.memory_space<hbm>>) dst(%arg7 : memref<128x64xbf16, #tpu.memory_space<vmem>>)
        %ge3A = arith.constant 4 : i32
        %ge3A_90 = arith.cmpi sge, %add3A_81, %ge3A : i32
        %convert_element_type3A_91 = arith.extui %ge3A_90 : i1 to i32
        %cond3A_92 = arith.constant 0 : i32
        %cond3A_93 = arith.cmpi ne, %convert_element_type3A_91, %cond3A_92 : i32
        scf.if %cond3A_93 {
          %sub3A = arith.constant 4 : i32
          %sub3A_226 = arith.subi %add3A_81, %sub3A : i32
          %mul3A_227 = arith.constant 2 : i32
          %mul3A_228 = arith.muli %mul3A_227, %sub3A_226 : i32
          %add3A_229 = arith.constant 1 : i32
          %add3A_230 = arith.addi %mul3A_228, %add3A_229 : i32
          %dma_wait3A_231 = arith.constant 0 : i32
          %dma_wait3A_232 = tpu.memref_slice %arg6[%add3A_230, %dma_wait3A_231] : memref<192x128xi32, #tpu.memory_space<vmem>> -> memref<1x128xi32, #tpu.memory_space<vmem>>
          %dma_wait3A_233 = tpu.memref_squeeze %dma_wait3A_232 : memref<1x128xi32, #tpu.memory_space<vmem>> -> memref<128xi32, #tpu.memory_space<vmem>>
          %dma_wait3A_234 = arith.constant 0 : i32
          %dma_wait3A_235 = arith.constant 0 : i32
          %dma_wait3A_236 = tpu.memref_slice %arg15[%dma_wait3A_234, %dma_wait3A_235] : memref<10240x64xf32, #tpu.memory_space<vmem_shared>> -> memref<10240x64xf32, #tpu.memory_space<vmem_shared>>
          tpu.wait_indirect_dma semaphore(%arg20 : memref<!tpu.dma_semaphore, #tpu.memory_space<semaphore_mem>>) src(%arg11 : memref<128x64xf32, #tpu.memory_space<vmem>>) dst(%dma_wait3A_236 : memref<10240x64xf32, #tpu.memory_space<vmem_shared>>)
        } else {
        }
        %scan3A_94 = arith.constant 0 : i32
        %scan3A_95 = arith.constant 128 : i32
        %scan3A_96 = arith.addi %scan3A_94, %scan3A_95 : i32
        %scan3A_97 = arith.constant 1 : i32
        scf.for %scan3A_226 = %scan3A_94 to %scan3A_96 step %scan3A_97  : i32 {
          %mul3A_227 = arith.constant 1 : i32
          %mul3A_228 = arith.muli %scan3A_226, %mul3A_227 : i32
          %add3A_229 = arith.constant 0 : i32
          %add3A_230 = arith.addi %add3A_229, %mul3A_228 : i32
          %get3A = arith.index_cast %add3A_230 : i32 to index
          %get3A_231 = arith.constant 0 : index
          %get3A_232 = tpu.vector_load %arg7[%get3A, %get3A_231] {strides = array<i32>} : memref<128x64xbf16, #tpu.memory_space<vmem>>, vector<32xbf16>,
          %bitcast3A = vector.bitcast %get3A_232 : vector<32xbf16> to vector<16xi32>
          %shift_left3A = arith.constant 16 : i32
          %shift_left3A_233 = vector.broadcast %shift_left3A : i32 to vector<16xi32>
          %shift_left3A_234 = arith.shli %bitcast3A, %shift_left3A_233 : vector<16xi32>
          %bitcast3A_235 = vector.bitcast %shift_left3A_234 : vector<16xi32> to vector<16xf32>
          %swap3A = arith.index_cast %add3A_230 : i32 to index
          %swap3A_236 = arith.constant 0 : index
          %swap3A_237 = tpu.vector_load %arg11[%swap3A, %swap3A_236] {strides = array<i32>} : memref<128x64xf32, #tpu.memory_space<vmem>>, vector<16xf32>,
          tpu.vector_store %arg11[%swap3A, %swap3A_236], %bitcast3A_235 {strides = array<i32>} : memref<128x64xf32, #tpu.memory_space<vmem>>, vector<16xf32>,
          %and3A = arith.andi %bitcast3A, %broadcast_in_dim3A_1 : vector<16xi32>
          %bitcast3A_238 = vector.bitcast %and3A : vector<16xi32> to vector<16xf32>
          %swap3A_239 = arith.index_cast %add3A_230 : i32 to index
          %swap3A_240 = arith.constant 16 : index
          %swap3A_241 = tpu.vector_load %arg11[%swap3A_239, %swap3A_240] {strides = array<i32>} : memref<128x64xf32, #tpu.memory_space<vmem>>, vector<16xf32>,
          tpu.vector_store %arg11[%swap3A_239, %swap3A_240], %bitcast3A_238 {strides = array<i32>} : memref<128x64xf32, #tpu.memory_space<vmem>>, vector<16xf32>,
          %get3A_242 = arith.index_cast %add3A_230 : i32 to index
          %get3A_243 = arith.constant 32 : index
          %get3A_244 = tpu.vector_load %arg7[%get3A_242, %get3A_243] {strides = array<i32>} : memref<128x64xbf16, #tpu.memory_space<vmem>>, vector<32xbf16>,
          %bitcast3A_245 = vector.bitcast %get3A_244 : vector<32xbf16> to vector<16xi32>
          %shift_left3A_246 = arith.constant 16 : i32
          %shift_left3A_247 = vector.broadcast %shift_left3A_246 : i32 to vector<16xi32>
          %shift_left3A_248 = arith.shli %bitcast3A_245, %shift_left3A_247 : vector<16xi32>
          %bitcast3A_249 = vector.bitcast %shift_left3A_248 : vector<16xi32> to vector<16xf32>
          %swap3A_250 = arith.index_cast %add3A_230 : i32 to index
          %swap3A_251 = arith.constant 32 : index
          %swap3A_252 = tpu.vector_load %arg11[%swap3A_250, %swap3A_251] {strides = array<i32>} : memref<128x64xf32, #tpu.memory_space<vmem>>, vector<16xf32>,
          tpu.vector_store %arg11[%swap3A_250, %swap3A_251], %bitcast3A_249 {strides = array<i32>} : memref<128x64xf32, #tpu.memory_space<vmem>>, vector<16xf32>,
          %and3A_253 = arith.andi %bitcast3A_245, %broadcast_in_dim3A_1 : vector<16xi32>
          %bitcast3A_254 = vector.bitcast %and3A_253 : vector<16xi32> to vector<16xf32>
          %swap3A_255 = arith.index_cast %add3A_230 : i32 to index
          %swap3A_256 = arith.constant 48 : index
          %swap3A_257 = tpu.vector_load %arg11[%swap3A_255, %swap3A_256] {strides = array<i32>} : memref<128x64xf32, #tpu.memory_space<vmem>>, vector<16xf32>,
          tpu.vector_store %arg11[%swap3A_255, %swap3A_256], %bitcast3A_254 {strides = array<i32>} : memref<128x64xf32, #tpu.memory_space<vmem>>, vector<16xf32>,
        }
        %scan3A_98 = arith.constant 128 : i32
        %add3A_99 = arith.constant 4 : i32
        %add3A_100 = arith.addi %add3A_81, %add3A_99 : i32
        %lt3A = arith.constant 96 : i32
        %lt3A_101 = arith.cmpi slt, %add3A_100, %lt3A : i32
        %convert_element_type3A_102 = arith.extui %lt3A_101 : i1 to i32
        %cond3A_103 = arith.constant 0 : i32
        %cond3A_104 = arith.cmpi ne, %convert_element_type3A_102, %cond3A_103 : i32
        scf.if %cond3A_104 {
          %add3A_226 = arith.constant 4 : i32
          %add3A_227 = arith.addi %add3A_81, %add3A_226 : i32
          %mul3A_228 = arith.constant 2 : i32
          %mul3A_229 = arith.muli %mul3A_228, %add3A_227 : i32
          %dma_start3A_230 = arith.constant 0 : i32
          %dma_start3A_231 = tpu.memref_slice %arg6[%mul3A_229, %dma_start3A_230] : memref<192x128xi32, #tpu.memory_space<vmem>> -> memref<1x128xi32, #tpu.memory_space<vmem>>
          %dma_start3A_232 = tpu.memref_squeeze %dma_start3A_231 : memref<1x128xi32, #tpu.memory_space<vmem>> -> memref<128xi32, #tpu.memory_space<vmem>>
          %dma_start3A_233 = arith.constant 0 : i32
          %dma_start3A_234 = arith.constant 0 : i32
          %dma_start3A_235 = tpu.memref_slice %arg2[%dma_start3A_233, %dma_start3A_234] : memref<10000x64xbf16, #tpu.memory_space<hbm>> -> memref<10000x64xbf16, #tpu.memory_space<hbm>>
          tpu.enqueue_indirect_dma source(%dma_start3A_235 : memref<10000x64xbf16, #tpu.memory_space<hbm>>) target(%arg7 : memref<128x64xbf16, #tpu.memory_space<vmem>>) offsets(%dma_start3A_232 : memref<128xi32, #tpu.memory_space<vmem>>) semaphore(%arg16 : memref<!tpu.dma_semaphore, #tpu.memory_space<semaphore_mem>>)
        } else {
        }
        %mul3A_105 = arith.constant 2 : i32
        %mul3A_106 = arith.muli %mul3A_105, %add3A_81 : i32
        %add3A_107 = arith.constant 1 : i32
        %add3A_108 = arith.addi %mul3A_106, %add3A_107 : i32
        %dma_start3A_109 = arith.constant 0 : i32
        %dma_start3A_110 = tpu.memref_slice %arg6[%add3A_108, %dma_start3A_109] : memref<192x128xi32, #tpu.memory_space<vmem>> -> memref<1x128xi32, #tpu.memory_space<vmem>>
        %dma_start3A_111 = tpu.memref_squeeze %dma_start3A_110 : memref<1x128xi32, #tpu.memory_space<vmem>> -> memref<128xi32, #tpu.memory_space<vmem>>
        %dma_start3A_112 = arith.constant 0 : i32
        %dma_start3A_113 = arith.constant 0 : i32
        %dma_start3A_114 = tpu.memref_slice %arg15[%dma_start3A_112, %dma_start3A_113] : memref<10240x64xf32, #tpu.memory_space<vmem_shared>> -> memref<10240x64xf32, #tpu.memory_space<vmem_shared>>
        tpu.enqueue_indirect_dma source(%arg11 : memref<128x64xf32, #tpu.memory_space<vmem>>) target(%dma_start3A_114 : memref<10240x64xf32, #tpu.memory_space<vmem_shared>>) offsets(%dma_start3A_111 : memref<128xi32, #tpu.memory_space<vmem>>) semaphore(%arg20 : memref<!tpu.dma_semaphore, #tpu.memory_space<semaphore_mem>>) {add = true}
        %add3A_115 = arith.constant 1 : i32
        %add3A_116 = arith.addi %add3A_79, %add3A_115 : i32
        %mul3A_117 = arith.constant 2 : i32
        %mul3A_118 = arith.muli %mul3A_117, %add3A_116 : i32
        %dma_wait3A_119 = arith.constant 0 : i32
        %dma_wait3A_120 = tpu.memref_slice %arg6[%mul3A_118, %dma_wait3A_119] : memref<192x128xi32, #tpu.memory_space<vmem>> -> memref<1x128xi32, #tpu.memory_space<vmem>>
        %dma_wait3A_121 = tpu.memref_squeeze %dma_wait3A_120 : memref<1x128xi32, #tpu.memory_space<vmem>> -> memref<128xi32, #tpu.memory_space<vmem>>
        %dma_wait3A_122 = arith.constant 0 : i32
        %dma_wait3A_123 = arith.constant 0 : i32
        %dma_wait3A_124 = tpu.memref_slice %arg2[%dma_wait3A_122, %dma_wait3A_123] : memref<10000x64xbf16, #tpu.memory_space<hbm>> -> memref<10000x64xbf16, #tpu.memory_space<hbm>>
        tpu.wait_indirect_dma semaphore(%arg17 : memref<!tpu.dma_semaphore, #tpu.memory_space<semaphore_mem>>) src(%dma_wait3A_124 : memref<10000x64xbf16, #tpu.memory_space<hbm>>) dst(%arg8 : memref<128x64xbf16, #tpu.memory_space<vmem>>)
        %ge3A_125 = arith.constant 4 : i32
        %ge3A_126 = arith.cmpi sge, %add3A_116, %ge3A_125 : i32
        %convert_element_type3A_127 = arith.extui %ge3A_126 : i1 to i32
        %cond3A_128 = arith.constant 0 : i32
        %cond3A_129 = arith.cmpi ne, %convert_element_type3A_127, %cond3A_128 : i32
        scf.if %cond3A_129 {
          %sub3A = arith.constant 4 : i32
          %sub3A_226 = arith.subi %add3A_116, %sub3A : i32
          %mul3A_227 = arith.constant 2 : i32
          %mul3A_228 = arith.muli %mul3A_227, %sub3A_226 : i32
          %add3A_229 = arith.constant 1 : i32
          %add3A_230 = arith.addi %mul3A_228, %add3A_229 : i32
          %dma_wait3A_231 = arith.constant 0 : i32
          %dma_wait3A_232 = tpu.memref_slice %arg6[%add3A_230, %dma_wait3A_231] : memref<192x128xi32, #tpu.memory_space<vmem>> -> memref<1x128xi32, #tpu.memory_space<vmem>>
          %dma_wait3A_233 = tpu.memref_squeeze %dma_wait3A_232 : memref<1x128xi32, #tpu.memory_space<vmem>> -> memref<128xi32, #tpu.memory_space<vmem>>
          %dma_wait3A_234 = arith.constant 0 : i32
          %dma_wait3A_235 = arith.constant 0 : i32
          %dma_wait3A_236 = tpu.memref_slice %arg15[%dma_wait3A_234, %dma_wait3A_235] : memref<10240x64xf32, #tpu.memory_space<vmem_shared>> -> memref<10240x64xf32, #tpu.memory_space<vmem_shared>>
          tpu.wait_indirect_dma semaphore(%arg21 : memref<!tpu.dma_semaphore, #tpu.memory_space<semaphore_mem>>) src(%arg12 : memref<128x64xf32, #tpu.memory_space<vmem>>) dst(%dma_wait3A_236 : memref<10240x64xf32, #tpu.memory_space<vmem_shared>>)
        } else {
        }
        %scan3A_130 = arith.constant 0 : i32
        %scan3A_131 = arith.constant 128 : i32
        %scan3A_132 = arith.addi %scan3A_130, %scan3A_131 : i32
        %scan3A_133 = arith.constant 1 : i32
        scf.for %scan3A_226 = %scan3A_130 to %scan3A_132 step %scan3A_133  : i32 {
          %mul3A_227 = arith.constant 1 : i32
          %mul3A_228 = arith.muli %scan3A_226, %mul3A_227 : i32
          %add3A_229 = arith.constant 0 : i32
          %add3A_230 = arith.addi %add3A_229, %mul3A_228 : i32
          %get3A = arith.index_cast %add3A_230 : i32 to index
          %get3A_231 = arith.constant 0 : index
          %get3A_232 = tpu.vector_load %arg8[%get3A, %get3A_231] {strides = array<i32>} : memref<128x64xbf16, #tpu.memory_space<vmem>>, vector<32xbf16>,
          %bitcast3A = vector.bitcast %get3A_232 : vector<32xbf16> to vector<16xi32>
          %shift_left3A = arith.constant 16 : i32
          %shift_left3A_233 = vector.broadcast %shift_left3A : i32 to vector<16xi32>
          %shift_left3A_234 = arith.shli %bitcast3A, %shift_left3A_233 : vector<16xi32>
          %bitcast3A_235 = vector.bitcast %shift_left3A_234 : vector<16xi32> to vector<16xf32>
          %swap3A = arith.index_cast %add3A_230 : i32 to index
          %swap3A_236 = arith.constant 0 : index
          %swap3A_237 = tpu.vector_load %arg12[%swap3A, %swap3A_236] {strides = array<i32>} : memref<128x64xf32, #tpu.memory_space<vmem>>, vector<16xf32>,
          tpu.vector_store %arg12[%swap3A, %swap3A_236], %bitcast3A_235 {strides = array<i32>} : memref<128x64xf32, #tpu.memory_space<vmem>>, vector<16xf32>,
          %and3A = arith.andi %bitcast3A, %broadcast_in_dim3A_1 : vector<16xi32>
          %bitcast3A_238 = vector.bitcast %and3A : vector<16xi32> to vector<16xf32>
          %swap3A_239 = arith.index_cast %add3A_230 : i32 to index
          %swap3A_240 = arith.constant 16 : index
          %swap3A_241 = tpu.vector_load %arg12[%swap3A_239, %swap3A_240] {strides = array<i32>} : memref<128x64xf32, #tpu.memory_space<vmem>>, vector<16xf32>,
          tpu.vector_store %arg12[%swap3A_239, %swap3A_240], %bitcast3A_238 {strides = array<i32>} : memref<128x64xf32, #tpu.memory_space<vmem>>, vector<16xf32>,
          %get3A_242 = arith.index_cast %add3A_230 : i32 to index
          %get3A_243 = arith.constant 32 : index
          %get3A_244 = tpu.vector_load %arg8[%get3A_242, %get3A_243] {strides = array<i32>} : memref<128x64xbf16, #tpu.memory_space<vmem>>, vector<32xbf16>,
          %bitcast3A_245 = vector.bitcast %get3A_244 : vector<32xbf16> to vector<16xi32>
          %shift_left3A_246 = arith.constant 16 : i32
          %shift_left3A_247 = vector.broadcast %shift_left3A_246 : i32 to vector<16xi32>
          %shift_left3A_248 = arith.shli %bitcast3A_245, %shift_left3A_247 : vector<16xi32>
          %bitcast3A_249 = vector.bitcast %shift_left3A_248 : vector<16xi32> to vector<16xf32>
          %swap3A_250 = arith.index_cast %add3A_230 : i32 to index
          %swap3A_251 = arith.constant 32 : index
          %swap3A_252 = tpu.vector_load %arg12[%swap3A_250, %swap3A_251] {strides = array<i32>} : memref<128x64xf32, #tpu.memory_space<vmem>>, vector<16xf32>,
          tpu.vector_store %arg12[%swap3A_250, %swap3A_251], %bitcast3A_249 {strides = array<i32>} : memref<128x64xf32, #tpu.memory_space<vmem>>, vector<16xf32>,
          %and3A_253 = arith.andi %bitcast3A_245, %broadcast_in_dim3A_1 : vector<16xi32>
          %bitcast3A_254 = vector.bitcast %and3A_253 : vector<16xi32> to vector<16xf32>
          %swap3A_255 = arith.index_cast %add3A_230 : i32 to index
          %swap3A_256 = arith.constant 48 : index
          %swap3A_257 = tpu.vector_load %arg12[%swap3A_255, %swap3A_256] {strides = array<i32>} : memref<128x64xf32, #tpu.memory_space<vmem>>, vector<16xf32>,
          tpu.vector_store %arg12[%swap3A_255, %swap3A_256], %bitcast3A_254 {strides = array<i32>} : memref<128x64xf32, #tpu.memory_space<vmem>>, vector<16xf32>,
        }
        %scan3A_134 = arith.constant 128 : i32
        %add3A_135 = arith.constant 4 : i32
        %add3A_136 = arith.addi %add3A_116, %add3A_135 : i32
        %lt3A_137 = arith.constant 96 : i32
        %lt3A_138 = arith.cmpi slt, %add3A_136, %lt3A_137 : i32
        %convert_element_type3A_139 = arith.extui %lt3A_138 : i1 to i32
        %cond3A_140 = arith.constant 0 : i32
        %cond3A_141 = arith.cmpi ne, %convert_element_type3A_139, %cond3A_140 : i32
        scf.if %cond3A_141 {
          %add3A_226 = arith.constant 4 : i32
          %add3A_227 = arith.addi %add3A_116, %add3A_226 : i32
          %mul3A_228 = arith.constant 2 : i32
          %mul3A_229 = arith.muli %mul3A_228, %add3A_227 : i32
          %dma_start3A_230 = arith.constant 0 : i32
          %dma_start3A_231 = tpu.memref_slice %arg6[%mul3A_229, %dma_start3A_230] : memref<192x128xi32, #tpu.memory_space<vmem>> -> memref<1x128xi32, #tpu.memory_space<vmem>>
          %dma_start3A_232 = tpu.memref_squeeze %dma_start3A_231 : memref<1x128xi32, #tpu.memory_space<vmem>> -> memref<128xi32, #tpu.memory_space<vmem>>
          %dma_start3A_233 = arith.constant 0 : i32
          %dma_start3A_234 = arith.constant 0 : i32
          %dma_start3A_235 = tpu.memref_slice %arg2[%dma_start3A_233, %dma_start3A_234] : memref<10000x64xbf16, #tpu.memory_space<hbm>> -> memref<10000x64xbf16, #tpu.memory_space<hbm>>
          tpu.enqueue_indirect_dma source(%dma_start3A_235 : memref<10000x64xbf16, #tpu.memory_space<hbm>>) target(%arg8 : memref<128x64xbf16, #tpu.memory_space<vmem>>) offsets(%dma_start3A_232 : memref<128xi32, #tpu.memory_space<vmem>>) semaphore(%arg17 : memref<!tpu.dma_semaphore, #tpu.memory_space<semaphore_mem>>)
        } else {
        }
        %mul3A_142 = arith.constant 2 : i32
        %mul3A_143 = arith.muli %mul3A_142, %add3A_116 : i32
        %add3A_144 = arith.constant 1 : i32
        %add3A_145 = arith.addi %mul3A_143, %add3A_144 : i32
        %dma_start3A_146 = arith.constant 0 : i32
        %dma_start3A_147 = tpu.memref_slice %arg6[%add3A_145, %dma_start3A_146] : memref<192x128xi32, #tpu.memory_space<vmem>> -> memref<1x128xi32, #tpu.memory_space<vmem>>
        %dma_start3A_148 = tpu.memref_squeeze %dma_start3A_147 : memref<1x128xi32, #tpu.memory_space<vmem>> -> memref<128xi32, #tpu.memory_space<vmem>>
        %dma_start3A_149 = arith.constant 0 : i32
        %dma_start3A_150 = arith.constant 0 : i32
        %dma_start3A_151 = tpu.memref_slice %arg15[%dma_start3A_149, %dma_start3A_150] : memref<10240x64xf32, #tpu.memory_space<vmem_shared>> -> memref<10240x64xf32, #tpu.memory_space<vmem_shared>>
        tpu.enqueue_indirect_dma source(%arg12 : memref<128x64xf32, #tpu.memory_space<vmem>>) target(%dma_start3A_151 : memref<10240x64xf32, #tpu.memory_space<vmem_shared>>) offsets(%dma_start3A_148 : memref<128xi32, #tpu.memory_space<vmem>>) semaphore(%arg21 : memref<!tpu.dma_semaphore, #tpu.memory_space<semaphore_mem>>) {add = true}
        %add3A_152 = arith.constant 2 : i32
        %add3A_153 = arith.addi %add3A_79, %add3A_152 : i32
        %mul3A_154 = arith.constant 2 : i32
        %mul3A_155 = arith.muli %mul3A_154, %add3A_153 : i32
        %dma_wait3A_156 = arith.constant 0 : i32
        %dma_wait3A_157 = tpu.memref_slice %arg6[%mul3A_155, %dma_wait3A_156] : memref<192x128xi32, #tpu.memory_space<vmem>> -> memref<1x128xi32, #tpu.memory_space<vmem>>
        %dma_wait3A_158 = tpu.memref_squeeze %dma_wait3A_157 : memref<1x128xi32, #tpu.memory_space<vmem>> -> memref<128xi32, #tpu.memory_space<vmem>>
        %dma_wait3A_159 = arith.constant 0 : i32
        %dma_wait3A_160 = arith.constant 0 : i32
        %dma_wait3A_161 = tpu.memref_slice %arg2[%dma_wait3A_159, %dma_wait3A_160] : memref<10000x64xbf16, #tpu.memory_space<hbm>> -> memref<10000x64xbf16, #tpu.memory_space<hbm>>
        tpu.wait_indirect_dma semaphore(%arg18 : memref<!tpu.dma_semaphore, #tpu.memory_space<semaphore_mem>>) src(%dma_wait3A_161 : memref<10000x64xbf16, #tpu.memory_space<hbm>>) dst(%arg9 : memref<128x64xbf16, #tpu.memory_space<vmem>>)
        %ge3A_162 = arith.constant 4 : i32
        %ge3A_163 = arith.cmpi sge, %add3A_153, %ge3A_162 : i32
        %convert_element_type3A_164 = arith.extui %ge3A_163 : i1 to i32
        %cond3A_165 = arith.constant 0 : i32
        %cond3A_166 = arith.cmpi ne, %convert_element_type3A_164, %cond3A_165 : i32
        scf.if %cond3A_166 {
          %sub3A = arith.constant 4 : i32
          %sub3A_226 = arith.subi %add3A_153, %sub3A : i32
          %mul3A_227 = arith.constant 2 : i32
          %mul3A_228 = arith.muli %mul3A_227, %sub3A_226 : i32
          %add3A_229 = arith.constant 1 : i32
          %add3A_230 = arith.addi %mul3A_228, %add3A_229 : i32
          %dma_wait3A_231 = arith.constant 0 : i32
          %dma_wait3A_232 = tpu.memref_slice %arg6[%add3A_230, %dma_wait3A_231] : memref<192x128xi32, #tpu.memory_space<vmem>> -> memref<1x128xi32, #tpu.memory_space<vmem>>
          %dma_wait3A_233 = tpu.memref_squeeze %dma_wait3A_232 : memref<1x128xi32, #tpu.memory_space<vmem>> -> memref<128xi32, #tpu.memory_space<vmem>>
          %dma_wait3A_234 = arith.constant 0 : i32
          %dma_wait3A_235 = arith.constant 0 : i32
          %dma_wait3A_236 = tpu.memref_slice %arg15[%dma_wait3A_234, %dma_wait3A_235] : memref<10240x64xf32, #tpu.memory_space<vmem_shared>> -> memref<10240x64xf32, #tpu.memory_space<vmem_shared>>
          tpu.wait_indirect_dma semaphore(%arg22 : memref<!tpu.dma_semaphore, #tpu.memory_space<semaphore_mem>>) src(%arg13 : memref<128x64xf32, #tpu.memory_space<vmem>>) dst(%dma_wait3A_236 : memref<10240x64xf32, #tpu.memory_space<vmem_shared>>)
        } else {
        }
        %scan3A_167 = arith.constant 0 : i32
        %scan3A_168 = arith.constant 128 : i32
        %scan3A_169 = arith.addi %scan3A_167, %scan3A_168 : i32
        %scan3A_170 = arith.constant 1 : i32
        scf.for %scan3A_226 = %scan3A_167 to %scan3A_169 step %scan3A_170  : i32 {
          %mul3A_227 = arith.constant 1 : i32
          %mul3A_228 = arith.muli %scan3A_226, %mul3A_227 : i32
          %add3A_229 = arith.constant 0 : i32
          %add3A_230 = arith.addi %add3A_229, %mul3A_228 : i32
          %get3A = arith.index_cast %add3A_230 : i32 to index
          %get3A_231 = arith.constant 0 : index
          %get3A_232 = tpu.vector_load %arg9[%get3A, %get3A_231] {strides = array<i32>} : memref<128x64xbf16, #tpu.memory_space<vmem>>, vector<32xbf16>,
          %bitcast3A = vector.bitcast %get3A_232 : vector<32xbf16> to vector<16xi32>
          %shift_left3A = arith.constant 16 : i32
          %shift_left3A_233 = vector.broadcast %shift_left3A : i32 to vector<16xi32>
          %shift_left3A_234 = arith.shli %bitcast3A, %shift_left3A_233 : vector<16xi32>
          %bitcast3A_235 = vector.bitcast %shift_left3A_234 : vector<16xi32> to vector<16xf32>
          %swap3A = arith.index_cast %add3A_230 : i32 to index
          %swap3A_236 = arith.constant 0 : index
          %swap3A_237 = tpu.vector_load %arg13[%swap3A, %swap3A_236] {strides = array<i32>} : memref<128x64xf32, #tpu.memory_space<vmem>>, vector<16xf32>,
          tpu.vector_store %arg13[%swap3A, %swap3A_236], %bitcast3A_235 {strides = array<i32>} : memref<128x64xf32, #tpu.memory_space<vmem>>, vector<16xf32>,
          %and3A = arith.andi %bitcast3A, %broadcast_in_dim3A_1 : vector<16xi32>
          %bitcast3A_238 = vector.bitcast %and3A : vector<16xi32> to vector<16xf32>
          %swap3A_239 = arith.index_cast %add3A_230 : i32 to index
          %swap3A_240 = arith.constant 16 : index
          %swap3A_241 = tpu.vector_load %arg13[%swap3A_239, %swap3A_240] {strides = array<i32>} : memref<128x64xf32, #tpu.memory_space<vmem>>, vector<16xf32>,
          tpu.vector_store %arg13[%swap3A_239, %swap3A_240], %bitcast3A_238 {strides = array<i32>} : memref<128x64xf32, #tpu.memory_space<vmem>>, vector<16xf32>,
          %get3A_242 = arith.index_cast %add3A_230 : i32 to index
          %get3A_243 = arith.constant 32 : index
          %get3A_244 = tpu.vector_load %arg9[%get3A_242, %get3A_243] {strides = array<i32>} : memref<128x64xbf16, #tpu.memory_space<vmem>>, vector<32xbf16>,
          %bitcast3A_245 = vector.bitcast %get3A_244 : vector<32xbf16> to vector<16xi32>
          %shift_left3A_246 = arith.constant 16 : i32
          %shift_left3A_247 = vector.broadcast %shift_left3A_246 : i32 to vector<16xi32>
          %shift_left3A_248 = arith.shli %bitcast3A_245, %shift_left3A_247 : vector<16xi32>
          %bitcast3A_249 = vector.bitcast %shift_left3A_248 : vector<16xi32> to vector<16xf32>
          %swap3A_250 = arith.index_cast %add3A_230 : i32 to index
          %swap3A_251 = arith.constant 32 : index
          %swap3A_252 = tpu.vector_load %arg13[%swap3A_250, %swap3A_251] {strides = array<i32>} : memref<128x64xf32, #tpu.memory_space<vmem>>, vector<16xf32>,
          tpu.vector_store %arg13[%swap3A_250, %swap3A_251], %bitcast3A_249 {strides = array<i32>} : memref<128x64xf32, #tpu.memory_space<vmem>>, vector<16xf32>,
          %and3A_253 = arith.andi %bitcast3A_245, %broadcast_in_dim3A_1 : vector<16xi32>
          %bitcast3A_254 = vector.bitcast %and3A_253 : vector<16xi32> to vector<16xf32>
          %swap3A_255 = arith.index_cast %add3A_230 : i32 to index
          %swap3A_256 = arith.constant 48 : index
          %swap3A_257 = tpu.vector_load %arg13[%swap3A_255, %swap3A_256] {strides = array<i32>} : memref<128x64xf32, #tpu.memory_space<vmem>>, vector<16xf32>,
          tpu.vector_store %arg13[%swap3A_255, %swap3A_256], %bitcast3A_254 {strides = array<i32>} : memref<128x64xf32, #tpu.memory_space<vmem>>, vector<16xf32>,
        }
        %scan3A_171 = arith.constant 128 : i32
        %add3A_172 = arith.constant 4 : i32
        %add3A_173 = arith.addi %add3A_153, %add3A_172 : i32
        %lt3A_174 = arith.constant 96 : i32
        %lt3A_175 = arith.cmpi slt, %add3A_173, %lt3A_174 : i32
        %convert_element_type3A_176 = arith.extui %lt3A_175 : i1 to i32
        %cond3A_177 = arith.constant 0 : i32
        %cond3A_178 = arith.cmpi ne, %convert_element_type3A_176, %cond3A_177 : i32
        scf.if %cond3A_178 {
          %add3A_226 = arith.constant 4 : i32
          %add3A_227 = arith.addi %add3A_153, %add3A_226 : i32
          %mul3A_228 = arith.constant 2 : i32
          %mul3A_229 = arith.muli %mul3A_228, %add3A_227 : i32
          %dma_start3A_230 = arith.constant 0 : i32
          %dma_start3A_231 = tpu.memref_slice %arg6[%mul3A_229, %dma_start3A_230] : memref<192x128xi32, #tpu.memory_space<vmem>> -> memref<1x128xi32, #tpu.memory_space<vmem>>
          %dma_start3A_232 = tpu.memref_squeeze %dma_start3A_231 : memref<1x128xi32, #tpu.memory_space<vmem>> -> memref<128xi32, #tpu.memory_space<vmem>>
          %dma_start3A_233 = arith.constant 0 : i32
          %dma_start3A_234 = arith.constant 0 : i32
          %dma_start3A_235 = tpu.memref_slice %arg2[%dma_start3A_233, %dma_start3A_234] : memref<10000x64xbf16, #tpu.memory_space<hbm>> -> memref<10000x64xbf16, #tpu.memory_space<hbm>>
          tpu.enqueue_indirect_dma source(%dma_start3A_235 : memref<10000x64xbf16, #tpu.memory_space<hbm>>) target(%arg9 : memref<128x64xbf16, #tpu.memory_space<vmem>>) offsets(%dma_start3A_232 : memref<128xi32, #tpu.memory_space<vmem>>) semaphore(%arg18 : memref<!tpu.dma_semaphore, #tpu.memory_space<semaphore_mem>>)
        } else {
        }
        %mul3A_179 = arith.constant 2 : i32
        %mul3A_180 = arith.muli %mul3A_179, %add3A_153 : i32
        %add3A_181 = arith.constant 1 : i32
        %add3A_182 = arith.addi %mul3A_180, %add3A_181 : i32
        %dma_start3A_183 = arith.constant 0 : i32
        %dma_start3A_184 = tpu.memref_slice %arg6[%add3A_182, %dma_start3A_183] : memref<192x128xi32, #tpu.memory_space<vmem>> -> memref<1x128xi32, #tpu.memory_space<vmem>>
        %dma_start3A_185 = tpu.memref_squeeze %dma_start3A_184 : memref<1x128xi32, #tpu.memory_space<vmem>> -> memref<128xi32, #tpu.memory_space<vmem>>
        %dma_start3A_186 = arith.constant 0 : i32
        %dma_start3A_187 = arith.constant 0 : i32
        %dma_start3A_188 = tpu.memref_slice %arg15[%dma_start3A_186, %dma_start3A_187] : memref<10240x64xf32, #tpu.memory_space<vmem_shared>> -> memref<10240x64xf32, #tpu.memory_space<vmem_shared>>
        tpu.enqueue_indirect_dma source(%arg13 : memref<128x64xf32, #tpu.memory_space<vmem>>) target(%dma_start3A_188 : memref<10240x64xf32, #tpu.memory_space<vmem_shared>>) offsets(%dma_start3A_185 : memref<128xi32, #tpu.memory_space<vmem>>) semaphore(%arg22 : memref<!tpu.dma_semaphore, #tpu.memory_space<semaphore_mem>>) {add = true}
        %add3A_189 = arith.constant 3 : i32
        %add3A_190 = arith.addi %add3A_79, %add3A_189 : i32
        %mul3A_191 = arith.constant 2 : i32
        %mul3A_192 = arith.muli %mul3A_191, %add3A_190 : i32
        %dma_wait3A_193 = arith.constant 0 : i32
        %dma_wait3A_194 = tpu.memref_slice %arg6[%mul3A_192, %dma_wait3A_193] : memref<192x128xi32, #tpu.memory_space<vmem>> -> memref<1x128xi32, #tpu.memory_space<vmem>>
        %dma_wait3A_195 = tpu.memref_squeeze %dma_wait3A_194 : memref<1x128xi32, #tpu.memory_space<vmem>> -> memref<128xi32, #tpu.memory_space<vmem>>
        %dma_wait3A_196 = arith.constant 0 : i32
        %dma_wait3A_197 = arith.constant 0 : i32
        %dma_wait3A_198 = tpu.memref_slice %arg2[%dma_wait3A_196, %dma_wait3A_197] : memref<10000x64xbf16, #tpu.memory_space<hbm>> -> memref<10000x64xbf16, #tpu.memory_space<hbm>>
        tpu.wait_indirect_dma semaphore(%arg19 : memref<!tpu.dma_semaphore, #tpu.memory_space<semaphore_mem>>) src(%dma_wait3A_198 : memref<10000x64xbf16, #tpu.memory_space<hbm>>) dst(%arg10 : memref<128x64xbf16, #tpu.memory_space<vmem>>)
        %ge3A_199 = arith.constant 4 : i32
        %ge3A_200 = arith.cmpi sge, %add3A_190, %ge3A_199 : i32
        %convert_element_type3A_201 = arith.extui %ge3A_200 : i1 to i32
        %cond3A_202 = arith.constant 0 : i32
        %cond3A_203 = arith.cmpi ne, %convert_element_type3A_201, %cond3A_202 : i32
        scf.if %cond3A_203 {
          %sub3A = arith.constant 4 : i32
          %sub3A_226 = arith.subi %add3A_190, %sub3A : i32
          %mul3A_227 = arith.constant 2 : i32
          %mul3A_228 = arith.muli %mul3A_227, %sub3A_226 : i32
          %add3A_229 = arith.constant 1 : i32
          %add3A_230 = arith.addi %mul3A_228, %add3A_229 : i32
          %dma_wait3A_231 = arith.constant 0 : i32
          %dma_wait3A_232 = tpu.memref_slice %arg6[%add3A_230, %dma_wait3A_231] : memref<192x128xi32, #tpu.memory_space<vmem>> -> memref<1x128xi32, #tpu.memory_space<vmem>>
          %dma_wait3A_233 = tpu.memref_squeeze %dma_wait3A_232 : memref<1x128xi32, #tpu.memory_space<vmem>> -> memref<128xi32, #tpu.memory_space<vmem>>
          %dma_wait3A_234 = arith.constant 0 : i32
          %dma_wait3A_235 = arith.constant 0 : i32
          %dma_wait3A_236 = tpu.memref_slice %arg15[%dma_wait3A_234, %dma_wait3A_235] : memref<10240x64xf32, #tpu.memory_space<vmem_shared>> -> memref<10240x64xf32, #tpu.memory_space<vmem_shared>>
          tpu.wait_indirect_dma semaphore(%arg23 : memref<!tpu.dma_semaphore, #tpu.memory_space<semaphore_mem>>) src(%arg14 : memref<128x64xf32, #tpu.memory_space<vmem>>) dst(%dma_wait3A_236 : memref<10240x64xf32, #tpu.memory_space<vmem_shared>>)
        } else {
        }
        %scan3A_204 = arith.constant 0 : i32
        %scan3A_205 = arith.constant 128 : i32
        %scan3A_206 = arith.addi %scan3A_204, %scan3A_205 : i32
        %scan3A_207 = arith.constant 1 : i32
        scf.for %scan3A_226 = %scan3A_204 to %scan3A_206 step %scan3A_207  : i32 {
          %mul3A_227 = arith.constant 1 : i32
          %mul3A_228 = arith.muli %scan3A_226, %mul3A_227 : i32
          %add3A_229 = arith.constant 0 : i32
          %add3A_230 = arith.addi %add3A_229, %mul3A_228 : i32
          %get3A = arith.index_cast %add3A_230 : i32 to index
          %get3A_231 = arith.constant 0 : index
          %get3A_232 = tpu.vector_load %arg10[%get3A, %get3A_231] {strides = array<i32>} : memref<128x64xbf16, #tpu.memory_space<vmem>>, vector<32xbf16>,
          %bitcast3A = vector.bitcast %get3A_232 : vector<32xbf16> to vector<16xi32>
          %shift_left3A = arith.constant 16 : i32
          %shift_left3A_233 = vector.broadcast %shift_left3A : i32 to vector<16xi32>
          %shift_left3A_234 = arith.shli %bitcast3A, %shift_left3A_233 : vector<16xi32>
          %bitcast3A_235 = vector.bitcast %shift_left3A_234 : vector<16xi32> to vector<16xf32>
          %swap3A = arith.index_cast %add3A_230 : i32 to index
          %swap3A_236 = arith.constant 0 : index
          %swap3A_237 = tpu.vector_load %arg14[%swap3A, %swap3A_236] {strides = array<i32>} : memref<128x64xf32, #tpu.memory_space<vmem>>, vector<16xf32>,
          tpu.vector_store %arg14[%swap3A, %swap3A_236], %bitcast3A_235 {strides = array<i32>} : memref<128x64xf32, #tpu.memory_space<vmem>>, vector<16xf32>,
          %and3A = arith.andi %bitcast3A, %broadcast_in_dim3A_1 : vector<16xi32>
          %bitcast3A_238 = vector.bitcast %and3A : vector<16xi32> to vector<16xf32>
          %swap3A_239 = arith.index_cast %add3A_230 : i32 to index
          %swap3A_240 = arith.constant 16 : index
          %swap3A_241 = tpu.vector_load %arg14[%swap3A_239, %swap3A_240] {strides = array<i32>} : memref<128x64xf32, #tpu.memory_space<vmem>>, vector<16xf32>,
          tpu.vector_store %arg14[%swap3A_239, %swap3A_240], %bitcast3A_238 {strides = array<i32>} : memref<128x64xf32, #tpu.memory_space<vmem>>, vector<16xf32>,
          %get3A_242 = arith.index_cast %add3A_230 : i32 to index
          %get3A_243 = arith.constant 32 : index
          %get3A_244 = tpu.vector_load %arg10[%get3A_242, %get3A_243] {strides = array<i32>} : memref<128x64xbf16, #tpu.memory_space<vmem>>, vector<32xbf16>,
          %bitcast3A_245 = vector.bitcast %get3A_244 : vector<32xbf16> to vector<16xi32>
          %shift_left3A_246 = arith.constant 16 : i32
          %shift_left3A_247 = vector.broadcast %shift_left3A_246 : i32 to vector<16xi32>
          %shift_left3A_248 = arith.shli %bitcast3A_245, %shift_left3A_247 : vector<16xi32>
          %bitcast3A_249 = vector.bitcast %shift_left3A_248 : vector<16xi32> to vector<16xf32>
          %swap3A_250 = arith.index_cast %add3A_230 : i32 to index
          %swap3A_251 = arith.constant 32 : index
          %swap3A_252 = tpu.vector_load %arg14[%swap3A_250, %swap3A_251] {strides = array<i32>} : memref<128x64xf32, #tpu.memory_space<vmem>>, vector<16xf32>,
          tpu.vector_store %arg14[%swap3A_250, %swap3A_251], %bitcast3A_249 {strides = array<i32>} : memref<128x64xf32, #tpu.memory_space<vmem>>, vector<16xf32>,
          %and3A_253 = arith.andi %bitcast3A_245, %broadcast_in_dim3A_1 : vector<16xi32>
          %bitcast3A_254 = vector.bitcast %and3A_253 : vector<16xi32> to vector<16xf32>
          %swap3A_255 = arith.index_cast %add3A_230 : i32 to index
          %swap3A_256 = arith.constant 48 : index
          %swap3A_257 = tpu.vector_load %arg14[%swap3A_255, %swap3A_256] {strides = array<i32>} : memref<128x64xf32, #tpu.memory_space<vmem>>, vector<16xf32>,
          tpu.vector_store %arg14[%swap3A_255, %swap3A_256], %bitcast3A_254 {strides = array<i32>} : memref<128x64xf32, #tpu.memory_space<vmem>>, vector<16xf32>,
        }
        %scan3A_208 = arith.constant 128 : i32
        %add3A_209 = arith.constant 4 : i32
        %add3A_210 = arith.addi %add3A_190, %add3A_209 : i32
        %lt3A_211 = arith.constant 96 : i32
        %lt3A_212 = arith.cmpi slt, %add3A_210, %lt3A_211 : i32
        %convert_element_type3A_213 = arith.extui %lt3A_212 : i1 to i32
        %cond3A_214 = arith.constant 0 : i32
        %cond3A_215 = arith.cmpi ne, %convert_element_type3A_213, %cond3A_214 : i32
        scf.if %cond3A_215 {
          %add3A_226 = arith.constant 4 : i32
          %add3A_227 = arith.addi %add3A_190, %add3A_226 : i32
          %mul3A_228 = arith.constant 2 : i32
          %mul3A_229 = arith.muli %mul3A_228, %add3A_227 : i32
          %dma_start3A_230 = arith.constant 0 : i32
          %dma_start3A_231 = tpu.memref_slice %arg6[%mul3A_229, %dma_start3A_230] : memref<192x128xi32, #tpu.memory_space<vmem>> -> memref<1x128xi32, #tpu.memory_space<vmem>>
          %dma_start3A_232 = tpu.memref_squeeze %dma_start3A_231 : memref<1x128xi32, #tpu.memory_space<vmem>> -> memref<128xi32, #tpu.memory_space<vmem>>
          %dma_start3A_233 = arith.constant 0 : i32
          %dma_start3A_234 = arith.constant 0 : i32
          %dma_start3A_235 = tpu.memref_slice %arg2[%dma_start3A_233, %dma_start3A_234] : memref<10000x64xbf16, #tpu.memory_space<hbm>> -> memref<10000x64xbf16, #tpu.memory_space<hbm>>
          tpu.enqueue_indirect_dma source(%dma_start3A_235 : memref<10000x64xbf16, #tpu.memory_space<hbm>>) target(%arg10 : memref<128x64xbf16, #tpu.memory_space<vmem>>) offsets(%dma_start3A_232 : memref<128xi32, #tpu.memory_space<vmem>>) semaphore(%arg19 : memref<!tpu.dma_semaphore, #tpu.memory_space<semaphore_mem>>)
        } else {
        }
        %mul3A_216 = arith.constant 2 : i32
        %mul3A_217 = arith.muli %mul3A_216, %add3A_190 : i32
        %add3A_218 = arith.constant 1 : i32
        %add3A_219 = arith.addi %mul3A_217, %add3A_218 : i32
        %dma_start3A_220 = arith.constant 0 : i32
        %dma_start3A_221 = tpu.memref_slice %arg6[%add3A_219, %dma_start3A_220] : memref<192x128xi32, #tpu.memory_space<vmem>> -> memref<1x128xi32, #tpu.memory_space<vmem>>
        %dma_start3A_222 = tpu.memref_squeeze %dma_start3A_221 : memref<1x128xi32, #tpu.memory_space<vmem>> -> memref<128xi32, #tpu.memory_space<vmem>>
        %dma_start3A_223 = arith.constant 0 : i32
        %dma_start3A_224 = arith.constant 0 : i32
        %dma_start3A_225 = tpu.memref_slice %arg15[%dma_start3A_223, %dma_start3A_224] : memref<10240x64xf32, #tpu.memory_space<vmem_shared>> -> memref<10240x64xf32, #tpu.memory_space<vmem_shared>>
        tpu.enqueue_indirect_dma source(%arg14 : memref<128x64xf32, #tpu.memory_space<vmem>>) target(%dma_start3A_225 : memref<10240x64xf32, #tpu.memory_space<vmem_shared>>) offsets(%dma_start3A_222 : memref<128xi32, #tpu.memory_space<vmem>>) semaphore(%arg23 : memref<!tpu.dma_semaphore, #tpu.memory_space<semaphore_mem>>) {add = true}
      }
      %scan3A_48 = arith.constant 24 : i32
      %dma_wait3A = arith.constant 185 : i32
      %dma_wait3A_49 = arith.constant 0 : i32
      %dma_wait3A_50 = tpu.memref_slice %arg6[%dma_wait3A, %dma_wait3A_49] : memref<192x128xi32, #tpu.memory_space<vmem>> -> memref<1x128xi32, #tpu.memory_space<vmem>>
      %dma_wait3A_51 = tpu.memref_squeeze %dma_wait3A_50 : memref<1x128xi32, #tpu.memory_space<vmem>> -> memref<128xi32, #tpu.memory_space<vmem>>
      %dma_wait3A_52 = arith.constant 0 : i32
      %dma_wait3A_53 = arith.constant 0 : i32
      %dma_wait3A_54 = tpu.memref_slice %arg15[%dma_wait3A_52, %dma_wait3A_53] : memref<10240x64xf32, #tpu.memory_space<vmem_shared>> -> memref<10240x64xf32, #tpu.memory_space<vmem_shared>>
      tpu.wait_indirect_dma semaphore(%arg20 : memref<!tpu.dma_semaphore, #tpu.memory_space<semaphore_mem>>) src(%arg11 : memref<128x64xf32, #tpu.memory_space<vmem>>) dst(%dma_wait3A_54 : memref<10240x64xf32, #tpu.memory_space<vmem_shared>>)
      %dma_wait3A_55 = arith.constant 187 : i32
      %dma_wait3A_56 = arith.constant 0 : i32
      %dma_wait3A_57 = tpu.memref_slice %arg6[%dma_wait3A_55, %dma_wait3A_56] : memref<192x128xi32, #tpu.memory_space<vmem>> -> memref<1x128xi32, #tpu.memory_space<vmem>>
      %dma_wait3A_58 = tpu.memref_squeeze %dma_wait3A_57 : memref<1x128xi32, #tpu.memory_space<vmem>> -> memref<128xi32, #tpu.memory_space<vmem>>
      %dma_wait3A_59 = arith.constant 0 : i32
      %dma_wait3A_60 = arith.constant 0 : i32
      %dma_wait3A_61 = tpu.memref_slice %arg15[%dma_wait3A_59, %dma_wait3A_60] : memref<10240x64xf32, #tpu.memory_space<vmem_shared>> -> memref<10240x64xf32, #tpu.memory_space<vmem_shared>>
      tpu.wait_indirect_dma semaphore(%arg21 : memref<!tpu.dma_semaphore, #tpu.memory_space<semaphore_mem>>) src(%arg12 : memref<128x64xf32, #tpu.memory_space<vmem>>) dst(%dma_wait3A_61 : memref<10240x64xf32, #tpu.memory_space<vmem_shared>>)
      %dma_wait3A_62 = arith.constant 189 : i32
      %dma_wait3A_63 = arith.constant 0 : i32
      %dma_wait3A_64 = tpu.memref_slice %arg6[%dma_wait3A_62, %dma_wait3A_63] : memref<192x128xi32, #tpu.memory_space<vmem>> -> memref<1x128xi32, #tpu.memory_space<vmem>>
      %dma_wait3A_65 = tpu.memref_squeeze %dma_wait3A_64 : memref<1x128xi32, #tpu.memory_space<vmem>> -> memref<128xi32, #tpu.memory_space<vmem>>
      %dma_wait3A_66 = arith.constant 0 : i32
      %dma_wait3A_67 = arith.constant 0 : i32
      %dma_wait3A_68 = tpu.memref_slice %arg15[%dma_wait3A_66, %dma_wait3A_67] : memref<10240x64xf32, #tpu.memory_space<vmem_shared>> -> memref<10240x64xf32, #tpu.memory_space<vmem_shared>>
      tpu.wait_indirect_dma semaphore(%arg22 : memref<!tpu.dma_semaphore, #tpu.memory_space<semaphore_mem>>) src(%arg13 : memref<128x64xf32, #tpu.memory_space<vmem>>) dst(%dma_wait3A_68 : memref<10240x64xf32, #tpu.memory_space<vmem_shared>>)
      %dma_wait3A_69 = arith.constant 191 : i32
      %dma_wait3A_70 = arith.constant 0 : i32
      %dma_wait3A_71 = tpu.memref_slice %arg6[%dma_wait3A_69, %dma_wait3A_70] : memref<192x128xi32, #tpu.memory_space<vmem>> -> memref<1x128xi32, #tpu.memory_space<vmem>>
      %dma_wait3A_72 = tpu.memref_squeeze %dma_wait3A_71 : memref<1x128xi32, #tpu.memory_space<vmem>> -> memref<128xi32, #tpu.memory_space<vmem>>
      %dma_wait3A_73 = arith.constant 0 : i32
      %dma_wait3A_74 = arith.constant 0 : i32
      %dma_wait3A_75 = tpu.memref_slice %arg15[%dma_wait3A_73, %dma_wait3A_74] : memref<10240x64xf32, #tpu.memory_space<vmem_shared>> -> memref<10240x64xf32, #tpu.memory_space<vmem_shared>>
      tpu.wait_indirect_dma semaphore(%arg23 : memref<!tpu.dma_semaphore, #tpu.memory_space<semaphore_mem>>) src(%arg14 : memref<128x64xf32, #tpu.memory_space<vmem>>) dst(%dma_wait3A_75 : memref<10240x64xf32, #tpu.memory_space<vmem_shared>>)
    } else {
    }
    %eq3A_4 = arith.constant 1 : i32
    %eq3A_5 = arith.cmpi eq, %arg0, %eq3A_4 : i32
    %convert_element_type3A_6 = arith.extui %eq3A_5 : i1 to i32
    %cond3A_7 = arith.constant 0 : i32
    %cond3A_8 = arith.cmpi ne, %convert_element_type3A_6, %cond3A_7 : i32
    scf.if %cond3A_8 {
      %mul3A_14 = arith.constant 64 : i32
      %mul3A_15 = arith.muli %arg1, %mul3A_14 : i32
      %add3A = arith.constant 1536 : i32
      %add3A_16 = arith.addi %add3A, %mul3A_15 : i32
      %mul3A_17 = arith.constant 2 : i32
      %mul3A_18 = arith.muli %mul3A_17, %add3A_16 : i32
      "tpu.region"() ({
        %run_scoped3A = tpu.sem_alloc : memref<!tpu.dma_semaphore, #tpu.memory_space<semaphore_mem>>
        %dma_start3A_77 = arith.constant 0 : i32
        %dma_start3A_78 = arith.constant 0 : i32
        %dma_start3A_79 = tpu.memref_slice %arg6[%dma_start3A_77, %dma_start3A_78] : memref<192x128xi32, #tpu.memory_space<vmem>> -> memref<128x128xi32, #tpu.memory_space<vmem>>
        %dma_start3A_80 = arith.constant 0 : i32
        %dma_start3A_81 = tpu.memref_slice %arg3[%mul3A_18, %dma_start3A_80] : memref<5120x128xi32, #tpu.memory_space<hbm>> -> memref<128x128xi32, #tpu.memory_space<hbm>>
        %dma_start3A_82 = arith.constant 0 : i32
        %dma_start3A_83 = arith.constant 0 : i32
        %dma_start3A_84 = tpu.memref_slice %arg6[%dma_start3A_82, %dma_start3A_83] : memref<192x128xi32, #tpu.memory_space<vmem>> -> memref<128x128xi32, #tpu.memory_space<vmem>>
        %dma_start3A_85 = arith.constant 0 : i32
        %dma_start3A_86 = tpu.memref_slice %arg3[%mul3A_18, %dma_start3A_85] : memref<5120x128xi32, #tpu.memory_space<hbm>> -> memref<128x128xi32, #tpu.memory_space<hbm>>
        tpu.enqueue_dma source(%dma_start3A_86 : memref<128x128xi32, #tpu.memory_space<hbm>>) target(%dma_start3A_84 : memref<128x128xi32, #tpu.memory_space<vmem>>) target_semaphore(%run_scoped3A : memref<!tpu.dma_semaphore, #tpu.memory_space<semaphore_mem>>)
        %dma_wait3A_87 = arith.constant 0 : i32
        %dma_wait3A_88 = arith.constant 0 : i32
        %dma_wait3A_89 = tpu.memref_slice %arg6[%dma_wait3A_87, %dma_wait3A_88] : memref<192x128xi32, #tpu.memory_space<vmem>> -> memref<128x128xi32, #tpu.memory_space<vmem>>
        %dma_wait3A_90 = arith.constant 0 : i32
        %dma_wait3A_91 = tpu.memref_slice %arg3[%mul3A_18, %dma_wait3A_90] : memref<5120x128xi32, #tpu.memory_space<hbm>> -> memref<128x128xi32, #tpu.memory_space<hbm>>
        %dma_wait3A_92 = arith.constant 0 : i32
        %dma_wait3A_93 = arith.constant 0 : i32
        %dma_wait3A_94 = tpu.memref_slice %arg6[%dma_wait3A_92, %dma_wait3A_93] : memref<192x128xi32, #tpu.memory_space<vmem>> -> memref<128x128xi32, #tpu.memory_space<vmem>>
        %dma_wait3A_95 = arith.constant 0 : i32
        %dma_wait3A_96 = tpu.memref_slice %arg3[%mul3A_18, %dma_wait3A_95] : memref<5120x128xi32, #tpu.memory_space<hbm>> -> memref<128x128xi32, #tpu.memory_space<hbm>>
        tpu.wait_dma2 semaphore(%run_scoped3A : memref<!tpu.dma_semaphore, #tpu.memory_space<semaphore_mem>>) src(%dma_wait3A_96 : memref<128x128xi32, #tpu.memory_space<hbm>>) dst(%dma_wait3A_94 : memref<128x128xi32, #tpu.memory_space<vmem>>)
        tpu.yield
      }) : () -> ()
      %dma_start3A = arith.constant 0 : i32
      %dma_start3A_19 = arith.constant 0 : i32
      %dma_start3A_20 = tpu.memref_slice %arg6[%dma_start3A, %dma_start3A_19] : memref<192x128xi32, #tpu.memory_space<vmem>> -> memref<1x128xi32, #tpu.memory_space<vmem>>
      %dma_start3A_21 = tpu.memref_squeeze %dma_start3A_20 : memref<1x128xi32, #tpu.memory_space<vmem>> -> memref<128xi32, #tpu.memory_space<vmem>>
      %dma_start3A_22 = arith.constant 0 : i32
      %dma_start3A_23 = arith.constant 0 : i32
      %dma_start3A_24 = tpu.memref_slice %arg2[%dma_start3A_22, %dma_start3A_23] : memref<10000x64xbf16, #tpu.memory_space<hbm>> -> memref<10000x64xbf16, #tpu.memory_space<hbm>>
      tpu.enqueue_indirect_dma source(%dma_start3A_24 : memref<10000x64xbf16, #tpu.memory_space<hbm>>) target(%arg7 : memref<128x64xbf16, #tpu.memory_space<vmem>>) offsets(%dma_start3A_21 : memref<128xi32, #tpu.memory_space<vmem>>) semaphore(%arg16 : memref<!tpu.dma_semaphore, #tpu.memory_space<semaphore_mem>>)
      %dma_start3A_25 = arith.constant 2 : i32
      %dma_start3A_26 = arith.constant 0 : i32
      %dma_start3A_27 = tpu.memref_slice %arg6[%dma_start3A_25, %dma_start3A_26] : memref<192x128xi32, #tpu.memory_space<vmem>> -> memref<1x128xi32, #tpu.memory_space<vmem>>
      %dma_start3A_28 = tpu.memref_squeeze %dma_start3A_27 : memref<1x128xi32, #tpu.memory_space<vmem>> -> memref<128xi32, #tpu.memory_space<vmem>>
      %dma_start3A_29 = arith.constant 0 : i32
      %dma_start3A_30 = arith.constant 0 : i32
      %dma_start3A_31 = tpu.memref_slice %arg2[%dma_start3A_29, %dma_start3A_30] : memref<10000x64xbf16, #tpu.memory_space<hbm>> -> memref<10000x64xbf16, #tpu.memory_space<hbm>>
      tpu.enqueue_indirect_dma source(%dma_start3A_31 : memref<10000x64xbf16, #tpu.memory_space<hbm>>) target(%arg8 : memref<128x64xbf16, #tpu.memory_space<vmem>>) offsets(%dma_start3A_28 : memref<128xi32, #tpu.memory_space<vmem>>) semaphore(%arg17 : memref<!tpu.dma_semaphore, #tpu.memory_space<semaphore_mem>>)
      %dma_start3A_32 = arith.constant 4 : i32
      %dma_start3A_33 = arith.constant 0 : i32
      %dma_start3A_34 = tpu.memref_slice %arg6[%dma_start3A_32, %dma_start3A_33] : memref<192x128xi32, #tpu.memory_space<vmem>> -> memref<1x128xi32, #tpu.memory_space<vmem>>
      %dma_start3A_35 = tpu.memref_squeeze %dma_start3A_34 : memref<1x128xi32, #tpu.memory_space<vmem>> -> memref<128xi32, #tpu.memory_space<vmem>>
      %dma_start3A_36 = arith.constant 0 : i32
      %dma_start3A_37 = arith.constant 0 : i32
      %dma_start3A_38 = tpu.memref_slice %arg2[%dma_start3A_36, %dma_start3A_37] : memref<10000x64xbf16, #tpu.memory_space<hbm>> -> memref<10000x64xbf16, #tpu.memory_space<hbm>>
      tpu.enqueue_indirect_dma source(%dma_start3A_38 : memref<10000x64xbf16, #tpu.memory_space<hbm>>) target(%arg9 : memref<128x64xbf16, #tpu.memory_space<vmem>>) offsets(%dma_start3A_35 : memref<128xi32, #tpu.memory_space<vmem>>) semaphore(%arg18 : memref<!tpu.dma_semaphore, #tpu.memory_space<semaphore_mem>>)
      %dma_start3A_39 = arith.constant 6 : i32
      %dma_start3A_40 = arith.constant 0 : i32
      %dma_start3A_41 = tpu.memref_slice %arg6[%dma_start3A_39, %dma_start3A_40] : memref<192x128xi32, #tpu.memory_space<vmem>> -> memref<1x128xi32, #tpu.memory_space<vmem>>
      %dma_start3A_42 = tpu.memref_squeeze %dma_start3A_41 : memref<1x128xi32, #tpu.memory_space<vmem>> -> memref<128xi32, #tpu.memory_space<vmem>>
      %dma_start3A_43 = arith.constant 0 : i32
      %dma_start3A_44 = arith.constant 0 : i32
      %dma_start3A_45 = tpu.memref_slice %arg2[%dma_start3A_43, %dma_start3A_44] : memref<10000x64xbf16, #tpu.memory_space<hbm>> -> memref<10000x64xbf16, #tpu.memory_space<hbm>>
      tpu.enqueue_indirect_dma source(%dma_start3A_45 : memref<10000x64xbf16, #tpu.memory_space<hbm>>) target(%arg10 : memref<128x64xbf16, #tpu.memory_space<vmem>>) offsets(%dma_start3A_42 : memref<128xi32, #tpu.memory_space<vmem>>) semaphore(%arg19 : memref<!tpu.dma_semaphore, #tpu.memory_space<semaphore_mem>>)
      %scan3A = arith.constant 0 : i32
      %scan3A_46 = arith.constant 16 : i32
      %scan3A_47 = arith.addi %scan3A, %scan3A_46 : i32
      %scan3A_48 = arith.constant 1 : i32
      scf.for %scan3A_77 = %scan3A to %scan3A_47 step %scan3A_48  : i32 {
        %mul3A_78 = arith.constant 4 : i32
        %mul3A_79 = arith.muli %scan3A_77, %mul3A_78 : i32
        %add3A_80 = arith.constant 0 : i32
        %add3A_81 = arith.addi %add3A_80, %mul3A_79 : i32
        %add3A_82 = arith.constant 0 : i32
        %add3A_83 = arith.addi %add3A_81, %add3A_82 : i32
        %mul3A_84 = arith.constant 2 : i32
        %mul3A_85 = arith.muli %mul3A_84, %add3A_83 : i32
        %dma_wait3A_86 = arith.constant 0 : i32
        %dma_wait3A_87 = tpu.memref_slice %arg6[%mul3A_85, %dma_wait3A_86] : memref<192x128xi32, #tpu.memory_space<vmem>> -> memref<1x128xi32, #tpu.memory_space<vmem>>
        %dma_wait3A_88 = tpu.memref_squeeze %dma_wait3A_87 : memref<1x128xi32, #tpu.memory_space<vmem>> -> memref<128xi32, #tpu.memory_space<vmem>>
        %dma_wait3A_89 = arith.constant 0 : i32
        %dma_wait3A_90 = arith.constant 0 : i32
        %dma_wait3A_91 = tpu.memref_slice %arg2[%dma_wait3A_89, %dma_wait3A_90] : memref<10000x64xbf16, #tpu.memory_space<hbm>> -> memref<10000x64xbf16, #tpu.memory_space<hbm>>
        tpu.wait_indirect_dma semaphore(%arg16 : memref<!tpu.dma_semaphore, #tpu.memory_space<semaphore_mem>>) src(%dma_wait3A_91 : memref<10000x64xbf16, #tpu.memory_space<hbm>>) dst(%arg7 : memref<128x64xbf16, #tpu.memory_space<vmem>>)
        %ge3A = arith.constant 4 : i32
        %ge3A_92 = arith.cmpi sge, %add3A_83, %ge3A : i32
        %convert_element_type3A_93 = arith.extui %ge3A_92 : i1 to i32
        %cond3A_94 = arith.constant 0 : i32
        %cond3A_95 = arith.cmpi ne, %convert_element_type3A_93, %cond3A_94 : i32
        scf.if %cond3A_95 {
          %sub3A = arith.constant 4 : i32
          %sub3A_228 = arith.subi %add3A_83, %sub3A : i32
          %mul3A_229 = arith.constant 2 : i32
          %mul3A_230 = arith.muli %mul3A_229, %sub3A_228 : i32
          %add3A_231 = arith.constant 1 : i32
          %add3A_232 = arith.addi %mul3A_230, %add3A_231 : i32
          %dma_wait3A_233 = arith.constant 0 : i32
          %dma_wait3A_234 = tpu.memref_slice %arg6[%add3A_232, %dma_wait3A_233] : memref<192x128xi32, #tpu.memory_space<vmem>> -> memref<1x128xi32, #tpu.memory_space<vmem>>
          %dma_wait3A_235 = tpu.memref_squeeze %dma_wait3A_234 : memref<1x128xi32, #tpu.memory_space<vmem>> -> memref<128xi32, #tpu.memory_space<vmem>>
          %dma_wait3A_236 = arith.constant 0 : i32
          %dma_wait3A_237 = arith.constant 0 : i32
          %dma_wait3A_238 = tpu.memref_slice %arg15[%dma_wait3A_236, %dma_wait3A_237] : memref<10240x64xf32, #tpu.memory_space<vmem_shared>> -> memref<10240x64xf32, #tpu.memory_space<vmem_shared>>
          tpu.wait_indirect_dma semaphore(%arg20 : memref<!tpu.dma_semaphore, #tpu.memory_space<semaphore_mem>>) src(%arg11 : memref<128x64xf32, #tpu.memory_space<vmem>>) dst(%dma_wait3A_238 : memref<10240x64xf32, #tpu.memory_space<vmem_shared>>)
        } else {
        }
        %scan3A_96 = arith.constant 0 : i32
        %scan3A_97 = arith.constant 128 : i32
        %scan3A_98 = arith.addi %scan3A_96, %scan3A_97 : i32
        %scan3A_99 = arith.constant 1 : i32
        scf.for %scan3A_228 = %scan3A_96 to %scan3A_98 step %scan3A_99  : i32 {
          %mul3A_229 = arith.constant 1 : i32
          %mul3A_230 = arith.muli %scan3A_228, %mul3A_229 : i32
          %add3A_231 = arith.constant 0 : i32
          %add3A_232 = arith.addi %add3A_231, %mul3A_230 : i32
          %get3A = arith.index_cast %add3A_232 : i32 to index
          %get3A_233 = arith.constant 0 : index
          %get3A_234 = tpu.vector_load %arg7[%get3A, %get3A_233] {strides = array<i32>} : memref<128x64xbf16, #tpu.memory_space<vmem>>, vector<32xbf16>,
          %bitcast3A = vector.bitcast %get3A_234 : vector<32xbf16> to vector<16xi32>
          %shift_left3A = arith.constant 16 : i32
          %shift_left3A_235 = vector.broadcast %shift_left3A : i32 to vector<16xi32>
          %shift_left3A_236 = arith.shli %bitcast3A, %shift_left3A_235 : vector<16xi32>
          %bitcast3A_237 = vector.bitcast %shift_left3A_236 : vector<16xi32> to vector<16xf32>
          %swap3A = arith.index_cast %add3A_232 : i32 to index
          %swap3A_238 = arith.constant 0 : index
          %swap3A_239 = tpu.vector_load %arg11[%swap3A, %swap3A_238] {strides = array<i32>} : memref<128x64xf32, #tpu.memory_space<vmem>>, vector<16xf32>,
          tpu.vector_store %arg11[%swap3A, %swap3A_238], %bitcast3A_237 {strides = array<i32>} : memref<128x64xf32, #tpu.memory_space<vmem>>, vector<16xf32>,
          %and3A = arith.andi %bitcast3A, %broadcast_in_dim3A_1 : vector<16xi32>
          %bitcast3A_240 = vector.bitcast %and3A : vector<16xi32> to vector<16xf32>
          %swap3A_241 = arith.index_cast %add3A_232 : i32 to index
          %swap3A_242 = arith.constant 16 : index
          %swap3A_243 = tpu.vector_load %arg11[%swap3A_241, %swap3A_242] {strides = array<i32>} : memref<128x64xf32, #tpu.memory_space<vmem>>, vector<16xf32>,
          tpu.vector_store %arg11[%swap3A_241, %swap3A_242], %bitcast3A_240 {strides = array<i32>} : memref<128x64xf32, #tpu.memory_space<vmem>>, vector<16xf32>,
          %get3A_244 = arith.index_cast %add3A_232 : i32 to index
          %get3A_245 = arith.constant 32 : index
          %get3A_246 = tpu.vector_load %arg7[%get3A_244, %get3A_245] {strides = array<i32>} : memref<128x64xbf16, #tpu.memory_space<vmem>>, vector<32xbf16>,
          %bitcast3A_247 = vector.bitcast %get3A_246 : vector<32xbf16> to vector<16xi32>
          %shift_left3A_248 = arith.constant 16 : i32
          %shift_left3A_249 = vector.broadcast %shift_left3A_248 : i32 to vector<16xi32>
          %shift_left3A_250 = arith.shli %bitcast3A_247, %shift_left3A_249 : vector<16xi32>
          %bitcast3A_251 = vector.bitcast %shift_left3A_250 : vector<16xi32> to vector<16xf32>
          %swap3A_252 = arith.index_cast %add3A_232 : i32 to index
          %swap3A_253 = arith.constant 32 : index
          %swap3A_254 = tpu.vector_load %arg11[%swap3A_252, %swap3A_253] {strides = array<i32>} : memref<128x64xf32, #tpu.memory_space<vmem>>, vector<16xf32>,
          tpu.vector_store %arg11[%swap3A_252, %swap3A_253], %bitcast3A_251 {strides = array<i32>} : memref<128x64xf32, #tpu.memory_space<vmem>>, vector<16xf32>,
          %and3A_255 = arith.andi %bitcast3A_247, %broadcast_in_dim3A_1 : vector<16xi32>
          %bitcast3A_256 = vector.bitcast %and3A_255 : vector<16xi32> to vector<16xf32>
          %swap3A_257 = arith.index_cast %add3A_232 : i32 to index
          %swap3A_258 = arith.constant 48 : index
          %swap3A_259 = tpu.vector_load %arg11[%swap3A_257, %swap3A_258] {strides = array<i32>} : memref<128x64xf32, #tpu.memory_space<vmem>>, vector<16xf32>,
          tpu.vector_store %arg11[%swap3A_257, %swap3A_258], %bitcast3A_256 {strides = array<i32>} : memref<128x64xf32, #tpu.memory_space<vmem>>, vector<16xf32>,
        }
        %scan3A_100 = arith.constant 128 : i32
        %add3A_101 = arith.constant 4 : i32
        %add3A_102 = arith.addi %add3A_83, %add3A_101 : i32
        %lt3A = arith.constant 64 : i32
        %lt3A_103 = arith.cmpi slt, %add3A_102, %lt3A : i32
        %convert_element_type3A_104 = arith.extui %lt3A_103 : i1 to i32
        %cond3A_105 = arith.constant 0 : i32
        %cond3A_106 = arith.cmpi ne, %convert_element_type3A_104, %cond3A_105 : i32
        scf.if %cond3A_106 {
          %add3A_228 = arith.constant 4 : i32
          %add3A_229 = arith.addi %add3A_83, %add3A_228 : i32
          %mul3A_230 = arith.constant 2 : i32
          %mul3A_231 = arith.muli %mul3A_230, %add3A_229 : i32
          %dma_start3A_232 = arith.constant 0 : i32
          %dma_start3A_233 = tpu.memref_slice %arg6[%mul3A_231, %dma_start3A_232] : memref<192x128xi32, #tpu.memory_space<vmem>> -> memref<1x128xi32, #tpu.memory_space<vmem>>
          %dma_start3A_234 = tpu.memref_squeeze %dma_start3A_233 : memref<1x128xi32, #tpu.memory_space<vmem>> -> memref<128xi32, #tpu.memory_space<vmem>>
          %dma_start3A_235 = arith.constant 0 : i32
          %dma_start3A_236 = arith.constant 0 : i32
          %dma_start3A_237 = tpu.memref_slice %arg2[%dma_start3A_235, %dma_start3A_236] : memref<10000x64xbf16, #tpu.memory_space<hbm>> -> memref<10000x64xbf16, #tpu.memory_space<hbm>>
          tpu.enqueue_indirect_dma source(%dma_start3A_237 : memref<10000x64xbf16, #tpu.memory_space<hbm>>) target(%arg7 : memref<128x64xbf16, #tpu.memory_space<vmem>>) offsets(%dma_start3A_234 : memref<128xi32, #tpu.memory_space<vmem>>) semaphore(%arg16 : memref<!tpu.dma_semaphore, #tpu.memory_space<semaphore_mem>>)
        } else {
        }
        %mul3A_107 = arith.constant 2 : i32
        %mul3A_108 = arith.muli %mul3A_107, %add3A_83 : i32
        %add3A_109 = arith.constant 1 : i32
        %add3A_110 = arith.addi %mul3A_108, %add3A_109 : i32
        %dma_start3A_111 = arith.constant 0 : i32
        %dma_start3A_112 = tpu.memref_slice %arg6[%add3A_110, %dma_start3A_111] : memref<192x128xi32, #tpu.memory_space<vmem>> -> memref<1x128xi32, #tpu.memory_space<vmem>>
        %dma_start3A_113 = tpu.memref_squeeze %dma_start3A_112 : memref<1x128xi32, #tpu.memory_space<vmem>> -> memref<128xi32, #tpu.memory_space<vmem>>
        %dma_start3A_114 = arith.constant 0 : i32
        %dma_start3A_115 = arith.constant 0 : i32
        %dma_start3A_116 = tpu.memref_slice %arg15[%dma_start3A_114, %dma_start3A_115] : memref<10240x64xf32, #tpu.memory_space<vmem_shared>> -> memref<10240x64xf32, #tpu.memory_space<vmem_shared>>
        tpu.enqueue_indirect_dma source(%arg11 : memref<128x64xf32, #tpu.memory_space<vmem>>) target(%dma_start3A_116 : memref<10240x64xf32, #tpu.memory_space<vmem_shared>>) offsets(%dma_start3A_113 : memref<128xi32, #tpu.memory_space<vmem>>) semaphore(%arg20 : memref<!tpu.dma_semaphore, #tpu.memory_space<semaphore_mem>>) {add = true}
        %add3A_117 = arith.constant 1 : i32
        %add3A_118 = arith.addi %add3A_81, %add3A_117 : i32
        %mul3A_119 = arith.constant 2 : i32
        %mul3A_120 = arith.muli %mul3A_119, %add3A_118 : i32
        %dma_wait3A_121 = arith.constant 0 : i32
        %dma_wait3A_122 = tpu.memref_slice %arg6[%mul3A_120, %dma_wait3A_121] : memref<192x128xi32, #tpu.memory_space<vmem>> -> memref<1x128xi32, #tpu.memory_space<vmem>>
        %dma_wait3A_123 = tpu.memref_squeeze %dma_wait3A_122 : memref<1x128xi32, #tpu.memory_space<vmem>> -> memref<128xi32, #tpu.memory_space<vmem>>
        %dma_wait3A_124 = arith.constant 0 : i32
        %dma_wait3A_125 = arith.constant 0 : i32
        %dma_wait3A_126 = tpu.memref_slice %arg2[%dma_wait3A_124, %dma_wait3A_125] : memref<10000x64xbf16, #tpu.memory_space<hbm>> -> memref<10000x64xbf16, #tpu.memory_space<hbm>>
        tpu.wait_indirect_dma semaphore(%arg17 : memref<!tpu.dma_semaphore, #tpu.memory_space<semaphore_mem>>) src(%dma_wait3A_126 : memref<10000x64xbf16, #tpu.memory_space<hbm>>) dst(%arg8 : memref<128x64xbf16, #tpu.memory_space<vmem>>)
        %ge3A_127 = arith.constant 4 : i32
        %ge3A_128 = arith.cmpi sge, %add3A_118, %ge3A_127 : i32
        %convert_element_type3A_129 = arith.extui %ge3A_128 : i1 to i32
        %cond3A_130 = arith.constant 0 : i32
        %cond3A_131 = arith.cmpi ne, %convert_element_type3A_129, %cond3A_130 : i32
        scf.if %cond3A_131 {
          %sub3A = arith.constant 4 : i32
          %sub3A_228 = arith.subi %add3A_118, %sub3A : i32
          %mul3A_229 = arith.constant 2 : i32
          %mul3A_230 = arith.muli %mul3A_229, %sub3A_228 : i32
          %add3A_231 = arith.constant 1 : i32
          %add3A_232 = arith.addi %mul3A_230, %add3A_231 : i32
          %dma_wait3A_233 = arith.constant 0 : i32
          %dma_wait3A_234 = tpu.memref_slice %arg6[%add3A_232, %dma_wait3A_233] : memref<192x128xi32, #tpu.memory_space<vmem>> -> memref<1x128xi32, #tpu.memory_space<vmem>>
          %dma_wait3A_235 = tpu.memref_squeeze %dma_wait3A_234 : memref<1x128xi32, #tpu.memory_space<vmem>> -> memref<128xi32, #tpu.memory_space<vmem>>
          %dma_wait3A_236 = arith.constant 0 : i32
          %dma_wait3A_237 = arith.constant 0 : i32
          %dma_wait3A_238 = tpu.memref_slice %arg15[%dma_wait3A_236, %dma_wait3A_237] : memref<10240x64xf32, #tpu.memory_space<vmem_shared>> -> memref<10240x64xf32, #tpu.memory_space<vmem_shared>>
          tpu.wait_indirect_dma semaphore(%arg21 : memref<!tpu.dma_semaphore, #tpu.memory_space<semaphore_mem>>) src(%arg12 : memref<128x64xf32, #tpu.memory_space<vmem>>) dst(%dma_wait3A_238 : memref<10240x64xf32, #tpu.memory_space<vmem_shared>>)
        } else {
        }
        %scan3A_132 = arith.constant 0 : i32
        %scan3A_133 = arith.constant 128 : i32
        %scan3A_134 = arith.addi %scan3A_132, %scan3A_133 : i32
        %scan3A_135 = arith.constant 1 : i32
        scf.for %scan3A_228 = %scan3A_132 to %scan3A_134 step %scan3A_135  : i32 {
          %mul3A_229 = arith.constant 1 : i32
          %mul3A_230 = arith.muli %scan3A_228, %mul3A_229 : i32
          %add3A_231 = arith.constant 0 : i32
          %add3A_232 = arith.addi %add3A_231, %mul3A_230 : i32
          %get3A = arith.index_cast %add3A_232 : i32 to index
          %get3A_233 = arith.constant 0 : index
          %get3A_234 = tpu.vector_load %arg8[%get3A, %get3A_233] {strides = array<i32>} : memref<128x64xbf16, #tpu.memory_space<vmem>>, vector<32xbf16>,
          %bitcast3A = vector.bitcast %get3A_234 : vector<32xbf16> to vector<16xi32>
          %shift_left3A = arith.constant 16 : i32
          %shift_left3A_235 = vector.broadcast %shift_left3A : i32 to vector<16xi32>
          %shift_left3A_236 = arith.shli %bitcast3A, %shift_left3A_235 : vector<16xi32>
          %bitcast3A_237 = vector.bitcast %shift_left3A_236 : vector<16xi32> to vector<16xf32>
          %swap3A = arith.index_cast %add3A_232 : i32 to index
          %swap3A_238 = arith.constant 0 : index
          %swap3A_239 = tpu.vector_load %arg12[%swap3A, %swap3A_238] {strides = array<i32>} : memref<128x64xf32, #tpu.memory_space<vmem>>, vector<16xf32>,
          tpu.vector_store %arg12[%swap3A, %swap3A_238], %bitcast3A_237 {strides = array<i32>} : memref<128x64xf32, #tpu.memory_space<vmem>>, vector<16xf32>,
          %and3A = arith.andi %bitcast3A, %broadcast_in_dim3A_1 : vector<16xi32>
          %bitcast3A_240 = vector.bitcast %and3A : vector<16xi32> to vector<16xf32>
          %swap3A_241 = arith.index_cast %add3A_232 : i32 to index
          %swap3A_242 = arith.constant 16 : index
          %swap3A_243 = tpu.vector_load %arg12[%swap3A_241, %swap3A_242] {strides = array<i32>} : memref<128x64xf32, #tpu.memory_space<vmem>>, vector<16xf32>,
          tpu.vector_store %arg12[%swap3A_241, %swap3A_242], %bitcast3A_240 {strides = array<i32>} : memref<128x64xf32, #tpu.memory_space<vmem>>, vector<16xf32>,
          %get3A_244 = arith.index_cast %add3A_232 : i32 to index
          %get3A_245 = arith.constant 32 : index
          %get3A_246 = tpu.vector_load %arg8[%get3A_244, %get3A_245] {strides = array<i32>} : memref<128x64xbf16, #tpu.memory_space<vmem>>, vector<32xbf16>,
          %bitcast3A_247 = vector.bitcast %get3A_246 : vector<32xbf16> to vector<16xi32>
          %shift_left3A_248 = arith.constant 16 : i32
          %shift_left3A_249 = vector.broadcast %shift_left3A_248 : i32 to vector<16xi32>
          %shift_left3A_250 = arith.shli %bitcast3A_247, %shift_left3A_249 : vector<16xi32>
          %bitcast3A_251 = vector.bitcast %shift_left3A_250 : vector<16xi32> to vector<16xf32>
          %swap3A_252 = arith.index_cast %add3A_232 : i32 to index
          %swap3A_253 = arith.constant 32 : index
          %swap3A_254 = tpu.vector_load %arg12[%swap3A_252, %swap3A_253] {strides = array<i32>} : memref<128x64xf32, #tpu.memory_space<vmem>>, vector<16xf32>,
          tpu.vector_store %arg12[%swap3A_252, %swap3A_253], %bitcast3A_251 {strides = array<i32>} : memref<128x64xf32, #tpu.memory_space<vmem>>, vector<16xf32>,
          %and3A_255 = arith.andi %bitcast3A_247, %broadcast_in_dim3A_1 : vector<16xi32>
          %bitcast3A_256 = vector.bitcast %and3A_255 : vector<16xi32> to vector<16xf32>
          %swap3A_257 = arith.index_cast %add3A_232 : i32 to index
          %swap3A_258 = arith.constant 48 : index
          %swap3A_259 = tpu.vector_load %arg12[%swap3A_257, %swap3A_258] {strides = array<i32>} : memref<128x64xf32, #tpu.memory_space<vmem>>, vector<16xf32>,
          tpu.vector_store %arg12[%swap3A_257, %swap3A_258], %bitcast3A_256 {strides = array<i32>} : memref<128x64xf32, #tpu.memory_space<vmem>>, vector<16xf32>,
        }
        %scan3A_136 = arith.constant 128 : i32
        %add3A_137 = arith.constant 4 : i32
        %add3A_138 = arith.addi %add3A_118, %add3A_137 : i32
        %lt3A_139 = arith.constant 64 : i32
        %lt3A_140 = arith.cmpi slt, %add3A_138, %lt3A_139 : i32
        %convert_element_type3A_141 = arith.extui %lt3A_140 : i1 to i32
        %cond3A_142 = arith.constant 0 : i32
        %cond3A_143 = arith.cmpi ne, %convert_element_type3A_141, %cond3A_142 : i32
        scf.if %cond3A_143 {
          %add3A_228 = arith.constant 4 : i32
          %add3A_229 = arith.addi %add3A_118, %add3A_228 : i32
          %mul3A_230 = arith.constant 2 : i32
          %mul3A_231 = arith.muli %mul3A_230, %add3A_229 : i32
          %dma_start3A_232 = arith.constant 0 : i32
          %dma_start3A_233 = tpu.memref_slice %arg6[%mul3A_231, %dma_start3A_232] : memref<192x128xi32, #tpu.memory_space<vmem>> -> memref<1x128xi32, #tpu.memory_space<vmem>>
          %dma_start3A_234 = tpu.memref_squeeze %dma_start3A_233 : memref<1x128xi32, #tpu.memory_space<vmem>> -> memref<128xi32, #tpu.memory_space<vmem>>
          %dma_start3A_235 = arith.constant 0 : i32
          %dma_start3A_236 = arith.constant 0 : i32
          %dma_start3A_237 = tpu.memref_slice %arg2[%dma_start3A_235, %dma_start3A_236] : memref<10000x64xbf16, #tpu.memory_space<hbm>> -> memref<10000x64xbf16, #tpu.memory_space<hbm>>
          tpu.enqueue_indirect_dma source(%dma_start3A_237 : memref<10000x64xbf16, #tpu.memory_space<hbm>>) target(%arg8 : memref<128x64xbf16, #tpu.memory_space<vmem>>) offsets(%dma_start3A_234 : memref<128xi32, #tpu.memory_space<vmem>>) semaphore(%arg17 : memref<!tpu.dma_semaphore, #tpu.memory_space<semaphore_mem>>)
        } else {
        }
        %mul3A_144 = arith.constant 2 : i32
        %mul3A_145 = arith.muli %mul3A_144, %add3A_118 : i32
        %add3A_146 = arith.constant 1 : i32
        %add3A_147 = arith.addi %mul3A_145, %add3A_146 : i32
        %dma_start3A_148 = arith.constant 0 : i32
        %dma_start3A_149 = tpu.memref_slice %arg6[%add3A_147, %dma_start3A_148] : memref<192x128xi32, #tpu.memory_space<vmem>> -> memref<1x128xi32, #tpu.memory_space<vmem>>
        %dma_start3A_150 = tpu.memref_squeeze %dma_start3A_149 : memref<1x128xi32, #tpu.memory_space<vmem>> -> memref<128xi32, #tpu.memory_space<vmem>>
        %dma_start3A_151 = arith.constant 0 : i32
        %dma_start3A_152 = arith.constant 0 : i32
        %dma_start3A_153 = tpu.memref_slice %arg15[%dma_start3A_151, %dma_start3A_152] : memref<10240x64xf32, #tpu.memory_space<vmem_shared>> -> memref<10240x64xf32, #tpu.memory_space<vmem_shared>>
        tpu.enqueue_indirect_dma source(%arg12 : memref<128x64xf32, #tpu.memory_space<vmem>>) target(%dma_start3A_153 : memref<10240x64xf32, #tpu.memory_space<vmem_shared>>) offsets(%dma_start3A_150 : memref<128xi32, #tpu.memory_space<vmem>>) semaphore(%arg21 : memref<!tpu.dma_semaphore, #tpu.memory_space<semaphore_mem>>) {add = true}
        %add3A_154 = arith.constant 2 : i32
        %add3A_155 = arith.addi %add3A_81, %add3A_154 : i32
        %mul3A_156 = arith.constant 2 : i32
        %mul3A_157 = arith.muli %mul3A_156, %add3A_155 : i32
        %dma_wait3A_158 = arith.constant 0 : i32
        %dma_wait3A_159 = tpu.memref_slice %arg6[%mul3A_157, %dma_wait3A_158] : memref<192x128xi32, #tpu.memory_space<vmem>> -> memref<1x128xi32, #tpu.memory_space<vmem>>
        %dma_wait3A_160 = tpu.memref_squeeze %dma_wait3A_159 : memref<1x128xi32, #tpu.memory_space<vmem>> -> memref<128xi32, #tpu.memory_space<vmem>>
        %dma_wait3A_161 = arith.constant 0 : i32
        %dma_wait3A_162 = arith.constant 0 : i32
        %dma_wait3A_163 = tpu.memref_slice %arg2[%dma_wait3A_161, %dma_wait3A_162] : memref<10000x64xbf16, #tpu.memory_space<hbm>> -> memref<10000x64xbf16, #tpu.memory_space<hbm>>
        tpu.wait_indirect_dma semaphore(%arg18 : memref<!tpu.dma_semaphore, #tpu.memory_space<semaphore_mem>>) src(%dma_wait3A_163 : memref<10000x64xbf16, #tpu.memory_space<hbm>>) dst(%arg9 : memref<128x64xbf16, #tpu.memory_space<vmem>>)
        %ge3A_164 = arith.constant 4 : i32
        %ge3A_165 = arith.cmpi sge, %add3A_155, %ge3A_164 : i32
        %convert_element_type3A_166 = arith.extui %ge3A_165 : i1 to i32
        %cond3A_167 = arith.constant 0 : i32
        %cond3A_168 = arith.cmpi ne, %convert_element_type3A_166, %cond3A_167 : i32
        scf.if %cond3A_168 {
          %sub3A = arith.constant 4 : i32
          %sub3A_228 = arith.subi %add3A_155, %sub3A : i32
          %mul3A_229 = arith.constant 2 : i32
          %mul3A_230 = arith.muli %mul3A_229, %sub3A_228 : i32
          %add3A_231 = arith.constant 1 : i32
          %add3A_232 = arith.addi %mul3A_230, %add3A_231 : i32
          %dma_wait3A_233 = arith.constant 0 : i32
          %dma_wait3A_234 = tpu.memref_slice %arg6[%add3A_232, %dma_wait3A_233] : memref<192x128xi32, #tpu.memory_space<vmem>> -> memref<1x128xi32, #tpu.memory_space<vmem>>
          %dma_wait3A_235 = tpu.memref_squeeze %dma_wait3A_234 : memref<1x128xi32, #tpu.memory_space<vmem>> -> memref<128xi32, #tpu.memory_space<vmem>>
          %dma_wait3A_236 = arith.constant 0 : i32
          %dma_wait3A_237 = arith.constant 0 : i32
          %dma_wait3A_238 = tpu.memref_slice %arg15[%dma_wait3A_236, %dma_wait3A_237] : memref<10240x64xf32, #tpu.memory_space<vmem_shared>> -> memref<10240x64xf32, #tpu.memory_space<vmem_shared>>
          tpu.wait_indirect_dma semaphore(%arg22 : memref<!tpu.dma_semaphore, #tpu.memory_space<semaphore_mem>>) src(%arg13 : memref<128x64xf32, #tpu.memory_space<vmem>>) dst(%dma_wait3A_238 : memref<10240x64xf32, #tpu.memory_space<vmem_shared>>)
        } else {
        }
        %scan3A_169 = arith.constant 0 : i32
        %scan3A_170 = arith.constant 128 : i32
        %scan3A_171 = arith.addi %scan3A_169, %scan3A_170 : i32
        %scan3A_172 = arith.constant 1 : i32
        scf.for %scan3A_228 = %scan3A_169 to %scan3A_171 step %scan3A_172  : i32 {
          %mul3A_229 = arith.constant 1 : i32
          %mul3A_230 = arith.muli %scan3A_228, %mul3A_229 : i32
          %add3A_231 = arith.constant 0 : i32
          %add3A_232 = arith.addi %add3A_231, %mul3A_230 : i32
          %get3A = arith.index_cast %add3A_232 : i32 to index
          %get3A_233 = arith.constant 0 : index
          %get3A_234 = tpu.vector_load %arg9[%get3A, %get3A_233] {strides = array<i32>} : memref<128x64xbf16, #tpu.memory_space<vmem>>, vector<32xbf16>,
          %bitcast3A = vector.bitcast %get3A_234 : vector<32xbf16> to vector<16xi32>
          %shift_left3A = arith.constant 16 : i32
          %shift_left3A_235 = vector.broadcast %shift_left3A : i32 to vector<16xi32>
          %shift_left3A_236 = arith.shli %bitcast3A, %shift_left3A_235 : vector<16xi32>
          %bitcast3A_237 = vector.bitcast %shift_left3A_236 : vector<16xi32> to vector<16xf32>
          %swap3A = arith.index_cast %add3A_232 : i32 to index
          %swap3A_238 = arith.constant 0 : index
          %swap3A_239 = tpu.vector_load %arg13[%swap3A, %swap3A_238] {strides = array<i32>} : memref<128x64xf32, #tpu.memory_space<vmem>>, vector<16xf32>,
          tpu.vector_store %arg13[%swap3A, %swap3A_238], %bitcast3A_237 {strides = array<i32>} : memref<128x64xf32, #tpu.memory_space<vmem>>, vector<16xf32>,
          %and3A = arith.andi %bitcast3A, %broadcast_in_dim3A_1 : vector<16xi32>
          %bitcast3A_240 = vector.bitcast %and3A : vector<16xi32> to vector<16xf32>
          %swap3A_241 = arith.index_cast %add3A_232 : i32 to index
          %swap3A_242 = arith.constant 16 : index
          %swap3A_243 = tpu.vector_load %arg13[%swap3A_241, %swap3A_242] {strides = array<i32>} : memref<128x64xf32, #tpu.memory_space<vmem>>, vector<16xf32>,
          tpu.vector_store %arg13[%swap3A_241, %swap3A_242], %bitcast3A_240 {strides = array<i32>} : memref<128x64xf32, #tpu.memory_space<vmem>>, vector<16xf32>,
          %get3A_244 = arith.index_cast %add3A_232 : i32 to index
          %get3A_245 = arith.constant 32 : index
          %get3A_246 = tpu.vector_load %arg9[%get3A_244, %get3A_245] {strides = array<i32>} : memref<128x64xbf16, #tpu.memory_space<vmem>>, vector<32xbf16>,
          %bitcast3A_247 = vector.bitcast %get3A_246 : vector<32xbf16> to vector<16xi32>
          %shift_left3A_248 = arith.constant 16 : i32
          %shift_left3A_249 = vector.broadcast %shift_left3A_248 : i32 to vector<16xi32>
          %shift_left3A_250 = arith.shli %bitcast3A_247, %shift_left3A_249 : vector<16xi32>
          %bitcast3A_251 = vector.bitcast %shift_left3A_250 : vector<16xi32> to vector<16xf32>
          %swap3A_252 = arith.index_cast %add3A_232 : i32 to index
          %swap3A_253 = arith.constant 32 : index
          %swap3A_254 = tpu.vector_load %arg13[%swap3A_252, %swap3A_253] {strides = array<i32>} : memref<128x64xf32, #tpu.memory_space<vmem>>, vector<16xf32>,
          tpu.vector_store %arg13[%swap3A_252, %swap3A_253], %bitcast3A_251 {strides = array<i32>} : memref<128x64xf32, #tpu.memory_space<vmem>>, vector<16xf32>,
          %and3A_255 = arith.andi %bitcast3A_247, %broadcast_in_dim3A_1 : vector<16xi32>
          %bitcast3A_256 = vector.bitcast %and3A_255 : vector<16xi32> to vector<16xf32>
          %swap3A_257 = arith.index_cast %add3A_232 : i32 to index
          %swap3A_258 = arith.constant 48 : index
          %swap3A_259 = tpu.vector_load %arg13[%swap3A_257, %swap3A_258] {strides = array<i32>} : memref<128x64xf32, #tpu.memory_space<vmem>>, vector<16xf32>,
          tpu.vector_store %arg13[%swap3A_257, %swap3A_258], %bitcast3A_256 {strides = array<i32>} : memref<128x64xf32, #tpu.memory_space<vmem>>, vector<16xf32>,
        }
        %scan3A_173 = arith.constant 128 : i32
        %add3A_174 = arith.constant 4 : i32
        %add3A_175 = arith.addi %add3A_155, %add3A_174 : i32
        %lt3A_176 = arith.constant 64 : i32
        %lt3A_177 = arith.cmpi slt, %add3A_175, %lt3A_176 : i32
        %convert_element_type3A_178 = arith.extui %lt3A_177 : i1 to i32
        %cond3A_179 = arith.constant 0 : i32
        %cond3A_180 = arith.cmpi ne, %convert_element_type3A_178, %cond3A_179 : i32
        scf.if %cond3A_180 {
          %add3A_228 = arith.constant 4 : i32
          %add3A_229 = arith.addi %add3A_155, %add3A_228 : i32
          %mul3A_230 = arith.constant 2 : i32
          %mul3A_231 = arith.muli %mul3A_230, %add3A_229 : i32
          %dma_start3A_232 = arith.constant 0 : i32
          %dma_start3A_233 = tpu.memref_slice %arg6[%mul3A_231, %dma_start3A_232] : memref<192x128xi32, #tpu.memory_space<vmem>> -> memref<1x128xi32, #tpu.memory_space<vmem>>
          %dma_start3A_234 = tpu.memref_squeeze %dma_start3A_233 : memref<1x128xi32, #tpu.memory_space<vmem>> -> memref<128xi32, #tpu.memory_space<vmem>>
          %dma_start3A_235 = arith.constant 0 : i32
          %dma_start3A_236 = arith.constant 0 : i32
          %dma_start3A_237 = tpu.memref_slice %arg2[%dma_start3A_235, %dma_start3A_236] : memref<10000x64xbf16, #tpu.memory_space<hbm>> -> memref<10000x64xbf16, #tpu.memory_space<hbm>>
          tpu.enqueue_indirect_dma source(%dma_start3A_237 : memref<10000x64xbf16, #tpu.memory_space<hbm>>) target(%arg9 : memref<128x64xbf16, #tpu.memory_space<vmem>>) offsets(%dma_start3A_234 : memref<128xi32, #tpu.memory_space<vmem>>) semaphore(%arg18 : memref<!tpu.dma_semaphore, #tpu.memory_space<semaphore_mem>>)
        } else {
        }
        %mul3A_181 = arith.constant 2 : i32
        %mul3A_182 = arith.muli %mul3A_181, %add3A_155 : i32
        %add3A_183 = arith.constant 1 : i32
        %add3A_184 = arith.addi %mul3A_182, %add3A_183 : i32
        %dma_start3A_185 = arith.constant 0 : i32
        %dma_start3A_186 = tpu.memref_slice %arg6[%add3A_184, %dma_start3A_185] : memref<192x128xi32, #tpu.memory_space<vmem>> -> memref<1x128xi32, #tpu.memory_space<vmem>>
        %dma_start3A_187 = tpu.memref_squeeze %dma_start3A_186 : memref<1x128xi32, #tpu.memory_space<vmem>> -> memref<128xi32, #tpu.memory_space<vmem>>
        %dma_start3A_188 = arith.constant 0 : i32
        %dma_start3A_189 = arith.constant 0 : i32
        %dma_start3A_190 = tpu.memref_slice %arg15[%dma_start3A_188, %dma_start3A_189] : memref<10240x64xf32, #tpu.memory_space<vmem_shared>> -> memref<10240x64xf32, #tpu.memory_space<vmem_shared>>
        tpu.enqueue_indirect_dma source(%arg13 : memref<128x64xf32, #tpu.memory_space<vmem>>) target(%dma_start3A_190 : memref<10240x64xf32, #tpu.memory_space<vmem_shared>>) offsets(%dma_start3A_187 : memref<128xi32, #tpu.memory_space<vmem>>) semaphore(%arg22 : memref<!tpu.dma_semaphore, #tpu.memory_space<semaphore_mem>>) {add = true}
        %add3A_191 = arith.constant 3 : i32
        %add3A_192 = arith.addi %add3A_81, %add3A_191 : i32
        %mul3A_193 = arith.constant 2 : i32
        %mul3A_194 = arith.muli %mul3A_193, %add3A_192 : i32
        %dma_wait3A_195 = arith.constant 0 : i32
        %dma_wait3A_196 = tpu.memref_slice %arg6[%mul3A_194, %dma_wait3A_195] : memref<192x128xi32, #tpu.memory_space<vmem>> -> memref<1x128xi32, #tpu.memory_space<vmem>>
        %dma_wait3A_197 = tpu.memref_squeeze %dma_wait3A_196 : memref<1x128xi32, #tpu.memory_space<vmem>> -> memref<128xi32, #tpu.memory_space<vmem>>
        %dma_wait3A_198 = arith.constant 0 : i32
        %dma_wait3A_199 = arith.constant 0 : i32
        %dma_wait3A_200 = tpu.memref_slice %arg2[%dma_wait3A_198, %dma_wait3A_199] : memref<10000x64xbf16, #tpu.memory_space<hbm>> -> memref<10000x64xbf16, #tpu.memory_space<hbm>>
        tpu.wait_indirect_dma semaphore(%arg19 : memref<!tpu.dma_semaphore, #tpu.memory_space<semaphore_mem>>) src(%dma_wait3A_200 : memref<10000x64xbf16, #tpu.memory_space<hbm>>) dst(%arg10 : memref<128x64xbf16, #tpu.memory_space<vmem>>)
        %ge3A_201 = arith.constant 4 : i32
        %ge3A_202 = arith.cmpi sge, %add3A_192, %ge3A_201 : i32
        %convert_element_type3A_203 = arith.extui %ge3A_202 : i1 to i32
        %cond3A_204 = arith.constant 0 : i32
        %cond3A_205 = arith.cmpi ne, %convert_element_type3A_203, %cond3A_204 : i32
        scf.if %cond3A_205 {
          %sub3A = arith.constant 4 : i32
          %sub3A_228 = arith.subi %add3A_192, %sub3A : i32
          %mul3A_229 = arith.constant 2 : i32
          %mul3A_230 = arith.muli %mul3A_229, %sub3A_228 : i32
          %add3A_231 = arith.constant 1 : i32
          %add3A_232 = arith.addi %mul3A_230, %add3A_231 : i32
          %dma_wait3A_233 = arith.constant 0 : i32
          %dma_wait3A_234 = tpu.memref_slice %arg6[%add3A_232, %dma_wait3A_233] : memref<192x128xi32, #tpu.memory_space<vmem>> -> memref<1x128xi32, #tpu.memory_space<vmem>>
          %dma_wait3A_235 = tpu.memref_squeeze %dma_wait3A_234 : memref<1x128xi32, #tpu.memory_space<vmem>> -> memref<128xi32, #tpu.memory_space<vmem>>
          %dma_wait3A_236 = arith.constant 0 : i32
          %dma_wait3A_237 = arith.constant 0 : i32
          %dma_wait3A_238 = tpu.memref_slice %arg15[%dma_wait3A_236, %dma_wait3A_237] : memref<10240x64xf32, #tpu.memory_space<vmem_shared>> -> memref<10240x64xf32, #tpu.memory_space<vmem_shared>>
          tpu.wait_indirect_dma semaphore(%arg23 : memref<!tpu.dma_semaphore, #tpu.memory_space<semaphore_mem>>) src(%arg14 : memref<128x64xf32, #tpu.memory_space<vmem>>) dst(%dma_wait3A_238 : memref<10240x64xf32, #tpu.memory_space<vmem_shared>>)
        } else {
        }
        %scan3A_206 = arith.constant 0 : i32
        %scan3A_207 = arith.constant 128 : i32
        %scan3A_208 = arith.addi %scan3A_206, %scan3A_207 : i32
        %scan3A_209 = arith.constant 1 : i32
        scf.for %scan3A_228 = %scan3A_206 to %scan3A_208 step %scan3A_209  : i32 {
          %mul3A_229 = arith.constant 1 : i32
          %mul3A_230 = arith.muli %scan3A_228, %mul3A_229 : i32
          %add3A_231 = arith.constant 0 : i32
          %add3A_232 = arith.addi %add3A_231, %mul3A_230 : i32
          %get3A = arith.index_cast %add3A_232 : i32 to index
          %get3A_233 = arith.constant 0 : index
          %get3A_234 = tpu.vector_load %arg10[%get3A, %get3A_233] {strides = array<i32>} : memref<128x64xbf16, #tpu.memory_space<vmem>>, vector<32xbf16>,
          %bitcast3A = vector.bitcast %get3A_234 : vector<32xbf16> to vector<16xi32>
          %shift_left3A = arith.constant 16 : i32
          %shift_left3A_235 = vector.broadcast %shift_left3A : i32 to vector<16xi32>
          %shift_left3A_236 = arith.shli %bitcast3A, %shift_left3A_235 : vector<16xi32>
          %bitcast3A_237 = vector.bitcast %shift_left3A_236 : vector<16xi32> to vector<16xf32>
          %swap3A = arith.index_cast %add3A_232 : i32 to index
          %swap3A_238 = arith.constant 0 : index
          %swap3A_239 = tpu.vector_load %arg14[%swap3A, %swap3A_238] {strides = array<i32>} : memref<128x64xf32, #tpu.memory_space<vmem>>, vector<16xf32>,
          tpu.vector_store %arg14[%swap3A, %swap3A_238], %bitcast3A_237 {strides = array<i32>} : memref<128x64xf32, #tpu.memory_space<vmem>>, vector<16xf32>,
          %and3A = arith.andi %bitcast3A, %broadcast_in_dim3A_1 : vector<16xi32>
          %bitcast3A_240 = vector.bitcast %and3A : vector<16xi32> to vector<16xf32>
          %swap3A_241 = arith.index_cast %add3A_232 : i32 to index
          %swap3A_242 = arith.constant 16 : index
          %swap3A_243 = tpu.vector_load %arg14[%swap3A_241, %swap3A_242] {strides = array<i32>} : memref<128x64xf32, #tpu.memory_space<vmem>>, vector<16xf32>,
          tpu.vector_store %arg14[%swap3A_241, %swap3A_242], %bitcast3A_240 {strides = array<i32>} : memref<128x64xf32, #tpu.memory_space<vmem>>, vector<16xf32>,
          %get3A_244 = arith.index_cast %add3A_232 : i32 to index
          %get3A_245 = arith.constant 32 : index
          %get3A_246 = tpu.vector_load %arg10[%get3A_244, %get3A_245] {strides = array<i32>} : memref<128x64xbf16, #tpu.memory_space<vmem>>, vector<32xbf16>,
          %bitcast3A_247 = vector.bitcast %get3A_246 : vector<32xbf16> to vector<16xi32>
          %shift_left3A_248 = arith.constant 16 : i32
          %shift_left3A_249 = vector.broadcast %shift_left3A_248 : i32 to vector<16xi32>
          %shift_left3A_250 = arith.shli %bitcast3A_247, %shift_left3A_249 : vector<16xi32>
          %bitcast3A_251 = vector.bitcast %shift_left3A_250 : vector<16xi32> to vector<16xf32>
          %swap3A_252 = arith.index_cast %add3A_232 : i32 to index
          %swap3A_253 = arith.constant 32 : index
          %swap3A_254 = tpu.vector_load %arg14[%swap3A_252, %swap3A_253] {strides = array<i32>} : memref<128x64xf32, #tpu.memory_space<vmem>>, vector<16xf32>,
          tpu.vector_store %arg14[%swap3A_252, %swap3A_253], %bitcast3A_251 {strides = array<i32>} : memref<128x64xf32, #tpu.memory_space<vmem>>, vector<16xf32>,
          %and3A_255 = arith.andi %bitcast3A_247, %broadcast_in_dim3A_1 : vector<16xi32>
          %bitcast3A_256 = vector.bitcast %and3A_255 : vector<16xi32> to vector<16xf32>
          %swap3A_257 = arith.index_cast %add3A_232 : i32 to index
          %swap3A_258 = arith.constant 48 : index
          %swap3A_259 = tpu.vector_load %arg14[%swap3A_257, %swap3A_258] {strides = array<i32>} : memref<128x64xf32, #tpu.memory_space<vmem>>, vector<16xf32>,
          tpu.vector_store %arg14[%swap3A_257, %swap3A_258], %bitcast3A_256 {strides = array<i32>} : memref<128x64xf32, #tpu.memory_space<vmem>>, vector<16xf32>,
        }
        %scan3A_210 = arith.constant 128 : i32
        %add3A_211 = arith.constant 4 : i32
        %add3A_212 = arith.addi %add3A_192, %add3A_211 : i32
        %lt3A_213 = arith.constant 64 : i32
        %lt3A_214 = arith.cmpi slt, %add3A_212, %lt3A_213 : i32
        %convert_element_type3A_215 = arith.extui %lt3A_214 : i1 to i32
        %cond3A_216 = arith.constant 0 : i32
        %cond3A_217 = arith.cmpi ne, %convert_element_type3A_215, %cond3A_216 : i32
        scf.if %cond3A_217 {
          %add3A_228 = arith.constant 4 : i32
          %add3A_229 = arith.addi %add3A_192, %add3A_228 : i32
          %mul3A_230 = arith.constant 2 : i32
          %mul3A_231 = arith.muli %mul3A_230, %add3A_229 : i32
          %dma_start3A_232 = arith.constant 0 : i32
          %dma_start3A_233 = tpu.memref_slice %arg6[%mul3A_231, %dma_start3A_232] : memref<192x128xi32, #tpu.memory_space<vmem>> -> memref<1x128xi32, #tpu.memory_space<vmem>>
          %dma_start3A_234 = tpu.memref_squeeze %dma_start3A_233 : memref<1x128xi32, #tpu.memory_space<vmem>> -> memref<128xi32, #tpu.memory_space<vmem>>
          %dma_start3A_235 = arith.constant 0 : i32
          %dma_start3A_236 = arith.constant 0 : i32
          %dma_start3A_237 = tpu.memref_slice %arg2[%dma_start3A_235, %dma_start3A_236] : memref<10000x64xbf16, #tpu.memory_space<hbm>> -> memref<10000x64xbf16, #tpu.memory_space<hbm>>
          tpu.enqueue_indirect_dma source(%dma_start3A_237 : memref<10000x64xbf16, #tpu.memory_space<hbm>>) target(%arg10 : memref<128x64xbf16, #tpu.memory_space<vmem>>) offsets(%dma_start3A_234 : memref<128xi32, #tpu.memory_space<vmem>>) semaphore(%arg19 : memref<!tpu.dma_semaphore, #tpu.memory_space<semaphore_mem>>)
        } else {
        }
        %mul3A_218 = arith.constant 2 : i32
        %mul3A_219 = arith.muli %mul3A_218, %add3A_192 : i32
        %add3A_220 = arith.constant 1 : i32
        %add3A_221 = arith.addi %mul3A_219, %add3A_220 : i32
        %dma_start3A_222 = arith.constant 0 : i32
        %dma_start3A_223 = tpu.memref_slice %arg6[%add3A_221, %dma_start3A_222] : memref<192x128xi32, #tpu.memory_space<vmem>> -> memref<1x128xi32, #tpu.memory_space<vmem>>
        %dma_start3A_224 = tpu.memref_squeeze %dma_start3A_223 : memref<1x128xi32, #tpu.memory_space<vmem>> -> memref<128xi32, #tpu.memory_space<vmem>>
        %dma_start3A_225 = arith.constant 0 : i32
        %dma_start3A_226 = arith.constant 0 : i32
        %dma_start3A_227 = tpu.memref_slice %arg15[%dma_start3A_225, %dma_start3A_226] : memref<10240x64xf32, #tpu.memory_space<vmem_shared>> -> memref<10240x64xf32, #tpu.memory_space<vmem_shared>>
        tpu.enqueue_indirect_dma source(%arg14 : memref<128x64xf32, #tpu.memory_space<vmem>>) target(%dma_start3A_227 : memref<10240x64xf32, #tpu.memory_space<vmem_shared>>) offsets(%dma_start3A_224 : memref<128xi32, #tpu.memory_space<vmem>>) semaphore(%arg23 : memref<!tpu.dma_semaphore, #tpu.memory_space<semaphore_mem>>) {add = true}
      }
      %scan3A_49 = arith.constant 16 : i32
      %dma_wait3A = arith.constant 121 : i32
      %dma_wait3A_50 = arith.constant 0 : i32
      %dma_wait3A_51 = tpu.memref_slice %arg6[%dma_wait3A, %dma_wait3A_50] : memref<192x128xi32, #tpu.memory_space<vmem>> -> memref<1x128xi32, #tpu.memory_space<vmem>>
      %dma_wait3A_52 = tpu.memref_squeeze %dma_wait3A_51 : memref<1x128xi32, #tpu.memory_space<vmem>> -> memref<128xi32, #tpu.memory_space<vmem>>
      %dma_wait3A_53 = arith.constant 0 : i32
      %dma_wait3A_54 = arith.constant 0 : i32
      %dma_wait3A_55 = tpu.memref_slice %arg15[%dma_wait3A_53, %dma_wait3A_54] : memref<10240x64xf32, #tpu.memory_space<vmem_shared>> -> memref<10240x64xf32, #tpu.memory_space<vmem_shared>>
      tpu.wait_indirect_dma semaphore(%arg20 : memref<!tpu.dma_semaphore, #tpu.memory_space<semaphore_mem>>) src(%arg11 : memref<128x64xf32, #tpu.memory_space<vmem>>) dst(%dma_wait3A_55 : memref<10240x64xf32, #tpu.memory_space<vmem_shared>>)
      %dma_wait3A_56 = arith.constant 123 : i32
      %dma_wait3A_57 = arith.constant 0 : i32
      %dma_wait3A_58 = tpu.memref_slice %arg6[%dma_wait3A_56, %dma_wait3A_57] : memref<192x128xi32, #tpu.memory_space<vmem>> -> memref<1x128xi32, #tpu.memory_space<vmem>>
      %dma_wait3A_59 = tpu.memref_squeeze %dma_wait3A_58 : memref<1x128xi32, #tpu.memory_space<vmem>> -> memref<128xi32, #tpu.memory_space<vmem>>
      %dma_wait3A_60 = arith.constant 0 : i32
      %dma_wait3A_61 = arith.constant 0 : i32
      %dma_wait3A_62 = tpu.memref_slice %arg15[%dma_wait3A_60, %dma_wait3A_61] : memref<10240x64xf32, #tpu.memory_space<vmem_shared>> -> memref<10240x64xf32, #tpu.memory_space<vmem_shared>>
      tpu.wait_indirect_dma semaphore(%arg21 : memref<!tpu.dma_semaphore, #tpu.memory_space<semaphore_mem>>) src(%arg12 : memref<128x64xf32, #tpu.memory_space<vmem>>) dst(%dma_wait3A_62 : memref<10240x64xf32, #tpu.memory_space<vmem_shared>>)
      %dma_wait3A_63 = arith.constant 125 : i32
      %dma_wait3A_64 = arith.constant 0 : i32
      %dma_wait3A_65 = tpu.memref_slice %arg6[%dma_wait3A_63, %dma_wait3A_64] : memref<192x128xi32, #tpu.memory_space<vmem>> -> memref<1x128xi32, #tpu.memory_space<vmem>>
      %dma_wait3A_66 = tpu.memref_squeeze %dma_wait3A_65 : memref<1x128xi32, #tpu.memory_space<vmem>> -> memref<128xi32, #tpu.memory_space<vmem>>
      %dma_wait3A_67 = arith.constant 0 : i32
      %dma_wait3A_68 = arith.constant 0 : i32
      %dma_wait3A_69 = tpu.memref_slice %arg15[%dma_wait3A_67, %dma_wait3A_68] : memref<10240x64xf32, #tpu.memory_space<vmem_shared>> -> memref<10240x64xf32, #tpu.memory_space<vmem_shared>>
      tpu.wait_indirect_dma semaphore(%arg22 : memref<!tpu.dma_semaphore, #tpu.memory_space<semaphore_mem>>) src(%arg13 : memref<128x64xf32, #tpu.memory_space<vmem>>) dst(%dma_wait3A_69 : memref<10240x64xf32, #tpu.memory_space<vmem_shared>>)
      %dma_wait3A_70 = arith.constant 127 : i32
      %dma_wait3A_71 = arith.constant 0 : i32
      %dma_wait3A_72 = tpu.memref_slice %arg6[%dma_wait3A_70, %dma_wait3A_71] : memref<192x128xi32, #tpu.memory_space<vmem>> -> memref<1x128xi32, #tpu.memory_space<vmem>>
      %dma_wait3A_73 = tpu.memref_squeeze %dma_wait3A_72 : memref<1x128xi32, #tpu.memory_space<vmem>> -> memref<128xi32, #tpu.memory_space<vmem>>
      %dma_wait3A_74 = arith.constant 0 : i32
      %dma_wait3A_75 = arith.constant 0 : i32
      %dma_wait3A_76 = tpu.memref_slice %arg15[%dma_wait3A_74, %dma_wait3A_75] : memref<10240x64xf32, #tpu.memory_space<vmem_shared>> -> memref<10240x64xf32, #tpu.memory_space<vmem_shared>>
      tpu.wait_indirect_dma semaphore(%arg23 : memref<!tpu.dma_semaphore, #tpu.memory_space<semaphore_mem>>) src(%arg14 : memref<128x64xf32, #tpu.memory_space<vmem>>) dst(%dma_wait3A_76 : memref<10240x64xf32, #tpu.memory_space<vmem_shared>>)
    } else {
    }
    %barrier3A_9 = arith.constant 0 : index
    tpu.barrier barrier_id(%barrier3A_9)
    %mul3A_10 = arith.constant 640 : i32
    %mul3A_11 = arith.muli %arg1, %mul3A_10 : i32
    %mul3A_12 = arith.constant 640 : i32
    %mul3A_13 = arith.muli %arg1, %mul3A_12 : i32
    "tpu.region"() ({
      %run_scoped3A = tpu.sem_alloc : memref<!tpu.dma_semaphore, #tpu.memory_space<semaphore_mem>>
      %dma_start3A = arith.constant 0 : i32
      %dma_start3A_14 = arith.constant 0 : i32
      %dma_start3A_15 = tpu.memref_slice %arg5[%arg0, %dma_start3A, %dma_start3A_14] : memref<2x10240x64xf32, #tpu.memory_space<hbm>> -> memref<1x10240x64xf32, #tpu.memory_space<hbm>>
      %dma_start3A_16 = tpu.memref_squeeze %dma_start3A_15 : memref<1x10240x64xf32, #tpu.memory_space<hbm>> -> memref<10240x64xf32, #tpu.memory_space<hbm>>
      %dma_start3A_17 = arith.constant 0 : i32
      %dma_start3A_18 = tpu.memref_slice %dma_start3A_16[%mul3A_13, %dma_start3A_17] : memref<10240x64xf32, #tpu.memory_space<hbm>> -> memref<640x64xf32, #tpu.memory_space<hbm>>
      %dma_start3A_19 = arith.constant 0 : i32
      %dma_start3A_20 = tpu.memref_slice %arg15[%mul3A_11, %dma_start3A_19] : memref<10240x64xf32, #tpu.memory_space<vmem_shared>> -> memref<640x64xf32, #tpu.memory_space<vmem_shared>>
      tpu.enqueue_dma source(%dma_start3A_20 : memref<640x64xf32, #tpu.memory_space<vmem_shared>>) target(%dma_start3A_18 : memref<640x64xf32, #tpu.memory_space<hbm>>) target_semaphore(%run_scoped3A : memref<!tpu.dma_semaphore, #tpu.memory_space<semaphore_mem>>)
      %dma_wait3A = arith.constant 0 : i32
      %dma_wait3A_21 = arith.constant 0 : i32
      %dma_wait3A_22 = tpu.memref_slice %arg5[%arg0, %dma_wait3A, %dma_wait3A_21] : memref<2x10240x64xf32, #tpu.memory_space<hbm>> -> memref<1x10240x64xf32, #tpu.memory_space<hbm>>
      %dma_wait3A_23 = tpu.memref_squeeze %dma_wait3A_22 : memref<1x10240x64xf32, #tpu.memory_space<hbm>> -> memref<10240x64xf32, #tpu.memory_space<hbm>>
      %dma_wait3A_24 = arith.constant 0 : i32
      %dma_wait3A_25 = tpu.memref_slice %dma_wait3A_23[%mul3A_13, %dma_wait3A_24] : memref<10240x64xf32, #tpu.memory_space<hbm>> -> memref<640x64xf32, #tpu.memory_space<hbm>>
      %dma_wait3A_26 = arith.constant 0 : i32
      %dma_wait3A_27 = tpu.memref_slice %arg15[%mul3A_11, %dma_wait3A_26] : memref<10240x64xf32, #tpu.memory_space<vmem_shared>> -> memref<640x64xf32, #tpu.memory_space<vmem_shared>>
      tpu.wait_dma2 semaphore(%run_scoped3A : memref<!tpu.dma_semaphore, #tpu.memory_space<semaphore_mem>>) src(%dma_wait3A_27 : memref<640x64xf32, #tpu.memory_space<vmem_shared>>) dst(%dma_wait3A_25 : memref<640x64xf32, #tpu.memory_space<hbm>>)
      tpu.yield
    }) : () -> ()
    return
  }
}

module attributes {stable_mosaic.version = 14 : i64} {
  func.func @body(%arg0: i32, %arg1: memref<1000x128xf32, #tpu.memory_space<vmem>>, %arg2: memref<128x64xf32, #tpu.memory_space<vmem>>, %arg3: memref<1000x64xf32, #tpu.memory_space<vmem>>) attributes {dimension_semantics = [#tpu.dimension_semantics<arbitrary>], iteration_bounds = array<i64: 10>, scalar_prefetch = 0 : i64, scratch_operands = 0 : i64, tpu.core_type = #tpu.core_type<tc>, window_params = [{transform_indices = @transform_0, window_bounds = array<i64: 1000, 128>}, {pipeline_mode = #tpu.pipeline_mode<synchronous>, transform_indices = @transform_1, window_bounds = array<i64: 128, 64>}, {transform_indices = @transform_2, window_bounds = array<i64: 1000, 64>}]} {
    %get3A = arith.constant 0 : index
    %get3A_0 = arith.constant 0 : index
    %get3A_1 = vector.load %arg1[%get3A, %get3A_0] : memref<1000x128xf32, #tpu.memory_space<vmem>>, vector<1000x128xf32>
    %get3A_2 = arith.constant 0 : index
    %get3A_3 = arith.constant 0 : index
    %get3A_4 = vector.load %arg2[%get3A_2, %get3A_3] : memref<128x64xf32, #tpu.memory_space<vmem>>, vector<128x64xf32>
    %dot_general3A = arith.constant dense<0.000000e+00> : vector<1000x64xf32>
    %dot_general3A_5 = tpu.matmul %get3A_1, %get3A_4, %dot_general3A {dimension_numbers = #tpu.dot_dimension_numbers<[1], [0], [0], [1], [0, 0, 1, 1], [], []>, transpose_lhs_hint = false} : vector<1000x128xf32>, vector<128x64xf32>, vector<1000x64xf32> -> vector<1000x64xf32>
    %swap3A = arith.constant 0 : index
    %swap3A_6 = arith.constant 0 : index
    %swap3A_7 = vector.load %arg3[%swap3A, %swap3A_6] : memref<1000x64xf32, #tpu.memory_space<vmem>>, vector<1000x64xf32>
    tpu.vector_store %arg3[%swap3A, %swap3A_6], %dot_general3A_5 {strides = array<i32>} : memref<1000x64xf32, #tpu.memory_space<vmem>>, vector<1000x64xf32>,
    return
  }
  func.func @transform_0(%arg0: i32) -> (i32, i32) {
    %c0_i32 = arith.constant 0 : i32
    %c0_i32_0 = arith.constant 0 : i32
    return %arg0, %c0_i32 : i32, i32
  }
  func.func @transform_1(%arg0: i32) -> (i32, i32) {
    %c0_i32 = arith.constant 0 : i32
    %c0_i32_0 = arith.constant 0 : i32
    %c0_i32_1 = arith.constant 0 : i32
    return %c0_i32, %c0_i32_0 : i32, i32
  }
  func.func @transform_2(%arg0: i32) -> (i32, i32) {
    %c0_i32 = arith.constant 0 : i32
    %c0_i32_0 = arith.constant 0 : i32
    return %arg0, %c0_i32 : i32, i32
  }
}

module attributes {stable_mosaic.version = 14 : i64} {
  func.func @body(%arg0: i32, %arg1: memref<1000x64xf32, #tpu.memory_space<vmem>>, %arg2: memref<2x1000x16xf32, #tpu.memory_space<vmem>>, %arg3: memref<1000x64xbf16, #tpu.memory_space<vmem>>) attributes {dimension_semantics = [#tpu.dimension_semantics<arbitrary>], iteration_bounds = array<i64: 10>, scalar_prefetch = 0 : i64, scratch_operands = 0 : i64, tpu.core_type = #tpu.core_type<tc>, window_params = [{transform_indices = @transform_0, window_bounds = array<i64: 1000, 64>}, {transform_indices = @transform_1, window_bounds = array<i64: 2, 1000, 16>}, {transform_indices = @transform_2, window_bounds = array<i64: 1000, 64>}]} {
    %get3A = arith.constant 0 : index
    %get3A_0 = arith.constant 0 : index
    %get3A_1 = arith.constant 0 : index
    %get3A_2 = vector.load %arg2[%get3A, %get3A_0, %get3A_1] : memref<2x1000x16xf32, #tpu.memory_space<vmem>>, vector<1x1000x1xf32>
    %get3A_3 = vector.shape_cast %get3A_2 : vector<1x1000x1xf32> to vector<1000xf32>
    %get3A_4 = arith.constant 1 : index
    %get3A_5 = arith.constant 0 : index
    %get3A_6 = arith.constant 0 : index
    %get3A_7 = vector.load %arg2[%get3A_4, %get3A_5, %get3A_6] : memref<2x1000x16xf32, #tpu.memory_space<vmem>>, vector<1x1000x1xf32>
    %get3A_8 = vector.shape_cast %get3A_7 : vector<1x1000x1xf32> to vector<1000xf32>
    %add3A = arith.addf %get3A_3, %get3A_8 : vector<1000xf32>
    %gt3A = arith.constant 0.000000e+00 : f32
    %gt3A_9 = vector.broadcast %gt3A : f32 to vector<1000xf32>
    %gt3A_10 = arith.cmpf ogt, %add3A, %gt3A_9 : vector<1000xf32>
    %jit3A = arith.constant 1.000000e+00 : f32
    %broadcast_in_dim3A = vector.broadcast %jit3A : f32 to vector<1000xf32>
    %select_n3A = arith.select %gt3A_10, %add3A, %broadcast_in_dim3A : vector<1000xi1>, vector<1000xf32>
    %gt3A_11 = arith.constant 0.000000e+00 : f32
    %gt3A_12 = vector.broadcast %gt3A_11 : f32 to vector<1000xf32>
    %gt3A_13 = arith.cmpf ogt, %add3A, %gt3A_12 : vector<1000xf32>
    %rsqrt3A = math.rsqrt %select_n3A : vector<1000xf32>
    %jit3A_14 = arith.constant 0.000000e+00 : f32
    %broadcast_in_dim3A_15 = vector.broadcast %jit3A_14 : f32 to vector<1000xf32>
    %select_n3A_16 = arith.select %gt3A_13, %rsqrt3A, %broadcast_in_dim3A_15 : vector<1000xi1>, vector<1000xf32>
    %get3A_17 = arith.constant 0 : index
    %get3A_18 = arith.constant 0 : index
    %get3A_19 = vector.load %arg1[%get3A_17, %get3A_18] : memref<1000x64xf32, #tpu.memory_space<vmem>>, vector<1000x64xf32>
    %broadcast_in_dim3A_20 = vector.shape_cast %select_n3A_16 : vector<1000xf32> to vector<1000x1xf32>
    %mul3A = vector.broadcast %broadcast_in_dim3A_20 : vector<1000x1xf32> to vector<1000x64xf32>
    %mul3A_21 = arith.mulf %get3A_19, %mul3A : vector<1000x64xf32>
    %convert_element_type3A = arith.truncf %mul3A_21 : vector<1000x64xf32> to vector<1000x64xbf16>
    %swap3A = arith.constant 0 : index
    %swap3A_22 = arith.constant 0 : index
    %swap3A_23 = vector.load %arg3[%swap3A, %swap3A_22] : memref<1000x64xbf16, #tpu.memory_space<vmem>>, vector<1000x64xbf16>
    tpu.vector_store %arg3[%swap3A, %swap3A_22], %convert_element_type3A {strides = array<i32>} : memref<1000x64xbf16, #tpu.memory_space<vmem>>, vector<1000x64xbf16>,
    return
  }
  func.func @transform_0(%arg0: i32) -> (i32, i32) {
    %c0_i32 = arith.constant 0 : i32
    %c0_i32_0 = arith.constant 0 : i32
    return %arg0, %c0_i32 : i32, i32
  }
  func.func @transform_1(%arg0: i32) -> (i32, i32, i32) {
    %c0_i32 = arith.constant 0 : i32
    %c0_i32_0 = arith.constant 0 : i32
    %c0_i32_1 = arith.constant 0 : i32
    return %c0_i32, %arg0, %c0_i32_0 : i32, i32, i32
  }
  func.func @transform_2(%arg0: i32) -> (i32, i32) {
    %c0_i32 = arith.constant 0 : i32
    %c0_i32_0 = arith.constant 0 : i32
    return %arg0, %c0_i32 : i32, i32
  }
}

module attributes {stable_mosaic.version = 14 : i64} {
  func.func @body(%arg0: i32, %arg1: memref<2x1000x64xf32, #tpu.memory_space<vmem>>, %arg2: memref<2x1000x16xf32, #tpu.memory_space<vmem>>, %arg3: memref<1x64xf32, #tpu.memory_space<vmem>>, %arg4: memref<1000x64xbf16, #tpu.memory_space<vmem>>) attributes {dimension_semantics = [#tpu.dimension_semantics<arbitrary>], iteration_bounds = array<i64: 10>, scalar_prefetch = 0 : i64, scratch_operands = 0 : i64, tpu.core_type = #tpu.core_type<tc>, window_params = [{transform_indices = @transform_0, window_bounds = array<i64: 2, 1000, 64>}, {transform_indices = @transform_1, window_bounds = array<i64: 2, 1000, 16>}, {pipeline_mode = #tpu.pipeline_mode<synchronous>, transform_indices = @transform_2, window_bounds = array<i64: 1, 64>}, {transform_indices = @transform_3, window_bounds = array<i64: 1000, 64>}]} {
    %get3A = arith.constant 0 : index
    %get3A_0 = arith.constant 0 : index
    %get3A_1 = arith.constant 0 : index
    %get3A_2 = vector.load %arg2[%get3A, %get3A_0, %get3A_1] : memref<2x1000x16xf32, #tpu.memory_space<vmem>>, vector<1x1000x1xf32>
    %get3A_3 = vector.shape_cast %get3A_2 : vector<1x1000x1xf32> to vector<1000xf32>
    %get3A_4 = arith.constant 1 : index
    %get3A_5 = arith.constant 0 : index
    %get3A_6 = arith.constant 0 : index
    %get3A_7 = vector.load %arg2[%get3A_4, %get3A_5, %get3A_6] : memref<2x1000x16xf32, #tpu.memory_space<vmem>>, vector<1x1000x1xf32>
    %get3A_8 = vector.shape_cast %get3A_7 : vector<1x1000x1xf32> to vector<1000xf32>
    %add3A = arith.addf %get3A_3, %get3A_8 : vector<1000xf32>
    %gt3A = arith.constant 0.000000e+00 : f32
    %gt3A_9 = vector.broadcast %gt3A : f32 to vector<1000xf32>
    %gt3A_10 = arith.cmpf ogt, %add3A, %gt3A_9 : vector<1000xf32>
    %jit3A = arith.constant 1.000000e+00 : f32
    %broadcast_in_dim3A = vector.broadcast %jit3A : f32 to vector<1000xf32>
    %select_n3A = arith.select %gt3A_10, %add3A, %broadcast_in_dim3A : vector<1000xi1>, vector<1000xf32>
    %gt3A_11 = arith.constant 0.000000e+00 : f32
    %gt3A_12 = vector.broadcast %gt3A_11 : f32 to vector<1000xf32>
    %gt3A_13 = arith.cmpf ogt, %add3A, %gt3A_12 : vector<1000xf32>
    %rsqrt3A = math.rsqrt %select_n3A : vector<1000xf32>
    %jit3A_14 = arith.constant 0.000000e+00 : f32
    %broadcast_in_dim3A_15 = vector.broadcast %jit3A_14 : f32 to vector<1000xf32>
    %select_n3A_16 = arith.select %gt3A_13, %rsqrt3A, %broadcast_in_dim3A_15 : vector<1000xi1>, vector<1000xf32>
    %get3A_17 = arith.constant 0 : index
    %get3A_18 = arith.constant 0 : index
    %get3A_19 = arith.constant 0 : index
    %get3A_20 = vector.load %arg1[%get3A_17, %get3A_18, %get3A_19] : memref<2x1000x64xf32, #tpu.memory_space<vmem>>, vector<1x1000x64xf32>
    %get3A_21 = vector.shape_cast %get3A_20 : vector<1x1000x64xf32> to vector<1000x64xf32>
    %get3A_22 = arith.constant 1 : index
    %get3A_23 = arith.constant 0 : index
    %get3A_24 = arith.constant 0 : index
    %get3A_25 = vector.load %arg1[%get3A_22, %get3A_23, %get3A_24] : memref<2x1000x64xf32, #tpu.memory_space<vmem>>, vector<1x1000x64xf32>
    %get3A_26 = vector.shape_cast %get3A_25 : vector<1x1000x64xf32> to vector<1000x64xf32>
    %add3A_27 = arith.addf %get3A_21, %get3A_26 : vector<1000x64xf32>
    %broadcast_in_dim3A_28 = vector.shape_cast %select_n3A_16 : vector<1000xf32> to vector<1000x1xf32>
    %mul3A = vector.broadcast %broadcast_in_dim3A_28 : vector<1000x1xf32> to vector<1000x64xf32>
    %mul3A_29 = arith.mulf %add3A_27, %mul3A : vector<1000x64xf32>
    %get3A_30 = arith.constant 0 : index
    %get3A_31 = arith.constant 0 : index
    %get3A_32 = vector.load %arg3[%get3A_30, %get3A_31] : memref<1x64xf32, #tpu.memory_space<vmem>>, vector<1x64xf32>
    %add3A_33 = vector.broadcast %get3A_32 : vector<1x64xf32> to vector<1000x64xf32>
    %add3A_34 = arith.addf %mul3A_29, %add3A_33 : vector<1000x64xf32>
    %max3A = arith.constant 0.000000e+00 : f32
    %max3A_35 = vector.broadcast %max3A : f32 to vector<1000x64xf32>
    %max3A_36 = arith.maximumf %add3A_34, %max3A_35 : vector<1000x64xf32>
    %broadcast_in_dim3A_37 = vector.shape_cast %select_n3A_16 : vector<1000xf32> to vector<1000x1xf32>
    %mul3A_38 = vector.broadcast %broadcast_in_dim3A_37 : vector<1000x1xf32> to vector<1000x64xf32>
    %mul3A_39 = arith.mulf %max3A_36, %mul3A_38 : vector<1000x64xf32>
    %convert_element_type3A = arith.truncf %mul3A_39 : vector<1000x64xf32> to vector<1000x64xbf16>
    %swap3A = arith.constant 0 : index
    %swap3A_40 = arith.constant 0 : index
    %swap3A_41 = vector.load %arg4[%swap3A, %swap3A_40] : memref<1000x64xbf16, #tpu.memory_space<vmem>>, vector<1000x64xbf16>
    tpu.vector_store %arg4[%swap3A, %swap3A_40], %convert_element_type3A {strides = array<i32>} : memref<1000x64xbf16, #tpu.memory_space<vmem>>, vector<1000x64xbf16>,
    return
  }
  func.func @transform_0(%arg0: i32) -> (i32, i32, i32) {
    %c0_i32 = arith.constant 0 : i32
    %c0_i32_0 = arith.constant 0 : i32
    %c0_i32_1 = arith.constant 0 : i32
    return %c0_i32, %arg0, %c0_i32_0 : i32, i32, i32
  }
  func.func @transform_1(%arg0: i32) -> (i32, i32, i32) {
    %c0_i32 = arith.constant 0 : i32
    %c0_i32_0 = arith.constant 0 : i32
    %c0_i32_1 = arith.constant 0 : i32
    return %c0_i32, %arg0, %c0_i32_0 : i32, i32, i32
  }
  func.func @transform_2(%arg0: i32) -> (i32, i32) {
    %c0_i32 = arith.constant 0 : i32
    %c0_i32_0 = arith.constant 0 : i32
    %c0_i32_1 = arith.constant 0 : i32
    return %c0_i32, %c0_i32_0 : i32, i32
  }
  func.func @transform_3(%arg0: i32) -> (i32, i32) {
    %c0_i32 = arith.constant 0 : i32
    %c0_i32_0 = arith.constant 0 : i32
    return %arg0, %c0_i32 : i32, i32
  }
}

module attributes {stable_mosaic.version = 14 : i64} {
  func.func @body(%arg0: memref<2x10240x64xf32, #tpu.memory_space<vmem>>, %arg1: memref<2x10240x16xf32, #tpu.memory_space<vmem>>, %arg2: memref<64x64xf32, #tpu.memory_space<vmem>>, %arg3: memref<64x1xf32, #tpu.memory_space<vmem>>, %arg4: memref<64x10000xf32, #tpu.memory_space<vmem>>) attributes {dimension_semantics = [], scalar_prefetch = 0 : i64, scratch_operands = 0 : i64, tpu.core_type = #tpu.core_type<tc>} {
    %get3A = arith.constant 0 : index
    %get3A_0 = arith.constant 0 : index
    %get3A_1 = arith.constant 0 : index
    %get3A_2 = vector.load %arg1[%get3A, %get3A_0, %get3A_1] : memref<2x10240x16xf32, #tpu.memory_space<vmem>>, vector<1x10240x1xf32>
    %get3A_3 = vector.shape_cast %get3A_2 : vector<1x10240x1xf32> to vector<10240xf32>
    %get3A_4 = arith.constant 1 : index
    %get3A_5 = arith.constant 0 : index
    %get3A_6 = arith.constant 0 : index
    %get3A_7 = vector.load %arg1[%get3A_4, %get3A_5, %get3A_6] : memref<2x10240x16xf32, #tpu.memory_space<vmem>>, vector<1x10240x1xf32>
    %get3A_8 = vector.shape_cast %get3A_7 : vector<1x10240x1xf32> to vector<10240xf32>
    %add3A = arith.addf %get3A_3, %get3A_8 : vector<10240xf32>
    %gt3A = arith.constant 0.000000e+00 : f32
    %gt3A_9 = vector.broadcast %gt3A : f32 to vector<10240xf32>
    %gt3A_10 = arith.cmpf ogt, %add3A, %gt3A_9 : vector<10240xf32>
    %jit3A = arith.constant 1.000000e+00 : f32
    %broadcast_in_dim3A = vector.broadcast %jit3A : f32 to vector<10240xf32>
    %select_n3A = arith.select %gt3A_10, %add3A, %broadcast_in_dim3A : vector<10240xi1>, vector<10240xf32>
    %gt3A_11 = arith.constant 0.000000e+00 : f32
    %gt3A_12 = vector.broadcast %gt3A_11 : f32 to vector<10240xf32>
    %gt3A_13 = arith.cmpf ogt, %add3A, %gt3A_12 : vector<10240xf32>
    %rsqrt3A = math.rsqrt %select_n3A : vector<10240xf32>
    %jit3A_14 = arith.constant 0.000000e+00 : f32
    %broadcast_in_dim3A_15 = vector.broadcast %jit3A_14 : f32 to vector<10240xf32>
    %select_n3A_16 = arith.select %gt3A_13, %rsqrt3A, %broadcast_in_dim3A_15 : vector<10240xi1>, vector<10240xf32>
    %get3A_17 = arith.constant 0 : index
    %get3A_18 = arith.constant 0 : index
    %get3A_19 = arith.constant 0 : index
    %get3A_20 = vector.load %arg0[%get3A_17, %get3A_18, %get3A_19] : memref<2x10240x64xf32, #tpu.memory_space<vmem>>, vector<1x10240x64xf32>
    %get3A_21 = vector.shape_cast %get3A_20 : vector<1x10240x64xf32> to vector<10240x64xf32>
    %get3A_22 = arith.constant 1 : index
    %get3A_23 = arith.constant 0 : index
    %get3A_24 = arith.constant 0 : index
    %get3A_25 = vector.load %arg0[%get3A_22, %get3A_23, %get3A_24] : memref<2x10240x64xf32, #tpu.memory_space<vmem>>, vector<1x10240x64xf32>
    %get3A_26 = vector.shape_cast %get3A_25 : vector<1x10240x64xf32> to vector<10240x64xf32>
    %add3A_27 = arith.addf %get3A_21, %get3A_26 : vector<10240x64xf32>
    %broadcast_in_dim3A_28 = vector.shape_cast %select_n3A_16 : vector<10240xf32> to vector<10240x1xf32>
    %mul3A = vector.broadcast %broadcast_in_dim3A_28 : vector<10240x1xf32> to vector<10240x64xf32>
    %mul3A_29 = arith.mulf %add3A_27, %mul3A : vector<10240x64xf32>
    %slice3A = vector.extract_strided_slice %mul3A_29 {offsets = [0, 0], sizes = [10000, 64], strides = [1, 1]} : vector<10240x64xf32> to vector<10000x64xf32>
    %get3A_30 = arith.constant 0 : index
    %get3A_31 = arith.constant 0 : index
    %get3A_32 = vector.load %arg2[%get3A_30, %get3A_31] : memref<64x64xf32, #tpu.memory_space<vmem>>, vector<64x64xf32>
    %dot_general3A = arith.constant dense<0.000000e+00> : vector<64x10000xf32>
    %dot_general3A_33 = tpu.matmul %get3A_32, %slice3A, %dot_general3A {dimension_numbers = #tpu.dot_dimension_numbers<[1], [1], [0], [0], [0, 0, 1, 0], [], []>, transpose_lhs_hint = false} : vector<64x64xf32>, vector<10000x64xf32>, vector<64x10000xf32> -> vector<64x10000xf32>
    %get3A_34 = arith.constant 0 : index
    %get3A_35 = arith.constant 0 : index
    %get3A_36 = vector.load %arg3[%get3A_34, %get3A_35] : memref<64x1xf32, #tpu.memory_space<vmem>>, vector<64x1xf32>
    %add3A_37 = vector.broadcast %get3A_36 : vector<64x1xf32> to vector<64x10000xf32>
    %add3A_38 = arith.addf %dot_general3A_33, %add3A_37 : vector<64x10000xf32>
    %swap3A = arith.constant 0 : index
    %swap3A_39 = arith.constant 0 : index
    %swap3A_40 = vector.load %arg4[%swap3A, %swap3A_39] : memref<64x10000xf32, #tpu.memory_space<vmem>>, vector<64x10000xf32>
    tpu.vector_store %arg4[%swap3A, %swap3A_39], %add3A_38 {strides = array<i32>} : memref<64x10000xf32, #tpu.memory_space<vmem>>, vector<64x10000xf32>,
    return
  }
}

</mosaic_0001>

<sc_bundles>
// kernel: kernel.12.cloned.1.call-start
scs
__scs_entry_jumppad:
0x0: {  	(pc) =	sbr.rel $0x88, $3  }
0x1: {  	(tag) =	ssettag $0x0;
	lr =	simm.s32 $0x1  }
0x2: {  	[smem:$0x3F9B] =	sst lr;
	_ =	strace $0xD0000000  }
0x3: {  	_ = 	snop  }
0x4: {  	_ = 	snop  }
0x5: {  	_ = 	snop  }
0x6: {  	_ = 	snop  }
0x7: {  	_ = 	snop  }
__scs_overlays_trampoline_lowered:
0x8: {  	[smem:$0x3FAA] =	sst s0  }
0x9: {  	[smem:$0x3FAB] =	sst s1  }
0xa: {  	[smem:$0x3FAC] =	sst s2  }
0xb: {  	[smem:$0x3FAD] =	sst s3  }
0xc: {  	[smem:$0x3FAE] =	sst s4  }
0xd: {  	[smem:$0x3FAF] =	sst s5  }
0xe: {  	[smem:$0x3FB0] =	sst s6  }
0xf: {  	[smem:$0x3FB1] =	sst s7  }
0x10: {  	[smem:$0x3FB2] =	sst s8  }
0x11: {  	[smem:$0x3FB3] =	sst s9;
	s0 =	simm.s32 @!p0 $0x0  }
0x12: {  	s1 =	sld [smem:$0x3F99];
	s0 =	simm.s32 @p0 $0x1  }
0x13: {  	[smem:$0x3FB4] =	sst s0;
	s0 =	simm.s32 @!p1 $0x0  }
0x14: {  	s2 =	sld [smem:$0x3F98];
	s0 =	simm.s32 @p1 $0x1  }
0x15: {  	[smem:$0x3FB5] =	sst s0;
	s0 =	simm.s32 @!p2 $0x0  }
0x16: {  	s3 =	sld [smem:$0x3FDB];
	s0 =	simm.s32 @p2 $0x1  }
0x17: {  	s4 =	simm.s32 $0x1BF5;
	[smem:$0x3FB7] =	sst s0  }
0x18: {  	s0 =	sld [smem:$0x3F9A];
	_ =	swait.ge [sflag:s4], $0x0  }
0x19: {  	s7 =	sld [smem:$0x3F9B]  }
0x1a: {  	s8 =	sadd.s32 $0xFFFFE003, lr  }
0x1b: {  	s9 =	sadd.s32 $0xFFFFFEF7, lr;
	s5 =	simm.s32 $0xFFFFFFFF;
	p2 =	slt.u32 s8, $0xFFFFF086  }
0x1c: {  	p1 =	slt.u32 s9, $0xF7A;
	s5 =	simm.s32 @!p2 $0x0  }
0x1d: {  	s5 =	simm.s32 @p1 $0x1;
	p0 =	seq.s32 s7, s2  }
0x1e: {  	s7 =	smul.u32 @!p0 $0xF7A, s2;
	p2 =	seq.s32 @!p0 s5, $0x0  }
0x1f: {  	s9 =	smul.u32 $0xF7A, s1;
	s8 =	simm.s32 @!p0 $0x1BF5;
	p2 =	por !p2, p0  }
0x20: {  	[sflag:s8] =	ssyncset.s32 @!p0 $0xFFFFF086;
	s6 =	sadd.s32 @!p0 s3, s7;
	s7 =	simm.s32 @!p0 $0x108  }
0x21: {  	s3 =	sadd.s32 s3, s9;
	s6 =	sadd.s32 @!p0 $0x88, s6;
	s7 =	simm.s32 @p2 $0x1082  }
0x22: {  	[simem:s7], [sflag:s8] =	dma.local @!p0 [hbm:s6], $0xF7A  }
0x23: {  	s9 =	sor.u32 $0xD0000000, s2;
	s6 =	simm.s32 $0x108;
	_ =	swait.ge @!p0 [sflag:s8], $0x0  }
0x24: {  	s3 =	sadd.s32 $0x88, s3;
	s6 =	simm.s32 @!p1 $0x1082;
	[sflag:s4] =	ssyncset.s32 $0xFFFFF086  }
0x25: {  	[simem:s6], [sflag:s4] =	dma.local [hbm:s3], $0xF7A  }
0x26: {  	[smem:$0x3F9B] =	sst s1;
	(tag) =	ssettag s2;
	_ =	strace s9  }
0x27: {  	s1 =	sld [smem:$0x3FAB]  }
0x28: {  	s2 =	sld [smem:$0x3FAC]  }
0x29: {  	s4 =	sld [smem:$0x3FAE]  }
0x2a: {  	p0 =	seq.s32 s5, $0x0;
	s5 =	sld [smem:$0x3FAF]  }
0x2b: {  	s6 =	sld [smem:$0x3FB0]  }
0x2c: {  	s7 =	sld [smem:$0x3FB1]  }
0x2d: {  	s3 =	simm.s32 $0x108;
	s8 =	sld [smem:$0x3FB2]  }
0x2e: {  	s3 =	simm.s32 @!p0 $0x1082;
	s9 =	sld [smem:$0x3FB3]  }
0x2f: {  	lr =	sadd.s32 s0, s3;
	s0 =	sld [smem:$0x3FAA]  }
0x30: {  	s3 =	sld [smem:$0x3FAD]  }
0x31: {  	[smem:$0x3FB6] =	sst s10  }
0x32: {  	s10 =	sld [smem:$0x3FB4];
	_ =	sdelay $0x3  }
0x33: {  	p0 =	seq.s32 s10, $0x1;
	s10 =	sld [smem:$0x3FB6];
	_ =	sdelay $0x3  }
0x34: {  	[smem:$0x3FB6] =	sst s10  }
0x35: {  	s10 =	sld [smem:$0x3FB5];
	_ =	sdelay $0x3  }
0x36: {  	p1 =	seq.s32 s10, $0x1;
	s10 =	sld [smem:$0x3FB6];
	_ =	sdelay $0x3  }
0x37: {  	[smem:$0x3FB6] =	sst s10  }
0x38: {  	s10 =	sld [smem:$0x3FB7]  }
0x39: {  	_ = 	snop;
	(pc) =	sbr.ind lr, $3  }
0x3a: {  	_ = 	snop  }
0x3b: {  	_ = 	snop  }
0x3c: {  	p2 =	seq.s32 s10, $0x1;
	s10 =	sld [smem:$0x3FB6]  }
0x3d: {  	_ =	shalt  }
0x3e: {  	_ =	shalt  }
0x3f: {  	_ =	shalt  }
0x40: {  	_ =	shalt  }
0x41: {  	_ =	shalt  }
0x42: {  	_ =	shalt  }
0x43: {  	_ =	shalt  }
0x44: {  	_ =	shalt  }
0x45: {  	_ =	shalt  }
0x46: {  	_ =	shalt  }
0x47: {  	_ =	shalt  }
0x48: {  	_ =	shalt  }
0x49: {  	_ =	shalt  }
0x4a: {  	_ =	shalt  }
0x4b: {  	_ =	shalt  }
0x4c: {  	_ =	shalt  }
0x4d: {  	_ =	shalt  }
0x4e: {  	_ =	shalt  }
0x4f: {  	_ =	shalt  }
0x50: {  	_ =	shalt  }
0x51: {  	_ =	shalt  }
0x52: {  	_ =	shalt  }
0x53: {  	_ =	shalt  }
0x54: {  	_ =	shalt  }
0x55: {  	_ =	shalt  }
0x56: {  	_ =	shalt  }
0x57: {  	_ =	shalt  }
0x58: {  	_ =	shalt  }
0x59: {  	_ =	shalt  }
0x5a: {  	_ =	shalt  }
0x5b: {  	_ =	shalt  }
0x5c: {  	_ =	shalt  }
0x5d: {  	_ =	shalt  }
0x5e: {  	_ =	shalt  }
0x5f: {  	_ =	shalt  }
0x60: {  	_ =	shalt  }
0x61: {  	_ =	shalt  }
0x62: {  	_ =	shalt  }
0x63: {  	_ =	shalt  }
0x64: {  	_ =	shalt  }
0x65: {  	_ =	shalt  }
0x66: {  	_ =	shalt  }
0x67: {  	_ =	shalt  }
0x68: {  	_ =	shalt  }
0x69: {  	_ =	shalt  }
0x6a: {  	_ =	shalt  }
0x6b: {  	_ =	shalt  }
0x6c: {  	_ =	shalt  }
0x6d: {  	_ =	shalt  }
0x6e: {  	_ =	shalt  }
0x6f: {  	_ =	shalt  }
0x70: {  	_ =	shalt  }
0x71: {  	_ =	shalt  }
0x72: {  	_ =	shalt  }
0x73: {  	_ =	shalt  }
0x74: {  	_ =	shalt  }
0x75: {  	_ =	shalt  }
0x76: {  	_ =	shalt  }
0x77: {  	_ =	shalt  }
0x78: {  	_ =	shalt  }
0x79: {  	_ =	shalt  }
0x7a: {  	_ =	shalt  }
0x7b: {  	_ =	shalt  }
0x7c: {  	_ =	shalt  }
0x7d: {  	_ =	shalt  }
0x7e: {  	_ =	shalt  }
0x7f: {  	_ =	shalt  }
0x80: {  	_ =	shalt  }
0x81: {  	_ =	shalt  }
0x82: {  	_ =	shalt  }
0x83: {  	_ =	shalt  }
0x84: {  	_ =	shalt  }
0x85: {  	_ =	shalt  }
0x86: {  	_ =	shalt  }
0x87: {  	_ =	shalt  }
.Lfunc_end0:
.L_simem_size_0:
called_computation.1_lowered:
.L_overlay_start_0:
0x88: {  	s2 =	sld [smem:$0x3FD9]  }
0x89: {  	s3 =	sld [smem:$0x3FFE];
	_ =	sdelay $0x1  }
0x8a: {  	s1 =	srdreg.scid  }
0x8b: {  	s0 =	sand.u32 $0x1, s1  }
0x8c: {  	s17 =	sshll.u32 s0, $0xA;
	s2 =	sadd.s32 s3, s2  }
0x8d: {  	s2 =	sadd.s32 s2, s17  }
0x8e: {  	[smem:$0x3FC2] =	sst s2  }
0x8f: {  	_ = 	snop  }
0x90: {  	s2 =	sld [smem:$0x3FD0];
	(tm) =	ssettm $0x1  }
0x91: {  	s18 =	sld [smem:$0x3FFB];
	_ =	sdelay $0x3  }
0x92: {  	_ =	strace s18  }
0x93: {  	s3 =	sld [smem:$0x3FFC];
	_ =	sdelay $0x3  }
0x94: {  	_ =	strace s3  }
0x95: {  	s3 =	sld [smem:$0x3FFD];
	_ =	sdelay $0x3  }
0x96: {  	_ =	strace s3  }
0x97: {  	_ =	strace $0x8FFFFFFF  }
0x98: {  	s19 =	sld [smem:$0x3FDB];
	_ =	sdelay $0x1  }
0x99: {  	s4 =	simm.s32 $_scs_section_size  }
0x9a: {  	s5 =	simm.s32 $_size__tile_overlayer_lowered;
	s6 =	simm.s32 $_tile_overlayer_lowered  }
0x9b: {  	s22 =	simm.s32 $0x1BFF;
	s21 =	sshll.u32 s6, $0x1;
	s3 =	sadd.s32 s4, s19  }
0x9c: {  	s7 =	simm.s32 $0x0;
	s20 =	sshll.u32 s5, $0x1;
	s5 =	sadd.s32 s21, s3  }
0x9d: {  	[timem:s7], [sflag:s22] =	dma.local [hbm:s5], s20  }
0x9e: {  	_ =	swait.ge [sflag:s22], s20  }
0x9f: {  	s4 =	ssub.s32 $0x0, s20;
	[sflag:s22] =	ssyncset.done $0x0  }
0xa0: {  	[sflag:s22] =	ssyncadd.s32 s4;
	_ =	sdelay $0x1  }
0xa1: {  	s23 =	simm.s32 $0x1B8B  }
0xa2: {  	_ =	swait.ge [sflag:s23], $0x1  }
0xa3: {  	[sflag:s23] =	ssyncset.done $0x0  }
0xa4: {  	s25 =	simm.s32 $0x1B8E;
	s24 =	sld [smem:$0x3FFE];
	[sflag:s23] =	ssyncadd.s32 $0xFFFFFFFF  }
0xa5: {  	s26 =	simm.s32 $execute0_lowered;
	[smem:$0x3FD2] =	sst s25  }
0xa6: {  	s5 =	sshll.u32 s26, $0x1;
	_ =	strace $0x80000049;
	[dreg:$0x1] =	wrdreg $0xFFFFFFFF  }
0xa7: {  	s28 =	simm.s32 $_size_execute0_lowered;
	s3 =	sadd.s32 s3, s5;
	[dreg:$0x0] =	wrdreg $0x0  }
0xa8: {  	s5 =	sshll.u32 s28, $0x1;
	[dreg:$0x2] =	wrdreg s3  }
0xa9: {  	[dreg:$0x3] =	wrdreg s5  }
0xaa: {  	[dreg:$0x4] =	wrdreg $0xC0  }
0xab: {  	_ =	task [dreg:s7], $0x5FFFF  }
0xac: {  	[dreg:$0x1] =	wrdreg $0xFFFFFFFF  }
0xad: {  	[dreg:$0x0] =	wrdreg $0x60  }
0xae: {  	[dreg:$0x2] =	wrdreg s2  }
0xaf: {  	[dreg:$0x3] =	wrdreg s24  }
0xb0: {  	[dreg:$0x4] =	wrdreg $0x120000  }
0xb1: {  	[dreg:$0x5] =	wrdreg $0x9  }
0xb2: {  	_ =	task.clear_ibuf [dreg:s7], $0x6FFFF;
	_ =	strace $0x90000049  }
0xb3: {  	s29 =	simm.s32 $0x9;
	_ =	strace $0x8000004B  }
0xb4: {  	_ =	swait.ge [sflag:s29], $0x1  }
0xb5: {  	[sflag:s29] =	ssyncadd.s32 $0xFFFFFFFF  }
0xb6: {  	_ =	strace $0x9000004B  }
0xb7: {  	_ =	sfence  }
0xb8: {  	s30 =	sld [smem:$0x0];
	_ =	sdelay $0x2  }
0xb9: {  	s31 =	sshll.u32 s1, $0xD;
	s1 =	sshrl.u32 s1, $0x2  }
0xba: {  	s3 =	sand.u32 $0x4000, s31;
	s1 =	sadd.s32 s1, s30  }
0xbb: {  	s0 =	sor.u32 s3, s0;
	s1 =	sshll.u32 s1, $0x11  }
0xbc: {  	s0 =	sor.u32 s1, s0  }
0xbd: {  	s0 =	sadd.s32 $0x8F2B, s0  }
0xbe: {  	[sflag:s0] =	ssyncadd.remote.s32 $0x1  }
0xbf: {  	_ =	sfence.sel $0xFFFF  }
0xc0: {  	[dreg:$0x0] =	wrdreg $0xFFFFFFFF;
	(pc) =	sbr.abs _section_cstart, $3  }
0xc1: {  	[dreg:$0x1] =	wrdreg $0xFFFFFFFF  }
0xc2: {  	_ =	task.clear_ibuf [dreg:s7], $0x2FFFF;
	_ =	strace $0x9FFFFFFF  }
0xc3: {  	(tm) =	ssettm $0x7FFFFFFF  }
tec
execute0_lowered:
.L_overlay_start_1:
0x0: {  	(tag) =	ssettag $0x1  }
0x1: {  	s1 =	rddreg [dreg:$0x0]  }
0x2: {  	s0 =	rddreg [dreg:$0x1]  }
0x3: {  	s2 =	rddreg [dreg:$0x2]  }
0x4: {  	s3 =	simm.s32 $0x0;
	s4 =	srdreg.scid;
	s12 =	stileid.u32  }
0x5: {  	s19 =	simm.s32 $0x9000;
	s20 =	simm.s32 $0x1;
	s28 =	simm.s32 $0x4  }
0x6: {  	s29 =	simm.s32 $0x10000;
	s30 =	simm.s32 $0x5;
	s31 =	simm.s32 $0x6  }
0x7: {  	[smem:$0x7FF] =	sst s3;
	s4 =	sand.u32 $0x1, s4;
	s8 =	sadd.s32 $0x3000, s0  }
0x8: {  	s5 =	sadd.s32 $0x67000, s0;
	s9 =	smul.u32 $0xA000, s12;
	s22 =	sshll.u32 s12, $0x6  }
0x9: {  	s23 =	smul.u32 $0xC00, s12;
	s12 =	sshll.u32 s12, $0xB;
	_ =	strace $0x8000004A  }
0xa: {  	s6 =	smul.u32 $0x14000, s4;
	s7 =	ssub.s32 $0x2, s4;
	p0 =	seq.s32 s4, $0x1  }
0xb: {  	s25 =	sadd.s32 s12, s8;
	s12 =	simm.s32 $0x80;
	s4 =	simm.s32 $0x8  }
0xc: {  	s21 =	sshrl.u32 s7, $0x1;
	s11 =	sadd.s32 s9, s2;
	s24 =	sadd.s32 s8, s23  }
0xd: {  	s8 =	sadd.s32 $0xC000, s25;
	s26 =	sshrl.u32 s9, $0x3;
	s23 =	simm.s32 $0xC000  }
.Ltmp0:
0xe: {  	s25 =	simm.s32 $0x3;
	s0 =	sadd.s32 s6, s0;
	(pc) =	sbr.rel .LBB2_1-.Ltmp0, $4  }
0xf: {  	s10 =	ssub.s32 s7, s21;
	s6 =	sor.u32 $0x1C09, s22;
	[dreg:$0x4] =	wrdreg s24  }
0x10: {  	s21 =	simm.s32 $0xA000;
	s22 =	simm.s32 $0x2;
	s0 =	sadd.s32 $0x68400, s0  }
0x11: {  	s9 =	smax.u32 s10, $0x1;
	s10 =	sshrl.u32 s11, $0x3;
	s11 =	simm.s32 $0x9  }
0x12: {  	s24 =	sadd.s32 s26, s0;
	s26 =	simm.s32 $0xE000;
	s0 =	simm.s32 $0x7  }
.LBB2_24:
0x13: {  	s7 =	sshrl.u32 s13, $0x2  }
0x14: {  	s7 =	sadd.s32 $0x380, s7  }
0x15: {  	[spmem:s2] =	stream.indirect.scatter.add.f32 [tilespmem:s29], [sflag:$0x8], $0x40, s7, s12, $0xb8;
	[tilespmem:$0x1C000] =	vst v63  }
0x16: {  	_ =	swait.ge [sflag:s30], $0x2000  }
0x17: {  	[sflag:s30] =	ssyncset.done $0x0  }
0x18: {  	[sflag:s30] =	ssyncadd.s32 $0xFFFFE000  }
0x19: {  	_ =	swait.ge [sflag:s31], $0x2000  }
0x1a: {  	[sflag:s31] =	ssyncset.done $0x0  }
0x1b: {  	[sflag:s31] =	ssyncadd.s32 $0xFFFFE000  }
0x1c: {  	_ =	swait.ge [sflag:s0], $0x2000  }
0x1d: {  	[sflag:s0] =	ssyncset.done $0x0  }
0x1e: {  	[sflag:s0] =	ssyncadd.s32 $0xFFFFE000  }
0x1f: {  	_ =	swait.ge [sflag:s4], $0x2000  }
0x20: {  	s3 =	sadd.s32 $0x1, s3;
	[sflag:s4] =	ssyncset.done $0x0  }
0x21: {  	p1 =	sne.s32 s3, s9;
	[sflag:s4] =	ssyncadd.s32 $0xFFFFE000  }
.Ltmp1:
0x22: {  	[bflag:$0x0] =	sbarrier.arrive $0xFFFF;
	(pc) =	sbr.rel @!p1 .LBB2_25-.Ltmp1, $4  }
0x23: {  	[hbm:s24], [sflag:s6] =	dma.local [spmem:s10], $0x1400  }
0x24: {  	_ =	swait.ge [sflag:s11], $0x1400  }
0x25: {  	[sflag:s11] =	ssyncset.done $0x0  }
0x26: {  	[sflag:s11] =	ssyncadd.s32 $0xFFFFEC00  }
.LBB2_1:
0x27: {  	[spmem:s10], [sflag:s6] =	dma.local [hbm:s5], $0x1400  }
.Ltmp2:
0x28: {  	_ =	swait.ge [sflag:s11], $0x1400;
	(pc) =	sbr.rel @!p0 .LBB2_2-.Ltmp2, $4  }
0x29: {  	[sflag:s11] =	ssyncset.done $0x0  }
0x2a: {  	[sflag:s11] =	ssyncadd.s32 $0xFFFFEC00  }
0x2b: {  	[bflag:$0x0] =	sbarrier.arrive $0xFFFF  }
0x2c: {  	s14 =	simm.s32 $0x0  }
0x2d: {  	[tilespmem:s14], [sflag:$0x9] =	stream.linear.gather [hbm4b:s8+s14], $0x4000, $0x38;
	[tilespmem:$0x1C000] =	vst v63  }
0x2e: {  	_ =	swait.ge [sflag:s11], $0x4000  }
0x2f: {  	[sflag:s11] =	ssyncset.done $0x0  }
0x30: {  	s7 =	simm.s32 $0x6000;
	[sflag:s11] =	ssyncadd.s32 $0xFFFFC000  }
0x31: {  	[tilespmem:s7], [sflag:$0x1] =	stream.indirect.gather [hbm4b:s1+s12], $0x20, s14, s12, $0xb8;
	[tilespmem:$0x1C000] =	vst v63  }
0x32: {  	s15 =	simm.s32 $0x100;
	s13 =	simm.s32 $0x7000  }
0x33: {  	[tilespmem:s13], [sflag:$0x2] =	stream.indirect.gather [hbm4b:s1+s12], $0x20, s15, s12, $0xb8;
	[tilespmem:$0x1C000] =	vst v63  }
0x34: {  	s16 =	simm.s32 $0x200;
	s17 =	simm.s32 $0x8000  }
0x35: {  	[tilespmem:s17], [sflag:$0x3] =	stream.indirect.gather [hbm4b:s1+s12], $0x20, s16, s12, $0xb8;
	[tilespmem:$0x1C000] =	vst v63  }
0x36: {  	s18 =	simm.s32 $0x300  }
0x37: {  	[tilespmem:s19], [sflag:$0x4] =	stream.indirect.gather [hbm4b:s1+s12], $0x20, s18, s12, $0xb8;
	[tilespmem:$0x1C000] =	vst v63  }
.LBB2_14:
0x38: {  	_ =	swait.ge [sflag:s20], $0x1000  }
0x39: {  	p1 =	seq.s32 s14, $0x0;
	[sflag:s20] =	ssyncset.done $0x0  }
0x3a: {  	s7 =	simm.s32 @!p1 $0x5;
	[sflag:s20] =	ssyncadd.s32 $0xFFFFF000  }
0x3b: {  	_ =	swait.ge @!p1 [sflag:s7], $0x2000  }
0x3c: {  	[sflag:s7] =	ssyncset.done @!p1 $0x0  }
0x3d: {  	s18 =	simm.s32 $0x0;
	[sflag:s7] =	ssyncadd.s32 @!p1 $0xFFFFE000  }
0x3e: {  	v0 =	vld [tilespmem:s18+$0x6000];
	_ =	sdelay $0x4  }
0x3f: {  	s15 =	simm.s32 $0xA020;
	v1 =	vshll.u32 v0, $0x10  }
0x40: {  	v0 =	vand.u32 $0xFFFF0000, v0;
	[tilespmem:s15+$0xFFFFFFE0] =	vst v1  }
0x41: {  	[tilespmem:s15+$0xFFFFFFF0] =	vst v0  }
0x42: {  	s13 =	sshll.u32 s14, $0xC;
	s17 =	simm.s32 $0x80;
	s16 =	simm.s32 $0xA020;
	v0 =	vld [tilespmem:s18+$0x6010]  }
.LBB2_15:
0x43: {  	_ =	sdelay $0x2  }
0x44: {  	p2 =	sne.s32 s17, $0x3F80  }
0x45: {  	s15 =	sadd.s32 $0x40, s15;
	s7 =	smov.u32 s17;
	s17 =	sadd.s32 $0x80, s17;
	v1 =	vshll.u32 v0, $0x10;
	v0 =	vand.u32 $0xFFFF0000, v0  }
0x46: {  	[tilespmem:s16+$0x0] =	vst v1  }
0x47: {  	s7 =	sshra.s32 s7, $0x2;
	[tilespmem:s16+$0x10] =	vst v0;
	s16 =	smov.u32 s15  }
0x48: {  	v0 =	vld [tilespmem:s7+$0x6000];
	_ =	sdelay $0x3  }
.Ltmp3:
0x49: {  	(pc) =	sbr.rel @p2 .LBB2_15-.Ltmp3, $4  }
0x4a: {  	v1 =	vshll.u32 v0, $0x10;
	v0 =	vand.u32 $0xFFFF0000, v0  }
0x4b: {  	[tilespmem:s15+$0xFFFFFFE0] =	vst v1  }
0x4c: {  	[tilespmem:s15+$0xFFFFFFF0] =	vst v0  }
0x4d: {  	v0 =	vld [tilespmem:s7+$0x6010]  }
0x4e: {  	_ =	sdelay $0x3  }
0x4f: {  	p2 =	seq.s32 s14, $0xF;
	v1 =	vshll.u32 v0, $0x10  }
0x50: {  	s7 =	sshrl.u32 @!p2 s13, $0x2;
	v0 =	vand.u32 $0xFFFF0000, v0;
	[tilespmem:s16+$0x0] =	vst v1  }
0x51: {  	s15 =	simm.s32 @!p2 $0x80;
	s7 =	sadd.s32 @!p2 $0x400, s7;
	[tilespmem:s16+$0x10] =	vst v0;
	s16 =	simm.s32 @!p2 $0x6000  }
0x52: {  	[tilespmem:s16], [sflag:$0x1] =	stream.indirect.gather @!p2 [hbm4b:s1+s15], $0x20, s7, s15, $0xb8;
	[tilespmem:$0x1C000] =	vst v63  }
0x53: {  	s15 =	sshrl.u32 s13, $0x2  }
0x54: {  	s16 =	sadd.s32 $0x80, s15  }
0x55: {  	[spmem:s2] =	stream.indirect.scatter.add.f32 [tilespmem:s21], [sflag:$0x5], $0x40, s16, s12, $0xb8;
	[tilespmem:$0x1C000] =	vst v63  }
0x56: {  	_ =	swait.ge [sflag:s22], $0x1000  }
0x57: {  	[sflag:s22] =	ssyncset.done $0x0  }
0x58: {  	s7 =	simm.s32 @!p1 $0x6;
	[sflag:s22] =	ssyncadd.s32 $0xFFFFF000  }
0x59: {  	_ =	swait.ge @!p1 [sflag:s7], $0x2000  }
0x5a: {  	[sflag:s7] =	ssyncset.done @!p1 $0x0  }
0x5b: {  	s17 =	simm.s32 $0x0;
	[sflag:s7] =	ssyncadd.s32 @!p1 $0xFFFFE000  }
0x5c: {  	v0 =	vld [tilespmem:s17+$0x7000];
	_ =	sdelay $0x4  }
0x5d: {  	s16 =	simm.s32 $0xC020;
	v1 =	vshll.u32 v0, $0x10  }
0x5e: {  	v0 =	vand.u32 $0xFFFF0000, v0;
	[tilespmem:s16+$0xFFFFFFE0] =	vst v1  }
0x5f: {  	[tilespmem:s16+$0xFFFFFFF0] =	vst v0  }
0x60: {  	s18 =	simm.s32 $0x80;
	v0 =	vld [tilespmem:s17+$0x7010];
	s17 =	simm.s32 $0xC020  }
.LBB2_17:
0x61: {  	_ =	sdelay $0x2  }
0x62: {  	p3 =	sne.s32 s18, $0x3F80  }
0x63: {  	s16 =	sadd.s32 $0x40, s16;
	s7 =	smov.u32 s18;
	s18 =	sadd.s32 $0x80, s18;
	v1 =	vshll.u32 v0, $0x10;
	v0 =	vand.u32 $0xFFFF0000, v0  }
0x64: {  	[tilespmem:s17+$0x0] =	vst v1  }
0x65: {  	s7 =	sshra.s32 s7, $0x2;
	[tilespmem:s17+$0x10] =	vst v0;
	s17 =	smov.u32 s16  }
0x66: {  	v0 =	vld [tilespmem:s7+$0x7000];
	_ =	sdelay $0x3  }
.Ltmp4:
0x67: {  	(pc) =	sbr.rel @p3 .LBB2_17-.Ltmp4, $4  }
0x68: {  	v1 =	vshll.u32 v0, $0x10;
	v0 =	vand.u32 $0xFFFF0000, v0  }
0x69: {  	[tilespmem:s16+$0xFFFFFFE0] =	vst v1  }
0x6a: {  	[tilespmem:s16+$0xFFFFFFF0] =	vst v0  }
0x6b: {  	v0 =	vld [tilespmem:s7+$0x7010]  }
0x6c: {  	_ =	sdelay $0x3  }
0x6d: {  	v1 =	vshll.u32 v0, $0x10  }
0x6e: {  	v0 =	vand.u32 $0xFFFF0000, v0;
	[tilespmem:s17+$0x0] =	vst v1  }
0x6f: {  	s7 =	sadd.s32 @!p2 $0x500, s15;
	s16 =	simm.s32 @!p2 $0x80;
	[tilespmem:s17+$0x10] =	vst v0;
	s17 =	simm.s32 @!p2 $0x7000  }
0x70: {  	[tilespmem:s17], [sflag:$0x2] =	stream.indirect.gather @!p2 [hbm4b:s1+s16], $0x20, s7, s16, $0xb8;
	[tilespmem:$0x1C000] =	vst v63  }
0x71: {  	s16 =	sadd.s32 $0x180, s15  }
0x72: {  	[spmem:s2] =	stream.indirect.scatter.add.f32 [tilespmem:s23], [sflag:$0x6], $0x40, s16, s12, $0xb8;
	[tilespmem:$0x1C000] =	vst v63  }
0x73: {  	_ =	swait.ge [sflag:s25], $0x1000  }
0x74: {  	[sflag:s25] =	ssyncset.done $0x0  }
0x75: {  	s7 =	simm.s32 @!p1 $0x7;
	[sflag:s25] =	ssyncadd.s32 $0xFFFFF000  }
0x76: {  	_ =	swait.ge @!p1 [sflag:s7], $0x2000  }
0x77: {  	[sflag:s7] =	ssyncset.done @!p1 $0x0  }
0x78: {  	s17 =	simm.s32 $0x0;
	[sflag:s7] =	ssyncadd.s32 @!p1 $0xFFFFE000  }
0x79: {  	v0 =	vld [tilespmem:s17+$0x8000];
	_ =	sdelay $0x4  }
0x7a: {  	s16 =	simm.s32 $0xE020;
	v1 =	vshll.u32 v0, $0x10  }
0x7b: {  	v0 =	vand.u32 $0xFFFF0000, v0;
	[tilespmem:s16+$0xFFFFFFE0] =	vst v1  }
0x7c: {  	[tilespmem:s16+$0xFFFFFFF0] =	vst v0  }
0x7d: {  	s18 =	simm.s32 $0x80;
	v0 =	vld [tilespmem:s17+$0x8010];
	s17 =	simm.s32 $0xE020  }
.LBB2_19:
0x7e: {  	_ =	sdelay $0x2  }
0x7f: {  	p3 =	sne.s32 s18, $0x3F80  }
0x80: {  	s16 =	sadd.s32 $0x40, s16;
	s7 =	smov.u32 s18;
	s18 =	sadd.s32 $0x80, s18;
	v1 =	vshll.u32 v0, $0x10;
	v0 =	vand.u32 $0xFFFF0000, v0  }
0x81: {  	[tilespmem:s17+$0x0] =	vst v1  }
0x82: {  	s7 =	sshra.s32 s7, $0x2;
	[tilespmem:s17+$0x10] =	vst v0;
	s17 =	smov.u32 s16  }
0x83: {  	v0 =	vld [tilespmem:s7+$0x8000];
	_ =	sdelay $0x3  }
.Ltmp5:
0x84: {  	(pc) =	sbr.rel @p3 .LBB2_19-.Ltmp5, $4  }
0x85: {  	v1 =	vshll.u32 v0, $0x10;
	v0 =	vand.u32 $0xFFFF0000, v0  }
0x86: {  	[tilespmem:s16+$0xFFFFFFE0] =	vst v1  }
0x87: {  	[tilespmem:s16+$0xFFFFFFF0] =	vst v0  }
0x88: {  	v0 =	vld [tilespmem:s7+$0x8010]  }
0x89: {  	_ =	sdelay $0x3  }
0x8a: {  	v1 =	vshll.u32 v0, $0x10  }
0x8b: {  	v0 =	vand.u32 $0xFFFF0000, v0;
	[tilespmem:s17+$0x0] =	vst v1  }
0x8c: {  	s7 =	sadd.s32 @!p2 $0x600, s15;
	s16 =	simm.s32 @!p2 $0x80;
	[tilespmem:s17+$0x10] =	vst v0;
	s17 =	simm.s32 @!p2 $0x8000  }
0x8d: {  	[tilespmem:s17], [sflag:$0x3] =	stream.indirect.gather @!p2 [hbm4b:s1+s16], $0x20, s7, s16, $0xb8;
	[tilespmem:$0x1C000] =	vst v63  }
0x8e: {  	s16 =	sadd.s32 $0x280, s15  }
0x8f: {  	[spmem:s2] =	stream.indirect.scatter.add.f32 [tilespmem:s26], [sflag:$0x7], $0x40, s16, s12, $0xb8;
	[tilespmem:$0x1C000] =	vst v63  }
0x90: {  	_ =	swait.ge [sflag:s28], $0x1000  }
0x91: {  	[sflag:s28] =	ssyncset.done $0x0  }
0x92: {  	s7 =	simm.s32 @!p1 $0x8;
	[sflag:s28] =	ssyncadd.s32 $0xFFFFF000  }
0x93: {  	_ =	swait.ge @!p1 [sflag:s7], $0x2000  }
0x94: {  	[sflag:s7] =	ssyncset.done @!p1 $0x0  }
0x95: {  	s17 =	simm.s32 $0x0;
	[sflag:s7] =	ssyncadd.s32 @!p1 $0xFFFFE000  }
0x96: {  	v0 =	vld [tilespmem:s17+$0x9000];
	_ =	sdelay $0x4  }
0x97: {  	s16 =	simm.s32 $0x10020;
	v1 =	vshll.u32 v0, $0x10  }
0x98: {  	v0 =	vand.u32 $0xFFFF0000, v0;
	[tilespmem:s16+$0xFFFFFFE0] =	vst v1  }
0x99: {  	[tilespmem:s16+$0xFFFFFFF0] =	vst v0  }
0x9a: {  	s18 =	simm.s32 $0x80;
	v0 =	vld [tilespmem:s17+$0x9010];
	s17 =	simm.s32 $0x10020  }
.LBB2_21:
0x9b: {  	_ =	sdelay $0x2  }
0x9c: {  	p1 =	sne.s32 s18, $0x3F80  }
0x9d: {  	s16 =	sadd.s32 $0x40, s16;
	s7 =	smov.u32 s18;
	s18 =	sadd.s32 $0x80, s18;
	v1 =	vshll.u32 v0, $0x10;
	v0 =	vand.u32 $0xFFFF0000, v0  }
0x9e: {  	[tilespmem:s17+$0x0] =	vst v1  }
0x9f: {  	s7 =	sshra.s32 s7, $0x2;
	[tilespmem:s17+$0x10] =	vst v0;
	s17 =	smov.u32 s16  }
0xa0: {  	v0 =	vld [tilespmem:s7+$0x9000];
	_ =	sdelay $0x3  }
.Ltmp6:
0xa1: {  	(pc) =	sbr.rel @p1 .LBB2_21-.Ltmp6, $4  }
0xa2: {  	v1 =	vshll.u32 v0, $0x10;
	v0 =	vand.u32 $0xFFFF0000, v0  }
0xa3: {  	[tilespmem:s16+$0xFFFFFFE0] =	vst v1  }
0xa4: {  	[tilespmem:s16+$0xFFFFFFF0] =	vst v0  }
0xa5: {  	v0 =	vld [tilespmem:s7+$0x9010]  }
0xa6: {  	_ =	sdelay $0x1  }
.Ltmp7:
0xa7: {  	_ = 	snop;
	(pc) =	sbr.rel @p2 .LBB2_24-.Ltmp7, $4  }
0xa8: {  	_ = 	snop  }
0xa9: {  	v1 =	vshll.u32 v0, $0x10  }
0xaa: {  	v63 =	vand.u32 $0xFFFF0000, v0;
	[tilespmem:s17+$0x0] =	vst v1  }
0xab: {  	[tilespmem:s17+$0x10] =	vst v63  }
.Ltmp8:
0xac: {  	(pc) =	sbr.rel .LBB2_14-.Ltmp8, $4  }
0xad: {  	s7 =	sadd.s32 $0x700, s15  }
0xae: {  	[tilespmem:s19], [sflag:$0x4] =	stream.indirect.gather [hbm4b:s1+s12], $0x20, s7, s12, $0xb8;
	[tilespmem:$0x1C000] =	vst v63  }
0xaf: {  	s18 =	sadd.s32 $0x380, s15;
	s14 =	sadd.s32 $0x1, s14  }
0xb0: {  	[spmem:s2] =	stream.indirect.scatter.add.f32 [tilespmem:s29], [sflag:$0x8], $0x40, s18, s12, $0xb8;
	[tilespmem:$0x1C000] =	vst v63  }
.LBB2_2:
0xb1: {  	s7 =	rddreg [dreg:$0x4]  }
0xb2: {  	[tilespmem:s14], [sflag:$0x9] =	stream.linear.gather [hbm4b:s7+s14], $0x6000, $0x38;
	[tilespmem:$0x1C000] =	vst v63  }
0xb3: {  	_ =	swait.ge [sflag:s11], $0x6000  }
0xb4: {  	[sflag:s11] =	ssyncset.done $0x0  }
0xb5: {  	s13 =	simm.s32 $0x6000;
	[sflag:s11] =	ssyncadd.s32 $0xFFFFA000  }
0xb6: {  	[tilespmem:s13], [sflag:$0x1] =	stream.indirect.gather [hbm4b:s1+s12], $0x20, s14, s12, $0xb8;
	[tilespmem:$0x1C000] =	vst v63  }
0xb7: {  	s15 =	simm.s32 $0x100;
	s13 =	simm.s32 $0x7000  }
0xb8: {  	[tilespmem:s13], [sflag:$0x2] =	stream.indirect.gather [hbm4b:s1+s12], $0x20, s15, s12, $0xb8;
	[tilespmem:$0x1C000] =	vst v63  }
0xb9: {  	s16 =	simm.s32 $0x200;
	s17 =	simm.s32 $0x8000  }
0xba: {  	[tilespmem:s17], [sflag:$0x3] =	stream.indirect.gather [hbm4b:s1+s12], $0x20, s16, s12, $0xb8;
	[tilespmem:$0x1C000] =	vst v63  }
0xbb: {  	s18 =	simm.s32 $0x300  }
0xbc: {  	[tilespmem:s19], [sflag:$0x4] =	stream.indirect.gather [hbm4b:s1+s12], $0x20, s18, s12, $0xb8;
	[tilespmem:$0x1C000] =	vst v63  }
.LBB2_3:
0xbd: {  	_ =	swait.ge [sflag:s20], $0x1000  }
0xbe: {  	p1 =	seq.s32 s14, $0x0;
	[sflag:s20] =	ssyncset.done $0x0  }
0xbf: {  	s13 =	simm.s32 @!p1 $0x5;
	[sflag:s20] =	ssyncadd.s32 $0xFFFFF000  }
0xc0: {  	_ =	swait.ge @!p1 [sflag:s13], $0x2000  }
0xc1: {  	[sflag:s13] =	ssyncset.done @!p1 $0x0  }
0xc2: {  	s16 =	simm.s32 $0x0;
	[sflag:s13] =	ssyncadd.s32 @!p1 $0xFFFFE000  }
0xc3: {  	v0 =	vld [tilespmem:s16+$0x6000];
	_ =	sdelay $0x4  }
0xc4: {  	s15 =	simm.s32 $0xA020;
	v1 =	vshll.u32 v0, $0x10  }
0xc5: {  	v0 =	vand.u32 $0xFFFF0000, v0;
	[tilespmem:s15+$0xFFFFFFE0] =	vst v1  }
0xc6: {  	[tilespmem:s15+$0xFFFFFFF0] =	vst v0  }
0xc7: {  	s17 =	simm.s32 $0x80;
	s13 =	sshll.u32 s14, $0xC;
	v0 =	vld [tilespmem:s16+$0x6010];
	s16 =	simm.s32 $0xA020  }
.LBB2_4:
0xc8: {  	_ =	sdelay $0x2  }
0xc9: {  	p2 =	sne.s32 s17, $0x3F80  }
0xca: {  	s15 =	sadd.s32 $0x40, s15;
	s18 =	smov.u32 s17;
	s17 =	sadd.s32 $0x80, s17;
	v1 =	vshll.u32 v0, $0x10;
	v0 =	vand.u32 $0xFFFF0000, v0  }
0xcb: {  	[tilespmem:s16+$0x0] =	vst v1  }
0xcc: {  	s18 =	sshra.s32 s18, $0x2;
	[tilespmem:s16+$0x10] =	vst v0;
	s16 =	smov.u32 s15  }
0xcd: {  	v0 =	vld [tilespmem:s18+$0x6000];
	_ =	sdelay $0x3  }
.Ltmp9:
0xce: {  	(pc) =	sbr.rel @p2 .LBB2_4-.Ltmp9, $4  }
0xcf: {  	v1 =	vshll.u32 v0, $0x10;
	v0 =	vand.u32 $0xFFFF0000, v0  }
0xd0: {  	[tilespmem:s15+$0xFFFFFFE0] =	vst v1  }
0xd1: {  	[tilespmem:s15+$0xFFFFFFF0] =	vst v0  }
0xd2: {  	v0 =	vld [tilespmem:s18+$0x6010]  }
0xd3: {  	_ =	sdelay $0x3  }
0xd4: {  	p2 =	seq.s32 s14, $0x17;
	v1 =	vshll.u32 v0, $0x10  }
0xd5: {  	s15 =	sshrl.u32 @!p2 s13, $0x2;
	v0 =	vand.u32 $0xFFFF0000, v0;
	[tilespmem:s16+$0x0] =	vst v1  }
0xd6: {  	s17 =	simm.s32 @!p2 $0x6000;
	s15 =	sadd.s32 @!p2 $0x400, s15;
	[tilespmem:s16+$0x10] =	vst v0;
	s16 =	simm.s32 @!p2 $0x80  }
0xd7: {  	[tilespmem:s17], [sflag:$0x1] =	stream.indirect.gather @!p2 [hbm4b:s1+s16], $0x20, s15, s16, $0xb8;
	[tilespmem:$0x1C000] =	vst v63  }
0xd8: {  	s15 =	sshrl.u32 s13, $0x2  }
0xd9: {  	s18 =	sadd.s32 $0x80, s15  }
0xda: {  	[spmem:s2] =	stream.indirect.scatter.add.f32 [tilespmem:s21], [sflag:$0x5], $0x40, s18, s12, $0xb8;
	[tilespmem:$0x1C000] =	vst v63  }
0xdb: {  	_ =	swait.ge [sflag:s22], $0x1000  }
0xdc: {  	[sflag:s22] =	ssyncset.done $0x0  }
0xdd: {  	s16 =	simm.s32 @!p1 $0x6;
	[sflag:s22] =	ssyncadd.s32 $0xFFFFF000  }
0xde: {  	_ =	swait.ge @!p1 [sflag:s16], $0x2000  }
0xdf: {  	[sflag:s16] =	ssyncset.done @!p1 $0x0  }
0xe0: {  	s7 =	simm.s32 $0x0;
	[sflag:s16] =	ssyncadd.s32 @!p1 $0xFFFFE000  }
0xe1: {  	v0 =	vld [tilespmem:s7+$0x7000];
	_ =	sdelay $0x4  }
0xe2: {  	s16 =	simm.s32 $0xC020;
	v1 =	vshll.u32 v0, $0x10  }
0xe3: {  	v0 =	vand.u32 $0xFFFF0000, v0;
	[tilespmem:s16+$0xFFFFFFE0] =	vst v1  }
0xe4: {  	[tilespmem:s16+$0xFFFFFFF0] =	vst v0  }
0xe5: {  	s17 =	simm.s32 $0xC020;
	s18 =	simm.s32 $0x80;
	v0 =	vld [tilespmem:s7+$0x7010]  }
.LBB2_6:
0xe6: {  	_ =	sdelay $0x2  }
0xe7: {  	p3 =	sne.s32 s18, $0x3F80  }
0xe8: {  	s16 =	sadd.s32 $0x40, s16;
	s7 =	smov.u32 s18;
	s18 =	sadd.s32 $0x80, s18;
	v1 =	vshll.u32 v0, $0x10;
	v0 =	vand.u32 $0xFFFF0000, v0  }
0xe9: {  	[tilespmem:s17+$0x0] =	vst v1  }
0xea: {  	s7 =	sshra.s32 s7, $0x2;
	[tilespmem:s17+$0x10] =	vst v0;
	s17 =	smov.u32 s16  }
0xeb: {  	v0 =	vld [tilespmem:s7+$0x7000];
	_ =	sdelay $0x3  }
.Ltmp10:
0xec: {  	(pc) =	sbr.rel @p3 .LBB2_6-.Ltmp10, $4  }
0xed: {  	v1 =	vshll.u32 v0, $0x10;
	v0 =	vand.u32 $0xFFFF0000, v0  }
0xee: {  	[tilespmem:s16+$0xFFFFFFE0] =	vst v1  }
0xef: {  	[tilespmem:s16+$0xFFFFFFF0] =	vst v0  }
0xf0: {  	v0 =	vld [tilespmem:s7+$0x7010]  }
0xf1: {  	_ =	sdelay $0x3  }
0xf2: {  	v1 =	vshll.u32 v0, $0x10  }
0xf3: {  	v0 =	vand.u32 $0xFFFF0000, v0;
	[tilespmem:s17+$0x0] =	vst v1  }
0xf4: {  	s7 =	sadd.s32 @!p2 $0x500, s15;
	s16 =	simm.s32 @!p2 $0x80;
	[tilespmem:s17+$0x10] =	vst v0;
	s17 =	simm.s32 @!p2 $0x7000  }
0xf5: {  	[tilespmem:s17], [sflag:$0x2] =	stream.indirect.gather @!p2 [hbm4b:s1+s16], $0x20, s7, s16, $0xb8;
	[tilespmem:$0x1C000] =	vst v63  }
0xf6: {  	s16 =	sadd.s32 $0x180, s15  }
0xf7: {  	[spmem:s2] =	stream.indirect.scatter.add.f32 [tilespmem:s23], [sflag:$0x6], $0x40, s16, s12, $0xb8;
	[tilespmem:$0x1C000] =	vst v63  }
0xf8: {  	_ =	swait.ge [sflag:s25], $0x1000  }
0xf9: {  	[sflag:s25] =	ssyncset.done $0x0  }
0xfa: {  	s7 =	simm.s32 @!p1 $0x7;
	[sflag:s25] =	ssyncadd.s32 $0xFFFFF000  }
0xfb: {  	_ =	swait.ge @!p1 [sflag:s7], $0x2000  }
0xfc: {  	[sflag:s7] =	ssyncset.done @!p1 $0x0  }
0xfd: {  	s17 =	simm.s32 $0x0;
	[sflag:s7] =	ssyncadd.s32 @!p1 $0xFFFFE000  }
0xfe: {  	v0 =	vld [tilespmem:s17+$0x8000];
	_ =	sdelay $0x4  }
0xff: {  	s16 =	simm.s32 $0xE020;
	v1 =	vshll.u32 v0, $0x10  }
0x100: {  	v0 =	vand.u32 $0xFFFF0000, v0;
	[tilespmem:s16+$0xFFFFFFE0] =	vst v1  }
0x101: {  	[tilespmem:s16+$0xFFFFFFF0] =	vst v0  }
0x102: {  	s18 =	simm.s32 $0x80;
	v0 =	vld [tilespmem:s17+$0x8010];
	s17 =	simm.s32 $0xE020  }
.LBB2_8:
0x103: {  	_ =	sdelay $0x2  }
0x104: {  	p3 =	sne.s32 s18, $0x3F80  }
0x105: {  	s16 =	sadd.s32 $0x40, s16;
	s7 =	smov.u32 s18;
	s18 =	sadd.s32 $0x80, s18;
	v1 =	vshll.u32 v0, $0x10;
	v0 =	vand.u32 $0xFFFF0000, v0  }
0x106: {  	[tilespmem:s17+$0x0] =	vst v1  }
0x107: {  	s7 =	sshra.s32 s7, $0x2;
	[tilespmem:s17+$0x10] =	vst v0;
	s17 =	smov.u32 s16  }
0x108: {  	v0 =	vld [tilespmem:s7+$0x8000];
	_ =	sdelay $0x3  }
.Ltmp11:
0x109: {  	(pc) =	sbr.rel @p3 .LBB2_8-.Ltmp11, $4  }
0x10a: {  	v1 =	vshll.u32 v0, $0x10;
	v0 =	vand.u32 $0xFFFF0000, v0  }
0x10b: {  	[tilespmem:s16+$0xFFFFFFE0] =	vst v1  }
0x10c: {  	[tilespmem:s16+$0xFFFFFFF0] =	vst v0  }
0x10d: {  	v0 =	vld [tilespmem:s7+$0x8010]  }
0x10e: {  	_ =	sdelay $0x3  }
0x10f: {  	v1 =	vshll.u32 v0, $0x10  }
0x110: {  	v0 =	vand.u32 $0xFFFF0000, v0;
	[tilespmem:s17+$0x0] =	vst v1  }
0x111: {  	s7 =	sadd.s32 @!p2 $0x600, s15;
	s16 =	simm.s32 @!p2 $0x80;
	[tilespmem:s17+$0x10] =	vst v0;
	s17 =	simm.s32 @!p2 $0x8000  }
0x112: {  	[tilespmem:s17], [sflag:$0x3] =	stream.indirect.gather @!p2 [hbm4b:s1+s16], $0x20, s7, s16, $0xb8;
	[tilespmem:$0x1C000] =	vst v63  }
0x113: {  	s16 =	sadd.s32 $0x280, s15  }
0x114: {  	[spmem:s2] =	stream.indirect.scatter.add.f32 [tilespmem:s26], [sflag:$0x7], $0x40, s16, s12, $0xb8;
	[tilespmem:$0x1C000] =	vst v63  }
0x115: {  	_ =	swait.ge [sflag:s28], $0x1000  }
0x116: {  	[sflag:s28] =	ssyncset.done $0x0  }
0x117: {  	s7 =	simm.s32 @!p1 $0x8;
	[sflag:s28] =	ssyncadd.s32 $0xFFFFF000  }
0x118: {  	_ =	swait.ge @!p1 [sflag:s7], $0x2000  }
0x119: {  	[sflag:s7] =	ssyncset.done @!p1 $0x0  }
0x11a: {  	s17 =	simm.s32 $0x0;
	[sflag:s7] =	ssyncadd.s32 @!p1 $0xFFFFE000  }
0x11b: {  	v0 =	vld [tilespmem:s17+$0x9000];
	_ =	sdelay $0x4  }
0x11c: {  	s16 =	simm.s32 $0x10020;
	v1 =	vshll.u32 v0, $0x10  }
0x11d: {  	v0 =	vand.u32 $0xFFFF0000, v0;
	[tilespmem:s16+$0xFFFFFFE0] =	vst v1  }
0x11e: {  	[tilespmem:s16+$0xFFFFFFF0] =	vst v0  }
0x11f: {  	s18 =	simm.s32 $0x80;
	v0 =	vld [tilespmem:s17+$0x9010];
	s17 =	simm.s32 $0x10020  }
.LBB2_10:
0x120: {  	_ =	sdelay $0x2  }
0x121: {  	p1 =	sne.s32 s18, $0x3F80  }
0x122: {  	s16 =	sadd.s32 $0x40, s16;
	s7 =	smov.u32 s18;
	s18 =	sadd.s32 $0x80, s18;
	v1 =	vshll.u32 v0, $0x10;
	v0 =	vand.u32 $0xFFFF0000, v0  }
0x123: {  	[tilespmem:s17+$0x0] =	vst v1  }
0x124: {  	s7 =	sshra.s32 s7, $0x2;
	[tilespmem:s17+$0x10] =	vst v0;
	s17 =	smov.u32 s16  }
0x125: {  	v0 =	vld [tilespmem:s7+$0x9000];
	_ =	sdelay $0x3  }
.Ltmp12:
0x126: {  	(pc) =	sbr.rel @p1 .LBB2_10-.Ltmp12, $4  }
0x127: {  	v1 =	vshll.u32 v0, $0x10;
	v0 =	vand.u32 $0xFFFF0000, v0  }
0x128: {  	[tilespmem:s16+$0xFFFFFFE0] =	vst v1  }
0x129: {  	[tilespmem:s16+$0xFFFFFFF0] =	vst v0  }
0x12a: {  	v0 =	vld [tilespmem:s7+$0x9010]  }
0x12b: {  	_ =	sdelay $0x1  }
.Ltmp13:
0x12c: {  	_ = 	snop;
	(pc) =	sbr.rel @p2 .LBB2_24-.Ltmp13, $4  }
0x12d: {  	_ = 	snop  }
0x12e: {  	v1 =	vshll.u32 v0, $0x10  }
0x12f: {  	v63 =	vand.u32 $0xFFFF0000, v0;
	[tilespmem:s17+$0x0] =	vst v1  }
0x130: {  	[tilespmem:s17+$0x10] =	vst v63  }
.Ltmp14:
0x131: {  	(pc) =	sbr.rel .LBB2_3-.Ltmp14, $4  }
0x132: {  	s7 =	sadd.s32 $0x700, s15  }
0x133: {  	[tilespmem:s19], [sflag:$0x4] =	stream.indirect.gather [hbm4b:s1+s12], $0x20, s7, s12, $0xb8;
	[tilespmem:$0x1C000] =	vst v63  }
0x134: {  	s18 =	sadd.s32 $0x380, s15;
	s14 =	sadd.s32 $0x1, s14  }
0x135: {  	[spmem:s2] =	stream.indirect.scatter.add.f32 [tilespmem:s29], [sflag:$0x8], $0x40, s18, s12, $0xb8;
	[tilespmem:$0x1C000] =	vst v63  }
.LBB2_25:
0x136: {  	_ =	sfence.sel $0x180000  }
0x137: {  	[bflag:$0x0] =	sbarrier.arrive $0xFFFF  }
0x138: {  	_ =	strace $0x9000004A  }
0x139: {  	s0 =	stileid.u32;
	[bflag:$0x2] =	sbarrier.arrive $0xFFFF  }
0x13a: {  	p0 =	sne.s32 s0, $0x0;
	s0 =	rddreg [dreg:$0x3]  }
0x13b: {  	s0 =	sadd.s32 @!p0 $0x100000, s0  }
0x13c: {  	[sflag:s0] =	ssyncadd.tile.s32 @!p0 $0x1;
	_ =	shalt  }
.Lfunc_end2:
_tile_overlayer_lowered:
.L_overlay_start_2:
0x13d: {  	(tag) =	ssettag $0x2  }
0x13e: {  	s0 =	rddreg [dreg:$0x0];
	s2 =	stileid.u32  }
0x13f: {  	s1 =	rddreg [dreg:$0x1];
	p0 =	sne.s32 s2, $0x0  }
0x140: {  	s3 =	rddreg [dreg:$0x2];
	[bflag:$0x3] =	sbarrier.arrive $0xFFFF;
	s2 =	simm.s32 @!p0 $0x1C09  }
0x141: {  	[timem:s3], [sflag:s2] =	dma.local @!p0 [hbm:s0], s1  }
0x142: {  	s0 =	simm.s32 @!p0 $0x9  }
0x143: {  	_ =	swait.ge @!p0 [sflag:s0], s1  }
0x144: {  	s1 =	ssub.s32 @!p0 $0x0, s1;
	[sflag:s0] =	ssyncset.done @!p0 $0x0  }
0x145: {  	[sflag:s0] =	ssyncadd.s32 @!p0 s1  }
0x146: {  	[bflag:$0x3] =	sbarrier.arrive $0xFFFF  }
0x147: {  	_ =	shalt  }

// kernel: kernel.15.cloned.1.call-start
scs
__scs_entry_jumppad:
0x0: {  	(pc) =	sbr.rel $0x88, $3  }
0x1: {  	(tag) =	ssettag $0x0;
	lr =	simm.s32 $0x1  }
0x2: {  	[smem:$0x3F9B] =	sst lr;
	_ =	strace $0xD0000000  }
0x3: {  	_ = 	snop  }
0x4: {  	_ = 	snop  }
0x5: {  	_ = 	snop  }
0x6: {  	_ = 	snop  }
0x7: {  	_ = 	snop  }
__scs_overlays_trampoline_lowered:
0x8: {  	[smem:$0x3FAA] =	sst s0  }
0x9: {  	[smem:$0x3FAB] =	sst s1  }
0xa: {  	[smem:$0x3FAC] =	sst s2  }
0xb: {  	[smem:$0x3FAD] =	sst s3  }
0xc: {  	[smem:$0x3FAE] =	sst s4  }
0xd: {  	[smem:$0x3FAF] =	sst s5  }
0xe: {  	[smem:$0x3FB0] =	sst s6  }
0xf: {  	[smem:$0x3FB1] =	sst s7  }
0x10: {  	[smem:$0x3FB2] =	sst s8  }
0x11: {  	[smem:$0x3FB3] =	sst s9;
	s0 =	simm.s32 @!p0 $0x0  }
0x12: {  	s1 =	sld [smem:$0x3F99];
	s0 =	simm.s32 @p0 $0x1  }
0x13: {  	[smem:$0x3FB4] =	sst s0;
	s0 =	simm.s32 @!p1 $0x0  }
0x14: {  	s2 =	sld [smem:$0x3F98];
	s0 =	simm.s32 @p1 $0x1  }
0x15: {  	[smem:$0x3FB5] =	sst s0;
	s0 =	simm.s32 @!p2 $0x0  }
0x16: {  	s3 =	sld [smem:$0x3FDB];
	s0 =	simm.s32 @p2 $0x1  }
0x17: {  	s4 =	simm.s32 $0x1BF5;
	[smem:$0x3FB7] =	sst s0  }
0x18: {  	s0 =	sld [smem:$0x3F9A];
	_ =	swait.ge [sflag:s4], $0x0  }
0x19: {  	s7 =	sld [smem:$0x3F9B]  }
0x1a: {  	s8 =	sadd.s32 $0xFFFFE003, lr  }
0x1b: {  	s9 =	sadd.s32 $0xFFFFFEF7, lr;
	s5 =	simm.s32 $0xFFFFFFFF;
	p2 =	slt.u32 s8, $0xFFFFF086  }
0x1c: {  	p1 =	slt.u32 s9, $0xF7A;
	s5 =	simm.s32 @!p2 $0x0  }
0x1d: {  	s5 =	simm.s32 @p1 $0x1;
	p0 =	seq.s32 s7, s2  }
0x1e: {  	s7 =	smul.u32 @!p0 $0xF7A, s2;
	p2 =	seq.s32 @!p0 s5, $0x0  }
0x1f: {  	s9 =	smul.u32 $0xF7A, s1;
	s8 =	simm.s32 @!p0 $0x1BF5;
	p2 =	por !p2, p0  }
0x20: {  	[sflag:s8] =	ssyncset.s32 @!p0 $0xFFFFF086;
	s6 =	sadd.s32 @!p0 s3, s7;
	s7 =	simm.s32 @!p0 $0x108  }
0x21: {  	s3 =	sadd.s32 s3, s9;
	s6 =	sadd.s32 @!p0 $0x88, s6;
	s7 =	simm.s32 @p2 $0x1082  }
0x22: {  	[simem:s7], [sflag:s8] =	dma.local @!p0 [hbm:s6], $0xF7A  }
0x23: {  	s9 =	sor.u32 $0xD0000000, s2;
	s6 =	simm.s32 $0x108;
	_ =	swait.ge @!p0 [sflag:s8], $0x0  }
0x24: {  	s3 =	sadd.s32 $0x88, s3;
	s6 =	simm.s32 @!p1 $0x1082;
	[sflag:s4] =	ssyncset.s32 $0xFFFFF086  }
0x25: {  	[simem:s6], [sflag:s4] =	dma.local [hbm:s3], $0xF7A  }
0x26: {  	[smem:$0x3F9B] =	sst s1;
	(tag) =	ssettag s2;
	_ =	strace s9  }
0x27: {  	s1 =	sld [smem:$0x3FAB]  }
0x28: {  	s2 =	sld [smem:$0x3FAC]  }
0x29: {  	s4 =	sld [smem:$0x3FAE]  }
0x2a: {  	p0 =	seq.s32 s5, $0x0;
	s5 =	sld [smem:$0x3FAF]  }
0x2b: {  	s6 =	sld [smem:$0x3FB0]  }
0x2c: {  	s7 =	sld [smem:$0x3FB1]  }
0x2d: {  	s3 =	simm.s32 $0x108;
	s8 =	sld [smem:$0x3FB2]  }
0x2e: {  	s3 =	simm.s32 @!p0 $0x1082;
	s9 =	sld [smem:$0x3FB3]  }
0x2f: {  	lr =	sadd.s32 s0, s3;
	s0 =	sld [smem:$0x3FAA]  }
0x30: {  	s3 =	sld [smem:$0x3FAD]  }
0x31: {  	[smem:$0x3FB6] =	sst s10  }
0x32: {  	s10 =	sld [smem:$0x3FB4];
	_ =	sdelay $0x3  }
0x33: {  	p0 =	seq.s32 s10, $0x1;
	s10 =	sld [smem:$0x3FB6];
	_ =	sdelay $0x3  }
0x34: {  	[smem:$0x3FB6] =	sst s10  }
0x35: {  	s10 =	sld [smem:$0x3FB5];
	_ =	sdelay $0x3  }
0x36: {  	p1 =	seq.s32 s10, $0x1;
	s10 =	sld [smem:$0x3FB6];
	_ =	sdelay $0x3  }
0x37: {  	[smem:$0x3FB6] =	sst s10  }
0x38: {  	s10 =	sld [smem:$0x3FB7]  }
0x39: {  	_ = 	snop;
	(pc) =	sbr.ind lr, $3  }
0x3a: {  	_ = 	snop  }
0x3b: {  	_ = 	snop  }
0x3c: {  	p2 =	seq.s32 s10, $0x1;
	s10 =	sld [smem:$0x3FB6]  }
0x3d: {  	_ =	shalt  }
0x3e: {  	_ =	shalt  }
0x3f: {  	_ =	shalt  }
0x40: {  	_ =	shalt  }
0x41: {  	_ =	shalt  }
0x42: {  	_ =	shalt  }
0x43: {  	_ =	shalt  }
0x44: {  	_ =	shalt  }
0x45: {  	_ =	shalt  }
0x46: {  	_ =	shalt  }
0x47: {  	_ =	shalt  }
0x48: {  	_ =	shalt  }
0x49: {  	_ =	shalt  }
0x4a: {  	_ =	shalt  }
0x4b: {  	_ =	shalt  }
0x4c: {  	_ =	shalt  }
0x4d: {  	_ =	shalt  }
0x4e: {  	_ =	shalt  }
0x4f: {  	_ =	shalt  }
0x50: {  	_ =	shalt  }
0x51: {  	_ =	shalt  }
0x52: {  	_ =	shalt  }
0x53: {  	_ =	shalt  }
0x54: {  	_ =	shalt  }
0x55: {  	_ =	shalt  }
0x56: {  	_ =	shalt  }
0x57: {  	_ =	shalt  }
0x58: {  	_ =	shalt  }
0x59: {  	_ =	shalt  }
0x5a: {  	_ =	shalt  }
0x5b: {  	_ =	shalt  }
0x5c: {  	_ =	shalt  }
0x5d: {  	_ =	shalt  }
0x5e: {  	_ =	shalt  }
0x5f: {  	_ =	shalt  }
0x60: {  	_ =	shalt  }
0x61: {  	_ =	shalt  }
0x62: {  	_ =	shalt  }
0x63: {  	_ =	shalt  }
0x64: {  	_ =	shalt  }
0x65: {  	_ =	shalt  }
0x66: {  	_ =	shalt  }
0x67: {  	_ =	shalt  }
0x68: {  	_ =	shalt  }
0x69: {  	_ =	shalt  }
0x6a: {  	_ =	shalt  }
0x6b: {  	_ =	shalt  }
0x6c: {  	_ =	shalt  }
0x6d: {  	_ =	shalt  }
0x6e: {  	_ =	shalt  }
0x6f: {  	_ =	shalt  }
0x70: {  	_ =	shalt  }
0x71: {  	_ =	shalt  }
0x72: {  	_ =	shalt  }
0x73: {  	_ =	shalt  }
0x74: {  	_ =	shalt  }
0x75: {  	_ =	shalt  }
0x76: {  	_ =	shalt  }
0x77: {  	_ =	shalt  }
0x78: {  	_ =	shalt  }
0x79: {  	_ =	shalt  }
0x7a: {  	_ =	shalt  }
0x7b: {  	_ =	shalt  }
0x7c: {  	_ =	shalt  }
0x7d: {  	_ =	shalt  }
0x7e: {  	_ =	shalt  }
0x7f: {  	_ =	shalt  }
0x80: {  	_ =	shalt  }
0x81: {  	_ =	shalt  }
0x82: {  	_ =	shalt  }
0x83: {  	_ =	shalt  }
0x84: {  	_ =	shalt  }
0x85: {  	_ =	shalt  }
0x86: {  	_ =	shalt  }
0x87: {  	_ =	shalt  }
.Lfunc_end0:
.L_simem_size_0:
called_computation.2_lowered:
.L_overlay_start_0:
0x88: {  	s2 =	sld [smem:$0x3FD9]  }
0x89: {  	s3 =	sld [smem:$0x3FFE];
	_ =	sdelay $0x1  }
0x8a: {  	s1 =	srdreg.scid  }
0x8b: {  	s0 =	sand.u32 $0x1, s1  }
0x8c: {  	s17 =	sshll.u32 s0, $0xA;
	s2 =	sadd.s32 s3, s2  }
0x8d: {  	s2 =	sadd.s32 s2, s17  }
0x8e: {  	[smem:$0x3FC2] =	sst s2  }
0x8f: {  	_ = 	snop  }
0x90: {  	s2 =	sld [smem:$0x3FD0];
	(tm) =	ssettm $0x1  }
0x91: {  	s18 =	sld [smem:$0x3FFB];
	_ =	sdelay $0x3  }
0x92: {  	_ =	strace s18  }
0x93: {  	s3 =	sld [smem:$0x3FFC];
	_ =	sdelay $0x3  }
0x94: {  	_ =	strace s3  }
0x95: {  	s3 =	sld [smem:$0x3FFD];
	_ =	sdelay $0x3  }
0x96: {  	_ =	strace s3  }
0x97: {  	_ =	strace $0x8FFFFFFF  }
0x98: {  	s19 =	sld [smem:$0x3FDB];
	_ =	sdelay $0x1  }
0x99: {  	s4 =	simm.s32 $_scs_section_size  }
0x9a: {  	s5 =	simm.s32 $_size__tile_overlayer_lowered;
	s6 =	simm.s32 $_tile_overlayer_lowered  }
0x9b: {  	s22 =	simm.s32 $0x1BFF;
	s21 =	sshll.u32 s6, $0x1;
	s3 =	sadd.s32 s4, s19  }
0x9c: {  	s7 =	simm.s32 $0x0;
	s20 =	sshll.u32 s5, $0x1;
	s5 =	sadd.s32 s21, s3  }
0x9d: {  	[timem:s7], [sflag:s22] =	dma.local [hbm:s5], s20  }
0x9e: {  	_ =	swait.ge [sflag:s22], s20  }
0x9f: {  	s4 =	ssub.s32 $0x0, s20;
	[sflag:s22] =	ssyncset.done $0x0  }
0xa0: {  	[sflag:s22] =	ssyncadd.s32 s4;
	_ =	sdelay $0x1  }
0xa1: {  	s23 =	simm.s32 $0x1B8B  }
0xa2: {  	_ =	swait.ge [sflag:s23], $0x1  }
0xa3: {  	[sflag:s23] =	ssyncset.done $0x0  }
0xa4: {  	s25 =	simm.s32 $0x1B8E;
	s24 =	sld [smem:$0x3FFE];
	[sflag:s23] =	ssyncadd.s32 $0xFFFFFFFF  }
0xa5: {  	s26 =	simm.s32 $execute0_lowered;
	[smem:$0x3FD2] =	sst s25  }
0xa6: {  	s5 =	sshll.u32 s26, $0x1;
	_ =	strace $0x8000004C;
	[dreg:$0x1] =	wrdreg $0xFFFFFFFF  }
0xa7: {  	s28 =	simm.s32 $_size_execute0_lowered;
	s3 =	sadd.s32 s3, s5;
	[dreg:$0x0] =	wrdreg $0x0  }
0xa8: {  	s5 =	sshll.u32 s28, $0x1;
	[dreg:$0x2] =	wrdreg s3  }
0xa9: {  	[dreg:$0x3] =	wrdreg s5  }
0xaa: {  	[dreg:$0x4] =	wrdreg $0xC0  }
0xab: {  	_ =	task [dreg:s7], $0x5FFFF  }
0xac: {  	[dreg:$0x1] =	wrdreg $0xFFFFFFFF  }
0xad: {  	[dreg:$0x0] =	wrdreg $0x60  }
0xae: {  	[dreg:$0x2] =	wrdreg s2  }
0xaf: {  	[dreg:$0x3] =	wrdreg s24  }
0xb0: {  	[dreg:$0x4] =	wrdreg $0x120000  }
0xb1: {  	[dreg:$0x5] =	wrdreg $0x9  }
0xb2: {  	_ =	task.clear_ibuf [dreg:s7], $0x6FFFF;
	_ =	strace $0x9000004C  }
0xb3: {  	s29 =	simm.s32 $0x9;
	_ =	strace $0x8000004E  }
0xb4: {  	_ =	swait.ge [sflag:s29], $0x1  }
0xb5: {  	[sflag:s29] =	ssyncadd.s32 $0xFFFFFFFF  }
0xb6: {  	_ =	strace $0x9000004E  }
0xb7: {  	_ =	sfence  }
0xb8: {  	s30 =	sld [smem:$0x0];
	_ =	sdelay $0x2  }
0xb9: {  	s31 =	sshll.u32 s1, $0xD;
	s1 =	sshrl.u32 s1, $0x2  }
0xba: {  	s3 =	sand.u32 $0x4000, s31;
	s1 =	sadd.s32 s1, s30  }
0xbb: {  	s0 =	sor.u32 s3, s0;
	s1 =	sshll.u32 s1, $0x11  }
0xbc: {  	s0 =	sor.u32 s1, s0  }
0xbd: {  	s0 =	sadd.s32 $0x8F2B, s0  }
0xbe: {  	[sflag:s0] =	ssyncadd.remote.s32 $0x1  }
0xbf: {  	_ =	sfence.sel $0xFFFF  }
0xc0: {  	[dreg:$0x0] =	wrdreg $0xFFFFFFFF;
	(pc) =	sbr.abs _section_cstart, $3  }
0xc1: {  	[dreg:$0x1] =	wrdreg $0xFFFFFFFF  }
0xc2: {  	_ =	task.clear_ibuf [dreg:s7], $0x2FFFF;
	_ =	strace $0x9FFFFFFF  }
0xc3: {  	(tm) =	ssettm $0x7FFFFFFF  }
tec
execute0_lowered:
.L_overlay_start_1:
0x0: {  	(tag) =	ssettag $0x1  }
0x1: {  	s1 =	rddreg [dreg:$0x0]  }
0x2: {  	s0 =	rddreg [dreg:$0x1]  }
0x3: {  	s2 =	rddreg [dreg:$0x2]  }
0x4: {  	s3 =	simm.s32 $0x0;
	s4 =	srdreg.scid;
	s12 =	stileid.u32  }
0x5: {  	s19 =	simm.s32 $0x9000;
	s20 =	simm.s32 $0x1;
	s28 =	simm.s32 $0x4  }
0x6: {  	s29 =	simm.s32 $0x10000;
	s30 =	simm.s32 $0x5;
	s31 =	simm.s32 $0x6  }
0x7: {  	[smem:$0x7FF] =	sst s3;
	s4 =	sand.u32 $0x1, s4;
	s8 =	sadd.s32 $0x3000, s0  }
0x8: {  	s5 =	sadd.s32 $0x67000, s0;
	s9 =	smul.u32 $0xA000, s12;
	s22 =	sshll.u32 s12, $0x6  }
0x9: {  	s23 =	smul.u32 $0xC00, s12;
	s12 =	sshll.u32 s12, $0xB;
	_ =	strace $0x8000004D  }
0xa: {  	s6 =	smul.u32 $0x14000, s4;
	s7 =	ssub.s32 $0x2, s4;
	p0 =	seq.s32 s4, $0x1  }
0xb: {  	s25 =	sadd.s32 s12, s8;
	s12 =	simm.s32 $0x80;
	s4 =	simm.s32 $0x8  }
0xc: {  	s21 =	sshrl.u32 s7, $0x1;
	s11 =	sadd.s32 s9, s2;
	s24 =	sadd.s32 s8, s23  }
0xd: {  	s8 =	sadd.s32 $0xC000, s25;
	s26 =	sshrl.u32 s9, $0x3;
	s23 =	simm.s32 $0xC000  }
.Ltmp0:
0xe: {  	s25 =	simm.s32 $0x3;
	s0 =	sadd.s32 s6, s0;
	(pc) =	sbr.rel .LBB2_1-.Ltmp0, $4  }
0xf: {  	s10 =	ssub.s32 s7, s21;
	s6 =	sor.u32 $0x1C09, s22;
	[dreg:$0x4] =	wrdreg s24  }
0x10: {  	s21 =	simm.s32 $0xA000;
	s22 =	simm.s32 $0x2;
	s0 =	sadd.s32 $0x68400, s0  }
0x11: {  	s9 =	smax.u32 s10, $0x1;
	s10 =	sshrl.u32 s11, $0x3;
	s11 =	simm.s32 $0x9  }
0x12: {  	s24 =	sadd.s32 s26, s0;
	s26 =	simm.s32 $0xE000;
	s0 =	simm.s32 $0x7  }
.LBB2_24:
0x13: {  	s7 =	sshrl.u32 s13, $0x2  }
0x14: {  	s7 =	sadd.s32 $0x380, s7  }
0x15: {  	[spmem:s2] =	stream.indirect.scatter.add.f32 [tilespmem:s29], [sflag:$0x8], $0x40, s7, s12, $0xb8;
	[tilespmem:$0x1C000] =	vst v63  }
0x16: {  	_ =	swait.ge [sflag:s30], $0x2000  }
0x17: {  	[sflag:s30] =	ssyncset.done $0x0  }
0x18: {  	[sflag:s30] =	ssyncadd.s32 $0xFFFFE000  }
0x19: {  	_ =	swait.ge [sflag:s31], $0x2000  }
0x1a: {  	[sflag:s31] =	ssyncset.done $0x0  }
0x1b: {  	[sflag:s31] =	ssyncadd.s32 $0xFFFFE000  }
0x1c: {  	_ =	swait.ge [sflag:s0], $0x2000  }
0x1d: {  	[sflag:s0] =	ssyncset.done $0x0  }
0x1e: {  	[sflag:s0] =	ssyncadd.s32 $0xFFFFE000  }
0x1f: {  	_ =	swait.ge [sflag:s4], $0x2000  }
0x20: {  	s3 =	sadd.s32 $0x1, s3;
	[sflag:s4] =	ssyncset.done $0x0  }
0x21: {  	p1 =	sne.s32 s3, s9;
	[sflag:s4] =	ssyncadd.s32 $0xFFFFE000  }
.Ltmp1:
0x22: {  	[bflag:$0x0] =	sbarrier.arrive $0xFFFF;
	(pc) =	sbr.rel @!p1 .LBB2_25-.Ltmp1, $4  }
0x23: {  	[hbm:s24], [sflag:s6] =	dma.local [spmem:s10], $0x1400  }
0x24: {  	_ =	swait.ge [sflag:s11], $0x1400  }
0x25: {  	[sflag:s11] =	ssyncset.done $0x0  }
0x26: {  	[sflag:s11] =	ssyncadd.s32 $0xFFFFEC00  }
.LBB2_1:
0x27: {  	[spmem:s10], [sflag:s6] =	dma.local [hbm:s5], $0x1400  }
.Ltmp2:
0x28: {  	_ =	swait.ge [sflag:s11], $0x1400;
	(pc) =	sbr.rel @!p0 .LBB2_2-.Ltmp2, $4  }
0x29: {  	[sflag:s11] =	ssyncset.done $0x0  }
0x2a: {  	[sflag:s11] =	ssyncadd.s32 $0xFFFFEC00  }
0x2b: {  	[bflag:$0x0] =	sbarrier.arrive $0xFFFF  }
0x2c: {  	s14 =	simm.s32 $0x0  }
0x2d: {  	[tilespmem:s14], [sflag:$0x9] =	stream.linear.gather [hbm4b:s8+s14], $0x4000, $0x38;
	[tilespmem:$0x1C000] =	vst v63  }
0x2e: {  	_ =	swait.ge [sflag:s11], $0x4000  }
0x2f: {  	[sflag:s11] =	ssyncset.done $0x0  }
0x30: {  	s7 =	simm.s32 $0x6000;
	[sflag:s11] =	ssyncadd.s32 $0xFFFFC000  }
0x31: {  	[tilespmem:s7], [sflag:$0x1] =	stream.indirect.gather [hbm4b:s1+s12], $0x20, s14, s12, $0xb8;
	[tilespmem:$0x1C000] =	vst v63  }
0x32: {  	s15 =	simm.s32 $0x100;
	s13 =	simm.s32 $0x7000  }
0x33: {  	[tilespmem:s13], [sflag:$0x2] =	stream.indirect.gather [hbm4b:s1+s12], $0x20, s15, s12, $0xb8;
	[tilespmem:$0x1C000] =	vst v63  }
0x34: {  	s16 =	simm.s32 $0x200;
	s17 =	simm.s32 $0x8000  }
0x35: {  	[tilespmem:s17], [sflag:$0x3] =	stream.indirect.gather [hbm4b:s1+s12], $0x20, s16, s12, $0xb8;
	[tilespmem:$0x1C000] =	vst v63  }
0x36: {  	s18 =	simm.s32 $0x300  }
0x37: {  	[tilespmem:s19], [sflag:$0x4] =	stream.indirect.gather [hbm4b:s1+s12], $0x20, s18, s12, $0xb8;
	[tilespmem:$0x1C000] =	vst v63  }
.LBB2_14:
0x38: {  	_ =	swait.ge [sflag:s20], $0x1000  }
0x39: {  	p1 =	seq.s32 s14, $0x0;
	[sflag:s20] =	ssyncset.done $0x0  }
0x3a: {  	s7 =	simm.s32 @!p1 $0x5;
	[sflag:s20] =	ssyncadd.s32 $0xFFFFF000  }
0x3b: {  	_ =	swait.ge @!p1 [sflag:s7], $0x2000  }
0x3c: {  	[sflag:s7] =	ssyncset.done @!p1 $0x0  }
0x3d: {  	s18 =	simm.s32 $0x0;
	[sflag:s7] =	ssyncadd.s32 @!p1 $0xFFFFE000  }
0x3e: {  	v0 =	vld [tilespmem:s18+$0x6000];
	_ =	sdelay $0x4  }
0x3f: {  	s15 =	simm.s32 $0xA020;
	v1 =	vshll.u32 v0, $0x10  }
0x40: {  	v0 =	vand.u32 $0xFFFF0000, v0;
	[tilespmem:s15+$0xFFFFFFE0] =	vst v1  }
0x41: {  	[tilespmem:s15+$0xFFFFFFF0] =	vst v0  }
0x42: {  	s13 =	sshll.u32 s14, $0xC;
	s17 =	simm.s32 $0x80;
	s16 =	simm.s32 $0xA020;
	v0 =	vld [tilespmem:s18+$0x6010]  }
.LBB2_15:
0x43: {  	_ =	sdelay $0x2  }
0x44: {  	p2 =	sne.s32 s17, $0x3F80  }
0x45: {  	s15 =	sadd.s32 $0x40, s15;
	s7 =	smov.u32 s17;
	s17 =	sadd.s32 $0x80, s17;
	v1 =	vshll.u32 v0, $0x10;
	v0 =	vand.u32 $0xFFFF0000, v0  }
0x46: {  	[tilespmem:s16+$0x0] =	vst v1  }
0x47: {  	s7 =	sshra.s32 s7, $0x2;
	[tilespmem:s16+$0x10] =	vst v0;
	s16 =	smov.u32 s15  }
0x48: {  	v0 =	vld [tilespmem:s7+$0x6000];
	_ =	sdelay $0x3  }
.Ltmp3:
0x49: {  	(pc) =	sbr.rel @p2 .LBB2_15-.Ltmp3, $4  }
0x4a: {  	v1 =	vshll.u32 v0, $0x10;
	v0 =	vand.u32 $0xFFFF0000, v0  }
0x4b: {  	[tilespmem:s15+$0xFFFFFFE0] =	vst v1  }
0x4c: {  	[tilespmem:s15+$0xFFFFFFF0] =	vst v0  }
0x4d: {  	v0 =	vld [tilespmem:s7+$0x6010]  }
0x4e: {  	_ =	sdelay $0x3  }
0x4f: {  	p2 =	seq.s32 s14, $0xF;
	v1 =	vshll.u32 v0, $0x10  }
0x50: {  	s7 =	sshrl.u32 @!p2 s13, $0x2;
	v0 =	vand.u32 $0xFFFF0000, v0;
	[tilespmem:s16+$0x0] =	vst v1  }
0x51: {  	s15 =	simm.s32 @!p2 $0x80;
	s7 =	sadd.s32 @!p2 $0x400, s7;
	[tilespmem:s16+$0x10] =	vst v0;
	s16 =	simm.s32 @!p2 $0x6000  }
0x52: {  	[tilespmem:s16], [sflag:$0x1] =	stream.indirect.gather @!p2 [hbm4b:s1+s15], $0x20, s7, s15, $0xb8;
	[tilespmem:$0x1C000] =	vst v63  }
0x53: {  	s15 =	sshrl.u32 s13, $0x2  }
0x54: {  	s16 =	sadd.s32 $0x80, s15  }
0x55: {  	[spmem:s2] =	stream.indirect.scatter.add.f32 [tilespmem:s21], [sflag:$0x5], $0x40, s16, s12, $0xb8;
	[tilespmem:$0x1C000] =	vst v63  }
0x56: {  	_ =	swait.ge [sflag:s22], $0x1000  }
0x57: {  	[sflag:s22] =	ssyncset.done $0x0  }
0x58: {  	s7 =	simm.s32 @!p1 $0x6;
	[sflag:s22] =	ssyncadd.s32 $0xFFFFF000  }
0x59: {  	_ =	swait.ge @!p1 [sflag:s7], $0x2000  }
0x5a: {  	[sflag:s7] =	ssyncset.done @!p1 $0x0  }
0x5b: {  	s17 =	simm.s32 $0x0;
	[sflag:s7] =	ssyncadd.s32 @!p1 $0xFFFFE000  }
0x5c: {  	v0 =	vld [tilespmem:s17+$0x7000];
	_ =	sdelay $0x4  }
0x5d: {  	s16 =	simm.s32 $0xC020;
	v1 =	vshll.u32 v0, $0x10  }
0x5e: {  	v0 =	vand.u32 $0xFFFF0000, v0;
	[tilespmem:s16+$0xFFFFFFE0] =	vst v1  }
0x5f: {  	[tilespmem:s16+$0xFFFFFFF0] =	vst v0  }
0x60: {  	s18 =	simm.s32 $0x80;
	v0 =	vld [tilespmem:s17+$0x7010];
	s17 =	simm.s32 $0xC020  }
.LBB2_17:
0x61: {  	_ =	sdelay $0x2  }
0x62: {  	p3 =	sne.s32 s18, $0x3F80  }
0x63: {  	s16 =	sadd.s32 $0x40, s16;
	s7 =	smov.u32 s18;
	s18 =	sadd.s32 $0x80, s18;
	v1 =	vshll.u32 v0, $0x10;
	v0 =	vand.u32 $0xFFFF0000, v0  }
0x64: {  	[tilespmem:s17+$0x0] =	vst v1  }
0x65: {  	s7 =	sshra.s32 s7, $0x2;
	[tilespmem:s17+$0x10] =	vst v0;
	s17 =	smov.u32 s16  }
0x66: {  	v0 =	vld [tilespmem:s7+$0x7000];
	_ =	sdelay $0x3  }
.Ltmp4:
0x67: {  	(pc) =	sbr.rel @p3 .LBB2_17-.Ltmp4, $4  }
0x68: {  	v1 =	vshll.u32 v0, $0x10;
	v0 =	vand.u32 $0xFFFF0000, v0  }
0x69: {  	[tilespmem:s16+$0xFFFFFFE0] =	vst v1  }
0x6a: {  	[tilespmem:s16+$0xFFFFFFF0] =	vst v0  }
0x6b: {  	v0 =	vld [tilespmem:s7+$0x7010]  }
0x6c: {  	_ =	sdelay $0x3  }
0x6d: {  	v1 =	vshll.u32 v0, $0x10  }
0x6e: {  	v0 =	vand.u32 $0xFFFF0000, v0;
	[tilespmem:s17+$0x0] =	vst v1  }
0x6f: {  	s7 =	sadd.s32 @!p2 $0x500, s15;
	s16 =	simm.s32 @!p2 $0x80;
	[tilespmem:s17+$0x10] =	vst v0;
	s17 =	simm.s32 @!p2 $0x7000  }
0x70: {  	[tilespmem:s17], [sflag:$0x2] =	stream.indirect.gather @!p2 [hbm4b:s1+s16], $0x20, s7, s16, $0xb8;
	[tilespmem:$0x1C000] =	vst v63  }
0x71: {  	s16 =	sadd.s32 $0x180, s15  }
0x72: {  	[spmem:s2] =	stream.indirect.scatter.add.f32 [tilespmem:s23], [sflag:$0x6], $0x40, s16, s12, $0xb8;
	[tilespmem:$0x1C000] =	vst v63  }
0x73: {  	_ =	swait.ge [sflag:s25], $0x1000  }
0x74: {  	[sflag:s25] =	ssyncset.done $0x0  }
0x75: {  	s7 =	simm.s32 @!p1 $0x7;
	[sflag:s25] =	ssyncadd.s32 $0xFFFFF000  }
0x76: {  	_ =	swait.ge @!p1 [sflag:s7], $0x2000  }
0x77: {  	[sflag:s7] =	ssyncset.done @!p1 $0x0  }
0x78: {  	s17 =	simm.s32 $0x0;
	[sflag:s7] =	ssyncadd.s32 @!p1 $0xFFFFE000  }
0x79: {  	v0 =	vld [tilespmem:s17+$0x8000];
	_ =	sdelay $0x4  }
0x7a: {  	s16 =	simm.s32 $0xE020;
	v1 =	vshll.u32 v0, $0x10  }
0x7b: {  	v0 =	vand.u32 $0xFFFF0000, v0;
	[tilespmem:s16+$0xFFFFFFE0] =	vst v1  }
0x7c: {  	[tilespmem:s16+$0xFFFFFFF0] =	vst v0  }
0x7d: {  	s18 =	simm.s32 $0x80;
	v0 =	vld [tilespmem:s17+$0x8010];
	s17 =	simm.s32 $0xE020  }
.LBB2_19:
0x7e: {  	_ =	sdelay $0x2  }
0x7f: {  	p3 =	sne.s32 s18, $0x3F80  }
0x80: {  	s16 =	sadd.s32 $0x40, s16;
	s7 =	smov.u32 s18;
	s18 =	sadd.s32 $0x80, s18;
	v1 =	vshll.u32 v0, $0x10;
	v0 =	vand.u32 $0xFFFF0000, v0  }
0x81: {  	[tilespmem:s17+$0x0] =	vst v1  }
0x82: {  	s7 =	sshra.s32 s7, $0x2;
	[tilespmem:s17+$0x10] =	vst v0;
	s17 =	smov.u32 s16  }
0x83: {  	v0 =	vld [tilespmem:s7+$0x8000];
	_ =	sdelay $0x3  }
.Ltmp5:
0x84: {  	(pc) =	sbr.rel @p3 .LBB2_19-.Ltmp5, $4  }
0x85: {  	v1 =	vshll.u32 v0, $0x10;
	v0 =	vand.u32 $0xFFFF0000, v0  }
0x86: {  	[tilespmem:s16+$0xFFFFFFE0] =	vst v1  }
0x87: {  	[tilespmem:s16+$0xFFFFFFF0] =	vst v0  }
0x88: {  	v0 =	vld [tilespmem:s7+$0x8010]  }
0x89: {  	_ =	sdelay $0x3  }
0x8a: {  	v1 =	vshll.u32 v0, $0x10  }
0x8b: {  	v0 =	vand.u32 $0xFFFF0000, v0;
	[tilespmem:s17+$0x0] =	vst v1  }
0x8c: {  	s7 =	sadd.s32 @!p2 $0x600, s15;
	s16 =	simm.s32 @!p2 $0x80;
	[tilespmem:s17+$0x10] =	vst v0;
	s17 =	simm.s32 @!p2 $0x8000  }
0x8d: {  	[tilespmem:s17], [sflag:$0x3] =	stream.indirect.gather @!p2 [hbm4b:s1+s16], $0x20, s7, s16, $0xb8;
	[tilespmem:$0x1C000] =	vst v63  }
0x8e: {  	s16 =	sadd.s32 $0x280, s15  }
0x8f: {  	[spmem:s2] =	stream.indirect.scatter.add.f32 [tilespmem:s26], [sflag:$0x7], $0x40, s16, s12, $0xb8;
	[tilespmem:$0x1C000] =	vst v63  }
0x90: {  	_ =	swait.ge [sflag:s28], $0x1000  }
0x91: {  	[sflag:s28] =	ssyncset.done $0x0  }
0x92: {  	s7 =	simm.s32 @!p1 $0x8;
	[sflag:s28] =	ssyncadd.s32 $0xFFFFF000  }
0x93: {  	_ =	swait.ge @!p1 [sflag:s7], $0x2000  }
0x94: {  	[sflag:s7] =	ssyncset.done @!p1 $0x0  }
0x95: {  	s17 =	simm.s32 $0x0;
	[sflag:s7] =	ssyncadd.s32 @!p1 $0xFFFFE000  }
0x96: {  	v0 =	vld [tilespmem:s17+$0x9000];
	_ =	sdelay $0x4  }
0x97: {  	s16 =	simm.s32 $0x10020;
	v1 =	vshll.u32 v0, $0x10  }
0x98: {  	v0 =	vand.u32 $0xFFFF0000, v0;
	[tilespmem:s16+$0xFFFFFFE0] =	vst v1  }
0x99: {  	[tilespmem:s16+$0xFFFFFFF0] =	vst v0  }
0x9a: {  	s18 =	simm.s32 $0x80;
	v0 =	vld [tilespmem:s17+$0x9010];
	s17 =	simm.s32 $0x10020  }
.LBB2_21:
0x9b: {  	_ =	sdelay $0x2  }
0x9c: {  	p1 =	sne.s32 s18, $0x3F80  }
0x9d: {  	s16 =	sadd.s32 $0x40, s16;
	s7 =	smov.u32 s18;
	s18 =	sadd.s32 $0x80, s18;
	v1 =	vshll.u32 v0, $0x10;
	v0 =	vand.u32 $0xFFFF0000, v0  }
0x9e: {  	[tilespmem:s17+$0x0] =	vst v1  }
0x9f: {  	s7 =	sshra.s32 s7, $0x2;
	[tilespmem:s17+$0x10] =	vst v0;
	s17 =	smov.u32 s16  }
0xa0: {  	v0 =	vld [tilespmem:s7+$0x9000];
	_ =	sdelay $0x3  }
.Ltmp6:
0xa1: {  	(pc) =	sbr.rel @p1 .LBB2_21-.Ltmp6, $4  }
0xa2: {  	v1 =	vshll.u32 v0, $0x10;
	v0 =	vand.u32 $0xFFFF0000, v0  }
0xa3: {  	[tilespmem:s16+$0xFFFFFFE0] =	vst v1  }
0xa4: {  	[tilespmem:s16+$0xFFFFFFF0] =	vst v0  }
0xa5: {  	v0 =	vld [tilespmem:s7+$0x9010]  }
0xa6: {  	_ =	sdelay $0x1  }
.Ltmp7:
0xa7: {  	_ = 	snop;
	(pc) =	sbr.rel @p2 .LBB2_24-.Ltmp7, $4  }
0xa8: {  	_ = 	snop  }
0xa9: {  	v1 =	vshll.u32 v0, $0x10  }
0xaa: {  	v63 =	vand.u32 $0xFFFF0000, v0;
	[tilespmem:s17+$0x0] =	vst v1  }
0xab: {  	[tilespmem:s17+$0x10] =	vst v63  }
.Ltmp8:
0xac: {  	(pc) =	sbr.rel .LBB2_14-.Ltmp8, $4  }
0xad: {  	s7 =	sadd.s32 $0x700, s15  }
0xae: {  	[tilespmem:s19], [sflag:$0x4] =	stream.indirect.gather [hbm4b:s1+s12], $0x20, s7, s12, $0xb8;
	[tilespmem:$0x1C000] =	vst v63  }
0xaf: {  	s18 =	sadd.s32 $0x380, s15;
	s14 =	sadd.s32 $0x1, s14  }
0xb0: {  	[spmem:s2] =	stream.indirect.scatter.add.f32 [tilespmem:s29], [sflag:$0x8], $0x40, s18, s12, $0xb8;
	[tilespmem:$0x1C000] =	vst v63  }
.LBB2_2:
0xb1: {  	s7 =	rddreg [dreg:$0x4]  }
0xb2: {  	[tilespmem:s14], [sflag:$0x9] =	stream.linear.gather [hbm4b:s7+s14], $0x6000, $0x38;
	[tilespmem:$0x1C000] =	vst v63  }
0xb3: {  	_ =	swait.ge [sflag:s11], $0x6000  }
0xb4: {  	[sflag:s11] =	ssyncset.done $0x0  }
0xb5: {  	s13 =	simm.s32 $0x6000;
	[sflag:s11] =	ssyncadd.s32 $0xFFFFA000  }
0xb6: {  	[tilespmem:s13], [sflag:$0x1] =	stream.indirect.gather [hbm4b:s1+s12], $0x20, s14, s12, $0xb8;
	[tilespmem:$0x1C000] =	vst v63  }
0xb7: {  	s15 =	simm.s32 $0x100;
	s13 =	simm.s32 $0x7000  }
0xb8: {  	[tilespmem:s13], [sflag:$0x2] =	stream.indirect.gather [hbm4b:s1+s12], $0x20, s15, s12, $0xb8;
	[tilespmem:$0x1C000] =	vst v63  }
0xb9: {  	s16 =	simm.s32 $0x200;
	s17 =	simm.s32 $0x8000  }
0xba: {  	[tilespmem:s17], [sflag:$0x3] =	stream.indirect.gather [hbm4b:s1+s12], $0x20, s16, s12, $0xb8;
	[tilespmem:$0x1C000] =	vst v63  }
0xbb: {  	s18 =	simm.s32 $0x300  }
0xbc: {  	[tilespmem:s19], [sflag:$0x4] =	stream.indirect.gather [hbm4b:s1+s12], $0x20, s18, s12, $0xb8;
	[tilespmem:$0x1C000] =	vst v63  }
.LBB2_3:
0xbd: {  	_ =	swait.ge [sflag:s20], $0x1000  }
0xbe: {  	p1 =	seq.s32 s14, $0x0;
	[sflag:s20] =	ssyncset.done $0x0  }
0xbf: {  	s13 =	simm.s32 @!p1 $0x5;
	[sflag:s20] =	ssyncadd.s32 $0xFFFFF000  }
0xc0: {  	_ =	swait.ge @!p1 [sflag:s13], $0x2000  }
0xc1: {  	[sflag:s13] =	ssyncset.done @!p1 $0x0  }
0xc2: {  	s16 =	simm.s32 $0x0;
	[sflag:s13] =	ssyncadd.s32 @!p1 $0xFFFFE000  }
0xc3: {  	v0 =	vld [tilespmem:s16+$0x6000];
	_ =	sdelay $0x4  }
0xc4: {  	s15 =	simm.s32 $0xA020;
	v1 =	vshll.u32 v0, $0x10  }
0xc5: {  	v0 =	vand.u32 $0xFFFF0000, v0;
	[tilespmem:s15+$0xFFFFFFE0] =	vst v1  }
0xc6: {  	[tilespmem:s15+$0xFFFFFFF0] =	vst v0  }
0xc7: {  	s17 =	simm.s32 $0x80;
	s13 =	sshll.u32 s14, $0xC;
	v0 =	vld [tilespmem:s16+$0x6010];
	s16 =	simm.s32 $0xA020  }
.LBB2_4:
0xc8: {  	_ =	sdelay $0x2  }
0xc9: {  	p2 =	sne.s32 s17, $0x3F80  }
0xca: {  	s15 =	sadd.s32 $0x40, s15;
	s18 =	smov.u32 s17;
	s17 =	sadd.s32 $0x80, s17;
	v1 =	vshll.u32 v0, $0x10;
	v0 =	vand.u32 $0xFFFF0000, v0  }
0xcb: {  	[tilespmem:s16+$0x0] =	vst v1  }
0xcc: {  	s18 =	sshra.s32 s18, $0x2;
	[tilespmem:s16+$0x10] =	vst v0;
	s16 =	smov.u32 s15  }
0xcd: {  	v0 =	vld [tilespmem:s18+$0x6000];
	_ =	sdelay $0x3  }
.Ltmp9:
0xce: {  	(pc) =	sbr.rel @p2 .LBB2_4-.Ltmp9, $4  }
0xcf: {  	v1 =	vshll.u32 v0, $0x10;
	v0 =	vand.u32 $0xFFFF0000, v0  }
0xd0: {  	[tilespmem:s15+$0xFFFFFFE0] =	vst v1  }
0xd1: {  	[tilespmem:s15+$0xFFFFFFF0] =	vst v0  }
0xd2: {  	v0 =	vld [tilespmem:s18+$0x6010]  }
0xd3: {  	_ =	sdelay $0x3  }
0xd4: {  	p2 =	seq.s32 s14, $0x17;
	v1 =	vshll.u32 v0, $0x10  }
0xd5: {  	s15 =	sshrl.u32 @!p2 s13, $0x2;
	v0 =	vand.u32 $0xFFFF0000, v0;
	[tilespmem:s16+$0x0] =	vst v1  }
0xd6: {  	s17 =	simm.s32 @!p2 $0x6000;
	s15 =	sadd.s32 @!p2 $0x400, s15;
	[tilespmem:s16+$0x10] =	vst v0;
	s16 =	simm.s32 @!p2 $0x80  }
0xd7: {  	[tilespmem:s17], [sflag:$0x1] =	stream.indirect.gather @!p2 [hbm4b:s1+s16], $0x20, s15, s16, $0xb8;
	[tilespmem:$0x1C000] =	vst v63  }
0xd8: {  	s15 =	sshrl.u32 s13, $0x2  }
0xd9: {  	s18 =	sadd.s32 $0x80, s15  }
0xda: {  	[spmem:s2] =	stream.indirect.scatter.add.f32 [tilespmem:s21], [sflag:$0x5], $0x40, s18, s12, $0xb8;
	[tilespmem:$0x1C000] =	vst v63  }
0xdb: {  	_ =	swait.ge [sflag:s22], $0x1000  }
0xdc: {  	[sflag:s22] =	ssyncset.done $0x0  }
0xdd: {  	s16 =	simm.s32 @!p1 $0x6;
	[sflag:s22] =	ssyncadd.s32 $0xFFFFF000  }
0xde: {  	_ =	swait.ge @!p1 [sflag:s16], $0x2000  }
0xdf: {  	[sflag:s16] =	ssyncset.done @!p1 $0x0  }
0xe0: {  	s7 =	simm.s32 $0x0;
	[sflag:s16] =	ssyncadd.s32 @!p1 $0xFFFFE000  }
0xe1: {  	v0 =	vld [tilespmem:s7+$0x7000];
	_ =	sdelay $0x4  }
0xe2: {  	s16 =	simm.s32 $0xC020;
	v1 =	vshll.u32 v0, $0x10  }
0xe3: {  	v0 =	vand.u32 $0xFFFF0000, v0;
	[tilespmem:s16+$0xFFFFFFE0] =	vst v1  }
0xe4: {  	[tilespmem:s16+$0xFFFFFFF0] =	vst v0  }
0xe5: {  	s17 =	simm.s32 $0xC020;
	s18 =	simm.s32 $0x80;
	v0 =	vld [tilespmem:s7+$0x7010]  }
.LBB2_6:
0xe6: {  	_ =	sdelay $0x2  }
0xe7: {  	p3 =	sne.s32 s18, $0x3F80  }
0xe8: {  	s16 =	sadd.s32 $0x40, s16;
	s7 =	smov.u32 s18;
	s18 =	sadd.s32 $0x80, s18;
	v1 =	vshll.u32 v0, $0x10;
	v0 =	vand.u32 $0xFFFF0000, v0  }
0xe9: {  	[tilespmem:s17+$0x0] =	vst v1  }
0xea: {  	s7 =	sshra.s32 s7, $0x2;
	[tilespmem:s17+$0x10] =	vst v0;
	s17 =	smov.u32 s16  }
0xeb: {  	v0 =	vld [tilespmem:s7+$0x7000];
	_ =	sdelay $0x3  }
.Ltmp10:
0xec: {  	(pc) =	sbr.rel @p3 .LBB2_6-.Ltmp10, $4  }
0xed: {  	v1 =	vshll.u32 v0, $0x10;
	v0 =	vand.u32 $0xFFFF0000, v0  }
0xee: {  	[tilespmem:s16+$0xFFFFFFE0] =	vst v1  }
0xef: {  	[tilespmem:s16+$0xFFFFFFF0] =	vst v0  }
0xf0: {  	v0 =	vld [tilespmem:s7+$0x7010]  }
0xf1: {  	_ =	sdelay $0x3  }
0xf2: {  	v1 =	vshll.u32 v0, $0x10  }
0xf3: {  	v0 =	vand.u32 $0xFFFF0000, v0;
	[tilespmem:s17+$0x0] =	vst v1  }
0xf4: {  	s7 =	sadd.s32 @!p2 $0x500, s15;
	s16 =	simm.s32 @!p2 $0x80;
	[tilespmem:s17+$0x10] =	vst v0;
	s17 =	simm.s32 @!p2 $0x7000  }
0xf5: {  	[tilespmem:s17], [sflag:$0x2] =	stream.indirect.gather @!p2 [hbm4b:s1+s16], $0x20, s7, s16, $0xb8;
	[tilespmem:$0x1C000] =	vst v63  }
0xf6: {  	s16 =	sadd.s32 $0x180, s15  }
0xf7: {  	[spmem:s2] =	stream.indirect.scatter.add.f32 [tilespmem:s23], [sflag:$0x6], $0x40, s16, s12, $0xb8;
	[tilespmem:$0x1C000] =	vst v63  }
0xf8: {  	_ =	swait.ge [sflag:s25], $0x1000  }
0xf9: {  	[sflag:s25] =	ssyncset.done $0x0  }
0xfa: {  	s7 =	simm.s32 @!p1 $0x7;
	[sflag:s25] =	ssyncadd.s32 $0xFFFFF000  }
0xfb: {  	_ =	swait.ge @!p1 [sflag:s7], $0x2000  }
0xfc: {  	[sflag:s7] =	ssyncset.done @!p1 $0x0  }
0xfd: {  	s17 =	simm.s32 $0x0;
	[sflag:s7] =	ssyncadd.s32 @!p1 $0xFFFFE000  }
0xfe: {  	v0 =	vld [tilespmem:s17+$0x8000];
	_ =	sdelay $0x4  }
0xff: {  	s16 =	simm.s32 $0xE020;
	v1 =	vshll.u32 v0, $0x10  }
0x100: {  	v0 =	vand.u32 $0xFFFF0000, v0;
	[tilespmem:s16+$0xFFFFFFE0] =	vst v1  }
0x101: {  	[tilespmem:s16+$0xFFFFFFF0] =	vst v0  }
0x102: {  	s18 =	simm.s32 $0x80;
	v0 =	vld [tilespmem:s17+$0x8010];
	s17 =	simm.s32 $0xE020  }
.LBB2_8:
0x103: {  	_ =	sdelay $0x2  }
0x104: {  	p3 =	sne.s32 s18, $0x3F80  }
0x105: {  	s16 =	sadd.s32 $0x40, s16;
	s7 =	smov.u32 s18;
	s18 =	sadd.s32 $0x80, s18;
	v1 =	vshll.u32 v0, $0x10;
	v0 =	vand.u32 $0xFFFF0000, v0  }
0x106: {  	[tilespmem:s17+$0x0] =	vst v1  }
0x107: {  	s7 =	sshra.s32 s7, $0x2;
	[tilespmem:s17+$0x10] =	vst v0;
	s17 =	smov.u32 s16  }
0x108: {  	v0 =	vld [tilespmem:s7+$0x8000];
	_ =	sdelay $0x3  }
.Ltmp11:
0x109: {  	(pc) =	sbr.rel @p3 .LBB2_8-.Ltmp11, $4  }
0x10a: {  	v1 =	vshll.u32 v0, $0x10;
	v0 =	vand.u32 $0xFFFF0000, v0  }
0x10b: {  	[tilespmem:s16+$0xFFFFFFE0] =	vst v1  }
0x10c: {  	[tilespmem:s16+$0xFFFFFFF0] =	vst v0  }
0x10d: {  	v0 =	vld [tilespmem:s7+$0x8010]  }
0x10e: {  	_ =	sdelay $0x3  }
0x10f: {  	v1 =	vshll.u32 v0, $0x10  }
0x110: {  	v0 =	vand.u32 $0xFFFF0000, v0;
	[tilespmem:s17+$0x0] =	vst v1  }
0x111: {  	s7 =	sadd.s32 @!p2 $0x600, s15;
	s16 =	simm.s32 @!p2 $0x80;
	[tilespmem:s17+$0x10] =	vst v0;
	s17 =	simm.s32 @!p2 $0x8000  }
0x112: {  	[tilespmem:s17], [sflag:$0x3] =	stream.indirect.gather @!p2 [hbm4b:s1+s16], $0x20, s7, s16, $0xb8;
	[tilespmem:$0x1C000] =	vst v63  }
0x113: {  	s16 =	sadd.s32 $0x280, s15  }
0x114: {  	[spmem:s2] =	stream.indirect.scatter.add.f32 [tilespmem:s26], [sflag:$0x7], $0x40, s16, s12, $0xb8;
	[tilespmem:$0x1C000] =	vst v63  }
0x115: {  	_ =	swait.ge [sflag:s28], $0x1000  }
0x116: {  	[sflag:s28] =	ssyncset.done $0x0  }
0x117: {  	s7 =	simm.s32 @!p1 $0x8;
	[sflag:s28] =	ssyncadd.s32 $0xFFFFF000  }
0x118: {  	_ =	swait.ge @!p1 [sflag:s7], $0x2000  }
0x119: {  	[sflag:s7] =	ssyncset.done @!p1 $0x0  }
0x11a: {  	s17 =	simm.s32 $0x0;
	[sflag:s7] =	ssyncadd.s32 @!p1 $0xFFFFE000  }
0x11b: {  	v0 =	vld [tilespmem:s17+$0x9000];
	_ =	sdelay $0x4  }
0x11c: {  	s16 =	simm.s32 $0x10020;
	v1 =	vshll.u32 v0, $0x10  }
0x11d: {  	v0 =	vand.u32 $0xFFFF0000, v0;
	[tilespmem:s16+$0xFFFFFFE0] =	vst v1  }
0x11e: {  	[tilespmem:s16+$0xFFFFFFF0] =	vst v0  }
0x11f: {  	s18 =	simm.s32 $0x80;
	v0 =	vld [tilespmem:s17+$0x9010];
	s17 =	simm.s32 $0x10020  }
.LBB2_10:
0x120: {  	_ =	sdelay $0x2  }
0x121: {  	p1 =	sne.s32 s18, $0x3F80  }
0x122: {  	s16 =	sadd.s32 $0x40, s16;
	s7 =	smov.u32 s18;
	s18 =	sadd.s32 $0x80, s18;
	v1 =	vshll.u32 v0, $0x10;
	v0 =	vand.u32 $0xFFFF0000, v0  }
0x123: {  	[tilespmem:s17+$0x0] =	vst v1  }
0x124: {  	s7 =	sshra.s32 s7, $0x2;
	[tilespmem:s17+$0x10] =	vst v0;
	s17 =	smov.u32 s16  }
0x125: {  	v0 =	vld [tilespmem:s7+$0x9000];
	_ =	sdelay $0x3  }
.Ltmp12:
0x126: {  	(pc) =	sbr.rel @p1 .LBB2_10-.Ltmp12, $4  }
0x127: {  	v1 =	vshll.u32 v0, $0x10;
	v0 =	vand.u32 $0xFFFF0000, v0  }
0x128: {  	[tilespmem:s16+$0xFFFFFFE0] =	vst v1  }
0x129: {  	[tilespmem:s16+$0xFFFFFFF0] =	vst v0  }
0x12a: {  	v0 =	vld [tilespmem:s7+$0x9010]  }
0x12b: {  	_ =	sdelay $0x1  }
.Ltmp13:
0x12c: {  	_ = 	snop;
	(pc) =	sbr.rel @p2 .LBB2_24-.Ltmp13, $4  }
0x12d: {  	_ = 	snop  }
0x12e: {  	v1 =	vshll.u32 v0, $0x10  }
0x12f: {  	v63 =	vand.u32 $0xFFFF0000, v0;
	[tilespmem:s17+$0x0] =	vst v1  }
0x130: {  	[tilespmem:s17+$0x10] =	vst v63  }
.Ltmp14:
0x131: {  	(pc) =	sbr.rel .LBB2_3-.Ltmp14, $4  }
0x132: {  	s7 =	sadd.s32 $0x700, s15  }
0x133: {  	[tilespmem:s19], [sflag:$0x4] =	stream.indirect.gather [hbm4b:s1+s12], $0x20, s7, s12, $0xb8;
	[tilespmem:$0x1C000] =	vst v63  }
0x134: {  	s18 =	sadd.s32 $0x380, s15;
	s14 =	sadd.s32 $0x1, s14  }
0x135: {  	[spmem:s2] =	stream.indirect.scatter.add.f32 [tilespmem:s29], [sflag:$0x8], $0x40, s18, s12, $0xb8;
	[tilespmem:$0x1C000] =	vst v63  }
.LBB2_25:
0x136: {  	_ =	sfence.sel $0x180000  }
0x137: {  	[bflag:$0x0] =	sbarrier.arrive $0xFFFF  }
0x138: {  	_ =	strace $0x9000004D  }
0x139: {  	s0 =	stileid.u32;
	[bflag:$0x2] =	sbarrier.arrive $0xFFFF  }
0x13a: {  	p0 =	sne.s32 s0, $0x0;
	s0 =	rddreg [dreg:$0x3]  }
0x13b: {  	s0 =	sadd.s32 @!p0 $0x100000, s0  }
0x13c: {  	[sflag:s0] =	ssyncadd.tile.s32 @!p0 $0x1;
	_ =	shalt  }
.Lfunc_end2:
_tile_overlayer_lowered:
.L_overlay_start_2:
0x13d: {  	(tag) =	ssettag $0x2  }
0x13e: {  	s0 =	rddreg [dreg:$0x0];
	s2 =	stileid.u32  }
0x13f: {  	s1 =	rddreg [dreg:$0x1];
	p0 =	sne.s32 s2, $0x0  }
0x140: {  	s3 =	rddreg [dreg:$0x2];
	[bflag:$0x3] =	sbarrier.arrive $0xFFFF;
	s2 =	simm.s32 @!p0 $0x1C09  }
0x141: {  	[timem:s3], [sflag:s2] =	dma.local @!p0 [hbm:s0], s1  }
0x142: {  	s0 =	simm.s32 @!p0 $0x9  }
0x143: {  	_ =	swait.ge @!p0 [sflag:s0], s1  }
0x144: {  	s1 =	ssub.s32 @!p0 $0x0, s1;
	[sflag:s0] =	ssyncset.done @!p0 $0x0  }
0x145: {  	[sflag:s0] =	ssyncadd.s32 @!p0 s1  }
0x146: {  	[bflag:$0x3] =	sbarrier.arrive $0xFFFF  }
0x147: {  	_ =	shalt  }

// kernel: kernel.9.cloned.1.call-start
scs
__scs_entry_jumppad:
0x0: {  	(pc) =	sbr.rel $0x88, $3  }
0x1: {  	(tag) =	ssettag $0x0;
	lr =	simm.s32 $0x1  }
0x2: {  	[smem:$0x3F9B] =	sst lr;
	_ =	strace $0xD0000000  }
0x3: {  	_ = 	snop  }
0x4: {  	_ = 	snop  }
0x5: {  	_ = 	snop  }
0x6: {  	_ = 	snop  }
0x7: {  	_ = 	snop  }
__scs_overlays_trampoline_lowered:
0x8: {  	[smem:$0x3FAA] =	sst s0  }
0x9: {  	[smem:$0x3FAB] =	sst s1  }
0xa: {  	[smem:$0x3FAC] =	sst s2  }
0xb: {  	[smem:$0x3FAD] =	sst s3  }
0xc: {  	[smem:$0x3FAE] =	sst s4  }
0xd: {  	[smem:$0x3FAF] =	sst s5  }
0xe: {  	[smem:$0x3FB0] =	sst s6  }
0xf: {  	[smem:$0x3FB1] =	sst s7  }
0x10: {  	[smem:$0x3FB2] =	sst s8  }
0x11: {  	[smem:$0x3FB3] =	sst s9;
	s0 =	simm.s32 @!p0 $0x0  }
0x12: {  	s1 =	sld [smem:$0x3F99];
	s0 =	simm.s32 @p0 $0x1  }
0x13: {  	[smem:$0x3FB4] =	sst s0;
	s0 =	simm.s32 @!p1 $0x0  }
0x14: {  	s2 =	sld [smem:$0x3F98];
	s0 =	simm.s32 @p1 $0x1  }
0x15: {  	[smem:$0x3FB5] =	sst s0;
	s0 =	simm.s32 @!p2 $0x0  }
0x16: {  	s3 =	sld [smem:$0x3FDB];
	s0 =	simm.s32 @p2 $0x1  }
0x17: {  	s4 =	simm.s32 $0x1BF5;
	[smem:$0x3FB7] =	sst s0  }
0x18: {  	s0 =	sld [smem:$0x3F9A];
	_ =	swait.ge [sflag:s4], $0x0  }
0x19: {  	s7 =	sld [smem:$0x3F9B]  }
0x1a: {  	s8 =	sadd.s32 $0xFFFFE003, lr  }
0x1b: {  	s9 =	sadd.s32 $0xFFFFFEF7, lr;
	s5 =	simm.s32 $0xFFFFFFFF;
	p2 =	slt.u32 s8, $0xFFFFF086  }
0x1c: {  	p1 =	slt.u32 s9, $0xF7A;
	s5 =	simm.s32 @!p2 $0x0  }
0x1d: {  	s5 =	simm.s32 @p1 $0x1;
	p0 =	seq.s32 s7, s2  }
0x1e: {  	s7 =	smul.u32 @!p0 $0xF7A, s2;
	p2 =	seq.s32 @!p0 s5, $0x0  }
0x1f: {  	s9 =	smul.u32 $0xF7A, s1;
	s8 =	simm.s32 @!p0 $0x1BF5;
	p2 =	por !p2, p0  }
0x20: {  	[sflag:s8] =	ssyncset.s32 @!p0 $0xFFFFF086;
	s6 =	sadd.s32 @!p0 s3, s7;
	s7 =	simm.s32 @!p0 $0x108  }
0x21: {  	s3 =	sadd.s32 s3, s9;
	s6 =	sadd.s32 @!p0 $0x88, s6;
	s7 =	simm.s32 @p2 $0x1082  }
0x22: {  	[simem:s7], [sflag:s8] =	dma.local @!p0 [hbm:s6], $0xF7A  }
0x23: {  	s9 =	sor.u32 $0xD0000000, s2;
	s6 =	simm.s32 $0x108;
	_ =	swait.ge @!p0 [sflag:s8], $0x0  }
0x24: {  	s3 =	sadd.s32 $0x88, s3;
	s6 =	simm.s32 @!p1 $0x1082;
	[sflag:s4] =	ssyncset.s32 $0xFFFFF086  }
0x25: {  	[simem:s6], [sflag:s4] =	dma.local [hbm:s3], $0xF7A  }
0x26: {  	[smem:$0x3F9B] =	sst s1;
	(tag) =	ssettag s2;
	_ =	strace s9  }
0x27: {  	s1 =	sld [smem:$0x3FAB]  }
0x28: {  	s2 =	sld [smem:$0x3FAC]  }
0x29: {  	s4 =	sld [smem:$0x3FAE]  }
0x2a: {  	p0 =	seq.s32 s5, $0x0;
	s5 =	sld [smem:$0x3FAF]  }
0x2b: {  	s6 =	sld [smem:$0x3FB0]  }
0x2c: {  	s7 =	sld [smem:$0x3FB1]  }
0x2d: {  	s3 =	simm.s32 $0x108;
	s8 =	sld [smem:$0x3FB2]  }
0x2e: {  	s3 =	simm.s32 @!p0 $0x1082;
	s9 =	sld [smem:$0x3FB3]  }
0x2f: {  	lr =	sadd.s32 s0, s3;
	s0 =	sld [smem:$0x3FAA]  }
0x30: {  	s3 =	sld [smem:$0x3FAD]  }
0x31: {  	[smem:$0x3FB6] =	sst s10  }
0x32: {  	s10 =	sld [smem:$0x3FB4];
	_ =	sdelay $0x3  }
0x33: {  	p0 =	seq.s32 s10, $0x1;
	s10 =	sld [smem:$0x3FB6];
	_ =	sdelay $0x3  }
0x34: {  	[smem:$0x3FB6] =	sst s10  }
0x35: {  	s10 =	sld [smem:$0x3FB5];
	_ =	sdelay $0x3  }
0x36: {  	p1 =	seq.s32 s10, $0x1;
	s10 =	sld [smem:$0x3FB6];
	_ =	sdelay $0x3  }
0x37: {  	[smem:$0x3FB6] =	sst s10  }
0x38: {  	s10 =	sld [smem:$0x3FB7]  }
0x39: {  	_ = 	snop;
	(pc) =	sbr.ind lr, $3  }
0x3a: {  	_ = 	snop  }
0x3b: {  	_ = 	snop  }
0x3c: {  	p2 =	seq.s32 s10, $0x1;
	s10 =	sld [smem:$0x3FB6]  }
0x3d: {  	_ =	shalt  }
0x3e: {  	_ =	shalt  }
0x3f: {  	_ =	shalt  }
0x40: {  	_ =	shalt  }
0x41: {  	_ =	shalt  }
0x42: {  	_ =	shalt  }
0x43: {  	_ =	shalt  }
0x44: {  	_ =	shalt  }
0x45: {  	_ =	shalt  }
0x46: {  	_ =	shalt  }
0x47: {  	_ =	shalt  }
0x48: {  	_ =	shalt  }
0x49: {  	_ =	shalt  }
0x4a: {  	_ =	shalt  }
0x4b: {  	_ =	shalt  }
0x4c: {  	_ =	shalt  }
0x4d: {  	_ =	shalt  }
0x4e: {  	_ =	shalt  }
0x4f: {  	_ =	shalt  }
0x50: {  	_ =	shalt  }
0x51: {  	_ =	shalt  }
0x52: {  	_ =	shalt  }
0x53: {  	_ =	shalt  }
0x54: {  	_ =	shalt  }
0x55: {  	_ =	shalt  }
0x56: {  	_ =	shalt  }
0x57: {  	_ =	shalt  }
0x58: {  	_ =	shalt  }
0x59: {  	_ =	shalt  }
0x5a: {  	_ =	shalt  }
0x5b: {  	_ =	shalt  }
0x5c: {  	_ =	shalt  }
0x5d: {  	_ =	shalt  }
0x5e: {  	_ =	shalt  }
0x5f: {  	_ =	shalt  }
0x60: {  	_ =	shalt  }
0x61: {  	_ =	shalt  }
0x62: {  	_ =	shalt  }
0x63: {  	_ =	shalt  }
0x64: {  	_ =	shalt  }
0x65: {  	_ =	shalt  }
0x66: {  	_ =	shalt  }
0x67: {  	_ =	shalt  }
0x68: {  	_ =	shalt  }
0x69: {  	_ =	shalt  }
0x6a: {  	_ =	shalt  }
0x6b: {  	_ =	shalt  }
0x6c: {  	_ =	shalt  }
0x6d: {  	_ =	shalt  }
0x6e: {  	_ =	shalt  }
0x6f: {  	_ =	shalt  }
0x70: {  	_ =	shalt  }
0x71: {  	_ =	shalt  }
0x72: {  	_ =	shalt  }
0x73: {  	_ =	shalt  }
0x74: {  	_ =	shalt  }
0x75: {  	_ =	shalt  }
0x76: {  	_ =	shalt  }
0x77: {  	_ =	shalt  }
0x78: {  	_ =	shalt  }
0x79: {  	_ =	shalt  }
0x7a: {  	_ =	shalt  }
0x7b: {  	_ =	shalt  }
0x7c: {  	_ =	shalt  }
0x7d: {  	_ =	shalt  }
0x7e: {  	_ =	shalt  }
0x7f: {  	_ =	shalt  }
0x80: {  	_ =	shalt  }
0x81: {  	_ =	shalt  }
0x82: {  	_ =	shalt  }
0x83: {  	_ =	shalt  }
0x84: {  	_ =	shalt  }
0x85: {  	_ =	shalt  }
0x86: {  	_ =	shalt  }
0x87: {  	_ =	shalt  }
.Lfunc_end0:
.L_simem_size_0:
called_computation_lowered:
.L_overlay_start_0:
0x88: {  	s2 =	sld [smem:$0x3FD9]  }
0x89: {  	s3 =	sld [smem:$0x3FFE];
	_ =	sdelay $0x1  }
0x8a: {  	s1 =	srdreg.scid  }
0x8b: {  	s0 =	sand.u32 $0x1, s1  }
0x8c: {  	s17 =	sshll.u32 s0, $0xA;
	s2 =	sadd.s32 s3, s2  }
0x8d: {  	s2 =	sadd.s32 s2, s17  }
0x8e: {  	[smem:$0x3FC2] =	sst s2  }
0x8f: {  	_ = 	snop  }
0x90: {  	s2 =	sld [smem:$0x3FD0];
	(tm) =	ssettm $0x1  }
0x91: {  	s18 =	sld [smem:$0x3FFB];
	_ =	sdelay $0x3  }
0x92: {  	_ =	strace s18  }
0x93: {  	s3 =	sld [smem:$0x3FFC];
	_ =	sdelay $0x3  }
0x94: {  	_ =	strace s3  }
0x95: {  	s3 =	sld [smem:$0x3FFD];
	_ =	sdelay $0x3  }
0x96: {  	_ =	strace s3  }
0x97: {  	_ =	strace $0x8FFFFFFF  }
0x98: {  	s19 =	sld [smem:$0x3FDB];
	_ =	sdelay $0x1  }
0x99: {  	s4 =	simm.s32 $_scs_section_size  }
0x9a: {  	s5 =	simm.s32 $_size__tile_overlayer_lowered;
	s6 =	simm.s32 $_tile_overlayer_lowered  }
0x9b: {  	s22 =	simm.s32 $0x1BFF;
	s21 =	sshll.u32 s6, $0x1;
	s3 =	sadd.s32 s4, s19  }
0x9c: {  	s7 =	simm.s32 $0x0;
	s20 =	sshll.u32 s5, $0x1;
	s5 =	sadd.s32 s21, s3  }
0x9d: {  	[timem:s7], [sflag:s22] =	dma.local [hbm:s5], s20  }
0x9e: {  	_ =	swait.ge [sflag:s22], s20  }
0x9f: {  	s4 =	ssub.s32 $0x0, s20;
	[sflag:s22] =	ssyncset.done $0x0  }
0xa0: {  	[sflag:s22] =	ssyncadd.s32 s4;
	_ =	sdelay $0x1  }
0xa1: {  	s23 =	simm.s32 $0x1B8B  }
0xa2: {  	_ =	swait.ge [sflag:s23], $0x1  }
0xa3: {  	[sflag:s23] =	ssyncset.done $0x0  }
0xa4: {  	s25 =	simm.s32 $0x1B8E;
	s24 =	sld [smem:$0x3FFE];
	[sflag:s23] =	ssyncadd.s32 $0xFFFFFFFF  }
0xa5: {  	s26 =	simm.s32 $execute0_lowered;
	[smem:$0x3FD2] =	sst s25  }
0xa6: {  	s5 =	sshll.u32 s26, $0x1;
	_ =	strace $0x80000046;
	[dreg:$0x1] =	wrdreg $0xFFFFFFFF  }
0xa7: {  	s28 =	simm.s32 $_size_execute0_lowered;
	s3 =	sadd.s32 s3, s5;
	[dreg:$0x0] =	wrdreg $0x0  }
0xa8: {  	s5 =	sshll.u32 s28, $0x1;
	[dreg:$0x2] =	wrdreg s3  }
0xa9: {  	[dreg:$0x3] =	wrdreg s5  }
0xaa: {  	[dreg:$0x4] =	wrdreg $0xC0  }
0xab: {  	_ =	task [dreg:s7], $0x5FFFF  }
0xac: {  	[dreg:$0x1] =	wrdreg $0xFFFFFFFF  }
0xad: {  	[dreg:$0x0] =	wrdreg $0x60  }
0xae: {  	[dreg:$0x2] =	wrdreg s24  }
0xaf: {  	[dreg:$0x3] =	wrdreg s2  }
0xb0: {  	[dreg:$0x4] =	wrdreg $0x58000  }
0xb1: {  	[dreg:$0x5] =	wrdreg $0x9  }
0xb2: {  	_ =	task.clear_ibuf [dreg:s7], $0x6FFFF;
	_ =	strace $0x90000046  }
0xb3: {  	s29 =	simm.s32 $0x9;
	_ =	strace $0x80000048  }
0xb4: {  	_ =	swait.ge [sflag:s29], $0x1  }
0xb5: {  	[sflag:s29] =	ssyncadd.s32 $0xFFFFFFFF  }
0xb6: {  	_ =	strace $0x90000048  }
0xb7: {  	_ =	sfence  }
0xb8: {  	s30 =	sld [smem:$0x0];
	_ =	sdelay $0x2  }
0xb9: {  	s31 =	sshll.u32 s1, $0xD;
	s1 =	sshrl.u32 s1, $0x2  }
0xba: {  	s3 =	sand.u32 $0x4000, s31;
	s1 =	sadd.s32 s1, s30  }
0xbb: {  	s0 =	sor.u32 s3, s0;
	s1 =	sshll.u32 s1, $0x11  }
0xbc: {  	s0 =	sor.u32 s1, s0  }
0xbd: {  	s0 =	sadd.s32 $0x8F2B, s0  }
0xbe: {  	[sflag:s0] =	ssyncadd.remote.s32 $0x1  }
0xbf: {  	_ =	sfence.sel $0xFFFF  }
0xc0: {  	[dreg:$0x0] =	wrdreg $0xFFFFFFFF;
	(pc) =	sbr.abs _section_cstart, $3  }
0xc1: {  	[dreg:$0x1] =	wrdreg $0xFFFFFFFF  }
0xc2: {  	_ =	task.clear_ibuf [dreg:s7], $0x2FFFF;
	_ =	strace $0x9FFFFFFF  }
0xc3: {  	(tm) =	ssettm $0x7FFFFFFF  }
tec
execute0_lowered:
.L_overlay_start_1:
0x0: {  	(tag) =	ssettag $0x1  }
0x1: {  	s4 =	rddreg [dreg:$0x0]  }
0x2: {  	s1 =	srdreg.scid;
	s7 =	rddreg [dreg:$0x1]  }
0x3: {  	s0 =	stileid.u32;
	s2 =	rddreg [dreg:$0x2];
	s3 =	simm.s32 $0x0  }
0x4: {  	s5 =	sand.u32 $0x1, s1;
	s30 =	sshll.u32 s0, $0x1;
	s1 =	rddreg [dreg:$0x3]  }
0x5: {  	[smem:$0x7FF] =	sst s3;
	s10 =	smul.u32 $0x2800, s0;
	s31 =	sshll.u32 s0, $0x6  }
0x6: {  	s6 =	sor.u32 s5, s30;
	_ =	strace $0x80000047;
	s11 =	smul.u32 $0x5000, s5  }
0x7: {  	s8 =	ssub.s32 $0x2, s5;
	s5 =	sor.u32 $0x1C01, s31;
	s6 =	smul.u32 $0xA00, s6  }
0x8: {  	s9 =	sshrl.u32 s8, $0x1;
	s12 =	sadd.s32 s10, s2;
	s14 =	sshrl.u32 s10, $0x3  }
0x9: {  	s10 =	simm.s32 $0x80;
	s8 =	ssub.s32 s8, s9;
	s13 =	sadd.s32 s7, s11  }
0xa: {  	s9 =	simm.s32 $0x1;
	s11 =	simm.s32 $0x5000;
	s6 =	sadd.s32 s6, s4  }
0xb: {  	s4 =	sadd.s32 $0x17000, s4;
	s7 =	smax.u32 s8, $0x1;
	s8 =	sshrl.u32 s12, $0x3  }
0xc: {  	v0 =	vimm.f32 $1.000000000e+00;
	s12 =	sadd.s32 s14, s13;
	s13 =	simm.s32 $0x0;
	s6 =	sadd.s32 $0x3000, s6  }
.LBB2_1:
0xd: {  	[spmem:s8], [sflag:s5] =	dma.local [hbm:s4], $0x500  }
0xe: {  	_ =	swait.ge [sflag:s9], $0x500  }
0xf: {  	[sflag:s9] =	ssyncset.done $0x0  }
0x10: {  	s14 =	simm.s32 $0x40;
	s15 =	simm.s32 $0x0;
	[sflag:s9] =	ssyncadd.s32 $0xFFFFFB00  }
.LBB2_2:
0x11: {  	p0 =	sne.s32 s14, $0x1FC0;
	[tilespmem:s15+$0x5000] =	vst v0;
	s15 =	smov.u32 s14;
	s14 =	sadd.s32 $0x40, s14  }
.Ltmp0:
0x12: {  	(pc) =	sbr.rel @p0 .LBB2_2-.Ltmp0, $2  }
0x13: {  	_ =	sdelay $0x2  }
0x14: {  	s15 =	sshra.s32 s15, $0x2  }
0x15: {  	[tilespmem:s15+$0x5000] =	vst v0  }
0x16: {  	[tilespmem:s3], [sflag:$0x1] =	stream.linear.gather [hbm4b:s6+s3], $0x5000, $0x38;
	[tilespmem:$0x8000] =	vst v63  }
0x17: {  	_ =	swait.ge [sflag:s9], $0x5000  }
0x18: {  	[sflag:s9] =	ssyncset.done $0x0  }
0x19: {  	[sflag:s9] =	ssyncadd.s32 $0xFFFFB000  }
0x1a: {  	s14 =	simm.s32 $0x80;
	[bflag:$0x0] =	sbarrier.arrive $0xFFFF  }
0x1b: {  	[spmem:s2] =	stream.indirect.scatter.add.f32 [tilespmem:s11], [sflag:$0x1], $0x10, s14, s10, $0xb8;
	[tilespmem:$0x8000] =	vst v63  }
0x1c: {  	_ =	swait.ge [sflag:s9], $0x800  }
0x1d: {  	s14 =	simm.s32 $0x600;
	[sflag:s9] =	ssyncset.done $0x0  }
.LBB2_4:
0x1e: {  	s15 =	sshra.s32 s14, $0x2;
	[sflag:s9] =	ssyncadd.s32 $0xFFFFF800;
	p0 =	sne.s32 s14, $0x13E00  }
0x1f: {  	[spmem:s2] =	stream.indirect.scatter.add.f32 [tilespmem:s11], [sflag:$0x1], $0x10, s15, s10, $0xb8;
	[tilespmem:$0x8000] =	vst v63  }
.Ltmp1:
0x20: {  	_ = 	snop;
	(pc) =	sbr.rel @p0 .LBB2_4-.Ltmp1, $4  }
0x21: {  	_ = 	snop  }
0x22: {  	s14 =	sadd.s32 $0x400, s14  }
0x23: {  	_ =	swait.ge [sflag:s9], $0x800  }
0x24: {  	[sflag:s9] =	ssyncset.done $0x0  }
0x25: {  	s13 =	sadd.s32 $0x1, s13  }
0x26: {  	[sflag:s9] =	ssyncadd.s32 $0xFFFFF800;
	p0 =	sne.s32 s13, s7  }
.Ltmp2:
0x27: {  	[bflag:$0x0] =	sbarrier.arrive $0xFFFF;
	(pc) =	sbr.rel @p0 .LBB2_1-.Ltmp2, $4  }
0x28: {  	[hbm:s12], [sflag:s5] =	dma.local [spmem:s8], $0x500  }
0x29: {  	_ =	swait.ge [sflag:s9], $0x500  }
0x2a: {  	[sflag:s9] =	ssyncset.done $0x0  }
0x2b: {  	[sflag:s9] =	ssyncadd.s32 $0xFFFFFB00  }
0x2c: {  	_ =	sfence.sel $0x180000  }
0x2d: {  	[bflag:$0x0] =	sbarrier.arrive $0xFFFF  }
0x2e: {  	p0 =	sne.s32 s0, $0x0;
	_ =	strace $0x90000047  }
0x2f: {  	s0 =	sadd.s32 @!p0 $0x100000, s1;
	[bflag:$0x2] =	sbarrier.arrive $0xFFFF  }
0x30: {  	[sflag:s0] =	ssyncadd.tile.s32 @!p0 $0x1;
	_ =	shalt  }
.Lfunc_end2:
_tile_overlayer_lowered:
.L_overlay_start_2:
0x31: {  	(tag) =	ssettag $0x2  }
0x32: {  	s0 =	rddreg [dreg:$0x0];
	s2 =	stileid.u32  }
0x33: {  	s1 =	rddreg [dreg:$0x1];
	p0 =	sne.s32 s2, $0x0  }
0x34: {  	s3 =	rddreg [dreg:$0x2];
	[bflag:$0x3] =	sbarrier.arrive $0xFFFF;
	s2 =	simm.s32 @!p0 $0x1C01  }
0x35: {  	[timem:s3], [sflag:s2] =	dma.local @!p0 [hbm:s0], s1  }
0x36: {  	s0 =	simm.s32 @!p0 $0x1  }
0x37: {  	_ =	swait.ge @!p0 [sflag:s0], s1  }
0x38: {  	s1 =	ssub.s32 @!p0 $0x0, s1;
	[sflag:s0] =	ssyncset.done @!p0 $0x0  }
0x39: {  	[sflag:s0] =	ssyncadd.s32 @!p0 s1  }
0x3a: {  	[bflag:$0x3] =	sbarrier.arrive $0xFFFF  }
0x3b: {  	_ =	shalt  }

</sc_bundles>
